<compile_context>
chip_gen: v7x
topology: tpu7x:2x2x1
jax: 0.10.2.dev20260603
libtpu: 0.0.44.dev20260713+nightly
codegen_flags: <defaults>
</compile_context>

<pallas_src>
import jax
import jax.numpy as jnp
from jax import lax
from jax.experimental import pallas as pl
from jax.experimental.pallas import tpu as pltpu
from jax.experimental.pallas import tpu_sc as plsc

NUM_NODES = 100000
NUM_EDGES = 10000
D = 128
NNZ = 320000

NC, NS = 2, 16
B = 128
B1 = 64
B2 = 64
PAD_BLKS = 2560
NPAD = PAD_BLKS * B
S1P = NPAD // (NC * NS)
S2P = NPAD // NS
CH = 2048
EBITS = 14
EMASK = (1 << EBITS) - 1
PAD_NID = (1 << 17) - 1
PAD_EID = 10100
PAD_PACK = PAD_NID * (1 << EBITS) + PAD_EID
EPAD = 10240
E_T = 624
E_TAIL = NUM_EDGES - NS * E_T
CHUNK = 5000
NRANGE = NUM_NODES // CHUNK
CPAD = 5120
DUMP = 5100
C_T = 312
C_TAIL = CHUNK - NS * C_T


def _sc_stage1(pk_hbm, node_emb, zero_hbm, one_hbm,
               esum_out, ecnt_out,
               pkc, nrow, erow, rows, ones, acc):
    c = lax.axis_index("c")
    s = lax.axis_index("s")
    w = c * NS + s
    pltpu.sync_copy(one_hbm.at[pl.ds(0, B1)], ones)

    def zero_acc():
        for k in range(5):
            pltpu.sync_copy(zero_hbm, acc.at[pl.ds(s * 640 + k * B, B)])

    def dump_acc(dst):
        pltpu.sync_copy(acc.at[pl.ds(s * E_T, E_T)],
                        dst.at[c, pl.ds(s * E_T, E_T)])

        @pl.when(s == 0)
        def _():
            pltpu.sync_copy(acc.at[pl.ds(NS * E_T, E_TAIL)],
                            dst.at[c, pl.ds(NS * E_T, E_TAIL)])

    def sweep(phase):
        def chunk_loop(cc, _):
            pltpu.sync_copy(pk_hbm.at[pl.ds(w * S1P + cc * CH, CH)], pkc)

            def blk(j, _):
                for k in range(4):
                    pv = pkc[pl.ds(j * B1 + k * 16, 16)]
                    if phase == 0:
                        nrow[pl.ds(k * 16, 16)] = jnp.minimum(pv >> EBITS,
                                                              NUM_NODES - 1)
                    erow[pl.ds(k * 16, 16)] = pv & EMASK
                if phase == 0:
                    pltpu.sync_copy(node_emb.at[nrow], rows)
                    pltpu.sync_copy(rows, acc.at[erow], add=True)
                else:
                    pltpu.sync_copy(ones, acc.at[erow], add=True)
                return 0

            lax.fori_loop(0, CH // B1, blk, 0)
            return 0

        lax.fori_loop(0, S1P // CH, chunk_loop, 0)
        plsc.subcore_barrier()
        dump_acc(esum_out if phase == 0 else ecnt_out)
        plsc.subcore_barrier()

    zero_acc()
    plsc.subcore_barrier()
    sweep(0)
    sweep(1)


def _lane_gather(x, idx):
    dn = lax.GatherDimensionNumbers(offset_dims=(), collapsed_slice_dims=(0,),
                                    start_index_map=(0,))
    return lax.gather(x, idx[:, None], dn, (1,),
                      mode=lax.GatherScatterMode.PROMISE_IN_BOUNDS)


def _scalar(v):
    return lax.squeeze(lax.slice(v, (0,), (1,)), (0,))


def _sc_stage2(pk_hbm, ectx_hbm, zero_hbm, one_hbm,
               nsum_out, ncnt_out,
               pk1d, comp, rows_a, rows_b, ones, sidx, gidx, gidx2,
               chunk, sem_a, sem_b):
    c = lax.axis_index("c")
    s = lax.axis_index("s")
    iota = lax.iota(jnp.int32, 16)
    pltpu.sync_copy(one_hbm.at[pl.ds(0, B2)], ones)
    pltpu.sync_copy(pk_hbm.at[pl.ds(s * S2P, S2P)], pk1d)

    def zero_chunk():
        for off, n in ((0, B), (B, B), (2 * B, 64)):
            pltpu.sync_copy(zero_hbm.at[pl.ds(0, n)],
                            chunk.at[pl.ds(s * 320 + off, n)])

    def dump_chunk(dst, base):
        pltpu.sync_copy(chunk.at[pl.ds(s * C_T, C_T)],
                        dst.at[pl.ds(base + s * C_T, C_T)])

        @pl.when(s == 0)
        def _():
            pltpu.sync_copy(chunk.at[pl.ds(NS * C_T, C_TAIL)],
                            dst.at[pl.ds(base + NS * C_T, C_TAIL)])

    def one_pass(p, _):
        base = (NC * p + c) * CHUNK
        zero_chunk()
        plsc.subcore_barrier()

        def scan_blk(j, cur):
                basev = iota * 0 + base
                pbasev = basev * (1 << EBITS)
                for k in range(8):
                    pv = pk1d[pl.ds(j * B + k * 16, 16)]
                    rel = (pv >> EBITS) - basev
                    oob = lax.shift_right_logical(rel | (CHUNK - 1 - rel), 31)
                    csum = 1 - oob
                    for sh in (1, 2, 4, 8):
                        down = _lane_gather(csum, jnp.maximum(iota - sh, 0))
                        csum = csum + jnp.where(iota >= sh, down, 0)
                    perm = iota * 0
                    tgt = iota + 1
                    for sh in (8, 4, 2, 1):
                        cand = perm + sh
                        cv = _lane_gather(csum, cand - 1)
                        perm = perm + sh * lax.shift_right_logical(cv - tgt,
                                                                   31)
                    comp[pl.ds(cur, 16)] = _lane_gather(pv - pbasev, perm)
                    cur = cur + lax.squeeze(lax.slice(csum, (15,), (16,)),
                                            (0,))
                return cur

        total = lax.fori_loop(0, S2P // B, scan_blk, jnp.int32(0))
        nf6 = (total + B2 - 1) >> 6

        def build_g(f, g):
            for k in range(4):
                fpk = iota + f * B2 + k * 16
                valid = fpk < iota * 0 + total
                pv = comp[pl.ds(f * B2 + k * 16, 16)]
                g[pl.ds(k * 16, 16)] = jnp.where(valid, pv & EMASK, 0)

        def build_s(f):
            for k in range(4):
                fpk = iota + f * B2 + k * 16
                valid = fpk < iota * 0 + total
                pv = comp[pl.ds(f * B2 + k * 16, 16)]
                sidx[pl.ds(k * 16, 16)] = jnp.where(valid, pv >> EBITS, DUMP)

        def flush_b(f, _):
            build_s(f)
            pltpu.sync_copy(ones, chunk.at[sidx], add=True)
            return 0

        @pl.when(nf6 > 0)
        def _():
            build_g(0, gidx)
            pltpu.async_copy(ectx_hbm.at[gidx], rows_a, sem_a).wait()

        def flush_pair(f2, _):
            f0 = 2 * f2
            f1 = f0 + 1

            @pl.when(f1 < nf6)
            def _():
                build_g(f1, gidx2)
                pltpu.async_copy(ectx_hbm.at[gidx2], rows_b, sem_b)
            build_s(f0)
            pltpu.sync_copy(rows_a, chunk.at[sidx], add=True)

            @pl.when(f1 < nf6)
            def _():
                pltpu.make_async_copy(ectx_hbm.at[gidx2], rows_b, sem_b).wait()

                @pl.when(f1 + 1 < nf6)
                def _():
                    build_g(f1 + 1, gidx)
                    pltpu.async_copy(ectx_hbm.at[gidx], rows_a, sem_a)
                build_s(f1)
                pltpu.sync_copy(rows_b, chunk.at[sidx], add=True)

                @pl.when(f1 + 1 < nf6)
                def _():
                    pltpu.make_async_copy(ectx_hbm.at[gidx], rows_a,
                                          sem_a).wait()
            return 0

        lax.fori_loop(0, (nf6 + 1) >> 1, flush_pair, 0)
        plsc.subcore_barrier()
        dump_chunk(nsum_out, base)
        plsc.subcore_barrier()
        lax.fori_loop(0, nf6, flush_b, 0)
        plsc.subcore_barrier()
        dump_chunk(ncnt_out, base)
        plsc.subcore_barrier()
        return 0

    lax.fori_loop(0, NRANGE // NC, one_pass, 0)


_MESH = plsc.VectorSubcoreMesh(core_axis_name="c", subcore_axis_name="s",
                               num_cores=NC, num_subcores=NS)

_stage1 = pl.kernel(
    _sc_stage1,
    out_type=(jax.ShapeDtypeStruct((NC, NUM_EDGES, D), jnp.float32),
              jax.ShapeDtypeStruct((NC, NUM_EDGES, D), jnp.float32)),
    mesh=_MESH,
    scratch_types=[
        pltpu.VMEM((CH,), jnp.int32),
        pltpu.VMEM((B1,), jnp.int32),
        pltpu.VMEM((B1,), jnp.int32),
        pltpu.VMEM((B1, D), jnp.float32),
        pltpu.VMEM((B1, D), jnp.float32),
        pltpu.VMEM_SHARED((EPAD, D), jnp.float32),
    ],
)

_stage2 = pl.kernel(
    _sc_stage2,
    out_type=(jax.ShapeDtypeStruct((NUM_NODES, D), jnp.float32),
              jax.ShapeDtypeStruct((NUM_NODES, D), jnp.float32)),
    mesh=_MESH,
    scratch_types=[
        pltpu.VMEM((S2P,), jnp.int32),
        pltpu.VMEM((S2P,), jnp.int32),
        pltpu.VMEM((B2, D), jnp.float32),
        pltpu.VMEM((B2, D), jnp.float32),
        pltpu.VMEM((B2, D), jnp.float32),
        pltpu.VMEM((B2,), jnp.int32),
        pltpu.VMEM((B2,), jnp.int32),
        pltpu.VMEM((B2,), jnp.int32),
        pltpu.VMEM_SHARED((CPAD, D), jnp.float32),
        pltpu.SemaphoreType.DMA,
        pltpu.SemaphoreType.DMA,
    ],
)

_BE = 1000
_BN = 2000


def _tc_edge(p_ref, c_ref, emb_ref, w_ref, b_ref, ctx_ref, out_ref):
    esum = p_ref[0] + p_ref[1]
    cnt = (c_ref[0][:, 0:1] - p_ref[0][:, 0:1]) + (c_ref[1][:, 0:1]
                                                   - p_ref[1][:, 0:1])
    mean = esum / jnp.maximum(cnt, 1.0)
    ctx = jnp.where(cnt > 0.5, mean, emb_ref[...])
    ctx = lax.dot_general(ctx, w_ref[...], (((1,), (1,)), ((), ())),
                          preferred_element_type=jnp.float32)
    ctx = ctx + b_ref[...]
    ctx_ref[...] = ctx
    out_ref[...] = emb_ref[...] + ctx


def _tc_node(sum_ref, cnt_ref, emb_ref, w_ref, b_ref, out_ref):
    total = cnt_ref[:, 0:1] - sum_ref[:, 0:1] + 1.0
    ctx = lax.dot_general(sum_ref[...] / total, w_ref[...],
                          (((1,), (1,)), ((), ())),
                          preferred_element_type=jnp.float32) + b_ref[...]
    out_ref[...] = emb_ref[...] + ctx


def _edge_tc(esum_p, ecnt_p, edge_emb, W_e, b_e2):
    return pl.pallas_call(
        _tc_edge,
        grid=(NUM_EDGES // _BE,),
        in_specs=[
            pl.BlockSpec((NC, _BE, D), lambda i: (0, i, 0)),
            pl.BlockSpec((NC, _BE, D), lambda i: (0, i, 0)),
            pl.BlockSpec((_BE, D), lambda i: (i, 0)),
            pl.BlockSpec((D, D), lambda i: (0, 0)),
            pl.BlockSpec((1, D), lambda i: (0, 0)),
        ],
        out_specs=[pl.BlockSpec((_BE, D), lambda i: (i, 0)),
                   pl.BlockSpec((_BE, D), lambda i: (i, 0))],
        out_shape=[jax.ShapeDtypeStruct((NUM_EDGES, D), jnp.float32),
                   jax.ShapeDtypeStruct((NUM_EDGES, D), jnp.float32)],
    )(esum_p, ecnt_p, edge_emb, W_e, b_e2)


def _node_tc(nsum, ncnt, node_emb, W_v, b_v2):
    return pl.pallas_call(
        _tc_node,
        grid=(NUM_NODES // _BN,),
        in_specs=[
            pl.BlockSpec((_BN, D), lambda i: (i, 0)),
            pl.BlockSpec((_BN, D), lambda i: (i, 0)),
            pl.BlockSpec((_BN, D), lambda i: (i, 0)),
            pl.BlockSpec((D, D), lambda i: (0, 0)),
            pl.BlockSpec((1, D), lambda i: (0, 0)),
        ],
        out_specs=pl.BlockSpec((_BN, D), lambda i: (i, 0)),
        out_shape=jax.ShapeDtypeStruct((NUM_NODES, D), jnp.float32),
    )(nsum, ncnt, node_emb, W_v, b_v2)


def kernel(node_ids, edge_ids, node_emb, edge_emb, W_e, b_e, W_v, b_v):
    packed = node_ids.astype(jnp.int32) * (1 << EBITS) + edge_ids.astype(
        jnp.int32)
    packed = jnp.pad(packed, (0, NPAD - NNZ), constant_values=PAD_PACK)
    zero_hbm = jnp.zeros((B, D), jnp.float32)
    one_hbm = jnp.ones((B, D), jnp.float32)
    esum_p, ecnt_p = _stage1(packed, node_emb, zero_hbm, one_hbm)
    edge_ctx, edge_out = _edge_tc(esum_p, ecnt_p, edge_emb, W_e,
                                  b_e.reshape(1, D))
    nsum, ncnt = _stage2(packed, edge_ctx, zero_hbm, one_hbm)
    node_out = _node_tc(nsum, ncnt, node_emb, W_v, b_v.reshape(1, D))
    return (node_out, edge_out)

# --- scband reference (transcript-rebuilt; emitter-appended) ---
"""Pipeline reference for scband-hypergraph-encoder-77077483094359 (READ-ONLY COPY).

The authoritative reference and input builder live on the scoring server;
editing this copy changes nothing except your own understanding.
"""

import jax, jax.numpy as jnp
import numpy as np

NUM_CODES = 100000
NUM_EDGES = 10000
DIM = 128
NNZ = 320000

def setup_inputs(seed: int = 0):
    key = jax.random.key(seed)
    ks = jax.random.split(key, 8)
    node_ids = jax.random.randint(ks[0], (NNZ,), 0, NUM_CODES)
    edge_ids = jnp.sort(jax.random.randint(ks[1], (NNZ,), 0, NUM_EDGES))
    node_emb = jax.random.normal(ks[2], (NUM_CODES, DIM), dtype=jnp.float32) * 0.02
    edge_emb = jax.random.normal(ks[3], (NUM_EDGES, DIM), dtype=jnp.float32) * 0.02
    lim = 1.0 / np.sqrt(DIM)
    W_e = jax.random.uniform(ks[4], (DIM, DIM), minval=-lim, maxval=lim, dtype=jnp.float32)
    b_e = jax.random.uniform(ks[5], (DIM,), minval=-lim, maxval=lim, dtype=jnp.float32)
    W_v = jax.random.uniform(ks[6], (DIM, DIM), minval=-lim, maxval=lim, dtype=jnp.float32)
    b_v = jax.random.uniform(ks[7], (DIM,), minval=-lim, maxval=lim, dtype=jnp.float32)
    return {"node_ids": node_ids, "edge_ids": edge_ids, "node_emb": node_emb, "edge_emb": edge_emb, "W_e": W_e, "b_e": b_e, "W_v": W_v, "b_v": b_v}

def reference(node_ids, edge_ids, node_emb, edge_emb, W_e, b_e, W_v, b_v):
    # Faithful translation of HypergraphEncoder.forward_refine with the ragged
    # node_ids_per_edge list flattened into (edge_ids, node_ids) incidence pairs.
    num_nodes = node_emb.shape[0]
    num_edges = edge_emb.shape[0]
    # edge_ctx: mean of member node embeddings per hyperedge; empty edges fall
    # back to the learned edge embedding row.
    gathered = jnp.take(node_emb, node_ids, axis=0)
    edge_sum = jax.ops.segment_sum(gathered, edge_ids, num_segments=num_edges)
    edge_cnt = jax.ops.segment_sum(jnp.ones((node_ids.shape[0],), dtype=node_emb.dtype), edge_ids, num_segments=num_edges)
    edge_mean = edge_sum / jnp.maximum(edge_cnt, 1.0)[:, None]
    edge_ctx = jnp.where((edge_cnt > 0)[:, None], edge_mean, edge_emb)
    edge_ctx = edge_ctx @ W_e.T + b_e
    # scatter edge context back to member nodes (scatter-add), divide by
    # (1 + membership count) exactly as torch does (cnt starts clamped to 1.0).
    node_sum = jnp.zeros_like(node_emb).at[node_ids].add(jnp.take(edge_ctx, edge_ids, axis=0))
    node_cnt = jnp.ones((num_nodes, 1), dtype=node_emb.dtype).at[node_ids].add(1.0)
    node_ctx = (node_sum / node_cnt) @ W_v.T + b_v
    node_out = node_emb + node_ctx
    edge_out = edge_emb + edge_ctx
    return (node_out, edge_out)

if __name__ == "__main__":
    import jax
    _d = setup_inputs()
    print(jax.jit(kernel)(*tuple(_d.values())))

</pallas_src>

<mosaic_0001>
#map = affine_map<(d0, d1) -> (0)>
#map1 = affine_map<(d0, d1) -> (0, 0)>
module attributes {stable_mosaic.version = 14 : i64} {
  func.func @_sc_stage2(%arg0: i32, %arg1: i32, %arg2: memref<327680xi32, #tpu.memory_space<hbm>>, %arg3: memref<10000x128xf32, #tpu.memory_space<hbm>>, %arg4: memref<128x128xf32, #tpu.memory_space<hbm>>, %arg5: memref<128x128xf32, #tpu.memory_space<hbm>>, %arg6: memref<100000x128xf32, #tpu.memory_space<hbm>>, %arg7: memref<100000x128xf32, #tpu.memory_space<hbm>>, %arg8: memref<20480xi32, #tpu.memory_space<vmem>>, %arg9: memref<20480xi32, #tpu.memory_space<vmem>>, %arg10: memref<64x128xf32, #tpu.memory_space<vmem>>, %arg11: memref<64x128xf32, #tpu.memory_space<vmem>>, %arg12: memref<64x128xf32, #tpu.memory_space<vmem>>, %arg13: memref<64xi32, #tpu.memory_space<vmem>>, %arg14: memref<64xi32, #tpu.memory_space<vmem>>, %arg15: memref<64xi32, #tpu.memory_space<vmem>>, %arg16: memref<5120x128xf32, #tpu.memory_space<vmem_shared>>, %arg17: memref<!tpu.dma_semaphore, #tpu.memory_space<semaphore_mem>>, %arg18: memref<!tpu.dma_semaphore, #tpu.memory_space<semaphore_mem>>) attributes {dimension_semantics = [#tpu.dimension_semantics<core_parallel>, #tpu.dimension_semantics<subcore_parallel>], iteration_bounds = array<i64: 2, 16>, scalar_prefetch = 0 : i64, scratch_operands = 11 : i64, tpu.core_type = #tpu.core_type<sc_vector_subcore>, window_params = [{transform_indices = #map}, {transform_indices = #map1}, {transform_indices = #map1}, {transform_indices = #map1}, {transform_indices = #map1}, {transform_indices = #map1}]} {
    %iota3A = tpu.iota {dimensions = array<i32: 0>} : vector<16xi32>
    "tpu.region"() ({
      %run_scoped3A = tpu.sem_alloc : memref<!tpu.dma_semaphore, #tpu.memory_space<semaphore_mem>>
      %dma_start3A = arith.constant 0 : i32
      %dma_start3A_7 = arith.constant 0 : i32
      %dma_start3A_8 = tpu.memref_slice %arg5[%dma_start3A, %dma_start3A_7] : memref<128x128xf32, #tpu.memory_space<hbm>> -> memref<64x128xf32, #tpu.memory_space<hbm>>
      %dma_start3A_9 = arith.constant 0 : i32
      %dma_start3A_10 = arith.constant 0 : i32
      %dma_start3A_11 = tpu.memref_slice %arg5[%dma_start3A_9, %dma_start3A_10] : memref<128x128xf32, #tpu.memory_space<hbm>> -> memref<64x128xf32, #tpu.memory_space<hbm>>
      tpu.enqueue_dma source(%dma_start3A_11 : memref<64x128xf32, #tpu.memory_space<hbm>>) target(%arg12 : memref<64x128xf32, #tpu.memory_space<vmem>>) target_semaphore(%run_scoped3A : memref<!tpu.dma_semaphore, #tpu.memory_space<semaphore_mem>>)
      %dma_wait3A = arith.constant 0 : i32
      %dma_wait3A_12 = arith.constant 0 : i32
      %dma_wait3A_13 = tpu.memref_slice %arg5[%dma_wait3A, %dma_wait3A_12] : memref<128x128xf32, #tpu.memory_space<hbm>> -> memref<64x128xf32, #tpu.memory_space<hbm>>
      %dma_wait3A_14 = arith.constant 0 : i32
      %dma_wait3A_15 = arith.constant 0 : i32
      %dma_wait3A_16 = tpu.memref_slice %arg5[%dma_wait3A_14, %dma_wait3A_15] : memref<128x128xf32, #tpu.memory_space<hbm>> -> memref<64x128xf32, #tpu.memory_space<hbm>>
      tpu.wait_dma2 semaphore(%run_scoped3A : memref<!tpu.dma_semaphore, #tpu.memory_space<semaphore_mem>>) src(%dma_wait3A_16 : memref<64x128xf32, #tpu.memory_space<hbm>>) dst(%arg12 : memref<64x128xf32, #tpu.memory_space<vmem>>)
      tpu.yield
    }) : () -> ()
    %mul3A = arith.constant 20480 : i32
    %mul3A_0 = arith.muli %arg1, %mul3A : i32
    "tpu.region"() ({
      %run_scoped3A = tpu.sem_alloc : memref<!tpu.dma_semaphore, #tpu.memory_space<semaphore_mem>>
      %dma_start3A = tpu.memref_slice %arg2[%mul3A_0] : memref<327680xi32, #tpu.memory_space<hbm>> -> memref<20480xi32, #tpu.memory_space<hbm>>
      %dma_start3A_7 = tpu.memref_slice %arg2[%mul3A_0] : memref<327680xi32, #tpu.memory_space<hbm>> -> memref<20480xi32, #tpu.memory_space<hbm>>
      tpu.enqueue_dma source(%dma_start3A_7 : memref<20480xi32, #tpu.memory_space<hbm>>) target(%arg8 : memref<20480xi32, #tpu.memory_space<vmem>>) target_semaphore(%run_scoped3A : memref<!tpu.dma_semaphore, #tpu.memory_space<semaphore_mem>>)
      %dma_wait3A = tpu.memref_slice %arg2[%mul3A_0] : memref<327680xi32, #tpu.memory_space<hbm>> -> memref<20480xi32, #tpu.memory_space<hbm>>
      %dma_wait3A_8 = tpu.memref_slice %arg2[%mul3A_0] : memref<327680xi32, #tpu.memory_space<hbm>> -> memref<20480xi32, #tpu.memory_space<hbm>>
      tpu.wait_dma2 semaphore(%run_scoped3A : memref<!tpu.dma_semaphore, #tpu.memory_space<semaphore_mem>>) src(%dma_wait3A_8 : memref<20480xi32, #tpu.memory_space<hbm>>) dst(%arg8 : memref<20480xi32, #tpu.memory_space<vmem>>)
      tpu.yield
    }) : () -> ()
    %scan3A = arith.constant 0 : i32
    %scan3A_1 = arith.constant 0 : i32
    %scan3A_2 = arith.constant 10 : i32
    %scan3A_3 = arith.addi %scan3A_1, %scan3A_2 : i32
    %scan3A_4 = arith.constant 1 : i32
    %scan3A_5 = scf.for %scan3A_7 = %scan3A_1 to %scan3A_3 step %scan3A_4 iter_args(%scan3A_8 = %scan3A) -> (i32)  : i32 {
      %mul3A_9 = arith.constant 2 : i32
      %mul3A_10 = arith.muli %mul3A_9, %scan3A_7 : i32
      %add3A = arith.addi %mul3A_10, %arg0 : i32
      %mul3A_11 = arith.constant 5000 : i32
      %mul3A_12 = arith.muli %add3A, %mul3A_11 : i32
      %mul3A_13 = arith.constant 320 : i32
      %mul3A_14 = arith.muli %arg1, %mul3A_13 : i32
      %add3A_15 = arith.constant 0 : i32
      %add3A_16 = arith.addi %mul3A_14, %add3A_15 : i32
      "tpu.region"() ({
        %run_scoped3A = tpu.sem_alloc : memref<!tpu.dma_semaphore, #tpu.memory_space<semaphore_mem>>
        %dma_start3A = arith.constant 0 : i32
        %dma_start3A_89 = tpu.memref_slice %arg16[%add3A_16, %dma_start3A] : memref<5120x128xf32, #tpu.memory_space<vmem_shared>> -> memref<128x128xf32, #tpu.memory_space<vmem_shared>>
        %dma_start3A_90 = arith.constant 0 : i32
        %dma_start3A_91 = arith.constant 0 : i32
        %dma_start3A_92 = tpu.memref_slice %arg4[%dma_start3A_90, %dma_start3A_91] : memref<128x128xf32, #tpu.memory_space<hbm>> -> memref<128x128xf32, #tpu.memory_space<hbm>>
        tpu.enqueue_dma source(%dma_start3A_92 : memref<128x128xf32, #tpu.memory_space<hbm>>) target(%dma_start3A_89 : memref<128x128xf32, #tpu.memory_space<vmem_shared>>) target_semaphore(%run_scoped3A : memref<!tpu.dma_semaphore, #tpu.memory_space<semaphore_mem>>)
        %dma_wait3A = arith.constant 0 : i32
        %dma_wait3A_93 = tpu.memref_slice %arg16[%add3A_16, %dma_wait3A] : memref<5120x128xf32, #tpu.memory_space<vmem_shared>> -> memref<128x128xf32, #tpu.memory_space<vmem_shared>>
        %dma_wait3A_94 = arith.constant 0 : i32
        %dma_wait3A_95 = arith.constant 0 : i32
        %dma_wait3A_96 = tpu.memref_slice %arg4[%dma_wait3A_94, %dma_wait3A_95] : memref<128x128xf32, #tpu.memory_space<hbm>> -> memref<128x128xf32, #tpu.memory_space<hbm>>
        tpu.wait_dma2 semaphore(%run_scoped3A : memref<!tpu.dma_semaphore, #tpu.memory_space<semaphore_mem>>) src(%dma_wait3A_96 : memref<128x128xf32, #tpu.memory_space<hbm>>) dst(%dma_wait3A_93 : memref<128x128xf32, #tpu.memory_space<vmem_shared>>)
        tpu.yield
      }) : () -> ()
      %mul3A_17 = arith.constant 320 : i32
      %mul3A_18 = arith.muli %arg1, %mul3A_17 : i32
      %add3A_19 = arith.constant 128 : i32
      %add3A_20 = arith.addi %mul3A_18, %add3A_19 : i32
      "tpu.region"() ({
        %run_scoped3A = tpu.sem_alloc : memref<!tpu.dma_semaphore, #tpu.memory_space<semaphore_mem>>
        %dma_start3A = arith.constant 0 : i32
        %dma_start3A_89 = tpu.memref_slice %arg16[%add3A_20, %dma_start3A] : memref<5120x128xf32, #tpu.memory_space<vmem_shared>> -> memref<128x128xf32, #tpu.memory_space<vmem_shared>>
        %dma_start3A_90 = arith.constant 0 : i32
        %dma_start3A_91 = arith.constant 0 : i32
        %dma_start3A_92 = tpu.memref_slice %arg4[%dma_start3A_90, %dma_start3A_91] : memref<128x128xf32, #tpu.memory_space<hbm>> -> memref<128x128xf32, #tpu.memory_space<hbm>>
        tpu.enqueue_dma source(%dma_start3A_92 : memref<128x128xf32, #tpu.memory_space<hbm>>) target(%dma_start3A_89 : memref<128x128xf32, #tpu.memory_space<vmem_shared>>) target_semaphore(%run_scoped3A : memref<!tpu.dma_semaphore, #tpu.memory_space<semaphore_mem>>)
        %dma_wait3A = arith.constant 0 : i32
        %dma_wait3A_93 = tpu.memref_slice %arg16[%add3A_20, %dma_wait3A] : memref<5120x128xf32, #tpu.memory_space<vmem_shared>> -> memref<128x128xf32, #tpu.memory_space<vmem_shared>>
        %dma_wait3A_94 = arith.constant 0 : i32
        %dma_wait3A_95 = arith.constant 0 : i32
        %dma_wait3A_96 = tpu.memref_slice %arg4[%dma_wait3A_94, %dma_wait3A_95] : memref<128x128xf32, #tpu.memory_space<hbm>> -> memref<128x128xf32, #tpu.memory_space<hbm>>
        tpu.wait_dma2 semaphore(%run_scoped3A : memref<!tpu.dma_semaphore, #tpu.memory_space<semaphore_mem>>) src(%dma_wait3A_96 : memref<128x128xf32, #tpu.memory_space<hbm>>) dst(%dma_wait3A_93 : memref<128x128xf32, #tpu.memory_space<vmem_shared>>)
        tpu.yield
      }) : () -> ()
      %mul3A_21 = arith.constant 320 : i32
      %mul3A_22 = arith.muli %arg1, %mul3A_21 : i32
      %add3A_23 = arith.constant 256 : i32
      %add3A_24 = arith.addi %mul3A_22, %add3A_23 : i32
      "tpu.region"() ({
        %run_scoped3A = tpu.sem_alloc : memref<!tpu.dma_semaphore, #tpu.memory_space<semaphore_mem>>
        %dma_start3A = arith.constant 0 : i32
        %dma_start3A_89 = tpu.memref_slice %arg16[%add3A_24, %dma_start3A] : memref<5120x128xf32, #tpu.memory_space<vmem_shared>> -> memref<64x128xf32, #tpu.memory_space<vmem_shared>>
        %dma_start3A_90 = arith.constant 0 : i32
        %dma_start3A_91 = arith.constant 0 : i32
        %dma_start3A_92 = tpu.memref_slice %arg4[%dma_start3A_90, %dma_start3A_91] : memref<128x128xf32, #tpu.memory_space<hbm>> -> memref<64x128xf32, #tpu.memory_space<hbm>>
        tpu.enqueue_dma source(%dma_start3A_92 : memref<64x128xf32, #tpu.memory_space<hbm>>) target(%dma_start3A_89 : memref<64x128xf32, #tpu.memory_space<vmem_shared>>) target_semaphore(%run_scoped3A : memref<!tpu.dma_semaphore, #tpu.memory_space<semaphore_mem>>)
        %dma_wait3A = arith.constant 0 : i32
        %dma_wait3A_93 = tpu.memref_slice %arg16[%add3A_24, %dma_wait3A] : memref<5120x128xf32, #tpu.memory_space<vmem_shared>> -> memref<64x128xf32, #tpu.memory_space<vmem_shared>>
        %dma_wait3A_94 = arith.constant 0 : i32
        %dma_wait3A_95 = arith.constant 0 : i32
        %dma_wait3A_96 = tpu.memref_slice %arg4[%dma_wait3A_94, %dma_wait3A_95] : memref<128x128xf32, #tpu.memory_space<hbm>> -> memref<64x128xf32, #tpu.memory_space<hbm>>
        tpu.wait_dma2 semaphore(%run_scoped3A : memref<!tpu.dma_semaphore, #tpu.memory_space<semaphore_mem>>) src(%dma_wait3A_96 : memref<64x128xf32, #tpu.memory_space<hbm>>) dst(%dma_wait3A_93 : memref<64x128xf32, #tpu.memory_space<vmem_shared>>)
        tpu.yield
      }) : () -> ()
      %barrier3A = arith.constant 0 : index
      tpu.barrier barrier_id(%barrier3A)
      %scan3A_25 = arith.constant 0 : i32
      %scan3A_26 = arith.constant 0 : i32
      %scan3A_27 = arith.constant 160 : i32
      %scan3A_28 = arith.addi %scan3A_26, %scan3A_27 : i32
      %scan3A_29 = arith.constant 1 : i32
      %scan3A_30 = scf.for %scan3A_89 = %scan3A_26 to %scan3A_28 step %scan3A_29 iter_args(%scan3A_90 = %scan3A_25) -> (i32)  : i32 {
        %mul3A_91 = arith.constant 0 : i32
        %mul3A_92 = vector.broadcast %mul3A_91 : i32 to vector<16xi32>
        %mul3A_93 = arith.muli %iota3A, %mul3A_92 : vector<16xi32>
        %add3A_94 = vector.broadcast %mul3A_12 : i32 to vector<16xi32>
        %add3A_95 = arith.addi %mul3A_93, %add3A_94 : vector<16xi32>
        %mul3A_96 = arith.constant 16384 : i32
        %mul3A_97 = vector.broadcast %mul3A_96 : i32 to vector<16xi32>
        %mul3A_98 = arith.muli %add3A_95, %mul3A_97 : vector<16xi32>
        %mul3A_99 = arith.constant 128 : i32
        %mul3A_100 = arith.muli %scan3A_89, %mul3A_99 : i32
        %add3A_101 = arith.constant 0 : i32
        %add3A_102 = arith.addi %mul3A_100, %add3A_101 : i32
        %get3A = arith.index_cast %add3A_102 : i32 to index
        %get3A_103 = tpu.vector_load %arg8[%get3A] {strides = array<i32>} : memref<20480xi32, #tpu.memory_space<vmem>>, vector<16xi32>,
        %get3A_104 = vector.shape_cast %get3A_103 : vector<16xi32> to vector<16xi32>
        %shift_right_arithmetic3A_105 = arith.constant 14 : i32
        %shift_right_arithmetic3A_106 = vector.broadcast %shift_right_arithmetic3A_105 : i32 to vector<16xi32>
        %shift_right_arithmetic3A_107 = arith.shrsi %get3A_104, %shift_right_arithmetic3A_106 : vector<16xi32>
        %sub3A_108 = arith.subi %shift_right_arithmetic3A_107, %add3A_95 : vector<16xi32>
        %sub3A_109 = arith.constant 4999 : i32
        %sub3A_110 = vector.broadcast %sub3A_109 : i32 to vector<16xi32>
        %sub3A_111 = arith.subi %sub3A_110, %sub3A_108 : vector<16xi32>
        %or3A = arith.ori %sub3A_108, %sub3A_111 : vector<16xi32>
        %shift_right_logical3A = arith.constant 31 : i32
        %shift_right_logical3A_112 = vector.broadcast %shift_right_logical3A : i32 to vector<16xi32>
        %shift_right_logical3A_113 = arith.shrui %or3A, %shift_right_logical3A_112 : vector<16xi32>
        %sub3A_114 = arith.constant 1 : i32
        %sub3A_115 = vector.broadcast %sub3A_114 : i32 to vector<16xi32>
        %sub3A_116 = arith.subi %sub3A_115, %shift_right_logical3A_113 : vector<16xi32>
        %sub3A_117 = arith.constant 1 : i32
        %sub3A_118 = vector.broadcast %sub3A_117 : i32 to vector<16xi32>
        %sub3A_119 = arith.subi %iota3A, %sub3A_118 : vector<16xi32>
        %max3A = arith.constant 0 : i32
        %max3A_120 = vector.broadcast %max3A : i32 to vector<16xi32>
        %max3A_121 = arith.maxsi %sub3A_119, %max3A_120 : vector<16xi32>
        %broadcast_in_dim3A = vector.shape_cast %max3A_121 : vector<16xi32> to vector<16x1xi32>
        %gather3A = vector.shape_cast %broadcast_in_dim3A : vector<16x1xi32> to vector<16xi32>
        %gather3A_122 = tpu.dynamic_gather %sub3A_116[%gather3A] in [0] : vector<16xi32>, vector<16xi32> -> vector<16xi32>
        %ge3A = arith.constant 1 : i32
        %ge3A_123 = vector.broadcast %ge3A : i32 to vector<16xi32>
        %ge3A_124 = arith.cmpi sge, %iota3A, %ge3A_123 : vector<16xi32>
        %jit3A = arith.constant 0 : i32
        %broadcast_in_dim3A_125 = vector.broadcast %jit3A : i32 to vector<16xi32>
        %select_n3A = arith.select %ge3A_124, %gather3A_122, %broadcast_in_dim3A_125 : vector<16xi1>, vector<16xi32>
        %add3A_126 = arith.addi %sub3A_116, %select_n3A : vector<16xi32>
        %sub3A_127 = arith.constant 2 : i32
        %sub3A_128 = vector.broadcast %sub3A_127 : i32 to vector<16xi32>
        %sub3A_129 = arith.subi %iota3A, %sub3A_128 : vector<16xi32>
        %max3A_130 = arith.constant 0 : i32
        %max3A_131 = vector.broadcast %max3A_130 : i32 to vector<16xi32>
        %max3A_132 = arith.maxsi %sub3A_129, %max3A_131 : vector<16xi32>
        %broadcast_in_dim3A_133 = vector.shape_cast %max3A_132 : vector<16xi32> to vector<16x1xi32>
        %gather3A_134 = vector.shape_cast %broadcast_in_dim3A_133 : vector<16x1xi32> to vector<16xi32>
        %gather3A_135 = tpu.dynamic_gather %add3A_126[%gather3A_134] in [0] : vector<16xi32>, vector<16xi32> -> vector<16xi32>
        %ge3A_136 = arith.constant 2 : i32
        %ge3A_137 = vector.broadcast %ge3A_136 : i32 to vector<16xi32>
        %ge3A_138 = arith.cmpi sge, %iota3A, %ge3A_137 : vector<16xi32>
        %jit3A_139 = arith.constant 0 : i32
        %broadcast_in_dim3A_140 = vector.broadcast %jit3A_139 : i32 to vector<16xi32>
        %select_n3A_141 = arith.select %ge3A_138, %gather3A_135, %broadcast_in_dim3A_140 : vector<16xi1>, vector<16xi32>
        %add3A_142 = arith.addi %add3A_126, %select_n3A_141 : vector<16xi32>
        %sub3A_143 = arith.constant 4 : i32
        %sub3A_144 = vector.broadcast %sub3A_143 : i32 to vector<16xi32>
        %sub3A_145 = arith.subi %iota3A, %sub3A_144 : vector<16xi32>
        %max3A_146 = arith.constant 0 : i32
        %max3A_147 = vector.broadcast %max3A_146 : i32 to vector<16xi32>
        %max3A_148 = arith.maxsi %sub3A_145, %max3A_147 : vector<16xi32>
        %broadcast_in_dim3A_149 = vector.shape_cast %max3A_148 : vector<16xi32> to vector<16x1xi32>
        %gather3A_150 = vector.shape_cast %broadcast_in_dim3A_149 : vector<16x1xi32> to vector<16xi32>
        %gather3A_151 = tpu.dynamic_gather %add3A_142[%gather3A_150] in [0] : vector<16xi32>, vector<16xi32> -> vector<16xi32>
        %ge3A_152 = arith.constant 4 : i32
        %ge3A_153 = vector.broadcast %ge3A_152 : i32 to vector<16xi32>
        %ge3A_154 = arith.cmpi sge, %iota3A, %ge3A_153 : vector<16xi32>
        %jit3A_155 = arith.constant 0 : i32
        %broadcast_in_dim3A_156 = vector.broadcast %jit3A_155 : i32 to vector<16xi32>
        %select_n3A_157 = arith.select %ge3A_154, %gather3A_151, %broadcast_in_dim3A_156 : vector<16xi1>, vector<16xi32>
        %add3A_158 = arith.addi %add3A_142, %select_n3A_157 : vector<16xi32>
        %sub3A_159 = arith.constant 8 : i32
        %sub3A_160 = vector.broadcast %sub3A_159 : i32 to vector<16xi32>
        %sub3A_161 = arith.subi %iota3A, %sub3A_160 : vector<16xi32>
        %max3A_162 = arith.constant 0 : i32
        %max3A_163 = vector.broadcast %max3A_162 : i32 to vector<16xi32>
        %max3A_164 = arith.maxsi %sub3A_161, %max3A_163 : vector<16xi32>
        %broadcast_in_dim3A_165 = vector.shape_cast %max3A_164 : vector<16xi32> to vector<16x1xi32>
        %gather3A_166 = vector.shape_cast %broadcast_in_dim3A_165 : vector<16x1xi32> to vector<16xi32>
        %gather3A_167 = tpu.dynamic_gather %add3A_158[%gather3A_166] in [0] : vector<16xi32>, vector<16xi32> -> vector<16xi32>
        %ge3A_168 = arith.constant 8 : i32
        %ge3A_169 = vector.broadcast %ge3A_168 : i32 to vector<16xi32>
        %ge3A_170 = arith.cmpi sge, %iota3A, %ge3A_169 : vector<16xi32>
        %jit3A_171 = arith.constant 0 : i32
        %broadcast_in_dim3A_172 = vector.broadcast %jit3A_171 : i32 to vector<16xi32>
        %select_n3A_173 = arith.select %ge3A_170, %gather3A_167, %broadcast_in_dim3A_172 : vector<16xi1>, vector<16xi32>
        %add3A_174 = arith.addi %add3A_158, %select_n3A_173 : vector<16xi32>
        %mul3A_175 = arith.constant 0 : i32
        %mul3A_176 = vector.broadcast %mul3A_175 : i32 to vector<16xi32>
        %mul3A_177 = arith.muli %iota3A, %mul3A_176 : vector<16xi32>
        %add3A_178 = arith.constant 1 : i32
        %add3A_179 = vector.broadcast %add3A_178 : i32 to vector<16xi32>
        %add3A_180 = arith.addi %iota3A, %add3A_179 : vector<16xi32>
        %add3A_181 = arith.constant 8 : i32
        %add3A_182 = vector.broadcast %add3A_181 : i32 to vector<16xi32>
        %add3A_183 = arith.addi %mul3A_177, %add3A_182 : vector<16xi32>
        %sub3A_184 = arith.constant 1 : i32
        %sub3A_185 = vector.broadcast %sub3A_184 : i32 to vector<16xi32>
        %sub3A_186 = arith.subi %add3A_183, %sub3A_185 : vector<16xi32>
        %broadcast_in_dim3A_187 = vector.shape_cast %sub3A_186 : vector<16xi32> to vector<16x1xi32>
        %gather3A_188 = vector.shape_cast %broadcast_in_dim3A_187 : vector<16x1xi32> to vector<16xi32>
        %gather3A_189 = tpu.dynamic_gather %add3A_174[%gather3A_188] in [0] : vector<16xi32>, vector<16xi32> -> vector<16xi32>
        %sub3A_190 = arith.subi %gather3A_189, %add3A_180 : vector<16xi32>
        %shift_right_logical3A_191 = arith.constant 31 : i32
        %shift_right_logical3A_192 = vector.broadcast %shift_right_logical3A_191 : i32 to vector<16xi32>
        %shift_right_logical3A_193 = arith.shrui %sub3A_190, %shift_right_logical3A_192 : vector<16xi32>
        %mul3A_194 = arith.constant 8 : i32
        %mul3A_195 = vector.broadcast %mul3A_194 : i32 to vector<16xi32>
        %mul3A_196 = arith.muli %mul3A_195, %shift_right_logical3A_193 : vector<16xi32>
        %add3A_197 = arith.addi %mul3A_177, %mul3A_196 : vector<16xi32>
        %add3A_198 = arith.constant 4 : i32
        %add3A_199 = vector.broadcast %add3A_198 : i32 to vector<16xi32>
        %add3A_200 = arith.addi %add3A_197, %add3A_199 : vector<16xi32>
        %sub3A_201 = arith.constant 1 : i32
        %sub3A_202 = vector.broadcast %sub3A_201 : i32 to vector<16xi32>
        %sub3A_203 = arith.subi %add3A_200, %sub3A_202 : vector<16xi32>
        %broadcast_in_dim3A_204 = vector.shape_cast %sub3A_203 : vector<16xi32> to vector<16x1xi32>
        %gather3A_205 = vector.shape_cast %broadcast_in_dim3A_204 : vector<16x1xi32> to vector<16xi32>
        %gather3A_206 = tpu.dynamic_gather %add3A_174[%gather3A_205] in [0] : vector<16xi32>, vector<16xi32> -> vector<16xi32>
        %sub3A_207 = arith.subi %gather3A_206, %add3A_180 : vector<16xi32>
        %shift_right_logical3A_208 = arith.constant 31 : i32
        %shift_right_logical3A_209 = vector.broadcast %shift_right_logical3A_208 : i32 to vector<16xi32>
        %shift_right_logical3A_210 = arith.shrui %sub3A_207, %shift_right_logical3A_209 : vector<16xi32>
        %mul3A_211 = arith.constant 4 : i32
        %mul3A_212 = vector.broadcast %mul3A_211 : i32 to vector<16xi32>
        %mul3A_213 = arith.muli %mul3A_212, %shift_right_logical3A_210 : vector<16xi32>
        %add3A_214 = arith.addi %add3A_197, %mul3A_213 : vector<16xi32>
        %add3A_215 = arith.constant 2 : i32
        %add3A_216 = vector.broadcast %add3A_215 : i32 to vector<16xi32>
        %add3A_217 = arith.addi %add3A_214, %add3A_216 : vector<16xi32>
        %sub3A_218 = arith.constant 1 : i32
        %sub3A_219 = vector.broadcast %sub3A_218 : i32 to vector<16xi32>
        %sub3A_220 = arith.subi %add3A_217, %sub3A_219 : vector<16xi32>
        %broadcast_in_dim3A_221 = vector.shape_cast %sub3A_220 : vector<16xi32> to vector<16x1xi32>
        %gather3A_222 = vector.shape_cast %broadcast_in_dim3A_221 : vector<16x1xi32> to vector<16xi32>
        %gather3A_223 = tpu.dynamic_gather %add3A_174[%gather3A_222] in [0] : vector<16xi32>, vector<16xi32> -> vector<16xi32>
        %sub3A_224 = arith.subi %gather3A_223, %add3A_180 : vector<16xi32>
        %shift_right_logical3A_225 = arith.constant 31 : i32
        %shift_right_logical3A_226 = vector.broadcast %shift_right_logical3A_225 : i32 to vector<16xi32>
        %shift_right_logical3A_227 = arith.shrui %sub3A_224, %shift_right_logical3A_226 : vector<16xi32>
        %mul3A_228 = arith.constant 2 : i32
        %mul3A_229 = vector.broadcast %mul3A_228 : i32 to vector<16xi32>
        %mul3A_230 = arith.muli %mul3A_229, %shift_right_logical3A_227 : vector<16xi32>
        %add3A_231 = arith.addi %add3A_214, %mul3A_230 : vector<16xi32>
        %add3A_232 = arith.constant 1 : i32
        %add3A_233 = vector.broadcast %add3A_232 : i32 to vector<16xi32>
        %add3A_234 = arith.addi %add3A_231, %add3A_233 : vector<16xi32>
        %sub3A_235 = arith.constant 1 : i32
        %sub3A_236 = vector.broadcast %sub3A_235 : i32 to vector<16xi32>
        %sub3A_237 = arith.subi %add3A_234, %sub3A_236 : vector<16xi32>
        %broadcast_in_dim3A_238 = vector.shape_cast %sub3A_237 : vector<16xi32> to vector<16x1xi32>
        %gather3A_239 = vector.shape_cast %broadcast_in_dim3A_238 : vector<16x1xi32> to vector<16xi32>
        %gather3A_240 = tpu.dynamic_gather %add3A_174[%gather3A_239] in [0] : vector<16xi32>, vector<16xi32> -> vector<16xi32>
        %sub3A_241 = arith.subi %gather3A_240, %add3A_180 : vector<16xi32>
        %shift_right_logical3A_242 = arith.constant 31 : i32
        %shift_right_logical3A_243 = vector.broadcast %shift_right_logical3A_242 : i32 to vector<16xi32>
        %shift_right_logical3A_244 = arith.shrui %sub3A_241, %shift_right_logical3A_243 : vector<16xi32>
        %mul3A_245 = arith.constant 1 : i32
        %mul3A_246 = vector.broadcast %mul3A_245 : i32 to vector<16xi32>
        %mul3A_247 = arith.muli %mul3A_246, %shift_right_logical3A_244 : vector<16xi32>
        %add3A_248 = arith.addi %add3A_231, %mul3A_247 : vector<16xi32>
        %sub3A_249 = arith.subi %get3A_104, %mul3A_98 : vector<16xi32>
        %broadcast_in_dim3A_250 = vector.shape_cast %add3A_248 : vector<16xi32> to vector<16x1xi32>
        %gather3A_251 = vector.shape_cast %broadcast_in_dim3A_250 : vector<16x1xi32> to vector<16xi32>
        %gather3A_252 = tpu.dynamic_gather %sub3A_249[%gather3A_251] in [0] : vector<16xi32>, vector<16xi32> -> vector<16xi32>
        %swap3A = arith.index_cast %scan3A_90 : i32 to index
        %swap3A_253 = tpu.vector_load %arg9[%swap3A] {strides = array<i32>} : memref<20480xi32, #tpu.memory_space<vmem>>, vector<16xi32>,
        %swap3A_254 = vector.shape_cast %swap3A_253 : vector<16xi32> to vector<16xi32>
        %swap3A_255 = vector.shape_cast %gather3A_252 : vector<16xi32> to vector<16xi32>
        tpu.vector_store %arg9[%swap3A], %swap3A_255 {strides = array<i32>} : memref<20480xi32, #tpu.memory_space<vmem>>, vector<16xi32>,
        %slice3A = vector.extract_strided_slice %add3A_174 {offsets = [15], sizes = [1], strides = [1]} : vector<16xi32> to vector<1xi32>
        %squeeze3A = vector.extract %slice3A[0] : i32 from vector<1xi32>
        %add3A_256 = arith.addi %scan3A_90, %squeeze3A : i32
        %mul3A_257 = arith.constant 128 : i32
        %mul3A_258 = arith.muli %scan3A_89, %mul3A_257 : i32
        %add3A_259 = arith.constant 16 : i32
        %add3A_260 = arith.addi %mul3A_258, %add3A_259 : i32
        %get3A_261 = arith.index_cast %add3A_260 : i32 to index
        %get3A_262 = tpu.vector_load %arg8[%get3A_261] {strides = array<i32>} : memref<20480xi32, #tpu.memory_space<vmem>>, vector<16xi32>,
        %get3A_263 = vector.shape_cast %get3A_262 : vector<16xi32> to vector<16xi32>
        %shift_right_arithmetic3A_264 = arith.constant 14 : i32
        %shift_right_arithmetic3A_265 = vector.broadcast %shift_right_arithmetic3A_264 : i32 to vector<16xi32>
        %shift_right_arithmetic3A_266 = arith.shrsi %get3A_263, %shift_right_arithmetic3A_265 : vector<16xi32>
        %sub3A_267 = arith.subi %shift_right_arithmetic3A_266, %add3A_95 : vector<16xi32>
        %sub3A_268 = arith.constant 4999 : i32
        %sub3A_269 = vector.broadcast %sub3A_268 : i32 to vector<16xi32>
        %sub3A_270 = arith.subi %sub3A_269, %sub3A_267 : vector<16xi32>
        %or3A_271 = arith.ori %sub3A_267, %sub3A_270 : vector<16xi32>
        %shift_right_logical3A_272 = arith.constant 31 : i32
        %shift_right_logical3A_273 = vector.broadcast %shift_right_logical3A_272 : i32 to vector<16xi32>
        %shift_right_logical3A_274 = arith.shrui %or3A_271, %shift_right_logical3A_273 : vector<16xi32>
        %sub3A_275 = arith.constant 1 : i32
        %sub3A_276 = vector.broadcast %sub3A_275 : i32 to vector<16xi32>
        %sub3A_277 = arith.subi %sub3A_276, %shift_right_logical3A_274 : vector<16xi32>
        %sub3A_278 = arith.constant 1 : i32
        %sub3A_279 = vector.broadcast %sub3A_278 : i32 to vector<16xi32>
        %sub3A_280 = arith.subi %iota3A, %sub3A_279 : vector<16xi32>
        %max3A_281 = arith.constant 0 : i32
        %max3A_282 = vector.broadcast %max3A_281 : i32 to vector<16xi32>
        %max3A_283 = arith.maxsi %sub3A_280, %max3A_282 : vector<16xi32>
        %broadcast_in_dim3A_284 = vector.shape_cast %max3A_283 : vector<16xi32> to vector<16x1xi32>
        %gather3A_285 = vector.shape_cast %broadcast_in_dim3A_284 : vector<16x1xi32> to vector<16xi32>
        %gather3A_286 = tpu.dynamic_gather %sub3A_277[%gather3A_285] in [0] : vector<16xi32>, vector<16xi32> -> vector<16xi32>
        %ge3A_287 = arith.constant 1 : i32
        %ge3A_288 = vector.broadcast %ge3A_287 : i32 to vector<16xi32>
        %ge3A_289 = arith.cmpi sge, %iota3A, %ge3A_288 : vector<16xi32>
        %jit3A_290 = arith.constant 0 : i32
        %broadcast_in_dim3A_291 = vector.broadcast %jit3A_290 : i32 to vector<16xi32>
        %select_n3A_292 = arith.select %ge3A_289, %gather3A_286, %broadcast_in_dim3A_291 : vector<16xi1>, vector<16xi32>
        %add3A_293 = arith.addi %sub3A_277, %select_n3A_292 : vector<16xi32>
        %sub3A_294 = arith.constant 2 : i32
        %sub3A_295 = vector.broadcast %sub3A_294 : i32 to vector<16xi32>
        %sub3A_296 = arith.subi %iota3A, %sub3A_295 : vector<16xi32>
        %max3A_297 = arith.constant 0 : i32
        %max3A_298 = vector.broadcast %max3A_297 : i32 to vector<16xi32>
        %max3A_299 = arith.maxsi %sub3A_296, %max3A_298 : vector<16xi32>
        %broadcast_in_dim3A_300 = vector.shape_cast %max3A_299 : vector<16xi32> to vector<16x1xi32>
        %gather3A_301 = vector.shape_cast %broadcast_in_dim3A_300 : vector<16x1xi32> to vector<16xi32>
        %gather3A_302 = tpu.dynamic_gather %add3A_293[%gather3A_301] in [0] : vector<16xi32>, vector<16xi32> -> vector<16xi32>
        %ge3A_303 = arith.constant 2 : i32
        %ge3A_304 = vector.broadcast %ge3A_303 : i32 to vector<16xi32>
        %ge3A_305 = arith.cmpi sge, %iota3A, %ge3A_304 : vector<16xi32>
        %jit3A_306 = arith.constant 0 : i32
        %broadcast_in_dim3A_307 = vector.broadcast %jit3A_306 : i32 to vector<16xi32>
        %select_n3A_308 = arith.select %ge3A_305, %gather3A_302, %broadcast_in_dim3A_307 : vector<16xi1>, vector<16xi32>
        %add3A_309 = arith.addi %add3A_293, %select_n3A_308 : vector<16xi32>
        %sub3A_310 = arith.constant 4 : i32
        %sub3A_311 = vector.broadcast %sub3A_310 : i32 to vector<16xi32>
        %sub3A_312 = arith.subi %iota3A, %sub3A_311 : vector<16xi32>
        %max3A_313 = arith.constant 0 : i32
        %max3A_314 = vector.broadcast %max3A_313 : i32 to vector<16xi32>
        %max3A_315 = arith.maxsi %sub3A_312, %max3A_314 : vector<16xi32>
        %broadcast_in_dim3A_316 = vector.shape_cast %max3A_315 : vector<16xi32> to vector<16x1xi32>
        %gather3A_317 = vector.shape_cast %broadcast_in_dim3A_316 : vector<16x1xi32> to vector<16xi32>
        %gather3A_318 = tpu.dynamic_gather %add3A_309[%gather3A_317] in [0] : vector<16xi32>, vector<16xi32> -> vector<16xi32>
        %ge3A_319 = arith.constant 4 : i32
        %ge3A_320 = vector.broadcast %ge3A_319 : i32 to vector<16xi32>
        %ge3A_321 = arith.cmpi sge, %iota3A, %ge3A_320 : vector<16xi32>
        %jit3A_322 = arith.constant 0 : i32
        %broadcast_in_dim3A_323 = vector.broadcast %jit3A_322 : i32 to vector<16xi32>
        %select_n3A_324 = arith.select %ge3A_321, %gather3A_318, %broadcast_in_dim3A_323 : vector<16xi1>, vector<16xi32>
        %add3A_325 = arith.addi %add3A_309, %select_n3A_324 : vector<16xi32>
        %sub3A_326 = arith.constant 8 : i32
        %sub3A_327 = vector.broadcast %sub3A_326 : i32 to vector<16xi32>
        %sub3A_328 = arith.subi %iota3A, %sub3A_327 : vector<16xi32>
        %max3A_329 = arith.constant 0 : i32
        %max3A_330 = vector.broadcast %max3A_329 : i32 to vector<16xi32>
        %max3A_331 = arith.maxsi %sub3A_328, %max3A_330 : vector<16xi32>
        %broadcast_in_dim3A_332 = vector.shape_cast %max3A_331 : vector<16xi32> to vector<16x1xi32>
        %gather3A_333 = vector.shape_cast %broadcast_in_dim3A_332 : vector<16x1xi32> to vector<16xi32>
        %gather3A_334 = tpu.dynamic_gather %add3A_325[%gather3A_333] in [0] : vector<16xi32>, vector<16xi32> -> vector<16xi32>
        %ge3A_335 = arith.constant 8 : i32
        %ge3A_336 = vector.broadcast %ge3A_335 : i32 to vector<16xi32>
        %ge3A_337 = arith.cmpi sge, %iota3A, %ge3A_336 : vector<16xi32>
        %jit3A_338 = arith.constant 0 : i32
        %broadcast_in_dim3A_339 = vector.broadcast %jit3A_338 : i32 to vector<16xi32>
        %select_n3A_340 = arith.select %ge3A_337, %gather3A_334, %broadcast_in_dim3A_339 : vector<16xi1>, vector<16xi32>
        %add3A_341 = arith.addi %add3A_325, %select_n3A_340 : vector<16xi32>
        %mul3A_342 = arith.constant 0 : i32
        %mul3A_343 = vector.broadcast %mul3A_342 : i32 to vector<16xi32>
        %mul3A_344 = arith.muli %iota3A, %mul3A_343 : vector<16xi32>
        %add3A_345 = arith.constant 1 : i32
        %add3A_346 = vector.broadcast %add3A_345 : i32 to vector<16xi32>
        %add3A_347 = arith.addi %iota3A, %add3A_346 : vector<16xi32>
        %add3A_348 = arith.constant 8 : i32
        %add3A_349 = vector.broadcast %add3A_348 : i32 to vector<16xi32>
        %add3A_350 = arith.addi %mul3A_344, %add3A_349 : vector<16xi32>
        %sub3A_351 = arith.constant 1 : i32
        %sub3A_352 = vector.broadcast %sub3A_351 : i32 to vector<16xi32>
        %sub3A_353 = arith.subi %add3A_350, %sub3A_352 : vector<16xi32>
        %broadcast_in_dim3A_354 = vector.shape_cast %sub3A_353 : vector<16xi32> to vector<16x1xi32>
        %gather3A_355 = vector.shape_cast %broadcast_in_dim3A_354 : vector<16x1xi32> to vector<16xi32>
        %gather3A_356 = tpu.dynamic_gather %add3A_341[%gather3A_355] in [0] : vector<16xi32>, vector<16xi32> -> vector<16xi32>
        %sub3A_357 = arith.subi %gather3A_356, %add3A_347 : vector<16xi32>
        %shift_right_logical3A_358 = arith.constant 31 : i32
        %shift_right_logical3A_359 = vector.broadcast %shift_right_logical3A_358 : i32 to vector<16xi32>
        %shift_right_logical3A_360 = arith.shrui %sub3A_357, %shift_right_logical3A_359 : vector<16xi32>
        %mul3A_361 = arith.constant 8 : i32
        %mul3A_362 = vector.broadcast %mul3A_361 : i32 to vector<16xi32>
        %mul3A_363 = arith.muli %mul3A_362, %shift_right_logical3A_360 : vector<16xi32>
        %add3A_364 = arith.addi %mul3A_344, %mul3A_363 : vector<16xi32>
        %add3A_365 = arith.constant 4 : i32
        %add3A_366 = vector.broadcast %add3A_365 : i32 to vector<16xi32>
        %add3A_367 = arith.addi %add3A_364, %add3A_366 : vector<16xi32>
        %sub3A_368 = arith.constant 1 : i32
        %sub3A_369 = vector.broadcast %sub3A_368 : i32 to vector<16xi32>
        %sub3A_370 = arith.subi %add3A_367, %sub3A_369 : vector<16xi32>
        %broadcast_in_dim3A_371 = vector.shape_cast %sub3A_370 : vector<16xi32> to vector<16x1xi32>
        %gather3A_372 = vector.shape_cast %broadcast_in_dim3A_371 : vector<16x1xi32> to vector<16xi32>
        %gather3A_373 = tpu.dynamic_gather %add3A_341[%gather3A_372] in [0] : vector<16xi32>, vector<16xi32> -> vector<16xi32>
        %sub3A_374 = arith.subi %gather3A_373, %add3A_347 : vector<16xi32>
        %shift_right_logical3A_375 = arith.constant 31 : i32
        %shift_right_logical3A_376 = vector.broadcast %shift_right_logical3A_375 : i32 to vector<16xi32>
        %shift_right_logical3A_377 = arith.shrui %sub3A_374, %shift_right_logical3A_376 : vector<16xi32>
        %mul3A_378 = arith.constant 4 : i32
        %mul3A_379 = vector.broadcast %mul3A_378 : i32 to vector<16xi32>
        %mul3A_380 = arith.muli %mul3A_379, %shift_right_logical3A_377 : vector<16xi32>
        %add3A_381 = arith.addi %add3A_364, %mul3A_380 : vector<16xi32>
        %add3A_382 = arith.constant 2 : i32
        %add3A_383 = vector.broadcast %add3A_382 : i32 to vector<16xi32>
        %add3A_384 = arith.addi %add3A_381, %add3A_383 : vector<16xi32>
        %sub3A_385 = arith.constant 1 : i32
        %sub3A_386 = vector.broadcast %sub3A_385 : i32 to vector<16xi32>
        %sub3A_387 = arith.subi %add3A_384, %sub3A_386 : vector<16xi32>
        %broadcast_in_dim3A_388 = vector.shape_cast %sub3A_387 : vector<16xi32> to vector<16x1xi32>
        %gather3A_389 = vector.shape_cast %broadcast_in_dim3A_388 : vector<16x1xi32> to vector<16xi32>
        %gather3A_390 = tpu.dynamic_gather %add3A_341[%gather3A_389] in [0] : vector<16xi32>, vector<16xi32> -> vector<16xi32>
        %sub3A_391 = arith.subi %gather3A_390, %add3A_347 : vector<16xi32>
        %shift_right_logical3A_392 = arith.constant 31 : i32
        %shift_right_logical3A_393 = vector.broadcast %shift_right_logical3A_392 : i32 to vector<16xi32>
        %shift_right_logical3A_394 = arith.shrui %sub3A_391, %shift_right_logical3A_393 : vector<16xi32>
        %mul3A_395 = arith.constant 2 : i32
        %mul3A_396 = vector.broadcast %mul3A_395 : i32 to vector<16xi32>
        %mul3A_397 = arith.muli %mul3A_396, %shift_right_logical3A_394 : vector<16xi32>
        %add3A_398 = arith.addi %add3A_381, %mul3A_397 : vector<16xi32>
        %add3A_399 = arith.constant 1 : i32
        %add3A_400 = vector.broadcast %add3A_399 : i32 to vector<16xi32>
        %add3A_401 = arith.addi %add3A_398, %add3A_400 : vector<16xi32>
        %sub3A_402 = arith.constant 1 : i32
        %sub3A_403 = vector.broadcast %sub3A_402 : i32 to vector<16xi32>
        %sub3A_404 = arith.subi %add3A_401, %sub3A_403 : vector<16xi32>
        %broadcast_in_dim3A_405 = vector.shape_cast %sub3A_404 : vector<16xi32> to vector<16x1xi32>
        %gather3A_406 = vector.shape_cast %broadcast_in_dim3A_405 : vector<16x1xi32> to vector<16xi32>
        %gather3A_407 = tpu.dynamic_gather %add3A_341[%gather3A_406] in [0] : vector<16xi32>, vector<16xi32> -> vector<16xi32>
        %sub3A_408 = arith.subi %gather3A_407, %add3A_347 : vector<16xi32>
        %shift_right_logical3A_409 = arith.constant 31 : i32
        %shift_right_logical3A_410 = vector.broadcast %shift_right_logical3A_409 : i32 to vector<16xi32>
        %shift_right_logical3A_411 = arith.shrui %sub3A_408, %shift_right_logical3A_410 : vector<16xi32>
        %mul3A_412 = arith.constant 1 : i32
        %mul3A_413 = vector.broadcast %mul3A_412 : i32 to vector<16xi32>
        %mul3A_414 = arith.muli %mul3A_413, %shift_right_logical3A_411 : vector<16xi32>
        %add3A_415 = arith.addi %add3A_398, %mul3A_414 : vector<16xi32>
        %sub3A_416 = arith.subi %get3A_263, %mul3A_98 : vector<16xi32>
        %broadcast_in_dim3A_417 = vector.shape_cast %add3A_415 : vector<16xi32> to vector<16x1xi32>
        %gather3A_418 = vector.shape_cast %broadcast_in_dim3A_417 : vector<16x1xi32> to vector<16xi32>
        %gather3A_419 = tpu.dynamic_gather %sub3A_416[%gather3A_418] in [0] : vector<16xi32>, vector<16xi32> -> vector<16xi32>
        %swap3A_420 = arith.index_cast %add3A_256 : i32 to index
        %swap3A_421 = tpu.vector_load %arg9[%swap3A_420] {strides = array<i32>} : memref<20480xi32, #tpu.memory_space<vmem>>, vector<16xi32>,
        %swap3A_422 = vector.shape_cast %swap3A_421 : vector<16xi32> to vector<16xi32>
        %swap3A_423 = vector.shape_cast %gather3A_419 : vector<16xi32> to vector<16xi32>
        tpu.vector_store %arg9[%swap3A_420], %swap3A_423 {strides = array<i32>} : memref<20480xi32, #tpu.memory_space<vmem>>, vector<16xi32>,
        %slice3A_424 = vector.extract_strided_slice %add3A_341 {offsets = [15], sizes = [1], strides = [1]} : vector<16xi32> to vector<1xi32>
        %squeeze3A_425 = vector.extract %slice3A_424[0] : i32 from vector<1xi32>
        %add3A_426 = arith.addi %add3A_256, %squeeze3A_425 : i32
        %mul3A_427 = arith.constant 128 : i32
        %mul3A_428 = arith.muli %scan3A_89, %mul3A_427 : i32
        %add3A_429 = arith.constant 32 : i32
        %add3A_430 = arith.addi %mul3A_428, %add3A_429 : i32
        %get3A_431 = arith.index_cast %add3A_430 : i32 to index
        %get3A_432 = tpu.vector_load %arg8[%get3A_431] {strides = array<i32>} : memref<20480xi32, #tpu.memory_space<vmem>>, vector<16xi32>,
        %get3A_433 = vector.shape_cast %get3A_432 : vector<16xi32> to vector<16xi32>
        %shift_right_arithmetic3A_434 = arith.constant 14 : i32
        %shift_right_arithmetic3A_435 = vector.broadcast %shift_right_arithmetic3A_434 : i32 to vector<16xi32>
        %shift_right_arithmetic3A_436 = arith.shrsi %get3A_433, %shift_right_arithmetic3A_435 : vector<16xi32>
        %sub3A_437 = arith.subi %shift_right_arithmetic3A_436, %add3A_95 : vector<16xi32>
        %sub3A_438 = arith.constant 4999 : i32
        %sub3A_439 = vector.broadcast %sub3A_438 : i32 to vector<16xi32>
        %sub3A_440 = arith.subi %sub3A_439, %sub3A_437 : vector<16xi32>
        %or3A_441 = arith.ori %sub3A_437, %sub3A_440 : vector<16xi32>
        %shift_right_logical3A_442 = arith.constant 31 : i32
        %shift_right_logical3A_443 = vector.broadcast %shift_right_logical3A_442 : i32 to vector<16xi32>
        %shift_right_logical3A_444 = arith.shrui %or3A_441, %shift_right_logical3A_443 : vector<16xi32>
        %sub3A_445 = arith.constant 1 : i32
        %sub3A_446 = vector.broadcast %sub3A_445 : i32 to vector<16xi32>
        %sub3A_447 = arith.subi %sub3A_446, %shift_right_logical3A_444 : vector<16xi32>
        %sub3A_448 = arith.constant 1 : i32
        %sub3A_449 = vector.broadcast %sub3A_448 : i32 to vector<16xi32>
        %sub3A_450 = arith.subi %iota3A, %sub3A_449 : vector<16xi32>
        %max3A_451 = arith.constant 0 : i32
        %max3A_452 = vector.broadcast %max3A_451 : i32 to vector<16xi32>
        %max3A_453 = arith.maxsi %sub3A_450, %max3A_452 : vector<16xi32>
        %broadcast_in_dim3A_454 = vector.shape_cast %max3A_453 : vector<16xi32> to vector<16x1xi32>
        %gather3A_455 = vector.shape_cast %broadcast_in_dim3A_454 : vector<16x1xi32> to vector<16xi32>
        %gather3A_456 = tpu.dynamic_gather %sub3A_447[%gather3A_455] in [0] : vector<16xi32>, vector<16xi32> -> vector<16xi32>
        %ge3A_457 = arith.constant 1 : i32
        %ge3A_458 = vector.broadcast %ge3A_457 : i32 to vector<16xi32>
        %ge3A_459 = arith.cmpi sge, %iota3A, %ge3A_458 : vector<16xi32>
        %jit3A_460 = arith.constant 0 : i32
        %broadcast_in_dim3A_461 = vector.broadcast %jit3A_460 : i32 to vector<16xi32>
        %select_n3A_462 = arith.select %ge3A_459, %gather3A_456, %broadcast_in_dim3A_461 : vector<16xi1>, vector<16xi32>
        %add3A_463 = arith.addi %sub3A_447, %select_n3A_462 : vector<16xi32>
        %sub3A_464 = arith.constant 2 : i32
        %sub3A_465 = vector.broadcast %sub3A_464 : i32 to vector<16xi32>
        %sub3A_466 = arith.subi %iota3A, %sub3A_465 : vector<16xi32>
        %max3A_467 = arith.constant 0 : i32
        %max3A_468 = vector.broadcast %max3A_467 : i32 to vector<16xi32>
        %max3A_469 = arith.maxsi %sub3A_466, %max3A_468 : vector<16xi32>
        %broadcast_in_dim3A_470 = vector.shape_cast %max3A_469 : vector<16xi32> to vector<16x1xi32>
        %gather3A_471 = vector.shape_cast %broadcast_in_dim3A_470 : vector<16x1xi32> to vector<16xi32>
        %gather3A_472 = tpu.dynamic_gather %add3A_463[%gather3A_471] in [0] : vector<16xi32>, vector<16xi32> -> vector<16xi32>
        %ge3A_473 = arith.constant 2 : i32
        %ge3A_474 = vector.broadcast %ge3A_473 : i32 to vector<16xi32>
        %ge3A_475 = arith.cmpi sge, %iota3A, %ge3A_474 : vector<16xi32>
        %jit3A_476 = arith.constant 0 : i32
        %broadcast_in_dim3A_477 = vector.broadcast %jit3A_476 : i32 to vector<16xi32>
        %select_n3A_478 = arith.select %ge3A_475, %gather3A_472, %broadcast_in_dim3A_477 : vector<16xi1>, vector<16xi32>
        %add3A_479 = arith.addi %add3A_463, %select_n3A_478 : vector<16xi32>
        %sub3A_480 = arith.constant 4 : i32
        %sub3A_481 = vector.broadcast %sub3A_480 : i32 to vector<16xi32>
        %sub3A_482 = arith.subi %iota3A, %sub3A_481 : vector<16xi32>
        %max3A_483 = arith.constant 0 : i32
        %max3A_484 = vector.broadcast %max3A_483 : i32 to vector<16xi32>
        %max3A_485 = arith.maxsi %sub3A_482, %max3A_484 : vector<16xi32>
        %broadcast_in_dim3A_486 = vector.shape_cast %max3A_485 : vector<16xi32> to vector<16x1xi32>
        %gather3A_487 = vector.shape_cast %broadcast_in_dim3A_486 : vector<16x1xi32> to vector<16xi32>
        %gather3A_488 = tpu.dynamic_gather %add3A_479[%gather3A_487] in [0] : vector<16xi32>, vector<16xi32> -> vector<16xi32>
        %ge3A_489 = arith.constant 4 : i32
        %ge3A_490 = vector.broadcast %ge3A_489 : i32 to vector<16xi32>
        %ge3A_491 = arith.cmpi sge, %iota3A, %ge3A_490 : vector<16xi32>
        %jit3A_492 = arith.constant 0 : i32
        %broadcast_in_dim3A_493 = vector.broadcast %jit3A_492 : i32 to vector<16xi32>
        %select_n3A_494 = arith.select %ge3A_491, %gather3A_488, %broadcast_in_dim3A_493 : vector<16xi1>, vector<16xi32>
        %add3A_495 = arith.addi %add3A_479, %select_n3A_494 : vector<16xi32>
        %sub3A_496 = arith.constant 8 : i32
        %sub3A_497 = vector.broadcast %sub3A_496 : i32 to vector<16xi32>
        %sub3A_498 = arith.subi %iota3A, %sub3A_497 : vector<16xi32>
        %max3A_499 = arith.constant 0 : i32
        %max3A_500 = vector.broadcast %max3A_499 : i32 to vector<16xi32>
        %max3A_501 = arith.maxsi %sub3A_498, %max3A_500 : vector<16xi32>
        %broadcast_in_dim3A_502 = vector.shape_cast %max3A_501 : vector<16xi32> to vector<16x1xi32>
        %gather3A_503 = vector.shape_cast %broadcast_in_dim3A_502 : vector<16x1xi32> to vector<16xi32>
        %gather3A_504 = tpu.dynamic_gather %add3A_495[%gather3A_503] in [0] : vector<16xi32>, vector<16xi32> -> vector<16xi32>
        %ge3A_505 = arith.constant 8 : i32
        %ge3A_506 = vector.broadcast %ge3A_505 : i32 to vector<16xi32>
        %ge3A_507 = arith.cmpi sge, %iota3A, %ge3A_506 : vector<16xi32>
        %jit3A_508 = arith.constant 0 : i32
        %broadcast_in_dim3A_509 = vector.broadcast %jit3A_508 : i32 to vector<16xi32>
        %select_n3A_510 = arith.select %ge3A_507, %gather3A_504, %broadcast_in_dim3A_509 : vector<16xi1>, vector<16xi32>
        %add3A_511 = arith.addi %add3A_495, %select_n3A_510 : vector<16xi32>
        %mul3A_512 = arith.constant 0 : i32
        %mul3A_513 = vector.broadcast %mul3A_512 : i32 to vector<16xi32>
        %mul3A_514 = arith.muli %iota3A, %mul3A_513 : vector<16xi32>
        %add3A_515 = arith.constant 1 : i32
        %add3A_516 = vector.broadcast %add3A_515 : i32 to vector<16xi32>
        %add3A_517 = arith.addi %iota3A, %add3A_516 : vector<16xi32>
        %add3A_518 = arith.constant 8 : i32
        %add3A_519 = vector.broadcast %add3A_518 : i32 to vector<16xi32>
        %add3A_520 = arith.addi %mul3A_514, %add3A_519 : vector<16xi32>
        %sub3A_521 = arith.constant 1 : i32
        %sub3A_522 = vector.broadcast %sub3A_521 : i32 to vector<16xi32>
        %sub3A_523 = arith.subi %add3A_520, %sub3A_522 : vector<16xi32>
        %broadcast_in_dim3A_524 = vector.shape_cast %sub3A_523 : vector<16xi32> to vector<16x1xi32>
        %gather3A_525 = vector.shape_cast %broadcast_in_dim3A_524 : vector<16x1xi32> to vector<16xi32>
        %gather3A_526 = tpu.dynamic_gather %add3A_511[%gather3A_525] in [0] : vector<16xi32>, vector<16xi32> -> vector<16xi32>
        %sub3A_527 = arith.subi %gather3A_526, %add3A_517 : vector<16xi32>
        %shift_right_logical3A_528 = arith.constant 31 : i32
        %shift_right_logical3A_529 = vector.broadcast %shift_right_logical3A_528 : i32 to vector<16xi32>
        %shift_right_logical3A_530 = arith.shrui %sub3A_527, %shift_right_logical3A_529 : vector<16xi32>
        %mul3A_531 = arith.constant 8 : i32
        %mul3A_532 = vector.broadcast %mul3A_531 : i32 to vector<16xi32>
        %mul3A_533 = arith.muli %mul3A_532, %shift_right_logical3A_530 : vector<16xi32>
        %add3A_534 = arith.addi %mul3A_514, %mul3A_533 : vector<16xi32>
        %add3A_535 = arith.constant 4 : i32
        %add3A_536 = vector.broadcast %add3A_535 : i32 to vector<16xi32>
        %add3A_537 = arith.addi %add3A_534, %add3A_536 : vector<16xi32>
        %sub3A_538 = arith.constant 1 : i32
        %sub3A_539 = vector.broadcast %sub3A_538 : i32 to vector<16xi32>
        %sub3A_540 = arith.subi %add3A_537, %sub3A_539 : vector<16xi32>
        %broadcast_in_dim3A_541 = vector.shape_cast %sub3A_540 : vector<16xi32> to vector<16x1xi32>
        %gather3A_542 = vector.shape_cast %broadcast_in_dim3A_541 : vector<16x1xi32> to vector<16xi32>
        %gather3A_543 = tpu.dynamic_gather %add3A_511[%gather3A_542] in [0] : vector<16xi32>, vector<16xi32> -> vector<16xi32>
        %sub3A_544 = arith.subi %gather3A_543, %add3A_517 : vector<16xi32>
        %shift_right_logical3A_545 = arith.constant 31 : i32
        %shift_right_logical3A_546 = vector.broadcast %shift_right_logical3A_545 : i32 to vector<16xi32>
        %shift_right_logical3A_547 = arith.shrui %sub3A_544, %shift_right_logical3A_546 : vector<16xi32>
        %mul3A_548 = arith.constant 4 : i32
        %mul3A_549 = vector.broadcast %mul3A_548 : i32 to vector<16xi32>
        %mul3A_550 = arith.muli %mul3A_549, %shift_right_logical3A_547 : vector<16xi32>
        %add3A_551 = arith.addi %add3A_534, %mul3A_550 : vector<16xi32>
        %add3A_552 = arith.constant 2 : i32
        %add3A_553 = vector.broadcast %add3A_552 : i32 to vector<16xi32>
        %add3A_554 = arith.addi %add3A_551, %add3A_553 : vector<16xi32>
        %sub3A_555 = arith.constant 1 : i32
        %sub3A_556 = vector.broadcast %sub3A_555 : i32 to vector<16xi32>
        %sub3A_557 = arith.subi %add3A_554, %sub3A_556 : vector<16xi32>
        %broadcast_in_dim3A_558 = vector.shape_cast %sub3A_557 : vector<16xi32> to vector<16x1xi32>
        %gather3A_559 = vector.shape_cast %broadcast_in_dim3A_558 : vector<16x1xi32> to vector<16xi32>
        %gather3A_560 = tpu.dynamic_gather %add3A_511[%gather3A_559] in [0] : vector<16xi32>, vector<16xi32> -> vector<16xi32>
        %sub3A_561 = arith.subi %gather3A_560, %add3A_517 : vector<16xi32>
        %shift_right_logical3A_562 = arith.constant 31 : i32
        %shift_right_logical3A_563 = vector.broadcast %shift_right_logical3A_562 : i32 to vector<16xi32>
        %shift_right_logical3A_564 = arith.shrui %sub3A_561, %shift_right_logical3A_563 : vector<16xi32>
        %mul3A_565 = arith.constant 2 : i32
        %mul3A_566 = vector.broadcast %mul3A_565 : i32 to vector<16xi32>
        %mul3A_567 = arith.muli %mul3A_566, %shift_right_logical3A_564 : vector<16xi32>
        %add3A_568 = arith.addi %add3A_551, %mul3A_567 : vector<16xi32>
        %add3A_569 = arith.constant 1 : i32
        %add3A_570 = vector.broadcast %add3A_569 : i32 to vector<16xi32>
        %add3A_571 = arith.addi %add3A_568, %add3A_570 : vector<16xi32>
        %sub3A_572 = arith.constant 1 : i32
        %sub3A_573 = vector.broadcast %sub3A_572 : i32 to vector<16xi32>
        %sub3A_574 = arith.subi %add3A_571, %sub3A_573 : vector<16xi32>
        %broadcast_in_dim3A_575 = vector.shape_cast %sub3A_574 : vector<16xi32> to vector<16x1xi32>
        %gather3A_576 = vector.shape_cast %broadcast_in_dim3A_575 : vector<16x1xi32> to vector<16xi32>
        %gather3A_577 = tpu.dynamic_gather %add3A_511[%gather3A_576] in [0] : vector<16xi32>, vector<16xi32> -> vector<16xi32>
        %sub3A_578 = arith.subi %gather3A_577, %add3A_517 : vector<16xi32>
        %shift_right_logical3A_579 = arith.constant 31 : i32
        %shift_right_logical3A_580 = vector.broadcast %shift_right_logical3A_579 : i32 to vector<16xi32>
        %shift_right_logical3A_581 = arith.shrui %sub3A_578, %shift_right_logical3A_580 : vector<16xi32>
        %mul3A_582 = arith.constant 1 : i32
        %mul3A_583 = vector.broadcast %mul3A_582 : i32 to vector<16xi32>
        %mul3A_584 = arith.muli %mul3A_583, %shift_right_logical3A_581 : vector<16xi32>
        %add3A_585 = arith.addi %add3A_568, %mul3A_584 : vector<16xi32>
        %sub3A_586 = arith.subi %get3A_433, %mul3A_98 : vector<16xi32>
        %broadcast_in_dim3A_587 = vector.shape_cast %add3A_585 : vector<16xi32> to vector<16x1xi32>
        %gather3A_588 = vector.shape_cast %broadcast_in_dim3A_587 : vector<16x1xi32> to vector<16xi32>
        %gather3A_589 = tpu.dynamic_gather %sub3A_586[%gather3A_588] in [0] : vector<16xi32>, vector<16xi32> -> vector<16xi32>
        %swap3A_590 = arith.index_cast %add3A_426 : i32 to index
        %swap3A_591 = tpu.vector_load %arg9[%swap3A_590] {strides = array<i32>} : memref<20480xi32, #tpu.memory_space<vmem>>, vector<16xi32>,
        %swap3A_592 = vector.shape_cast %swap3A_591 : vector<16xi32> to vector<16xi32>
        %swap3A_593 = vector.shape_cast %gather3A_589 : vector<16xi32> to vector<16xi32>
        tpu.vector_store %arg9[%swap3A_590], %swap3A_593 {strides = array<i32>} : memref<20480xi32, #tpu.memory_space<vmem>>, vector<16xi32>,
        %slice3A_594 = vector.extract_strided_slice %add3A_511 {offsets = [15], sizes = [1], strides = [1]} : vector<16xi32> to vector<1xi32>
        %squeeze3A_595 = vector.extract %slice3A_594[0] : i32 from vector<1xi32>
        %add3A_596 = arith.addi %add3A_426, %squeeze3A_595 : i32
        %mul3A_597 = arith.constant 128 : i32
        %mul3A_598 = arith.muli %scan3A_89, %mul3A_597 : i32
        %add3A_599 = arith.constant 48 : i32
        %add3A_600 = arith.addi %mul3A_598, %add3A_599 : i32
        %get3A_601 = arith.index_cast %add3A_600 : i32 to index
        %get3A_602 = tpu.vector_load %arg8[%get3A_601] {strides = array<i32>} : memref<20480xi32, #tpu.memory_space<vmem>>, vector<16xi32>,
        %get3A_603 = vector.shape_cast %get3A_602 : vector<16xi32> to vector<16xi32>
        %shift_right_arithmetic3A_604 = arith.constant 14 : i32
        %shift_right_arithmetic3A_605 = vector.broadcast %shift_right_arithmetic3A_604 : i32 to vector<16xi32>
        %shift_right_arithmetic3A_606 = arith.shrsi %get3A_603, %shift_right_arithmetic3A_605 : vector<16xi32>
        %sub3A_607 = arith.subi %shift_right_arithmetic3A_606, %add3A_95 : vector<16xi32>
        %sub3A_608 = arith.constant 4999 : i32
        %sub3A_609 = vector.broadcast %sub3A_608 : i32 to vector<16xi32>
        %sub3A_610 = arith.subi %sub3A_609, %sub3A_607 : vector<16xi32>
        %or3A_611 = arith.ori %sub3A_607, %sub3A_610 : vector<16xi32>
        %shift_right_logical3A_612 = arith.constant 31 : i32
        %shift_right_logical3A_613 = vector.broadcast %shift_right_logical3A_612 : i32 to vector<16xi32>
        %shift_right_logical3A_614 = arith.shrui %or3A_611, %shift_right_logical3A_613 : vector<16xi32>
        %sub3A_615 = arith.constant 1 : i32
        %sub3A_616 = vector.broadcast %sub3A_615 : i32 to vector<16xi32>
        %sub3A_617 = arith.subi %sub3A_616, %shift_right_logical3A_614 : vector<16xi32>
        %sub3A_618 = arith.constant 1 : i32
        %sub3A_619 = vector.broadcast %sub3A_618 : i32 to vector<16xi32>
        %sub3A_620 = arith.subi %iota3A, %sub3A_619 : vector<16xi32>
        %max3A_621 = arith.constant 0 : i32
        %max3A_622 = vector.broadcast %max3A_621 : i32 to vector<16xi32>
        %max3A_623 = arith.maxsi %sub3A_620, %max3A_622 : vector<16xi32>
        %broadcast_in_dim3A_624 = vector.shape_cast %max3A_623 : vector<16xi32> to vector<16x1xi32>
        %gather3A_625 = vector.shape_cast %broadcast_in_dim3A_624 : vector<16x1xi32> to vector<16xi32>
        %gather3A_626 = tpu.dynamic_gather %sub3A_617[%gather3A_625] in [0] : vector<16xi32>, vector<16xi32> -> vector<16xi32>
        %ge3A_627 = arith.constant 1 : i32
        %ge3A_628 = vector.broadcast %ge3A_627 : i32 to vector<16xi32>
        %ge3A_629 = arith.cmpi sge, %iota3A, %ge3A_628 : vector<16xi32>
        %jit3A_630 = arith.constant 0 : i32
        %broadcast_in_dim3A_631 = vector.broadcast %jit3A_630 : i32 to vector<16xi32>
        %select_n3A_632 = arith.select %ge3A_629, %gather3A_626, %broadcast_in_dim3A_631 : vector<16xi1>, vector<16xi32>
        %add3A_633 = arith.addi %sub3A_617, %select_n3A_632 : vector<16xi32>
        %sub3A_634 = arith.constant 2 : i32
        %sub3A_635 = vector.broadcast %sub3A_634 : i32 to vector<16xi32>
        %sub3A_636 = arith.subi %iota3A, %sub3A_635 : vector<16xi32>
        %max3A_637 = arith.constant 0 : i32
        %max3A_638 = vector.broadcast %max3A_637 : i32 to vector<16xi32>
        %max3A_639 = arith.maxsi %sub3A_636, %max3A_638 : vector<16xi32>
        %broadcast_in_dim3A_640 = vector.shape_cast %max3A_639 : vector<16xi32> to vector<16x1xi32>
        %gather3A_641 = vector.shape_cast %broadcast_in_dim3A_640 : vector<16x1xi32> to vector<16xi32>
        %gather3A_642 = tpu.dynamic_gather %add3A_633[%gather3A_641] in [0] : vector<16xi32>, vector<16xi32> -> vector<16xi32>
        %ge3A_643 = arith.constant 2 : i32
        %ge3A_644 = vector.broadcast %ge3A_643 : i32 to vector<16xi32>
        %ge3A_645 = arith.cmpi sge, %iota3A, %ge3A_644 : vector<16xi32>
        %jit3A_646 = arith.constant 0 : i32
        %broadcast_in_dim3A_647 = vector.broadcast %jit3A_646 : i32 to vector<16xi32>
        %select_n3A_648 = arith.select %ge3A_645, %gather3A_642, %broadcast_in_dim3A_647 : vector<16xi1>, vector<16xi32>
        %add3A_649 = arith.addi %add3A_633, %select_n3A_648 : vector<16xi32>
        %sub3A_650 = arith.constant 4 : i32
        %sub3A_651 = vector.broadcast %sub3A_650 : i32 to vector<16xi32>
        %sub3A_652 = arith.subi %iota3A, %sub3A_651 : vector<16xi32>
        %max3A_653 = arith.constant 0 : i32
        %max3A_654 = vector.broadcast %max3A_653 : i32 to vector<16xi32>
        %max3A_655 = arith.maxsi %sub3A_652, %max3A_654 : vector<16xi32>
        %broadcast_in_dim3A_656 = vector.shape_cast %max3A_655 : vector<16xi32> to vector<16x1xi32>
        %gather3A_657 = vector.shape_cast %broadcast_in_dim3A_656 : vector<16x1xi32> to vector<16xi32>
        %gather3A_658 = tpu.dynamic_gather %add3A_649[%gather3A_657] in [0] : vector<16xi32>, vector<16xi32> -> vector<16xi32>
        %ge3A_659 = arith.constant 4 : i32
        %ge3A_660 = vector.broadcast %ge3A_659 : i32 to vector<16xi32>
        %ge3A_661 = arith.cmpi sge, %iota3A, %ge3A_660 : vector<16xi32>
        %jit3A_662 = arith.constant 0 : i32
        %broadcast_in_dim3A_663 = vector.broadcast %jit3A_662 : i32 to vector<16xi32>
        %select_n3A_664 = arith.select %ge3A_661, %gather3A_658, %broadcast_in_dim3A_663 : vector<16xi1>, vector<16xi32>
        %add3A_665 = arith.addi %add3A_649, %select_n3A_664 : vector<16xi32>
        %sub3A_666 = arith.constant 8 : i32
        %sub3A_667 = vector.broadcast %sub3A_666 : i32 to vector<16xi32>
        %sub3A_668 = arith.subi %iota3A, %sub3A_667 : vector<16xi32>
        %max3A_669 = arith.constant 0 : i32
        %max3A_670 = vector.broadcast %max3A_669 : i32 to vector<16xi32>
        %max3A_671 = arith.maxsi %sub3A_668, %max3A_670 : vector<16xi32>
        %broadcast_in_dim3A_672 = vector.shape_cast %max3A_671 : vector<16xi32> to vector<16x1xi32>
        %gather3A_673 = vector.shape_cast %broadcast_in_dim3A_672 : vector<16x1xi32> to vector<16xi32>
        %gather3A_674 = tpu.dynamic_gather %add3A_665[%gather3A_673] in [0] : vector<16xi32>, vector<16xi32> -> vector<16xi32>
        %ge3A_675 = arith.constant 8 : i32
        %ge3A_676 = vector.broadcast %ge3A_675 : i32 to vector<16xi32>
        %ge3A_677 = arith.cmpi sge, %iota3A, %ge3A_676 : vector<16xi32>
        %jit3A_678 = arith.constant 0 : i32
        %broadcast_in_dim3A_679 = vector.broadcast %jit3A_678 : i32 to vector<16xi32>
        %select_n3A_680 = arith.select %ge3A_677, %gather3A_674, %broadcast_in_dim3A_679 : vector<16xi1>, vector<16xi32>
        %add3A_681 = arith.addi %add3A_665, %select_n3A_680 : vector<16xi32>
        %mul3A_682 = arith.constant 0 : i32
        %mul3A_683 = vector.broadcast %mul3A_682 : i32 to vector<16xi32>
        %mul3A_684 = arith.muli %iota3A, %mul3A_683 : vector<16xi32>
        %add3A_685 = arith.constant 1 : i32
        %add3A_686 = vector.broadcast %add3A_685 : i32 to vector<16xi32>
        %add3A_687 = arith.addi %iota3A, %add3A_686 : vector<16xi32>
        %add3A_688 = arith.constant 8 : i32
        %add3A_689 = vector.broadcast %add3A_688 : i32 to vector<16xi32>
        %add3A_690 = arith.addi %mul3A_684, %add3A_689 : vector<16xi32>
        %sub3A_691 = arith.constant 1 : i32
        %sub3A_692 = vector.broadcast %sub3A_691 : i32 to vector<16xi32>
        %sub3A_693 = arith.subi %add3A_690, %sub3A_692 : vector<16xi32>
        %broadcast_in_dim3A_694 = vector.shape_cast %sub3A_693 : vector<16xi32> to vector<16x1xi32>
        %gather3A_695 = vector.shape_cast %broadcast_in_dim3A_694 : vector<16x1xi32> to vector<16xi32>
        %gather3A_696 = tpu.dynamic_gather %add3A_681[%gather3A_695] in [0] : vector<16xi32>, vector<16xi32> -> vector<16xi32>
        %sub3A_697 = arith.subi %gather3A_696, %add3A_687 : vector<16xi32>
        %shift_right_logical3A_698 = arith.constant 31 : i32
        %shift_right_logical3A_699 = vector.broadcast %shift_right_logical3A_698 : i32 to vector<16xi32>
        %shift_right_logical3A_700 = arith.shrui %sub3A_697, %shift_right_logical3A_699 : vector<16xi32>
        %mul3A_701 = arith.constant 8 : i32
        %mul3A_702 = vector.broadcast %mul3A_701 : i32 to vector<16xi32>
        %mul3A_703 = arith.muli %mul3A_702, %shift_right_logical3A_700 : vector<16xi32>
        %add3A_704 = arith.addi %mul3A_684, %mul3A_703 : vector<16xi32>
        %add3A_705 = arith.constant 4 : i32
        %add3A_706 = vector.broadcast %add3A_705 : i32 to vector<16xi32>
        %add3A_707 = arith.addi %add3A_704, %add3A_706 : vector<16xi32>
        %sub3A_708 = arith.constant 1 : i32
        %sub3A_709 = vector.broadcast %sub3A_708 : i32 to vector<16xi32>
        %sub3A_710 = arith.subi %add3A_707, %sub3A_709 : vector<16xi32>
        %broadcast_in_dim3A_711 = vector.shape_cast %sub3A_710 : vector<16xi32> to vector<16x1xi32>
        %gather3A_712 = vector.shape_cast %broadcast_in_dim3A_711 : vector<16x1xi32> to vector<16xi32>
        %gather3A_713 = tpu.dynamic_gather %add3A_681[%gather3A_712] in [0] : vector<16xi32>, vector<16xi32> -> vector<16xi32>
        %sub3A_714 = arith.subi %gather3A_713, %add3A_687 : vector<16xi32>
        %shift_right_logical3A_715 = arith.constant 31 : i32
        %shift_right_logical3A_716 = vector.broadcast %shift_right_logical3A_715 : i32 to vector<16xi32>
        %shift_right_logical3A_717 = arith.shrui %sub3A_714, %shift_right_logical3A_716 : vector<16xi32>
        %mul3A_718 = arith.constant 4 : i32
        %mul3A_719 = vector.broadcast %mul3A_718 : i32 to vector<16xi32>
        %mul3A_720 = arith.muli %mul3A_719, %shift_right_logical3A_717 : vector<16xi32>
        %add3A_721 = arith.addi %add3A_704, %mul3A_720 : vector<16xi32>
        %add3A_722 = arith.constant 2 : i32
        %add3A_723 = vector.broadcast %add3A_722 : i32 to vector<16xi32>
        %add3A_724 = arith.addi %add3A_721, %add3A_723 : vector<16xi32>
        %sub3A_725 = arith.constant 1 : i32
        %sub3A_726 = vector.broadcast %sub3A_725 : i32 to vector<16xi32>
        %sub3A_727 = arith.subi %add3A_724, %sub3A_726 : vector<16xi32>
        %broadcast_in_dim3A_728 = vector.shape_cast %sub3A_727 : vector<16xi32> to vector<16x1xi32>
        %gather3A_729 = vector.shape_cast %broadcast_in_dim3A_728 : vector<16x1xi32> to vector<16xi32>
        %gather3A_730 = tpu.dynamic_gather %add3A_681[%gather3A_729] in [0] : vector<16xi32>, vector<16xi32> -> vector<16xi32>
        %sub3A_731 = arith.subi %gather3A_730, %add3A_687 : vector<16xi32>
        %shift_right_logical3A_732 = arith.constant 31 : i32
        %shift_right_logical3A_733 = vector.broadcast %shift_right_logical3A_732 : i32 to vector<16xi32>
        %shift_right_logical3A_734 = arith.shrui %sub3A_731, %shift_right_logical3A_733 : vector<16xi32>
        %mul3A_735 = arith.constant 2 : i32
        %mul3A_736 = vector.broadcast %mul3A_735 : i32 to vector<16xi32>
        %mul3A_737 = arith.muli %mul3A_736, %shift_right_logical3A_734 : vector<16xi32>
        %add3A_738 = arith.addi %add3A_721, %mul3A_737 : vector<16xi32>
        %add3A_739 = arith.constant 1 : i32
        %add3A_740 = vector.broadcast %add3A_739 : i32 to vector<16xi32>
        %add3A_741 = arith.addi %add3A_738, %add3A_740 : vector<16xi32>
        %sub3A_742 = arith.constant 1 : i32
        %sub3A_743 = vector.broadcast %sub3A_742 : i32 to vector<16xi32>
        %sub3A_744 = arith.subi %add3A_741, %sub3A_743 : vector<16xi32>
        %broadcast_in_dim3A_745 = vector.shape_cast %sub3A_744 : vector<16xi32> to vector<16x1xi32>
        %gather3A_746 = vector.shape_cast %broadcast_in_dim3A_745 : vector<16x1xi32> to vector<16xi32>
        %gather3A_747 = tpu.dynamic_gather %add3A_681[%gather3A_746] in [0] : vector<16xi32>, vector<16xi32> -> vector<16xi32>
        %sub3A_748 = arith.subi %gather3A_747, %add3A_687 : vector<16xi32>
        %shift_right_logical3A_749 = arith.constant 31 : i32
        %shift_right_logical3A_750 = vector.broadcast %shift_right_logical3A_749 : i32 to vector<16xi32>
        %shift_right_logical3A_751 = arith.shrui %sub3A_748, %shift_right_logical3A_750 : vector<16xi32>
        %mul3A_752 = arith.constant 1 : i32
        %mul3A_753 = vector.broadcast %mul3A_752 : i32 to vector<16xi32>
        %mul3A_754 = arith.muli %mul3A_753, %shift_right_logical3A_751 : vector<16xi32>
        %add3A_755 = arith.addi %add3A_738, %mul3A_754 : vector<16xi32>
        %sub3A_756 = arith.subi %get3A_603, %mul3A_98 : vector<16xi32>
        %broadcast_in_dim3A_757 = vector.shape_cast %add3A_755 : vector<16xi32> to vector<16x1xi32>
        %gather3A_758 = vector.shape_cast %broadcast_in_dim3A_757 : vector<16x1xi32> to vector<16xi32>
        %gather3A_759 = tpu.dynamic_gather %sub3A_756[%gather3A_758] in [0] : vector<16xi32>, vector<16xi32> -> vector<16xi32>
        %swap3A_760 = arith.index_cast %add3A_596 : i32 to index
        %swap3A_761 = tpu.vector_load %arg9[%swap3A_760] {strides = array<i32>} : memref<20480xi32, #tpu.memory_space<vmem>>, vector<16xi32>,
        %swap3A_762 = vector.shape_cast %swap3A_761 : vector<16xi32> to vector<16xi32>
        %swap3A_763 = vector.shape_cast %gather3A_759 : vector<16xi32> to vector<16xi32>
        tpu.vector_store %arg9[%swap3A_760], %swap3A_763 {strides = array<i32>} : memref<20480xi32, #tpu.memory_space<vmem>>, vector<16xi32>,
        %slice3A_764 = vector.extract_strided_slice %add3A_681 {offsets = [15], sizes = [1], strides = [1]} : vector<16xi32> to vector<1xi32>
        %squeeze3A_765 = vector.extract %slice3A_764[0] : i32 from vector<1xi32>
        %add3A_766 = arith.addi %add3A_596, %squeeze3A_765 : i32
        %mul3A_767 = arith.constant 128 : i32
        %mul3A_768 = arith.muli %scan3A_89, %mul3A_767 : i32
        %add3A_769 = arith.constant 64 : i32
        %add3A_770 = arith.addi %mul3A_768, %add3A_769 : i32
        %get3A_771 = arith.index_cast %add3A_770 : i32 to index
        %get3A_772 = tpu.vector_load %arg8[%get3A_771] {strides = array<i32>} : memref<20480xi32, #tpu.memory_space<vmem>>, vector<16xi32>,
        %get3A_773 = vector.shape_cast %get3A_772 : vector<16xi32> to vector<16xi32>
        %shift_right_arithmetic3A_774 = arith.constant 14 : i32
        %shift_right_arithmetic3A_775 = vector.broadcast %shift_right_arithmetic3A_774 : i32 to vector<16xi32>
        %shift_right_arithmetic3A_776 = arith.shrsi %get3A_773, %shift_right_arithmetic3A_775 : vector<16xi32>
        %sub3A_777 = arith.subi %shift_right_arithmetic3A_776, %add3A_95 : vector<16xi32>
        %sub3A_778 = arith.constant 4999 : i32
        %sub3A_779 = vector.broadcast %sub3A_778 : i32 to vector<16xi32>
        %sub3A_780 = arith.subi %sub3A_779, %sub3A_777 : vector<16xi32>
        %or3A_781 = arith.ori %sub3A_777, %sub3A_780 : vector<16xi32>
        %shift_right_logical3A_782 = arith.constant 31 : i32
        %shift_right_logical3A_783 = vector.broadcast %shift_right_logical3A_782 : i32 to vector<16xi32>
        %shift_right_logical3A_784 = arith.shrui %or3A_781, %shift_right_logical3A_783 : vector<16xi32>
        %sub3A_785 = arith.constant 1 : i32
        %sub3A_786 = vector.broadcast %sub3A_785 : i32 to vector<16xi32>
        %sub3A_787 = arith.subi %sub3A_786, %shift_right_logical3A_784 : vector<16xi32>
        %sub3A_788 = arith.constant 1 : i32
        %sub3A_789 = vector.broadcast %sub3A_788 : i32 to vector<16xi32>
        %sub3A_790 = arith.subi %iota3A, %sub3A_789 : vector<16xi32>
        %max3A_791 = arith.constant 0 : i32
        %max3A_792 = vector.broadcast %max3A_791 : i32 to vector<16xi32>
        %max3A_793 = arith.maxsi %sub3A_790, %max3A_792 : vector<16xi32>
        %broadcast_in_dim3A_794 = vector.shape_cast %max3A_793 : vector<16xi32> to vector<16x1xi32>
        %gather3A_795 = vector.shape_cast %broadcast_in_dim3A_794 : vector<16x1xi32> to vector<16xi32>
        %gather3A_796 = tpu.dynamic_gather %sub3A_787[%gather3A_795] in [0] : vector<16xi32>, vector<16xi32> -> vector<16xi32>
        %ge3A_797 = arith.constant 1 : i32
        %ge3A_798 = vector.broadcast %ge3A_797 : i32 to vector<16xi32>
        %ge3A_799 = arith.cmpi sge, %iota3A, %ge3A_798 : vector<16xi32>
        %jit3A_800 = arith.constant 0 : i32
        %broadcast_in_dim3A_801 = vector.broadcast %jit3A_800 : i32 to vector<16xi32>
        %select_n3A_802 = arith.select %ge3A_799, %gather3A_796, %broadcast_in_dim3A_801 : vector<16xi1>, vector<16xi32>
        %add3A_803 = arith.addi %sub3A_787, %select_n3A_802 : vector<16xi32>
        %sub3A_804 = arith.constant 2 : i32
        %sub3A_805 = vector.broadcast %sub3A_804 : i32 to vector<16xi32>
        %sub3A_806 = arith.subi %iota3A, %sub3A_805 : vector<16xi32>
        %max3A_807 = arith.constant 0 : i32
        %max3A_808 = vector.broadcast %max3A_807 : i32 to vector<16xi32>
        %max3A_809 = arith.maxsi %sub3A_806, %max3A_808 : vector<16xi32>
        %broadcast_in_dim3A_810 = vector.shape_cast %max3A_809 : vector<16xi32> to vector<16x1xi32>
        %gather3A_811 = vector.shape_cast %broadcast_in_dim3A_810 : vector<16x1xi32> to vector<16xi32>
        %gather3A_812 = tpu.dynamic_gather %add3A_803[%gather3A_811] in [0] : vector<16xi32>, vector<16xi32> -> vector<16xi32>
        %ge3A_813 = arith.constant 2 : i32
        %ge3A_814 = vector.broadcast %ge3A_813 : i32 to vector<16xi32>
        %ge3A_815 = arith.cmpi sge, %iota3A, %ge3A_814 : vector<16xi32>
        %jit3A_816 = arith.constant 0 : i32
        %broadcast_in_dim3A_817 = vector.broadcast %jit3A_816 : i32 to vector<16xi32>
        %select_n3A_818 = arith.select %ge3A_815, %gather3A_812, %broadcast_in_dim3A_817 : vector<16xi1>, vector<16xi32>
        %add3A_819 = arith.addi %add3A_803, %select_n3A_818 : vector<16xi32>
        %sub3A_820 = arith.constant 4 : i32
        %sub3A_821 = vector.broadcast %sub3A_820 : i32 to vector<16xi32>
        %sub3A_822 = arith.subi %iota3A, %sub3A_821 : vector<16xi32>
        %max3A_823 = arith.constant 0 : i32
        %max3A_824 = vector.broadcast %max3A_823 : i32 to vector<16xi32>
        %max3A_825 = arith.maxsi %sub3A_822, %max3A_824 : vector<16xi32>
        %broadcast_in_dim3A_826 = vector.shape_cast %max3A_825 : vector<16xi32> to vector<16x1xi32>
        %gather3A_827 = vector.shape_cast %broadcast_in_dim3A_826 : vector<16x1xi32> to vector<16xi32>
        %gather3A_828 = tpu.dynamic_gather %add3A_819[%gather3A_827] in [0] : vector<16xi32>, vector<16xi32> -> vector<16xi32>
        %ge3A_829 = arith.constant 4 : i32
        %ge3A_830 = vector.broadcast %ge3A_829 : i32 to vector<16xi32>
        %ge3A_831 = arith.cmpi sge, %iota3A, %ge3A_830 : vector<16xi32>
        %jit3A_832 = arith.constant 0 : i32
        %broadcast_in_dim3A_833 = vector.broadcast %jit3A_832 : i32 to vector<16xi32>
        %select_n3A_834 = arith.select %ge3A_831, %gather3A_828, %broadcast_in_dim3A_833 : vector<16xi1>, vector<16xi32>
        %add3A_835 = arith.addi %add3A_819, %select_n3A_834 : vector<16xi32>
        %sub3A_836 = arith.constant 8 : i32
        %sub3A_837 = vector.broadcast %sub3A_836 : i32 to vector<16xi32>
        %sub3A_838 = arith.subi %iota3A, %sub3A_837 : vector<16xi32>
        %max3A_839 = arith.constant 0 : i32
        %max3A_840 = vector.broadcast %max3A_839 : i32 to vector<16xi32>
        %max3A_841 = arith.maxsi %sub3A_838, %max3A_840 : vector<16xi32>
        %broadcast_in_dim3A_842 = vector.shape_cast %max3A_841 : vector<16xi32> to vector<16x1xi32>
        %gather3A_843 = vector.shape_cast %broadcast_in_dim3A_842 : vector<16x1xi32> to vector<16xi32>
        %gather3A_844 = tpu.dynamic_gather %add3A_835[%gather3A_843] in [0] : vector<16xi32>, vector<16xi32> -> vector<16xi32>
        %ge3A_845 = arith.constant 8 : i32
        %ge3A_846 = vector.broadcast %ge3A_845 : i32 to vector<16xi32>
        %ge3A_847 = arith.cmpi sge, %iota3A, %ge3A_846 : vector<16xi32>
        %jit3A_848 = arith.constant 0 : i32
        %broadcast_in_dim3A_849 = vector.broadcast %jit3A_848 : i32 to vector<16xi32>
        %select_n3A_850 = arith.select %ge3A_847, %gather3A_844, %broadcast_in_dim3A_849 : vector<16xi1>, vector<16xi32>
        %add3A_851 = arith.addi %add3A_835, %select_n3A_850 : vector<16xi32>
        %mul3A_852 = arith.constant 0 : i32
        %mul3A_853 = vector.broadcast %mul3A_852 : i32 to vector<16xi32>
        %mul3A_854 = arith.muli %iota3A, %mul3A_853 : vector<16xi32>
        %add3A_855 = arith.constant 1 : i32
        %add3A_856 = vector.broadcast %add3A_855 : i32 to vector<16xi32>
        %add3A_857 = arith.addi %iota3A, %add3A_856 : vector<16xi32>
        %add3A_858 = arith.constant 8 : i32
        %add3A_859 = vector.broadcast %add3A_858 : i32 to vector<16xi32>
        %add3A_860 = arith.addi %mul3A_854, %add3A_859 : vector<16xi32>
        %sub3A_861 = arith.constant 1 : i32
        %sub3A_862 = vector.broadcast %sub3A_861 : i32 to vector<16xi32>
        %sub3A_863 = arith.subi %add3A_860, %sub3A_862 : vector<16xi32>
        %broadcast_in_dim3A_864 = vector.shape_cast %sub3A_863 : vector<16xi32> to vector<16x1xi32>
        %gather3A_865 = vector.shape_cast %broadcast_in_dim3A_864 : vector<16x1xi32> to vector<16xi32>
        %gather3A_866 = tpu.dynamic_gather %add3A_851[%gather3A_865] in [0] : vector<16xi32>, vector<16xi32> -> vector<16xi32>
        %sub3A_867 = arith.subi %gather3A_866, %add3A_857 : vector<16xi32>
        %shift_right_logical3A_868 = arith.constant 31 : i32
        %shift_right_logical3A_869 = vector.broadcast %shift_right_logical3A_868 : i32 to vector<16xi32>
        %shift_right_logical3A_870 = arith.shrui %sub3A_867, %shift_right_logical3A_869 : vector<16xi32>
        %mul3A_871 = arith.constant 8 : i32
        %mul3A_872 = vector.broadcast %mul3A_871 : i32 to vector<16xi32>
        %mul3A_873 = arith.muli %mul3A_872, %shift_right_logical3A_870 : vector<16xi32>
        %add3A_874 = arith.addi %mul3A_854, %mul3A_873 : vector<16xi32>
        %add3A_875 = arith.constant 4 : i32
        %add3A_876 = vector.broadcast %add3A_875 : i32 to vector<16xi32>
        %add3A_877 = arith.addi %add3A_874, %add3A_876 : vector<16xi32>
        %sub3A_878 = arith.constant 1 : i32
        %sub3A_879 = vector.broadcast %sub3A_878 : i32 to vector<16xi32>
        %sub3A_880 = arith.subi %add3A_877, %sub3A_879 : vector<16xi32>
        %broadcast_in_dim3A_881 = vector.shape_cast %sub3A_880 : vector<16xi32> to vector<16x1xi32>
        %gather3A_882 = vector.shape_cast %broadcast_in_dim3A_881 : vector<16x1xi32> to vector<16xi32>
        %gather3A_883 = tpu.dynamic_gather %add3A_851[%gather3A_882] in [0] : vector<16xi32>, vector<16xi32> -> vector<16xi32>
        %sub3A_884 = arith.subi %gather3A_883, %add3A_857 : vector<16xi32>
        %shift_right_logical3A_885 = arith.constant 31 : i32
        %shift_right_logical3A_886 = vector.broadcast %shift_right_logical3A_885 : i32 to vector<16xi32>
        %shift_right_logical3A_887 = arith.shrui %sub3A_884, %shift_right_logical3A_886 : vector<16xi32>
        %mul3A_888 = arith.constant 4 : i32
        %mul3A_889 = vector.broadcast %mul3A_888 : i32 to vector<16xi32>
        %mul3A_890 = arith.muli %mul3A_889, %shift_right_logical3A_887 : vector<16xi32>
        %add3A_891 = arith.addi %add3A_874, %mul3A_890 : vector<16xi32>
        %add3A_892 = arith.constant 2 : i32
        %add3A_893 = vector.broadcast %add3A_892 : i32 to vector<16xi32>
        %add3A_894 = arith.addi %add3A_891, %add3A_893 : vector<16xi32>
        %sub3A_895 = arith.constant 1 : i32
        %sub3A_896 = vector.broadcast %sub3A_895 : i32 to vector<16xi32>
        %sub3A_897 = arith.subi %add3A_894, %sub3A_896 : vector<16xi32>
        %broadcast_in_dim3A_898 = vector.shape_cast %sub3A_897 : vector<16xi32> to vector<16x1xi32>
        %gather3A_899 = vector.shape_cast %broadcast_in_dim3A_898 : vector<16x1xi32> to vector<16xi32>
        %gather3A_900 = tpu.dynamic_gather %add3A_851[%gather3A_899] in [0] : vector<16xi32>, vector<16xi32> -> vector<16xi32>
        %sub3A_901 = arith.subi %gather3A_900, %add3A_857 : vector<16xi32>
        %shift_right_logical3A_902 = arith.constant 31 : i32
        %shift_right_logical3A_903 = vector.broadcast %shift_right_logical3A_902 : i32 to vector<16xi32>
        %shift_right_logical3A_904 = arith.shrui %sub3A_901, %shift_right_logical3A_903 : vector<16xi32>
        %mul3A_905 = arith.constant 2 : i32
        %mul3A_906 = vector.broadcast %mul3A_905 : i32 to vector<16xi32>
        %mul3A_907 = arith.muli %mul3A_906, %shift_right_logical3A_904 : vector<16xi32>
        %add3A_908 = arith.addi %add3A_891, %mul3A_907 : vector<16xi32>
        %add3A_909 = arith.constant 1 : i32
        %add3A_910 = vector.broadcast %add3A_909 : i32 to vector<16xi32>
        %add3A_911 = arith.addi %add3A_908, %add3A_910 : vector<16xi32>
        %sub3A_912 = arith.constant 1 : i32
        %sub3A_913 = vector.broadcast %sub3A_912 : i32 to vector<16xi32>
        %sub3A_914 = arith.subi %add3A_911, %sub3A_913 : vector<16xi32>
        %broadcast_in_dim3A_915 = vector.shape_cast %sub3A_914 : vector<16xi32> to vector<16x1xi32>
        %gather3A_916 = vector.shape_cast %broadcast_in_dim3A_915 : vector<16x1xi32> to vector<16xi32>
        %gather3A_917 = tpu.dynamic_gather %add3A_851[%gather3A_916] in [0] : vector<16xi32>, vector<16xi32> -> vector<16xi32>
        %sub3A_918 = arith.subi %gather3A_917, %add3A_857 : vector<16xi32>
        %shift_right_logical3A_919 = arith.constant 31 : i32
        %shift_right_logical3A_920 = vector.broadcast %shift_right_logical3A_919 : i32 to vector<16xi32>
        %shift_right_logical3A_921 = arith.shrui %sub3A_918, %shift_right_logical3A_920 : vector<16xi32>
        %mul3A_922 = arith.constant 1 : i32
        %mul3A_923 = vector.broadcast %mul3A_922 : i32 to vector<16xi32>
        %mul3A_924 = arith.muli %mul3A_923, %shift_right_logical3A_921 : vector<16xi32>
        %add3A_925 = arith.addi %add3A_908, %mul3A_924 : vector<16xi32>
        %sub3A_926 = arith.subi %get3A_773, %mul3A_98 : vector<16xi32>
        %broadcast_in_dim3A_927 = vector.shape_cast %add3A_925 : vector<16xi32> to vector<16x1xi32>
        %gather3A_928 = vector.shape_cast %broadcast_in_dim3A_927 : vector<16x1xi32> to vector<16xi32>
        %gather3A_929 = tpu.dynamic_gather %sub3A_926[%gather3A_928] in [0] : vector<16xi32>, vector<16xi32> -> vector<16xi32>
        %swap3A_930 = arith.index_cast %add3A_766 : i32 to index
        %swap3A_931 = tpu.vector_load %arg9[%swap3A_930] {strides = array<i32>} : memref<20480xi32, #tpu.memory_space<vmem>>, vector<16xi32>,
        %swap3A_932 = vector.shape_cast %swap3A_931 : vector<16xi32> to vector<16xi32>
        %swap3A_933 = vector.shape_cast %gather3A_929 : vector<16xi32> to vector<16xi32>
        tpu.vector_store %arg9[%swap3A_930], %swap3A_933 {strides = array<i32>} : memref<20480xi32, #tpu.memory_space<vmem>>, vector<16xi32>,
        %slice3A_934 = vector.extract_strided_slice %add3A_851 {offsets = [15], sizes = [1], strides = [1]} : vector<16xi32> to vector<1xi32>
        %squeeze3A_935 = vector.extract %slice3A_934[0] : i32 from vector<1xi32>
        %add3A_936 = arith.addi %add3A_766, %squeeze3A_935 : i32
        %mul3A_937 = arith.constant 128 : i32
        %mul3A_938 = arith.muli %scan3A_89, %mul3A_937 : i32
        %add3A_939 = arith.constant 80 : i32
        %add3A_940 = arith.addi %mul3A_938, %add3A_939 : i32
        %get3A_941 = arith.index_cast %add3A_940 : i32 to index
        %get3A_942 = tpu.vector_load %arg8[%get3A_941] {strides = array<i32>} : memref<20480xi32, #tpu.memory_space<vmem>>, vector<16xi32>,
        %get3A_943 = vector.shape_cast %get3A_942 : vector<16xi32> to vector<16xi32>
        %shift_right_arithmetic3A_944 = arith.constant 14 : i32
        %shift_right_arithmetic3A_945 = vector.broadcast %shift_right_arithmetic3A_944 : i32 to vector<16xi32>
        %shift_right_arithmetic3A_946 = arith.shrsi %get3A_943, %shift_right_arithmetic3A_945 : vector<16xi32>
        %sub3A_947 = arith.subi %shift_right_arithmetic3A_946, %add3A_95 : vector<16xi32>
        %sub3A_948 = arith.constant 4999 : i32
        %sub3A_949 = vector.broadcast %sub3A_948 : i32 to vector<16xi32>
        %sub3A_950 = arith.subi %sub3A_949, %sub3A_947 : vector<16xi32>
        %or3A_951 = arith.ori %sub3A_947, %sub3A_950 : vector<16xi32>
        %shift_right_logical3A_952 = arith.constant 31 : i32
        %shift_right_logical3A_953 = vector.broadcast %shift_right_logical3A_952 : i32 to vector<16xi32>
        %shift_right_logical3A_954 = arith.shrui %or3A_951, %shift_right_logical3A_953 : vector<16xi32>
        %sub3A_955 = arith.constant 1 : i32
        %sub3A_956 = vector.broadcast %sub3A_955 : i32 to vector<16xi32>
        %sub3A_957 = arith.subi %sub3A_956, %shift_right_logical3A_954 : vector<16xi32>
        %sub3A_958 = arith.constant 1 : i32
        %sub3A_959 = vector.broadcast %sub3A_958 : i32 to vector<16xi32>
        %sub3A_960 = arith.subi %iota3A, %sub3A_959 : vector<16xi32>
        %max3A_961 = arith.constant 0 : i32
        %max3A_962 = vector.broadcast %max3A_961 : i32 to vector<16xi32>
        %max3A_963 = arith.maxsi %sub3A_960, %max3A_962 : vector<16xi32>
        %broadcast_in_dim3A_964 = vector.shape_cast %max3A_963 : vector<16xi32> to vector<16x1xi32>
        %gather3A_965 = vector.shape_cast %broadcast_in_dim3A_964 : vector<16x1xi32> to vector<16xi32>
        %gather3A_966 = tpu.dynamic_gather %sub3A_957[%gather3A_965] in [0] : vector<16xi32>, vector<16xi32> -> vector<16xi32>
        %ge3A_967 = arith.constant 1 : i32
        %ge3A_968 = vector.broadcast %ge3A_967 : i32 to vector<16xi32>
        %ge3A_969 = arith.cmpi sge, %iota3A, %ge3A_968 : vector<16xi32>
        %jit3A_970 = arith.constant 0 : i32
        %broadcast_in_dim3A_971 = vector.broadcast %jit3A_970 : i32 to vector<16xi32>
        %select_n3A_972 = arith.select %ge3A_969, %gather3A_966, %broadcast_in_dim3A_971 : vector<16xi1>, vector<16xi32>
        %add3A_973 = arith.addi %sub3A_957, %select_n3A_972 : vector<16xi32>
        %sub3A_974 = arith.constant 2 : i32
        %sub3A_975 = vector.broadcast %sub3A_974 : i32 to vector<16xi32>
        %sub3A_976 = arith.subi %iota3A, %sub3A_975 : vector<16xi32>
        %max3A_977 = arith.constant 0 : i32
        %max3A_978 = vector.broadcast %max3A_977 : i32 to vector<16xi32>
        %max3A_979 = arith.maxsi %sub3A_976, %max3A_978 : vector<16xi32>
        %broadcast_in_dim3A_980 = vector.shape_cast %max3A_979 : vector<16xi32> to vector<16x1xi32>
        %gather3A_981 = vector.shape_cast %broadcast_in_dim3A_980 : vector<16x1xi32> to vector<16xi32>
        %gather3A_982 = tpu.dynamic_gather %add3A_973[%gather3A_981] in [0] : vector<16xi32>, vector<16xi32> -> vector<16xi32>
        %ge3A_983 = arith.constant 2 : i32
        %ge3A_984 = vector.broadcast %ge3A_983 : i32 to vector<16xi32>
        %ge3A_985 = arith.cmpi sge, %iota3A, %ge3A_984 : vector<16xi32>
        %jit3A_986 = arith.constant 0 : i32
        %broadcast_in_dim3A_987 = vector.broadcast %jit3A_986 : i32 to vector<16xi32>
        %select_n3A_988 = arith.select %ge3A_985, %gather3A_982, %broadcast_in_dim3A_987 : vector<16xi1>, vector<16xi32>
        %add3A_989 = arith.addi %add3A_973, %select_n3A_988 : vector<16xi32>
        %sub3A_990 = arith.constant 4 : i32
        %sub3A_991 = vector.broadcast %sub3A_990 : i32 to vector<16xi32>
        %sub3A_992 = arith.subi %iota3A, %sub3A_991 : vector<16xi32>
        %max3A_993 = arith.constant 0 : i32
        %max3A_994 = vector.broadcast %max3A_993 : i32 to vector<16xi32>
        %max3A_995 = arith.maxsi %sub3A_992, %max3A_994 : vector<16xi32>
        %broadcast_in_dim3A_996 = vector.shape_cast %max3A_995 : vector<16xi32> to vector<16x1xi32>
        %gather3A_997 = vector.shape_cast %broadcast_in_dim3A_996 : vector<16x1xi32> to vector<16xi32>
        %gather3A_998 = tpu.dynamic_gather %add3A_989[%gather3A_997] in [0] : vector<16xi32>, vector<16xi32> -> vector<16xi32>
        %ge3A_999 = arith.constant 4 : i32
        %ge3A_1000 = vector.broadcast %ge3A_999 : i32 to vector<16xi32>
        %ge3A_1001 = arith.cmpi sge, %iota3A, %ge3A_1000 : vector<16xi32>
        %jit3A_1002 = arith.constant 0 : i32
        %broadcast_in_dim3A_1003 = vector.broadcast %jit3A_1002 : i32 to vector<16xi32>
        %select_n3A_1004 = arith.select %ge3A_1001, %gather3A_998, %broadcast_in_dim3A_1003 : vector<16xi1>, vector<16xi32>
        %add3A_1005 = arith.addi %add3A_989, %select_n3A_1004 : vector<16xi32>
        %sub3A_1006 = arith.constant 8 : i32
        %sub3A_1007 = vector.broadcast %sub3A_1006 : i32 to vector<16xi32>
        %sub3A_1008 = arith.subi %iota3A, %sub3A_1007 : vector<16xi32>
        %max3A_1009 = arith.constant 0 : i32
        %max3A_1010 = vector.broadcast %max3A_1009 : i32 to vector<16xi32>
        %max3A_1011 = arith.maxsi %sub3A_1008, %max3A_1010 : vector<16xi32>
        %broadcast_in_dim3A_1012 = vector.shape_cast %max3A_1011 : vector<16xi32> to vector<16x1xi32>
        %gather3A_1013 = vector.shape_cast %broadcast_in_dim3A_1012 : vector<16x1xi32> to vector<16xi32>
        %gather3A_1014 = tpu.dynamic_gather %add3A_1005[%gather3A_1013] in [0] : vector<16xi32>, vector<16xi32> -> vector<16xi32>
        %ge3A_1015 = arith.constant 8 : i32
        %ge3A_1016 = vector.broadcast %ge3A_1015 : i32 to vector<16xi32>
        %ge3A_1017 = arith.cmpi sge, %iota3A, %ge3A_1016 : vector<16xi32>
        %jit3A_1018 = arith.constant 0 : i32
        %broadcast_in_dim3A_1019 = vector.broadcast %jit3A_1018 : i32 to vector<16xi32>
        %select_n3A_1020 = arith.select %ge3A_1017, %gather3A_1014, %broadcast_in_dim3A_1019 : vector<16xi1>, vector<16xi32>
        %add3A_1021 = arith.addi %add3A_1005, %select_n3A_1020 : vector<16xi32>
        %mul3A_1022 = arith.constant 0 : i32
        %mul3A_1023 = vector.broadcast %mul3A_1022 : i32 to vector<16xi32>
        %mul3A_1024 = arith.muli %iota3A, %mul3A_1023 : vector<16xi32>
        %add3A_1025 = arith.constant 1 : i32
        %add3A_1026 = vector.broadcast %add3A_1025 : i32 to vector<16xi32>
        %add3A_1027 = arith.addi %iota3A, %add3A_1026 : vector<16xi32>
        %add3A_1028 = arith.constant 8 : i32
        %add3A_1029 = vector.broadcast %add3A_1028 : i32 to vector<16xi32>
        %add3A_1030 = arith.addi %mul3A_1024, %add3A_1029 : vector<16xi32>
        %sub3A_1031 = arith.constant 1 : i32
        %sub3A_1032 = vector.broadcast %sub3A_1031 : i32 to vector<16xi32>
        %sub3A_1033 = arith.subi %add3A_1030, %sub3A_1032 : vector<16xi32>
        %broadcast_in_dim3A_1034 = vector.shape_cast %sub3A_1033 : vector<16xi32> to vector<16x1xi32>
        %gather3A_1035 = vector.shape_cast %broadcast_in_dim3A_1034 : vector<16x1xi32> to vector<16xi32>
        %gather3A_1036 = tpu.dynamic_gather %add3A_1021[%gather3A_1035] in [0] : vector<16xi32>, vector<16xi32> -> vector<16xi32>
        %sub3A_1037 = arith.subi %gather3A_1036, %add3A_1027 : vector<16xi32>
        %shift_right_logical3A_1038 = arith.constant 31 : i32
        %shift_right_logical3A_1039 = vector.broadcast %shift_right_logical3A_1038 : i32 to vector<16xi32>
        %shift_right_logical3A_1040 = arith.shrui %sub3A_1037, %shift_right_logical3A_1039 : vector<16xi32>
        %mul3A_1041 = arith.constant 8 : i32
        %mul3A_1042 = vector.broadcast %mul3A_1041 : i32 to vector<16xi32>
        %mul3A_1043 = arith.muli %mul3A_1042, %shift_right_logical3A_1040 : vector<16xi32>
        %add3A_1044 = arith.addi %mul3A_1024, %mul3A_1043 : vector<16xi32>
        %add3A_1045 = arith.constant 4 : i32
        %add3A_1046 = vector.broadcast %add3A_1045 : i32 to vector<16xi32>
        %add3A_1047 = arith.addi %add3A_1044, %add3A_1046 : vector<16xi32>
        %sub3A_1048 = arith.constant 1 : i32
        %sub3A_1049 = vector.broadcast %sub3A_1048 : i32 to vector<16xi32>
        %sub3A_1050 = arith.subi %add3A_1047, %sub3A_1049 : vector<16xi32>
        %broadcast_in_dim3A_1051 = vector.shape_cast %sub3A_1050 : vector<16xi32> to vector<16x1xi32>
        %gather3A_1052 = vector.shape_cast %broadcast_in_dim3A_1051 : vector<16x1xi32> to vector<16xi32>
        %gather3A_1053 = tpu.dynamic_gather %add3A_1021[%gather3A_1052] in [0] : vector<16xi32>, vector<16xi32> -> vector<16xi32>
        %sub3A_1054 = arith.subi %gather3A_1053, %add3A_1027 : vector<16xi32>
        %shift_right_logical3A_1055 = arith.constant 31 : i32
        %shift_right_logical3A_1056 = vector.broadcast %shift_right_logical3A_1055 : i32 to vector<16xi32>
        %shift_right_logical3A_1057 = arith.shrui %sub3A_1054, %shift_right_logical3A_1056 : vector<16xi32>
        %mul3A_1058 = arith.constant 4 : i32
        %mul3A_1059 = vector.broadcast %mul3A_1058 : i32 to vector<16xi32>
        %mul3A_1060 = arith.muli %mul3A_1059, %shift_right_logical3A_1057 : vector<16xi32>
        %add3A_1061 = arith.addi %add3A_1044, %mul3A_1060 : vector<16xi32>
        %add3A_1062 = arith.constant 2 : i32
        %add3A_1063 = vector.broadcast %add3A_1062 : i32 to vector<16xi32>
        %add3A_1064 = arith.addi %add3A_1061, %add3A_1063 : vector<16xi32>
        %sub3A_1065 = arith.constant 1 : i32
        %sub3A_1066 = vector.broadcast %sub3A_1065 : i32 to vector<16xi32>
        %sub3A_1067 = arith.subi %add3A_1064, %sub3A_1066 : vector<16xi32>
        %broadcast_in_dim3A_1068 = vector.shape_cast %sub3A_1067 : vector<16xi32> to vector<16x1xi32>
        %gather3A_1069 = vector.shape_cast %broadcast_in_dim3A_1068 : vector<16x1xi32> to vector<16xi32>
        %gather3A_1070 = tpu.dynamic_gather %add3A_1021[%gather3A_1069] in [0] : vector<16xi32>, vector<16xi32> -> vector<16xi32>
        %sub3A_1071 = arith.subi %gather3A_1070, %add3A_1027 : vector<16xi32>
        %shift_right_logical3A_1072 = arith.constant 31 : i32
        %shift_right_logical3A_1073 = vector.broadcast %shift_right_logical3A_1072 : i32 to vector<16xi32>
        %shift_right_logical3A_1074 = arith.shrui %sub3A_1071, %shift_right_logical3A_1073 : vector<16xi32>
        %mul3A_1075 = arith.constant 2 : i32
        %mul3A_1076 = vector.broadcast %mul3A_1075 : i32 to vector<16xi32>
        %mul3A_1077 = arith.muli %mul3A_1076, %shift_right_logical3A_1074 : vector<16xi32>
        %add3A_1078 = arith.addi %add3A_1061, %mul3A_1077 : vector<16xi32>
        %add3A_1079 = arith.constant 1 : i32
        %add3A_1080 = vector.broadcast %add3A_1079 : i32 to vector<16xi32>
        %add3A_1081 = arith.addi %add3A_1078, %add3A_1080 : vector<16xi32>
        %sub3A_1082 = arith.constant 1 : i32
        %sub3A_1083 = vector.broadcast %sub3A_1082 : i32 to vector<16xi32>
        %sub3A_1084 = arith.subi %add3A_1081, %sub3A_1083 : vector<16xi32>
        %broadcast_in_dim3A_1085 = vector.shape_cast %sub3A_1084 : vector<16xi32> to vector<16x1xi32>
        %gather3A_1086 = vector.shape_cast %broadcast_in_dim3A_1085 : vector<16x1xi32> to vector<16xi32>
        %gather3A_1087 = tpu.dynamic_gather %add3A_1021[%gather3A_1086] in [0] : vector<16xi32>, vector<16xi32> -> vector<16xi32>
        %sub3A_1088 = arith.subi %gather3A_1087, %add3A_1027 : vector<16xi32>
        %shift_right_logical3A_1089 = arith.constant 31 : i32
        %shift_right_logical3A_1090 = vector.broadcast %shift_right_logical3A_1089 : i32 to vector<16xi32>
        %shift_right_logical3A_1091 = arith.shrui %sub3A_1088, %shift_right_logical3A_1090 : vector<16xi32>
        %mul3A_1092 = arith.constant 1 : i32
        %mul3A_1093 = vector.broadcast %mul3A_1092 : i32 to vector<16xi32>
        %mul3A_1094 = arith.muli %mul3A_1093, %shift_right_logical3A_1091 : vector<16xi32>
        %add3A_1095 = arith.addi %add3A_1078, %mul3A_1094 : vector<16xi32>
        %sub3A_1096 = arith.subi %get3A_943, %mul3A_98 : vector<16xi32>
        %broadcast_in_dim3A_1097 = vector.shape_cast %add3A_1095 : vector<16xi32> to vector<16x1xi32>
        %gather3A_1098 = vector.shape_cast %broadcast_in_dim3A_1097 : vector<16x1xi32> to vector<16xi32>
        %gather3A_1099 = tpu.dynamic_gather %sub3A_1096[%gather3A_1098] in [0] : vector<16xi32>, vector<16xi32> -> vector<16xi32>
        %swap3A_1100 = arith.index_cast %add3A_936 : i32 to index
        %swap3A_1101 = tpu.vector_load %arg9[%swap3A_1100] {strides = array<i32>} : memref<20480xi32, #tpu.memory_space<vmem>>, vector<16xi32>,
        %swap3A_1102 = vector.shape_cast %swap3A_1101 : vector<16xi32> to vector<16xi32>
        %swap3A_1103 = vector.shape_cast %gather3A_1099 : vector<16xi32> to vector<16xi32>
        tpu.vector_store %arg9[%swap3A_1100], %swap3A_1103 {strides = array<i32>} : memref<20480xi32, #tpu.memory_space<vmem>>, vector<16xi32>,
        %slice3A_1104 = vector.extract_strided_slice %add3A_1021 {offsets = [15], sizes = [1], strides = [1]} : vector<16xi32> to vector<1xi32>
        %squeeze3A_1105 = vector.extract %slice3A_1104[0] : i32 from vector<1xi32>
        %add3A_1106 = arith.addi %add3A_936, %squeeze3A_1105 : i32
        %mul3A_1107 = arith.constant 128 : i32
        %mul3A_1108 = arith.muli %scan3A_89, %mul3A_1107 : i32
        %add3A_1109 = arith.constant 96 : i32
        %add3A_1110 = arith.addi %mul3A_1108, %add3A_1109 : i32
        %get3A_1111 = arith.index_cast %add3A_1110 : i32 to index
        %get3A_1112 = tpu.vector_load %arg8[%get3A_1111] {strides = array<i32>} : memref<20480xi32, #tpu.memory_space<vmem>>, vector<16xi32>,
        %get3A_1113 = vector.shape_cast %get3A_1112 : vector<16xi32> to vector<16xi32>
        %shift_right_arithmetic3A_1114 = arith.constant 14 : i32
        %shift_right_arithmetic3A_1115 = vector.broadcast %shift_right_arithmetic3A_1114 : i32 to vector<16xi32>
        %shift_right_arithmetic3A_1116 = arith.shrsi %get3A_1113, %shift_right_arithmetic3A_1115 : vector<16xi32>
        %sub3A_1117 = arith.subi %shift_right_arithmetic3A_1116, %add3A_95 : vector<16xi32>
        %sub3A_1118 = arith.constant 4999 : i32
        %sub3A_1119 = vector.broadcast %sub3A_1118 : i32 to vector<16xi32>
        %sub3A_1120 = arith.subi %sub3A_1119, %sub3A_1117 : vector<16xi32>
        %or3A_1121 = arith.ori %sub3A_1117, %sub3A_1120 : vector<16xi32>
        %shift_right_logical3A_1122 = arith.constant 31 : i32
        %shift_right_logical3A_1123 = vector.broadcast %shift_right_logical3A_1122 : i32 to vector<16xi32>
        %shift_right_logical3A_1124 = arith.shrui %or3A_1121, %shift_right_logical3A_1123 : vector<16xi32>
        %sub3A_1125 = arith.constant 1 : i32
        %sub3A_1126 = vector.broadcast %sub3A_1125 : i32 to vector<16xi32>
        %sub3A_1127 = arith.subi %sub3A_1126, %shift_right_logical3A_1124 : vector<16xi32>
        %sub3A_1128 = arith.constant 1 : i32
        %sub3A_1129 = vector.broadcast %sub3A_1128 : i32 to vector<16xi32>
        %sub3A_1130 = arith.subi %iota3A, %sub3A_1129 : vector<16xi32>
        %max3A_1131 = arith.constant 0 : i32
        %max3A_1132 = vector.broadcast %max3A_1131 : i32 to vector<16xi32>
        %max3A_1133 = arith.maxsi %sub3A_1130, %max3A_1132 : vector<16xi32>
        %broadcast_in_dim3A_1134 = vector.shape_cast %max3A_1133 : vector<16xi32> to vector<16x1xi32>
        %gather3A_1135 = vector.shape_cast %broadcast_in_dim3A_1134 : vector<16x1xi32> to vector<16xi32>
        %gather3A_1136 = tpu.dynamic_gather %sub3A_1127[%gather3A_1135] in [0] : vector<16xi32>, vector<16xi32> -> vector<16xi32>
        %ge3A_1137 = arith.constant 1 : i32
        %ge3A_1138 = vector.broadcast %ge3A_1137 : i32 to vector<16xi32>
        %ge3A_1139 = arith.cmpi sge, %iota3A, %ge3A_1138 : vector<16xi32>
        %jit3A_1140 = arith.constant 0 : i32
        %broadcast_in_dim3A_1141 = vector.broadcast %jit3A_1140 : i32 to vector<16xi32>
        %select_n3A_1142 = arith.select %ge3A_1139, %gather3A_1136, %broadcast_in_dim3A_1141 : vector<16xi1>, vector<16xi32>
        %add3A_1143 = arith.addi %sub3A_1127, %select_n3A_1142 : vector<16xi32>
        %sub3A_1144 = arith.constant 2 : i32
        %sub3A_1145 = vector.broadcast %sub3A_1144 : i32 to vector<16xi32>
        %sub3A_1146 = arith.subi %iota3A, %sub3A_1145 : vector<16xi32>
        %max3A_1147 = arith.constant 0 : i32
        %max3A_1148 = vector.broadcast %max3A_1147 : i32 to vector<16xi32>
        %max3A_1149 = arith.maxsi %sub3A_1146, %max3A_1148 : vector<16xi32>
        %broadcast_in_dim3A_1150 = vector.shape_cast %max3A_1149 : vector<16xi32> to vector<16x1xi32>
        %gather3A_1151 = vector.shape_cast %broadcast_in_dim3A_1150 : vector<16x1xi32> to vector<16xi32>
        %gather3A_1152 = tpu.dynamic_gather %add3A_1143[%gather3A_1151] in [0] : vector<16xi32>, vector<16xi32> -> vector<16xi32>
        %ge3A_1153 = arith.constant 2 : i32
        %ge3A_1154 = vector.broadcast %ge3A_1153 : i32 to vector<16xi32>
        %ge3A_1155 = arith.cmpi sge, %iota3A, %ge3A_1154 : vector<16xi32>
        %jit3A_1156 = arith.constant 0 : i32
        %broadcast_in_dim3A_1157 = vector.broadcast %jit3A_1156 : i32 to vector<16xi32>
        %select_n3A_1158 = arith.select %ge3A_1155, %gather3A_1152, %broadcast_in_dim3A_1157 : vector<16xi1>, vector<16xi32>
        %add3A_1159 = arith.addi %add3A_1143, %select_n3A_1158 : vector<16xi32>
        %sub3A_1160 = arith.constant 4 : i32
        %sub3A_1161 = vector.broadcast %sub3A_1160 : i32 to vector<16xi32>
        %sub3A_1162 = arith.subi %iota3A, %sub3A_1161 : vector<16xi32>
        %max3A_1163 = arith.constant 0 : i32
        %max3A_1164 = vector.broadcast %max3A_1163 : i32 to vector<16xi32>
        %max3A_1165 = arith.maxsi %sub3A_1162, %max3A_1164 : vector<16xi32>
        %broadcast_in_dim3A_1166 = vector.shape_cast %max3A_1165 : vector<16xi32> to vector<16x1xi32>
        %gather3A_1167 = vector.shape_cast %broadcast_in_dim3A_1166 : vector<16x1xi32> to vector<16xi32>
        %gather3A_1168 = tpu.dynamic_gather %add3A_1159[%gather3A_1167] in [0] : vector<16xi32>, vector<16xi32> -> vector<16xi32>
        %ge3A_1169 = arith.constant 4 : i32
        %ge3A_1170 = vector.broadcast %ge3A_1169 : i32 to vector<16xi32>
        %ge3A_1171 = arith.cmpi sge, %iota3A, %ge3A_1170 : vector<16xi32>
        %jit3A_1172 = arith.constant 0 : i32
        %broadcast_in_dim3A_1173 = vector.broadcast %jit3A_1172 : i32 to vector<16xi32>
        %select_n3A_1174 = arith.select %ge3A_1171, %gather3A_1168, %broadcast_in_dim3A_1173 : vector<16xi1>, vector<16xi32>
        %add3A_1175 = arith.addi %add3A_1159, %select_n3A_1174 : vector<16xi32>
        %sub3A_1176 = arith.constant 8 : i32
        %sub3A_1177 = vector.broadcast %sub3A_1176 : i32 to vector<16xi32>
        %sub3A_1178 = arith.subi %iota3A, %sub3A_1177 : vector<16xi32>
        %max3A_1179 = arith.constant 0 : i32
        %max3A_1180 = vector.broadcast %max3A_1179 : i32 to vector<16xi32>
        %max3A_1181 = arith.maxsi %sub3A_1178, %max3A_1180 : vector<16xi32>
        %broadcast_in_dim3A_1182 = vector.shape_cast %max3A_1181 : vector<16xi32> to vector<16x1xi32>
        %gather3A_1183 = vector.shape_cast %broadcast_in_dim3A_1182 : vector<16x1xi32> to vector<16xi32>
        %gather3A_1184 = tpu.dynamic_gather %add3A_1175[%gather3A_1183] in [0] : vector<16xi32>, vector<16xi32> -> vector<16xi32>
        %ge3A_1185 = arith.constant 8 : i32
        %ge3A_1186 = vector.broadcast %ge3A_1185 : i32 to vector<16xi32>
        %ge3A_1187 = arith.cmpi sge, %iota3A, %ge3A_1186 : vector<16xi32>
        %jit3A_1188 = arith.constant 0 : i32
        %broadcast_in_dim3A_1189 = vector.broadcast %jit3A_1188 : i32 to vector<16xi32>
        %select_n3A_1190 = arith.select %ge3A_1187, %gather3A_1184, %broadcast_in_dim3A_1189 : vector<16xi1>, vector<16xi32>
        %add3A_1191 = arith.addi %add3A_1175, %select_n3A_1190 : vector<16xi32>
        %mul3A_1192 = arith.constant 0 : i32
        %mul3A_1193 = vector.broadcast %mul3A_1192 : i32 to vector<16xi32>
        %mul3A_1194 = arith.muli %iota3A, %mul3A_1193 : vector<16xi32>
        %add3A_1195 = arith.constant 1 : i32
        %add3A_1196 = vector.broadcast %add3A_1195 : i32 to vector<16xi32>
        %add3A_1197 = arith.addi %iota3A, %add3A_1196 : vector<16xi32>
        %add3A_1198 = arith.constant 8 : i32
        %add3A_1199 = vector.broadcast %add3A_1198 : i32 to vector<16xi32>
        %add3A_1200 = arith.addi %mul3A_1194, %add3A_1199 : vector<16xi32>
        %sub3A_1201 = arith.constant 1 : i32
        %sub3A_1202 = vector.broadcast %sub3A_1201 : i32 to vector<16xi32>
        %sub3A_1203 = arith.subi %add3A_1200, %sub3A_1202 : vector<16xi32>
        %broadcast_in_dim3A_1204 = vector.shape_cast %sub3A_1203 : vector<16xi32> to vector<16x1xi32>
        %gather3A_1205 = vector.shape_cast %broadcast_in_dim3A_1204 : vector<16x1xi32> to vector<16xi32>
        %gather3A_1206 = tpu.dynamic_gather %add3A_1191[%gather3A_1205] in [0] : vector<16xi32>, vector<16xi32> -> vector<16xi32>
        %sub3A_1207 = arith.subi %gather3A_1206, %add3A_1197 : vector<16xi32>
        %shift_right_logical3A_1208 = arith.constant 31 : i32
        %shift_right_logical3A_1209 = vector.broadcast %shift_right_logical3A_1208 : i32 to vector<16xi32>
        %shift_right_logical3A_1210 = arith.shrui %sub3A_1207, %shift_right_logical3A_1209 : vector<16xi32>
        %mul3A_1211 = arith.constant 8 : i32
        %mul3A_1212 = vector.broadcast %mul3A_1211 : i32 to vector<16xi32>
        %mul3A_1213 = arith.muli %mul3A_1212, %shift_right_logical3A_1210 : vector<16xi32>
        %add3A_1214 = arith.addi %mul3A_1194, %mul3A_1213 : vector<16xi32>
        %add3A_1215 = arith.constant 4 : i32
        %add3A_1216 = vector.broadcast %add3A_1215 : i32 to vector<16xi32>
        %add3A_1217 = arith.addi %add3A_1214, %add3A_1216 : vector<16xi32>
        %sub3A_1218 = arith.constant 1 : i32
        %sub3A_1219 = vector.broadcast %sub3A_1218 : i32 to vector<16xi32>
        %sub3A_1220 = arith.subi %add3A_1217, %sub3A_1219 : vector<16xi32>
        %broadcast_in_dim3A_1221 = vector.shape_cast %sub3A_1220 : vector<16xi32> to vector<16x1xi32>
        %gather3A_1222 = vector.shape_cast %broadcast_in_dim3A_1221 : vector<16x1xi32> to vector<16xi32>
        %gather3A_1223 = tpu.dynamic_gather %add3A_1191[%gather3A_1222] in [0] : vector<16xi32>, vector<16xi32> -> vector<16xi32>
        %sub3A_1224 = arith.subi %gather3A_1223, %add3A_1197 : vector<16xi32>
        %shift_right_logical3A_1225 = arith.constant 31 : i32
        %shift_right_logical3A_1226 = vector.broadcast %shift_right_logical3A_1225 : i32 to vector<16xi32>
        %shift_right_logical3A_1227 = arith.shrui %sub3A_1224, %shift_right_logical3A_1226 : vector<16xi32>
        %mul3A_1228 = arith.constant 4 : i32
        %mul3A_1229 = vector.broadcast %mul3A_1228 : i32 to vector<16xi32>
        %mul3A_1230 = arith.muli %mul3A_1229, %shift_right_logical3A_1227 : vector<16xi32>
        %add3A_1231 = arith.addi %add3A_1214, %mul3A_1230 : vector<16xi32>
        %add3A_1232 = arith.constant 2 : i32
        %add3A_1233 = vector.broadcast %add3A_1232 : i32 to vector<16xi32>
        %add3A_1234 = arith.addi %add3A_1231, %add3A_1233 : vector<16xi32>
        %sub3A_1235 = arith.constant 1 : i32
        %sub3A_1236 = vector.broadcast %sub3A_1235 : i32 to vector<16xi32>
        %sub3A_1237 = arith.subi %add3A_1234, %sub3A_1236 : vector<16xi32>
        %broadcast_in_dim3A_1238 = vector.shape_cast %sub3A_1237 : vector<16xi32> to vector<16x1xi32>
        %gather3A_1239 = vector.shape_cast %broadcast_in_dim3A_1238 : vector<16x1xi32> to vector<16xi32>
        %gather3A_1240 = tpu.dynamic_gather %add3A_1191[%gather3A_1239] in [0] : vector<16xi32>, vector<16xi32> -> vector<16xi32>
        %sub3A_1241 = arith.subi %gather3A_1240, %add3A_1197 : vector<16xi32>
        %shift_right_logical3A_1242 = arith.constant 31 : i32
        %shift_right_logical3A_1243 = vector.broadcast %shift_right_logical3A_1242 : i32 to vector<16xi32>
        %shift_right_logical3A_1244 = arith.shrui %sub3A_1241, %shift_right_logical3A_1243 : vector<16xi32>
        %mul3A_1245 = arith.constant 2 : i32
        %mul3A_1246 = vector.broadcast %mul3A_1245 : i32 to vector<16xi32>
        %mul3A_1247 = arith.muli %mul3A_1246, %shift_right_logical3A_1244 : vector<16xi32>
        %add3A_1248 = arith.addi %add3A_1231, %mul3A_1247 : vector<16xi32>
        %add3A_1249 = arith.constant 1 : i32
        %add3A_1250 = vector.broadcast %add3A_1249 : i32 to vector<16xi32>
        %add3A_1251 = arith.addi %add3A_1248, %add3A_1250 : vector<16xi32>
        %sub3A_1252 = arith.constant 1 : i32
        %sub3A_1253 = vector.broadcast %sub3A_1252 : i32 to vector<16xi32>
        %sub3A_1254 = arith.subi %add3A_1251, %sub3A_1253 : vector<16xi32>
        %broadcast_in_dim3A_1255 = vector.shape_cast %sub3A_1254 : vector<16xi32> to vector<16x1xi32>
        %gather3A_1256 = vector.shape_cast %broadcast_in_dim3A_1255 : vector<16x1xi32> to vector<16xi32>
        %gather3A_1257 = tpu.dynamic_gather %add3A_1191[%gather3A_1256] in [0] : vector<16xi32>, vector<16xi32> -> vector<16xi32>
        %sub3A_1258 = arith.subi %gather3A_1257, %add3A_1197 : vector<16xi32>
        %shift_right_logical3A_1259 = arith.constant 31 : i32
        %shift_right_logical3A_1260 = vector.broadcast %shift_right_logical3A_1259 : i32 to vector<16xi32>
        %shift_right_logical3A_1261 = arith.shrui %sub3A_1258, %shift_right_logical3A_1260 : vector<16xi32>
        %mul3A_1262 = arith.constant 1 : i32
        %mul3A_1263 = vector.broadcast %mul3A_1262 : i32 to vector<16xi32>
        %mul3A_1264 = arith.muli %mul3A_1263, %shift_right_logical3A_1261 : vector<16xi32>
        %add3A_1265 = arith.addi %add3A_1248, %mul3A_1264 : vector<16xi32>
        %sub3A_1266 = arith.subi %get3A_1113, %mul3A_98 : vector<16xi32>
        %broadcast_in_dim3A_1267 = vector.shape_cast %add3A_1265 : vector<16xi32> to vector<16x1xi32>
        %gather3A_1268 = vector.shape_cast %broadcast_in_dim3A_1267 : vector<16x1xi32> to vector<16xi32>
        %gather3A_1269 = tpu.dynamic_gather %sub3A_1266[%gather3A_1268] in [0] : vector<16xi32>, vector<16xi32> -> vector<16xi32>
        %swap3A_1270 = arith.index_cast %add3A_1106 : i32 to index
        %swap3A_1271 = tpu.vector_load %arg9[%swap3A_1270] {strides = array<i32>} : memref<20480xi32, #tpu.memory_space<vmem>>, vector<16xi32>,
        %swap3A_1272 = vector.shape_cast %swap3A_1271 : vector<16xi32> to vector<16xi32>
        %swap3A_1273 = vector.shape_cast %gather3A_1269 : vector<16xi32> to vector<16xi32>
        tpu.vector_store %arg9[%swap3A_1270], %swap3A_1273 {strides = array<i32>} : memref<20480xi32, #tpu.memory_space<vmem>>, vector<16xi32>,
        %slice3A_1274 = vector.extract_strided_slice %add3A_1191 {offsets = [15], sizes = [1], strides = [1]} : vector<16xi32> to vector<1xi32>
        %squeeze3A_1275 = vector.extract %slice3A_1274[0] : i32 from vector<1xi32>
        %add3A_1276 = arith.addi %add3A_1106, %squeeze3A_1275 : i32
        %mul3A_1277 = arith.constant 128 : i32
        %mul3A_1278 = arith.muli %scan3A_89, %mul3A_1277 : i32
        %add3A_1279 = arith.constant 112 : i32
        %add3A_1280 = arith.addi %mul3A_1278, %add3A_1279 : i32
        %get3A_1281 = arith.index_cast %add3A_1280 : i32 to index
        %get3A_1282 = tpu.vector_load %arg8[%get3A_1281] {strides = array<i32>} : memref<20480xi32, #tpu.memory_space<vmem>>, vector<16xi32>,
        %get3A_1283 = vector.shape_cast %get3A_1282 : vector<16xi32> to vector<16xi32>
        %shift_right_arithmetic3A_1284 = arith.constant 14 : i32
        %shift_right_arithmetic3A_1285 = vector.broadcast %shift_right_arithmetic3A_1284 : i32 to vector<16xi32>
        %shift_right_arithmetic3A_1286 = arith.shrsi %get3A_1283, %shift_right_arithmetic3A_1285 : vector<16xi32>
        %sub3A_1287 = arith.subi %shift_right_arithmetic3A_1286, %add3A_95 : vector<16xi32>
        %sub3A_1288 = arith.constant 4999 : i32
        %sub3A_1289 = vector.broadcast %sub3A_1288 : i32 to vector<16xi32>
        %sub3A_1290 = arith.subi %sub3A_1289, %sub3A_1287 : vector<16xi32>
        %or3A_1291 = arith.ori %sub3A_1287, %sub3A_1290 : vector<16xi32>
        %shift_right_logical3A_1292 = arith.constant 31 : i32
        %shift_right_logical3A_1293 = vector.broadcast %shift_right_logical3A_1292 : i32 to vector<16xi32>
        %shift_right_logical3A_1294 = arith.shrui %or3A_1291, %shift_right_logical3A_1293 : vector<16xi32>
        %sub3A_1295 = arith.constant 1 : i32
        %sub3A_1296 = vector.broadcast %sub3A_1295 : i32 to vector<16xi32>
        %sub3A_1297 = arith.subi %sub3A_1296, %shift_right_logical3A_1294 : vector<16xi32>
        %sub3A_1298 = arith.constant 1 : i32
        %sub3A_1299 = vector.broadcast %sub3A_1298 : i32 to vector<16xi32>
        %sub3A_1300 = arith.subi %iota3A, %sub3A_1299 : vector<16xi32>
        %max3A_1301 = arith.constant 0 : i32
        %max3A_1302 = vector.broadcast %max3A_1301 : i32 to vector<16xi32>
        %max3A_1303 = arith.maxsi %sub3A_1300, %max3A_1302 : vector<16xi32>
        %broadcast_in_dim3A_1304 = vector.shape_cast %max3A_1303 : vector<16xi32> to vector<16x1xi32>
        %gather3A_1305 = vector.shape_cast %broadcast_in_dim3A_1304 : vector<16x1xi32> to vector<16xi32>
        %gather3A_1306 = tpu.dynamic_gather %sub3A_1297[%gather3A_1305] in [0] : vector<16xi32>, vector<16xi32> -> vector<16xi32>
        %ge3A_1307 = arith.constant 1 : i32
        %ge3A_1308 = vector.broadcast %ge3A_1307 : i32 to vector<16xi32>
        %ge3A_1309 = arith.cmpi sge, %iota3A, %ge3A_1308 : vector<16xi32>
        %jit3A_1310 = arith.constant 0 : i32
        %broadcast_in_dim3A_1311 = vector.broadcast %jit3A_1310 : i32 to vector<16xi32>
        %select_n3A_1312 = arith.select %ge3A_1309, %gather3A_1306, %broadcast_in_dim3A_1311 : vector<16xi1>, vector<16xi32>
        %add3A_1313 = arith.addi %sub3A_1297, %select_n3A_1312 : vector<16xi32>
        %sub3A_1314 = arith.constant 2 : i32
        %sub3A_1315 = vector.broadcast %sub3A_1314 : i32 to vector<16xi32>
        %sub3A_1316 = arith.subi %iota3A, %sub3A_1315 : vector<16xi32>
        %max3A_1317 = arith.constant 0 : i32
        %max3A_1318 = vector.broadcast %max3A_1317 : i32 to vector<16xi32>
        %max3A_1319 = arith.maxsi %sub3A_1316, %max3A_1318 : vector<16xi32>
        %broadcast_in_dim3A_1320 = vector.shape_cast %max3A_1319 : vector<16xi32> to vector<16x1xi32>
        %gather3A_1321 = vector.shape_cast %broadcast_in_dim3A_1320 : vector<16x1xi32> to vector<16xi32>
        %gather3A_1322 = tpu.dynamic_gather %add3A_1313[%gather3A_1321] in [0] : vector<16xi32>, vector<16xi32> -> vector<16xi32>
        %ge3A_1323 = arith.constant 2 : i32
        %ge3A_1324 = vector.broadcast %ge3A_1323 : i32 to vector<16xi32>
        %ge3A_1325 = arith.cmpi sge, %iota3A, %ge3A_1324 : vector<16xi32>
        %jit3A_1326 = arith.constant 0 : i32
        %broadcast_in_dim3A_1327 = vector.broadcast %jit3A_1326 : i32 to vector<16xi32>
        %select_n3A_1328 = arith.select %ge3A_1325, %gather3A_1322, %broadcast_in_dim3A_1327 : vector<16xi1>, vector<16xi32>
        %add3A_1329 = arith.addi %add3A_1313, %select_n3A_1328 : vector<16xi32>
        %sub3A_1330 = arith.constant 4 : i32
        %sub3A_1331 = vector.broadcast %sub3A_1330 : i32 to vector<16xi32>
        %sub3A_1332 = arith.subi %iota3A, %sub3A_1331 : vector<16xi32>
        %max3A_1333 = arith.constant 0 : i32
        %max3A_1334 = vector.broadcast %max3A_1333 : i32 to vector<16xi32>
        %max3A_1335 = arith.maxsi %sub3A_1332, %max3A_1334 : vector<16xi32>
        %broadcast_in_dim3A_1336 = vector.shape_cast %max3A_1335 : vector<16xi32> to vector<16x1xi32>
        %gather3A_1337 = vector.shape_cast %broadcast_in_dim3A_1336 : vector<16x1xi32> to vector<16xi32>
        %gather3A_1338 = tpu.dynamic_gather %add3A_1329[%gather3A_1337] in [0] : vector<16xi32>, vector<16xi32> -> vector<16xi32>
        %ge3A_1339 = arith.constant 4 : i32
        %ge3A_1340 = vector.broadcast %ge3A_1339 : i32 to vector<16xi32>
        %ge3A_1341 = arith.cmpi sge, %iota3A, %ge3A_1340 : vector<16xi32>
        %jit3A_1342 = arith.constant 0 : i32
        %broadcast_in_dim3A_1343 = vector.broadcast %jit3A_1342 : i32 to vector<16xi32>
        %select_n3A_1344 = arith.select %ge3A_1341, %gather3A_1338, %broadcast_in_dim3A_1343 : vector<16xi1>, vector<16xi32>
        %add3A_1345 = arith.addi %add3A_1329, %select_n3A_1344 : vector<16xi32>
        %sub3A_1346 = arith.constant 8 : i32
        %sub3A_1347 = vector.broadcast %sub3A_1346 : i32 to vector<16xi32>
        %sub3A_1348 = arith.subi %iota3A, %sub3A_1347 : vector<16xi32>
        %max3A_1349 = arith.constant 0 : i32
        %max3A_1350 = vector.broadcast %max3A_1349 : i32 to vector<16xi32>
        %max3A_1351 = arith.maxsi %sub3A_1348, %max3A_1350 : vector<16xi32>
        %broadcast_in_dim3A_1352 = vector.shape_cast %max3A_1351 : vector<16xi32> to vector<16x1xi32>
        %gather3A_1353 = vector.shape_cast %broadcast_in_dim3A_1352 : vector<16x1xi32> to vector<16xi32>
        %gather3A_1354 = tpu.dynamic_gather %add3A_1345[%gather3A_1353] in [0] : vector<16xi32>, vector<16xi32> -> vector<16xi32>
        %ge3A_1355 = arith.constant 8 : i32
        %ge3A_1356 = vector.broadcast %ge3A_1355 : i32 to vector<16xi32>
        %ge3A_1357 = arith.cmpi sge, %iota3A, %ge3A_1356 : vector<16xi32>
        %jit3A_1358 = arith.constant 0 : i32
        %broadcast_in_dim3A_1359 = vector.broadcast %jit3A_1358 : i32 to vector<16xi32>
        %select_n3A_1360 = arith.select %ge3A_1357, %gather3A_1354, %broadcast_in_dim3A_1359 : vector<16xi1>, vector<16xi32>
        %add3A_1361 = arith.addi %add3A_1345, %select_n3A_1360 : vector<16xi32>
        %mul3A_1362 = arith.constant 0 : i32
        %mul3A_1363 = vector.broadcast %mul3A_1362 : i32 to vector<16xi32>
        %mul3A_1364 = arith.muli %iota3A, %mul3A_1363 : vector<16xi32>
        %add3A_1365 = arith.constant 1 : i32
        %add3A_1366 = vector.broadcast %add3A_1365 : i32 to vector<16xi32>
        %add3A_1367 = arith.addi %iota3A, %add3A_1366 : vector<16xi32>
        %add3A_1368 = arith.constant 8 : i32
        %add3A_1369 = vector.broadcast %add3A_1368 : i32 to vector<16xi32>
        %add3A_1370 = arith.addi %mul3A_1364, %add3A_1369 : vector<16xi32>
        %sub3A_1371 = arith.constant 1 : i32
        %sub3A_1372 = vector.broadcast %sub3A_1371 : i32 to vector<16xi32>
        %sub3A_1373 = arith.subi %add3A_1370, %sub3A_1372 : vector<16xi32>
        %broadcast_in_dim3A_1374 = vector.shape_cast %sub3A_1373 : vector<16xi32> to vector<16x1xi32>
        %gather3A_1375 = vector.shape_cast %broadcast_in_dim3A_1374 : vector<16x1xi32> to vector<16xi32>
        %gather3A_1376 = tpu.dynamic_gather %add3A_1361[%gather3A_1375] in [0] : vector<16xi32>, vector<16xi32> -> vector<16xi32>
        %sub3A_1377 = arith.subi %gather3A_1376, %add3A_1367 : vector<16xi32>
        %shift_right_logical3A_1378 = arith.constant 31 : i32
        %shift_right_logical3A_1379 = vector.broadcast %shift_right_logical3A_1378 : i32 to vector<16xi32>
        %shift_right_logical3A_1380 = arith.shrui %sub3A_1377, %shift_right_logical3A_1379 : vector<16xi32>
        %mul3A_1381 = arith.constant 8 : i32
        %mul3A_1382 = vector.broadcast %mul3A_1381 : i32 to vector<16xi32>
        %mul3A_1383 = arith.muli %mul3A_1382, %shift_right_logical3A_1380 : vector<16xi32>
        %add3A_1384 = arith.addi %mul3A_1364, %mul3A_1383 : vector<16xi32>
        %add3A_1385 = arith.constant 4 : i32
        %add3A_1386 = vector.broadcast %add3A_1385 : i32 to vector<16xi32>
        %add3A_1387 = arith.addi %add3A_1384, %add3A_1386 : vector<16xi32>
        %sub3A_1388 = arith.constant 1 : i32
        %sub3A_1389 = vector.broadcast %sub3A_1388 : i32 to vector<16xi32>
        %sub3A_1390 = arith.subi %add3A_1387, %sub3A_1389 : vector<16xi32>
        %broadcast_in_dim3A_1391 = vector.shape_cast %sub3A_1390 : vector<16xi32> to vector<16x1xi32>
        %gather3A_1392 = vector.shape_cast %broadcast_in_dim3A_1391 : vector<16x1xi32> to vector<16xi32>
        %gather3A_1393 = tpu.dynamic_gather %add3A_1361[%gather3A_1392] in [0] : vector<16xi32>, vector<16xi32> -> vector<16xi32>
        %sub3A_1394 = arith.subi %gather3A_1393, %add3A_1367 : vector<16xi32>
        %shift_right_logical3A_1395 = arith.constant 31 : i32
        %shift_right_logical3A_1396 = vector.broadcast %shift_right_logical3A_1395 : i32 to vector<16xi32>
        %shift_right_logical3A_1397 = arith.shrui %sub3A_1394, %shift_right_logical3A_1396 : vector<16xi32>
        %mul3A_1398 = arith.constant 4 : i32
        %mul3A_1399 = vector.broadcast %mul3A_1398 : i32 to vector<16xi32>
        %mul3A_1400 = arith.muli %mul3A_1399, %shift_right_logical3A_1397 : vector<16xi32>
        %add3A_1401 = arith.addi %add3A_1384, %mul3A_1400 : vector<16xi32>
        %add3A_1402 = arith.constant 2 : i32
        %add3A_1403 = vector.broadcast %add3A_1402 : i32 to vector<16xi32>
        %add3A_1404 = arith.addi %add3A_1401, %add3A_1403 : vector<16xi32>
        %sub3A_1405 = arith.constant 1 : i32
        %sub3A_1406 = vector.broadcast %sub3A_1405 : i32 to vector<16xi32>
        %sub3A_1407 = arith.subi %add3A_1404, %sub3A_1406 : vector<16xi32>
        %broadcast_in_dim3A_1408 = vector.shape_cast %sub3A_1407 : vector<16xi32> to vector<16x1xi32>
        %gather3A_1409 = vector.shape_cast %broadcast_in_dim3A_1408 : vector<16x1xi32> to vector<16xi32>
        %gather3A_1410 = tpu.dynamic_gather %add3A_1361[%gather3A_1409] in [0] : vector<16xi32>, vector<16xi32> -> vector<16xi32>
        %sub3A_1411 = arith.subi %gather3A_1410, %add3A_1367 : vector<16xi32>
        %shift_right_logical3A_1412 = arith.constant 31 : i32
        %shift_right_logical3A_1413 = vector.broadcast %shift_right_logical3A_1412 : i32 to vector<16xi32>
        %shift_right_logical3A_1414 = arith.shrui %sub3A_1411, %shift_right_logical3A_1413 : vector<16xi32>
        %mul3A_1415 = arith.constant 2 : i32
        %mul3A_1416 = vector.broadcast %mul3A_1415 : i32 to vector<16xi32>
        %mul3A_1417 = arith.muli %mul3A_1416, %shift_right_logical3A_1414 : vector<16xi32>
        %add3A_1418 = arith.addi %add3A_1401, %mul3A_1417 : vector<16xi32>
        %add3A_1419 = arith.constant 1 : i32
        %add3A_1420 = vector.broadcast %add3A_1419 : i32 to vector<16xi32>
        %add3A_1421 = arith.addi %add3A_1418, %add3A_1420 : vector<16xi32>
        %sub3A_1422 = arith.constant 1 : i32
        %sub3A_1423 = vector.broadcast %sub3A_1422 : i32 to vector<16xi32>
        %sub3A_1424 = arith.subi %add3A_1421, %sub3A_1423 : vector<16xi32>
        %broadcast_in_dim3A_1425 = vector.shape_cast %sub3A_1424 : vector<16xi32> to vector<16x1xi32>
        %gather3A_1426 = vector.shape_cast %broadcast_in_dim3A_1425 : vector<16x1xi32> to vector<16xi32>
        %gather3A_1427 = tpu.dynamic_gather %add3A_1361[%gather3A_1426] in [0] : vector<16xi32>, vector<16xi32> -> vector<16xi32>
        %sub3A_1428 = arith.subi %gather3A_1427, %add3A_1367 : vector<16xi32>
        %shift_right_logical3A_1429 = arith.constant 31 : i32
        %shift_right_logical3A_1430 = vector.broadcast %shift_right_logical3A_1429 : i32 to vector<16xi32>
        %shift_right_logical3A_1431 = arith.shrui %sub3A_1428, %shift_right_logical3A_1430 : vector<16xi32>
        %mul3A_1432 = arith.constant 1 : i32
        %mul3A_1433 = vector.broadcast %mul3A_1432 : i32 to vector<16xi32>
        %mul3A_1434 = arith.muli %mul3A_1433, %shift_right_logical3A_1431 : vector<16xi32>
        %add3A_1435 = arith.addi %add3A_1418, %mul3A_1434 : vector<16xi32>
        %sub3A_1436 = arith.subi %get3A_1283, %mul3A_98 : vector<16xi32>
        %broadcast_in_dim3A_1437 = vector.shape_cast %add3A_1435 : vector<16xi32> to vector<16x1xi32>
        %gather3A_1438 = vector.shape_cast %broadcast_in_dim3A_1437 : vector<16x1xi32> to vector<16xi32>
        %gather3A_1439 = tpu.dynamic_gather %sub3A_1436[%gather3A_1438] in [0] : vector<16xi32>, vector<16xi32> -> vector<16xi32>
        %swap3A_1440 = arith.index_cast %add3A_1276 : i32 to index
        %swap3A_1441 = tpu.vector_load %arg9[%swap3A_1440] {strides = array<i32>} : memref<20480xi32, #tpu.memory_space<vmem>>, vector<16xi32>,
        %swap3A_1442 = vector.shape_cast %swap3A_1441 : vector<16xi32> to vector<16xi32>
        %swap3A_1443 = vector.shape_cast %gather3A_1439 : vector<16xi32> to vector<16xi32>
        tpu.vector_store %arg9[%swap3A_1440], %swap3A_1443 {strides = array<i32>} : memref<20480xi32, #tpu.memory_space<vmem>>, vector<16xi32>,
        %slice3A_1444 = vector.extract_strided_slice %add3A_1361 {offsets = [15], sizes = [1], strides = [1]} : vector<16xi32> to vector<1xi32>
        %squeeze3A_1445 = vector.extract %slice3A_1444[0] : i32 from vector<1xi32>
        %add3A_1446 = arith.addi %add3A_1276, %squeeze3A_1445 : i32
        scf.yield %add3A_1446 : i32
      }
      %scan3A_31 = arith.constant 160 : i32
      %add3A_32 = arith.constant 64 : i32
      %add3A_33 = arith.addi %scan3A_30, %add3A_32 : i32
      %sub3A = arith.constant 1 : i32
      %sub3A_34 = arith.subi %add3A_33, %sub3A : i32
      %shift_right_arithmetic3A = arith.constant 6 : i32
      %shift_right_arithmetic3A_35 = arith.shrsi %sub3A_34, %shift_right_arithmetic3A : i32
      %gt3A = arith.constant 0 : i32
      %gt3A_36 = arith.cmpi sgt, %shift_right_arithmetic3A_35, %gt3A : i32
      %convert_element_type3A = arith.extui %gt3A_36 : i1 to i32
      %cond3A = arith.constant 0 : i32
      %cond3A_37 = arith.cmpi ne, %convert_element_type3A, %cond3A : i32
      scf.if %cond3A_37 {
        %add3A_89 = arith.constant 0 : i32
        %add3A_90 = vector.broadcast %add3A_89 : i32 to vector<16xi32>
        %add3A_91 = arith.addi %iota3A, %add3A_90 : vector<16xi32>
        %add3A_92 = arith.constant 0 : i32
        %add3A_93 = vector.broadcast %add3A_92 : i32 to vector<16xi32>
        %add3A_94 = arith.addi %add3A_91, %add3A_93 : vector<16xi32>
        %mul3A_95 = arith.constant 0 : i32
        %mul3A_96 = vector.broadcast %mul3A_95 : i32 to vector<16xi32>
        %mul3A_97 = arith.muli %iota3A, %mul3A_96 : vector<16xi32>
        %add3A_98 = vector.broadcast %scan3A_30 : i32 to vector<16xi32>
        %add3A_99 = arith.addi %mul3A_97, %add3A_98 : vector<16xi32>
        %lt3A = arith.cmpi slt, %add3A_94, %add3A_99 : vector<16xi32>
        %get3A = arith.constant 0 : index
        %get3A_100 = tpu.vector_load %arg9[%get3A] {strides = array<i32>} : memref<20480xi32, #tpu.memory_space<vmem>>, vector<16xi32>,
        %get3A_101 = vector.shape_cast %get3A_100 : vector<16xi32> to vector<16xi32>
        %and3A = arith.constant 16383 : i32
        %and3A_102 = vector.broadcast %and3A : i32 to vector<16xi32>
        %and3A_103 = arith.andi %get3A_101, %and3A_102 : vector<16xi32>
        %jit3A = arith.constant 0 : i32
        %broadcast_in_dim3A = vector.broadcast %jit3A : i32 to vector<16xi32>
        %select_n3A = arith.select %lt3A, %and3A_103, %broadcast_in_dim3A : vector<16xi1>, vector<16xi32>
        %swap3A = arith.constant 0 : index
        %swap3A_104 = tpu.vector_load %arg14[%swap3A] {strides = array<i32>} : memref<64xi32, #tpu.memory_space<vmem>>, vector<16xi32>,
        %swap3A_105 = vector.shape_cast %swap3A_104 : vector<16xi32> to vector<16xi32>
        %swap3A_106 = vector.shape_cast %select_n3A : vector<16xi32> to vector<16xi32>
        tpu.vector_store %arg14[%swap3A], %swap3A_106 {strides = array<i32>} : memref<64xi32, #tpu.memory_space<vmem>>, vector<16xi32>,
        %add3A_107 = arith.constant 0 : i32
        %add3A_108 = vector.broadcast %add3A_107 : i32 to vector<16xi32>
        %add3A_109 = arith.addi %iota3A, %add3A_108 : vector<16xi32>
        %add3A_110 = arith.constant 16 : i32
        %add3A_111 = vector.broadcast %add3A_110 : i32 to vector<16xi32>
        %add3A_112 = arith.addi %add3A_109, %add3A_111 : vector<16xi32>
        %mul3A_113 = arith.constant 0 : i32
        %mul3A_114 = vector.broadcast %mul3A_113 : i32 to vector<16xi32>
        %mul3A_115 = arith.muli %iota3A, %mul3A_114 : vector<16xi32>
        %add3A_116 = vector.broadcast %scan3A_30 : i32 to vector<16xi32>
        %add3A_117 = arith.addi %mul3A_115, %add3A_116 : vector<16xi32>
        %lt3A_118 = arith.cmpi slt, %add3A_112, %add3A_117 : vector<16xi32>
        %get3A_119 = arith.constant 16 : index
        %get3A_120 = tpu.vector_load %arg9[%get3A_119] {strides = array<i32>} : memref<20480xi32, #tpu.memory_space<vmem>>, vector<16xi32>,
        %get3A_121 = vector.shape_cast %get3A_120 : vector<16xi32> to vector<16xi32>
        %and3A_122 = arith.constant 16383 : i32
        %and3A_123 = vector.broadcast %and3A_122 : i32 to vector<16xi32>
        %and3A_124 = arith.andi %get3A_121, %and3A_123 : vector<16xi32>
        %jit3A_125 = arith.constant 0 : i32
        %broadcast_in_dim3A_126 = vector.broadcast %jit3A_125 : i32 to vector<16xi32>
        %select_n3A_127 = arith.select %lt3A_118, %and3A_124, %broadcast_in_dim3A_126 : vector<16xi1>, vector<16xi32>
        %swap3A_128 = arith.constant 16 : index
        %swap3A_129 = tpu.vector_load %arg14[%swap3A_128] {strides = array<i32>} : memref<64xi32, #tpu.memory_space<vmem>>, vector<16xi32>,
        %swap3A_130 = vector.shape_cast %swap3A_129 : vector<16xi32> to vector<16xi32>
        %swap3A_131 = vector.shape_cast %select_n3A_127 : vector<16xi32> to vector<16xi32>
        tpu.vector_store %arg14[%swap3A_128], %swap3A_131 {strides = array<i32>} : memref<64xi32, #tpu.memory_space<vmem>>, vector<16xi32>,
        %add3A_132 = arith.constant 0 : i32
        %add3A_133 = vector.broadcast %add3A_132 : i32 to vector<16xi32>
        %add3A_134 = arith.addi %iota3A, %add3A_133 : vector<16xi32>
        %add3A_135 = arith.constant 32 : i32
        %add3A_136 = vector.broadcast %add3A_135 : i32 to vector<16xi32>
        %add3A_137 = arith.addi %add3A_134, %add3A_136 : vector<16xi32>
        %mul3A_138 = arith.constant 0 : i32
        %mul3A_139 = vector.broadcast %mul3A_138 : i32 to vector<16xi32>
        %mul3A_140 = arith.muli %iota3A, %mul3A_139 : vector<16xi32>
        %add3A_141 = vector.broadcast %scan3A_30 : i32 to vector<16xi32>
        %add3A_142 = arith.addi %mul3A_140, %add3A_141 : vector<16xi32>
        %lt3A_143 = arith.cmpi slt, %add3A_137, %add3A_142 : vector<16xi32>
        %get3A_144 = arith.constant 32 : index
        %get3A_145 = tpu.vector_load %arg9[%get3A_144] {strides = array<i32>} : memref<20480xi32, #tpu.memory_space<vmem>>, vector<16xi32>,
        %get3A_146 = vector.shape_cast %get3A_145 : vector<16xi32> to vector<16xi32>
        %and3A_147 = arith.constant 16383 : i32
        %and3A_148 = vector.broadcast %and3A_147 : i32 to vector<16xi32>
        %and3A_149 = arith.andi %get3A_146, %and3A_148 : vector<16xi32>
        %jit3A_150 = arith.constant 0 : i32
        %broadcast_in_dim3A_151 = vector.broadcast %jit3A_150 : i32 to vector<16xi32>
        %select_n3A_152 = arith.select %lt3A_143, %and3A_149, %broadcast_in_dim3A_151 : vector<16xi1>, vector<16xi32>
        %swap3A_153 = arith.constant 32 : index
        %swap3A_154 = tpu.vector_load %arg14[%swap3A_153] {strides = array<i32>} : memref<64xi32, #tpu.memory_space<vmem>>, vector<16xi32>,
        %swap3A_155 = vector.shape_cast %swap3A_154 : vector<16xi32> to vector<16xi32>
        %swap3A_156 = vector.shape_cast %select_n3A_152 : vector<16xi32> to vector<16xi32>
        tpu.vector_store %arg14[%swap3A_153], %swap3A_156 {strides = array<i32>} : memref<64xi32, #tpu.memory_space<vmem>>, vector<16xi32>,
        %add3A_157 = arith.constant 0 : i32
        %add3A_158 = vector.broadcast %add3A_157 : i32 to vector<16xi32>
        %add3A_159 = arith.addi %iota3A, %add3A_158 : vector<16xi32>
        %add3A_160 = arith.constant 48 : i32
        %add3A_161 = vector.broadcast %add3A_160 : i32 to vector<16xi32>
        %add3A_162 = arith.addi %add3A_159, %add3A_161 : vector<16xi32>
        %mul3A_163 = arith.constant 0 : i32
        %mul3A_164 = vector.broadcast %mul3A_163 : i32 to vector<16xi32>
        %mul3A_165 = arith.muli %iota3A, %mul3A_164 : vector<16xi32>
        %add3A_166 = vector.broadcast %scan3A_30 : i32 to vector<16xi32>
        %add3A_167 = arith.addi %mul3A_165, %add3A_166 : vector<16xi32>
        %lt3A_168 = arith.cmpi slt, %add3A_162, %add3A_167 : vector<16xi32>
        %get3A_169 = arith.constant 48 : index
        %get3A_170 = tpu.vector_load %arg9[%get3A_169] {strides = array<i32>} : memref<20480xi32, #tpu.memory_space<vmem>>, vector<16xi32>,
        %get3A_171 = vector.shape_cast %get3A_170 : vector<16xi32> to vector<16xi32>
        %and3A_172 = arith.constant 16383 : i32
        %and3A_173 = vector.broadcast %and3A_172 : i32 to vector<16xi32>
        %and3A_174 = arith.andi %get3A_171, %and3A_173 : vector<16xi32>
        %jit3A_175 = arith.constant 0 : i32
        %broadcast_in_dim3A_176 = vector.broadcast %jit3A_175 : i32 to vector<16xi32>
        %select_n3A_177 = arith.select %lt3A_168, %and3A_174, %broadcast_in_dim3A_176 : vector<16xi1>, vector<16xi32>
        %swap3A_178 = arith.constant 48 : index
        %swap3A_179 = tpu.vector_load %arg14[%swap3A_178] {strides = array<i32>} : memref<64xi32, #tpu.memory_space<vmem>>, vector<16xi32>,
        %swap3A_180 = vector.shape_cast %swap3A_179 : vector<16xi32> to vector<16xi32>
        %swap3A_181 = vector.shape_cast %select_n3A_177 : vector<16xi32> to vector<16xi32>
        tpu.vector_store %arg14[%swap3A_178], %swap3A_181 {strides = array<i32>} : memref<64xi32, #tpu.memory_space<vmem>>, vector<16xi32>,
        %dma_start3A = arith.constant 0 : i32
        %dma_start3A_182 = arith.constant 0 : i32
        %dma_start3A_183 = tpu.memref_slice %arg3[%dma_start3A, %dma_start3A_182] : memref<10000x128xf32, #tpu.memory_space<hbm>> -> memref<10000x128xf32, #tpu.memory_space<hbm>>
        tpu.enqueue_indirect_dma source(%dma_start3A_183 : memref<10000x128xf32, #tpu.memory_space<hbm>>) target(%arg10 : memref<64x128xf32, #tpu.memory_space<vmem>>) offsets(%arg14 : memref<64xi32, #tpu.memory_space<vmem>>) semaphore(%arg17 : memref<!tpu.dma_semaphore, #tpu.memory_space<semaphore_mem>>)
        %dma_wait3A = arith.constant 0 : i32
        %dma_wait3A_184 = arith.constant 0 : i32
        %dma_wait3A_185 = tpu.memref_slice %arg3[%dma_wait3A, %dma_wait3A_184] : memref<10000x128xf32, #tpu.memory_space<hbm>> -> memref<10000x128xf32, #tpu.memory_space<hbm>>
        tpu.wait_indirect_dma semaphore(%arg17 : memref<!tpu.dma_semaphore, #tpu.memory_space<semaphore_mem>>) src(%dma_wait3A_185 : memref<10000x128xf32, #tpu.memory_space<hbm>>) dst(%arg10 : memref<64x128xf32, #tpu.memory_space<vmem>>)
      } else {
      }
      %add3A_38 = arith.constant 1 : i32
      %add3A_39 = arith.addi %shift_right_arithmetic3A_35, %add3A_38 : i32
      %shift_right_arithmetic3A_40 = arith.constant 1 : i32
      %shift_right_arithmetic3A_41 = arith.shrsi %add3A_39, %shift_right_arithmetic3A_40 : i32
      %while3A = arith.constant 0 : i32
      %while3A_42 = arith.constant 0 : i32
      %while3A_43 = arith.subi %shift_right_arithmetic3A_41, %while3A : i32
      %while3A_44 = arith.addi %while3A, %while3A_43 : i32
      %while3A_45 = arith.constant 1 : i32
      %while3A_46 = arith.divsi %while3A_43, %while3A_45 : i32
      %while3A_47 = arith.muli %while3A_46, %while3A_45 : i32
      %while3A_48 = arith.addi %while3A, %while3A_47 : i32
      %while3A_49 = arith.constant 1 : i32
      %while3A_50 = scf.for %while3A_89 = %while3A to %while3A_48 step %while3A_49 iter_args(%while3A_90 = %while3A_42) -> (i32)  : i32 {
        %mul3A_91 = arith.constant 2 : i32
        %mul3A_92 = arith.muli %mul3A_91, %while3A_89 : i32
        %add3A_93 = arith.constant 1 : i32
        %add3A_94 = arith.addi %mul3A_92, %add3A_93 : i32
        %lt3A = arith.cmpi slt, %add3A_94, %shift_right_arithmetic3A_35 : i32
        %convert_element_type3A_95 = arith.extui %lt3A : i1 to i32
        %cond3A_96 = arith.constant 0 : i32
        %cond3A_97 = arith.cmpi ne, %convert_element_type3A_95, %cond3A_96 : i32
        scf.if %cond3A_97 {
          %mul3A_218 = arith.constant 64 : i32
          %mul3A_219 = arith.muli %add3A_94, %mul3A_218 : i32
          %add3A_220 = vector.broadcast %mul3A_219 : i32 to vector<16xi32>
          %add3A_221 = arith.addi %iota3A, %add3A_220 : vector<16xi32>
          %add3A_222 = arith.constant 0 : i32
          %add3A_223 = vector.broadcast %add3A_222 : i32 to vector<16xi32>
          %add3A_224 = arith.addi %add3A_221, %add3A_223 : vector<16xi32>
          %mul3A_225 = arith.constant 0 : i32
          %mul3A_226 = vector.broadcast %mul3A_225 : i32 to vector<16xi32>
          %mul3A_227 = arith.muli %iota3A, %mul3A_226 : vector<16xi32>
          %add3A_228 = vector.broadcast %scan3A_30 : i32 to vector<16xi32>
          %add3A_229 = arith.addi %mul3A_227, %add3A_228 : vector<16xi32>
          %lt3A_230 = arith.cmpi slt, %add3A_224, %add3A_229 : vector<16xi32>
          %mul3A_231 = arith.constant 64 : i32
          %mul3A_232 = arith.muli %add3A_94, %mul3A_231 : i32
          %add3A_233 = arith.constant 0 : i32
          %add3A_234 = arith.addi %mul3A_232, %add3A_233 : i32
          %get3A_235 = arith.index_cast %add3A_234 : i32 to index
          %get3A_236 = tpu.vector_load %arg9[%get3A_235] {strides = array<i32>} : memref<20480xi32, #tpu.memory_space<vmem>>, vector<16xi32>,
          %get3A_237 = vector.shape_cast %get3A_236 : vector<16xi32> to vector<16xi32>
          %and3A = arith.constant 16383 : i32
          %and3A_238 = vector.broadcast %and3A : i32 to vector<16xi32>
          %and3A_239 = arith.andi %get3A_237, %and3A_238 : vector<16xi32>
          %jit3A_240 = arith.constant 0 : i32
          %broadcast_in_dim3A_241 = vector.broadcast %jit3A_240 : i32 to vector<16xi32>
          %select_n3A_242 = arith.select %lt3A_230, %and3A_239, %broadcast_in_dim3A_241 : vector<16xi1>, vector<16xi32>
          %swap3A_243 = arith.constant 0 : index
          %swap3A_244 = tpu.vector_load %arg15[%swap3A_243] {strides = array<i32>} : memref<64xi32, #tpu.memory_space<vmem>>, vector<16xi32>,
          %swap3A_245 = vector.shape_cast %swap3A_244 : vector<16xi32> to vector<16xi32>
          %swap3A_246 = vector.shape_cast %select_n3A_242 : vector<16xi32> to vector<16xi32>
          tpu.vector_store %arg15[%swap3A_243], %swap3A_246 {strides = array<i32>} : memref<64xi32, #tpu.memory_space<vmem>>, vector<16xi32>,
          %mul3A_247 = arith.constant 64 : i32
          %mul3A_248 = arith.muli %add3A_94, %mul3A_247 : i32
          %add3A_249 = vector.broadcast %mul3A_248 : i32 to vector<16xi32>
          %add3A_250 = arith.addi %iota3A, %add3A_249 : vector<16xi32>
          %add3A_251 = arith.constant 16 : i32
          %add3A_252 = vector.broadcast %add3A_251 : i32 to vector<16xi32>
          %add3A_253 = arith.addi %add3A_250, %add3A_252 : vector<16xi32>
          %mul3A_254 = arith.constant 0 : i32
          %mul3A_255 = vector.broadcast %mul3A_254 : i32 to vector<16xi32>
          %mul3A_256 = arith.muli %iota3A, %mul3A_255 : vector<16xi32>
          %add3A_257 = vector.broadcast %scan3A_30 : i32 to vector<16xi32>
          %add3A_258 = arith.addi %mul3A_256, %add3A_257 : vector<16xi32>
          %lt3A_259 = arith.cmpi slt, %add3A_253, %add3A_258 : vector<16xi32>
          %mul3A_260 = arith.constant 64 : i32
          %mul3A_261 = arith.muli %add3A_94, %mul3A_260 : i32
          %add3A_262 = arith.constant 16 : i32
          %add3A_263 = arith.addi %mul3A_261, %add3A_262 : i32
          %get3A_264 = arith.index_cast %add3A_263 : i32 to index
          %get3A_265 = tpu.vector_load %arg9[%get3A_264] {strides = array<i32>} : memref<20480xi32, #tpu.memory_space<vmem>>, vector<16xi32>,
          %get3A_266 = vector.shape_cast %get3A_265 : vector<16xi32> to vector<16xi32>
          %and3A_267 = arith.constant 16383 : i32
          %and3A_268 = vector.broadcast %and3A_267 : i32 to vector<16xi32>
          %and3A_269 = arith.andi %get3A_266, %and3A_268 : vector<16xi32>
          %jit3A_270 = arith.constant 0 : i32
          %broadcast_in_dim3A_271 = vector.broadcast %jit3A_270 : i32 to vector<16xi32>
          %select_n3A_272 = arith.select %lt3A_259, %and3A_269, %broadcast_in_dim3A_271 : vector<16xi1>, vector<16xi32>
          %swap3A_273 = arith.constant 16 : index
          %swap3A_274 = tpu.vector_load %arg15[%swap3A_273] {strides = array<i32>} : memref<64xi32, #tpu.memory_space<vmem>>, vector<16xi32>,
          %swap3A_275 = vector.shape_cast %swap3A_274 : vector<16xi32> to vector<16xi32>
          %swap3A_276 = vector.shape_cast %select_n3A_272 : vector<16xi32> to vector<16xi32>
          tpu.vector_store %arg15[%swap3A_273], %swap3A_276 {strides = array<i32>} : memref<64xi32, #tpu.memory_space<vmem>>, vector<16xi32>,
          %mul3A_277 = arith.constant 64 : i32
          %mul3A_278 = arith.muli %add3A_94, %mul3A_277 : i32
          %add3A_279 = vector.broadcast %mul3A_278 : i32 to vector<16xi32>
          %add3A_280 = arith.addi %iota3A, %add3A_279 : vector<16xi32>
          %add3A_281 = arith.constant 32 : i32
          %add3A_282 = vector.broadcast %add3A_281 : i32 to vector<16xi32>
          %add3A_283 = arith.addi %add3A_280, %add3A_282 : vector<16xi32>
          %mul3A_284 = arith.constant 0 : i32
          %mul3A_285 = vector.broadcast %mul3A_284 : i32 to vector<16xi32>
          %mul3A_286 = arith.muli %iota3A, %mul3A_285 : vector<16xi32>
          %add3A_287 = vector.broadcast %scan3A_30 : i32 to vector<16xi32>
          %add3A_288 = arith.addi %mul3A_286, %add3A_287 : vector<16xi32>
          %lt3A_289 = arith.cmpi slt, %add3A_283, %add3A_288 : vector<16xi32>
          %mul3A_290 = arith.constant 64 : i32
          %mul3A_291 = arith.muli %add3A_94, %mul3A_290 : i32
          %add3A_292 = arith.constant 32 : i32
          %add3A_293 = arith.addi %mul3A_291, %add3A_292 : i32
          %get3A_294 = arith.index_cast %add3A_293 : i32 to index
          %get3A_295 = tpu.vector_load %arg9[%get3A_294] {strides = array<i32>} : memref<20480xi32, #tpu.memory_space<vmem>>, vector<16xi32>,
          %get3A_296 = vector.shape_cast %get3A_295 : vector<16xi32> to vector<16xi32>
          %and3A_297 = arith.constant 16383 : i32
          %and3A_298 = vector.broadcast %and3A_297 : i32 to vector<16xi32>
          %and3A_299 = arith.andi %get3A_296, %and3A_298 : vector<16xi32>
          %jit3A_300 = arith.constant 0 : i32
          %broadcast_in_dim3A_301 = vector.broadcast %jit3A_300 : i32 to vector<16xi32>
          %select_n3A_302 = arith.select %lt3A_289, %and3A_299, %broadcast_in_dim3A_301 : vector<16xi1>, vector<16xi32>
          %swap3A_303 = arith.constant 32 : index
          %swap3A_304 = tpu.vector_load %arg15[%swap3A_303] {strides = array<i32>} : memref<64xi32, #tpu.memory_space<vmem>>, vector<16xi32>,
          %swap3A_305 = vector.shape_cast %swap3A_304 : vector<16xi32> to vector<16xi32>
          %swap3A_306 = vector.shape_cast %select_n3A_302 : vector<16xi32> to vector<16xi32>
          tpu.vector_store %arg15[%swap3A_303], %swap3A_306 {strides = array<i32>} : memref<64xi32, #tpu.memory_space<vmem>>, vector<16xi32>,
          %mul3A_307 = arith.constant 64 : i32
          %mul3A_308 = arith.muli %add3A_94, %mul3A_307 : i32
          %add3A_309 = vector.broadcast %mul3A_308 : i32 to vector<16xi32>
          %add3A_310 = arith.addi %iota3A, %add3A_309 : vector<16xi32>
          %add3A_311 = arith.constant 48 : i32
          %add3A_312 = vector.broadcast %add3A_311 : i32 to vector<16xi32>
          %add3A_313 = arith.addi %add3A_310, %add3A_312 : vector<16xi32>
          %mul3A_314 = arith.constant 0 : i32
          %mul3A_315 = vector.broadcast %mul3A_314 : i32 to vector<16xi32>
          %mul3A_316 = arith.muli %iota3A, %mul3A_315 : vector<16xi32>
          %add3A_317 = vector.broadcast %scan3A_30 : i32 to vector<16xi32>
          %add3A_318 = arith.addi %mul3A_316, %add3A_317 : vector<16xi32>
          %lt3A_319 = arith.cmpi slt, %add3A_313, %add3A_318 : vector<16xi32>
          %mul3A_320 = arith.constant 64 : i32
          %mul3A_321 = arith.muli %add3A_94, %mul3A_320 : i32
          %add3A_322 = arith.constant 48 : i32
          %add3A_323 = arith.addi %mul3A_321, %add3A_322 : i32
          %get3A_324 = arith.index_cast %add3A_323 : i32 to index
          %get3A_325 = tpu.vector_load %arg9[%get3A_324] {strides = array<i32>} : memref<20480xi32, #tpu.memory_space<vmem>>, vector<16xi32>,
          %get3A_326 = vector.shape_cast %get3A_325 : vector<16xi32> to vector<16xi32>
          %and3A_327 = arith.constant 16383 : i32
          %and3A_328 = vector.broadcast %and3A_327 : i32 to vector<16xi32>
          %and3A_329 = arith.andi %get3A_326, %and3A_328 : vector<16xi32>
          %jit3A_330 = arith.constant 0 : i32
          %broadcast_in_dim3A_331 = vector.broadcast %jit3A_330 : i32 to vector<16xi32>
          %select_n3A_332 = arith.select %lt3A_319, %and3A_329, %broadcast_in_dim3A_331 : vector<16xi1>, vector<16xi32>
          %swap3A_333 = arith.constant 48 : index
          %swap3A_334 = tpu.vector_load %arg15[%swap3A_333] {strides = array<i32>} : memref<64xi32, #tpu.memory_space<vmem>>, vector<16xi32>,
          %swap3A_335 = vector.shape_cast %swap3A_334 : vector<16xi32> to vector<16xi32>
          %swap3A_336 = vector.shape_cast %select_n3A_332 : vector<16xi32> to vector<16xi32>
          tpu.vector_store %arg15[%swap3A_333], %swap3A_336 {strides = array<i32>} : memref<64xi32, #tpu.memory_space<vmem>>, vector<16xi32>,
          %dma_start3A = arith.constant 0 : i32
          %dma_start3A_337 = arith.constant 0 : i32
          %dma_start3A_338 = tpu.memref_slice %arg3[%dma_start3A, %dma_start3A_337] : memref<10000x128xf32, #tpu.memory_space<hbm>> -> memref<10000x128xf32, #tpu.memory_space<hbm>>
          tpu.enqueue_indirect_dma source(%dma_start3A_338 : memref<10000x128xf32, #tpu.memory_space<hbm>>) target(%arg11 : memref<64x128xf32, #tpu.memory_space<vmem>>) offsets(%arg15 : memref<64xi32, #tpu.memory_space<vmem>>) semaphore(%arg18 : memref<!tpu.dma_semaphore, #tpu.memory_space<semaphore_mem>>)
        } else {
        }
        %mul3A_98 = arith.constant 64 : i32
        %mul3A_99 = arith.muli %mul3A_92, %mul3A_98 : i32
        %add3A_100 = vector.broadcast %mul3A_99 : i32 to vector<16xi32>
        %add3A_101 = arith.addi %iota3A, %add3A_100 : vector<16xi32>
        %add3A_102 = arith.constant 0 : i32
        %add3A_103 = vector.broadcast %add3A_102 : i32 to vector<16xi32>
        %add3A_104 = arith.addi %add3A_101, %add3A_103 : vector<16xi32>
        %mul3A_105 = arith.constant 0 : i32
        %mul3A_106 = vector.broadcast %mul3A_105 : i32 to vector<16xi32>
        %mul3A_107 = arith.muli %iota3A, %mul3A_106 : vector<16xi32>
        %add3A_108 = vector.broadcast %scan3A_30 : i32 to vector<16xi32>
        %add3A_109 = arith.addi %mul3A_107, %add3A_108 : vector<16xi32>
        %lt3A_110 = arith.cmpi slt, %add3A_104, %add3A_109 : vector<16xi32>
        %mul3A_111 = arith.constant 64 : i32
        %mul3A_112 = arith.muli %mul3A_92, %mul3A_111 : i32
        %add3A_113 = arith.constant 0 : i32
        %add3A_114 = arith.addi %mul3A_112, %add3A_113 : i32
        %get3A = arith.index_cast %add3A_114 : i32 to index
        %get3A_115 = tpu.vector_load %arg9[%get3A] {strides = array<i32>} : memref<20480xi32, #tpu.memory_space<vmem>>, vector<16xi32>,
        %get3A_116 = vector.shape_cast %get3A_115 : vector<16xi32> to vector<16xi32>
        %shift_right_arithmetic3A_117 = arith.constant 14 : i32
        %shift_right_arithmetic3A_118 = vector.broadcast %shift_right_arithmetic3A_117 : i32 to vector<16xi32>
        %shift_right_arithmetic3A_119 = arith.shrsi %get3A_116, %shift_right_arithmetic3A_118 : vector<16xi32>
        %jit3A = arith.constant 5100 : i32
        %broadcast_in_dim3A = vector.broadcast %jit3A : i32 to vector<16xi32>
        %select_n3A = arith.select %lt3A_110, %shift_right_arithmetic3A_119, %broadcast_in_dim3A : vector<16xi1>, vector<16xi32>
        %swap3A = arith.constant 0 : index
        %swap3A_120 = tpu.vector_load %arg13[%swap3A] {strides = array<i32>} : memref<64xi32, #tpu.memory_space<vmem>>, vector<16xi32>,
        %swap3A_121 = vector.shape_cast %swap3A_120 : vector<16xi32> to vector<16xi32>
        %swap3A_122 = vector.shape_cast %select_n3A : vector<16xi32> to vector<16xi32>
        tpu.vector_store %arg13[%swap3A], %swap3A_122 {strides = array<i32>} : memref<64xi32, #tpu.memory_space<vmem>>, vector<16xi32>,
        %mul3A_123 = arith.constant 64 : i32
        %mul3A_124 = arith.muli %mul3A_92, %mul3A_123 : i32
        %add3A_125 = vector.broadcast %mul3A_124 : i32 to vector<16xi32>
        %add3A_126 = arith.addi %iota3A, %add3A_125 : vector<16xi32>
        %add3A_127 = arith.constant 16 : i32
        %add3A_128 = vector.broadcast %add3A_127 : i32 to vector<16xi32>
        %add3A_129 = arith.addi %add3A_126, %add3A_128 : vector<16xi32>
        %mul3A_130 = arith.constant 0 : i32
        %mul3A_131 = vector.broadcast %mul3A_130 : i32 to vector<16xi32>
        %mul3A_132 = arith.muli %iota3A, %mul3A_131 : vector<16xi32>
        %add3A_133 = vector.broadcast %scan3A_30 : i32 to vector<16xi32>
        %add3A_134 = arith.addi %mul3A_132, %add3A_133 : vector<16xi32>
        %lt3A_135 = arith.cmpi slt, %add3A_129, %add3A_134 : vector<16xi32>
        %mul3A_136 = arith.constant 64 : i32
        %mul3A_137 = arith.muli %mul3A_92, %mul3A_136 : i32
        %add3A_138 = arith.constant 16 : i32
        %add3A_139 = arith.addi %mul3A_137, %add3A_138 : i32
        %get3A_140 = arith.index_cast %add3A_139 : i32 to index
        %get3A_141 = tpu.vector_load %arg9[%get3A_140] {strides = array<i32>} : memref<20480xi32, #tpu.memory_space<vmem>>, vector<16xi32>,
        %get3A_142 = vector.shape_cast %get3A_141 : vector<16xi32> to vector<16xi32>
        %shift_right_arithmetic3A_143 = arith.constant 14 : i32
        %shift_right_arithmetic3A_144 = vector.broadcast %shift_right_arithmetic3A_143 : i32 to vector<16xi32>
        %shift_right_arithmetic3A_145 = arith.shrsi %get3A_142, %shift_right_arithmetic3A_144 : vector<16xi32>
        %jit3A_146 = arith.constant 5100 : i32
        %broadcast_in_dim3A_147 = vector.broadcast %jit3A_146 : i32 to vector<16xi32>
        %select_n3A_148 = arith.select %lt3A_135, %shift_right_arithmetic3A_145, %broadcast_in_dim3A_147 : vector<16xi1>, vector<16xi32>
        %swap3A_149 = arith.constant 16 : index
        %swap3A_150 = tpu.vector_load %arg13[%swap3A_149] {strides = array<i32>} : memref<64xi32, #tpu.memory_space<vmem>>, vector<16xi32>,
        %swap3A_151 = vector.shape_cast %swap3A_150 : vector<16xi32> to vector<16xi32>
        %swap3A_152 = vector.shape_cast %select_n3A_148 : vector<16xi32> to vector<16xi32>
        tpu.vector_store %arg13[%swap3A_149], %swap3A_152 {strides = array<i32>} : memref<64xi32, #tpu.memory_space<vmem>>, vector<16xi32>,
        %mul3A_153 = arith.constant 64 : i32
        %mul3A_154 = arith.muli %mul3A_92, %mul3A_153 : i32
        %add3A_155 = vector.broadcast %mul3A_154 : i32 to vector<16xi32>
        %add3A_156 = arith.addi %iota3A, %add3A_155 : vector<16xi32>
        %add3A_157 = arith.constant 32 : i32
        %add3A_158 = vector.broadcast %add3A_157 : i32 to vector<16xi32>
        %add3A_159 = arith.addi %add3A_156, %add3A_158 : vector<16xi32>
        %mul3A_160 = arith.constant 0 : i32
        %mul3A_161 = vector.broadcast %mul3A_160 : i32 to vector<16xi32>
        %mul3A_162 = arith.muli %iota3A, %mul3A_161 : vector<16xi32>
        %add3A_163 = vector.broadcast %scan3A_30 : i32 to vector<16xi32>
        %add3A_164 = arith.addi %mul3A_162, %add3A_163 : vector<16xi32>
        %lt3A_165 = arith.cmpi slt, %add3A_159, %add3A_164 : vector<16xi32>
        %mul3A_166 = arith.constant 64 : i32
        %mul3A_167 = arith.muli %mul3A_92, %mul3A_166 : i32
        %add3A_168 = arith.constant 32 : i32
        %add3A_169 = arith.addi %mul3A_167, %add3A_168 : i32
        %get3A_170 = arith.index_cast %add3A_169 : i32 to index
        %get3A_171 = tpu.vector_load %arg9[%get3A_170] {strides = array<i32>} : memref<20480xi32, #tpu.memory_space<vmem>>, vector<16xi32>,
        %get3A_172 = vector.shape_cast %get3A_171 : vector<16xi32> to vector<16xi32>
        %shift_right_arithmetic3A_173 = arith.constant 14 : i32
        %shift_right_arithmetic3A_174 = vector.broadcast %shift_right_arithmetic3A_173 : i32 to vector<16xi32>
        %shift_right_arithmetic3A_175 = arith.shrsi %get3A_172, %shift_right_arithmetic3A_174 : vector<16xi32>
        %jit3A_176 = arith.constant 5100 : i32
        %broadcast_in_dim3A_177 = vector.broadcast %jit3A_176 : i32 to vector<16xi32>
        %select_n3A_178 = arith.select %lt3A_165, %shift_right_arithmetic3A_175, %broadcast_in_dim3A_177 : vector<16xi1>, vector<16xi32>
        %swap3A_179 = arith.constant 32 : index
        %swap3A_180 = tpu.vector_load %arg13[%swap3A_179] {strides = array<i32>} : memref<64xi32, #tpu.memory_space<vmem>>, vector<16xi32>,
        %swap3A_181 = vector.shape_cast %swap3A_180 : vector<16xi32> to vector<16xi32>
        %swap3A_182 = vector.shape_cast %select_n3A_178 : vector<16xi32> to vector<16xi32>
        tpu.vector_store %arg13[%swap3A_179], %swap3A_182 {strides = array<i32>} : memref<64xi32, #tpu.memory_space<vmem>>, vector<16xi32>,
        %mul3A_183 = arith.constant 64 : i32
        %mul3A_184 = arith.muli %mul3A_92, %mul3A_183 : i32
        %add3A_185 = vector.broadcast %mul3A_184 : i32 to vector<16xi32>
        %add3A_186 = arith.addi %iota3A, %add3A_185 : vector<16xi32>
        %add3A_187 = arith.constant 48 : i32
        %add3A_188 = vector.broadcast %add3A_187 : i32 to vector<16xi32>
        %add3A_189 = arith.addi %add3A_186, %add3A_188 : vector<16xi32>
        %mul3A_190 = arith.constant 0 : i32
        %mul3A_191 = vector.broadcast %mul3A_190 : i32 to vector<16xi32>
        %mul3A_192 = arith.muli %iota3A, %mul3A_191 : vector<16xi32>
        %add3A_193 = vector.broadcast %scan3A_30 : i32 to vector<16xi32>
        %add3A_194 = arith.addi %mul3A_192, %add3A_193 : vector<16xi32>
        %lt3A_195 = arith.cmpi slt, %add3A_189, %add3A_194 : vector<16xi32>
        %mul3A_196 = arith.constant 64 : i32
        %mul3A_197 = arith.muli %mul3A_92, %mul3A_196 : i32
        %add3A_198 = arith.constant 48 : i32
        %add3A_199 = arith.addi %mul3A_197, %add3A_198 : i32
        %get3A_200 = arith.index_cast %add3A_199 : i32 to index
        %get3A_201 = tpu.vector_load %arg9[%get3A_200] {strides = array<i32>} : memref<20480xi32, #tpu.memory_space<vmem>>, vector<16xi32>,
        %get3A_202 = vector.shape_cast %get3A_201 : vector<16xi32> to vector<16xi32>
        %shift_right_arithmetic3A_203 = arith.constant 14 : i32
        %shift_right_arithmetic3A_204 = vector.broadcast %shift_right_arithmetic3A_203 : i32 to vector<16xi32>
        %shift_right_arithmetic3A_205 = arith.shrsi %get3A_202, %shift_right_arithmetic3A_204 : vector<16xi32>
        %jit3A_206 = arith.constant 5100 : i32
        %broadcast_in_dim3A_207 = vector.broadcast %jit3A_206 : i32 to vector<16xi32>
        %select_n3A_208 = arith.select %lt3A_195, %shift_right_arithmetic3A_205, %broadcast_in_dim3A_207 : vector<16xi1>, vector<16xi32>
        %swap3A_209 = arith.constant 48 : index
        %swap3A_210 = tpu.vector_load %arg13[%swap3A_209] {strides = array<i32>} : memref<64xi32, #tpu.memory_space<vmem>>, vector<16xi32>,
        %swap3A_211 = vector.shape_cast %swap3A_210 : vector<16xi32> to vector<16xi32>
        %swap3A_212 = vector.shape_cast %select_n3A_208 : vector<16xi32> to vector<16xi32>
        tpu.vector_store %arg13[%swap3A_209], %swap3A_212 {strides = array<i32>} : memref<64xi32, #tpu.memory_space<vmem>>, vector<16xi32>,
        "tpu.region"() ({
          %run_scoped3A = tpu.sem_alloc : memref<!tpu.dma_semaphore, #tpu.memory_space<semaphore_mem>>
          %dma_start3A = arith.constant 0 : i32
          %dma_start3A_218 = arith.constant 0 : i32
          %dma_start3A_219 = tpu.memref_slice %arg16[%dma_start3A, %dma_start3A_218] : memref<5120x128xf32, #tpu.memory_space<vmem_shared>> -> memref<5120x128xf32, #tpu.memory_space<vmem_shared>>
          tpu.enqueue_indirect_dma source(%arg10 : memref<64x128xf32, #tpu.memory_space<vmem>>) target(%dma_start3A_219 : memref<5120x128xf32, #tpu.memory_space<vmem_shared>>) offsets(%arg13 : memref<64xi32, #tpu.memory_space<vmem>>) semaphore(%run_scoped3A : memref<!tpu.dma_semaphore, #tpu.memory_space<semaphore_mem>>) {add = true}
          %dma_wait3A = arith.constant 0 : i32
          %dma_wait3A_220 = arith.constant 0 : i32
          %dma_wait3A_221 = tpu.memref_slice %arg16[%dma_wait3A, %dma_wait3A_220] : memref<5120x128xf32, #tpu.memory_space<vmem_shared>> -> memref<5120x128xf32, #tpu.memory_space<vmem_shared>>
          tpu.wait_indirect_dma semaphore(%run_scoped3A : memref<!tpu.dma_semaphore, #tpu.memory_space<semaphore_mem>>) src(%arg10 : memref<64x128xf32, #tpu.memory_space<vmem>>) dst(%dma_wait3A_221 : memref<5120x128xf32, #tpu.memory_space<vmem_shared>>)
          tpu.yield
        }) : () -> ()
        %lt3A_213 = arith.cmpi slt, %add3A_94, %shift_right_arithmetic3A_35 : i32
        %convert_element_type3A_214 = arith.extui %lt3A_213 : i1 to i32
        %cond3A_215 = arith.constant 0 : i32
        %cond3A_216 = arith.cmpi ne, %convert_element_type3A_214, %cond3A_215 : i32
        scf.if %cond3A_216 {
          %dma_wait3A = arith.constant 0 : i32
          %dma_wait3A_218 = arith.constant 0 : i32
          %dma_wait3A_219 = tpu.memref_slice %arg3[%dma_wait3A, %dma_wait3A_218] : memref<10000x128xf32, #tpu.memory_space<hbm>> -> memref<10000x128xf32, #tpu.memory_space<hbm>>
          tpu.wait_indirect_dma semaphore(%arg18 : memref<!tpu.dma_semaphore, #tpu.memory_space<semaphore_mem>>) src(%dma_wait3A_219 : memref<10000x128xf32, #tpu.memory_space<hbm>>) dst(%arg11 : memref<64x128xf32, #tpu.memory_space<vmem>>)
          %add3A_220 = arith.constant 1 : i32
          %add3A_221 = arith.addi %add3A_94, %add3A_220 : i32
          %lt3A_222 = arith.cmpi slt, %add3A_221, %shift_right_arithmetic3A_35 : i32
          %convert_element_type3A_223 = arith.extui %lt3A_222 : i1 to i32
          %cond3A_224 = arith.constant 0 : i32
          %cond3A_225 = arith.cmpi ne, %convert_element_type3A_223, %cond3A_224 : i32
          scf.if %cond3A_225 {
            %add3A_352 = arith.constant 1 : i32
            %add3A_353 = arith.addi %add3A_94, %add3A_352 : i32
            %mul3A_354 = arith.constant 64 : i32
            %mul3A_355 = arith.muli %add3A_353, %mul3A_354 : i32
            %add3A_356 = vector.broadcast %mul3A_355 : i32 to vector<16xi32>
            %add3A_357 = arith.addi %iota3A, %add3A_356 : vector<16xi32>
            %add3A_358 = arith.constant 0 : i32
            %add3A_359 = vector.broadcast %add3A_358 : i32 to vector<16xi32>
            %add3A_360 = arith.addi %add3A_357, %add3A_359 : vector<16xi32>
            %mul3A_361 = arith.constant 0 : i32
            %mul3A_362 = vector.broadcast %mul3A_361 : i32 to vector<16xi32>
            %mul3A_363 = arith.muli %iota3A, %mul3A_362 : vector<16xi32>
            %add3A_364 = vector.broadcast %scan3A_30 : i32 to vector<16xi32>
            %add3A_365 = arith.addi %mul3A_363, %add3A_364 : vector<16xi32>
            %lt3A_366 = arith.cmpi slt, %add3A_360, %add3A_365 : vector<16xi32>
            %mul3A_367 = arith.constant 64 : i32
            %mul3A_368 = arith.muli %add3A_353, %mul3A_367 : i32
            %add3A_369 = arith.constant 0 : i32
            %add3A_370 = arith.addi %mul3A_368, %add3A_369 : i32
            %get3A_371 = arith.index_cast %add3A_370 : i32 to index
            %get3A_372 = tpu.vector_load %arg9[%get3A_371] {strides = array<i32>} : memref<20480xi32, #tpu.memory_space<vmem>>, vector<16xi32>,
            %get3A_373 = vector.shape_cast %get3A_372 : vector<16xi32> to vector<16xi32>
            %and3A = arith.constant 16383 : i32
            %and3A_374 = vector.broadcast %and3A : i32 to vector<16xi32>
            %and3A_375 = arith.andi %get3A_373, %and3A_374 : vector<16xi32>
            %jit3A_376 = arith.constant 0 : i32
            %broadcast_in_dim3A_377 = vector.broadcast %jit3A_376 : i32 to vector<16xi32>
            %select_n3A_378 = arith.select %lt3A_366, %and3A_375, %broadcast_in_dim3A_377 : vector<16xi1>, vector<16xi32>
            %swap3A_379 = arith.constant 0 : index
            %swap3A_380 = tpu.vector_load %arg14[%swap3A_379] {strides = array<i32>} : memref<64xi32, #tpu.memory_space<vmem>>, vector<16xi32>,
            %swap3A_381 = vector.shape_cast %swap3A_380 : vector<16xi32> to vector<16xi32>
            %swap3A_382 = vector.shape_cast %select_n3A_378 : vector<16xi32> to vector<16xi32>
            tpu.vector_store %arg14[%swap3A_379], %swap3A_382 {strides = array<i32>} : memref<64xi32, #tpu.memory_space<vmem>>, vector<16xi32>,
            %mul3A_383 = arith.constant 64 : i32
            %mul3A_384 = arith.muli %add3A_353, %mul3A_383 : i32
            %add3A_385 = vector.broadcast %mul3A_384 : i32 to vector<16xi32>
            %add3A_386 = arith.addi %iota3A, %add3A_385 : vector<16xi32>
            %add3A_387 = arith.constant 16 : i32
            %add3A_388 = vector.broadcast %add3A_387 : i32 to vector<16xi32>
            %add3A_389 = arith.addi %add3A_386, %add3A_388 : vector<16xi32>
            %mul3A_390 = arith.constant 0 : i32
            %mul3A_391 = vector.broadcast %mul3A_390 : i32 to vector<16xi32>
            %mul3A_392 = arith.muli %iota3A, %mul3A_391 : vector<16xi32>
            %add3A_393 = vector.broadcast %scan3A_30 : i32 to vector<16xi32>
            %add3A_394 = arith.addi %mul3A_392, %add3A_393 : vector<16xi32>
            %lt3A_395 = arith.cmpi slt, %add3A_389, %add3A_394 : vector<16xi32>
            %mul3A_396 = arith.constant 64 : i32
            %mul3A_397 = arith.muli %add3A_353, %mul3A_396 : i32
            %add3A_398 = arith.constant 16 : i32
            %add3A_399 = arith.addi %mul3A_397, %add3A_398 : i32
            %get3A_400 = arith.index_cast %add3A_399 : i32 to index
            %get3A_401 = tpu.vector_load %arg9[%get3A_400] {strides = array<i32>} : memref<20480xi32, #tpu.memory_space<vmem>>, vector<16xi32>,
            %get3A_402 = vector.shape_cast %get3A_401 : vector<16xi32> to vector<16xi32>
            %and3A_403 = arith.constant 16383 : i32
            %and3A_404 = vector.broadcast %and3A_403 : i32 to vector<16xi32>
            %and3A_405 = arith.andi %get3A_402, %and3A_404 : vector<16xi32>
            %jit3A_406 = arith.constant 0 : i32
            %broadcast_in_dim3A_407 = vector.broadcast %jit3A_406 : i32 to vector<16xi32>
            %select_n3A_408 = arith.select %lt3A_395, %and3A_405, %broadcast_in_dim3A_407 : vector<16xi1>, vector<16xi32>
            %swap3A_409 = arith.constant 16 : index
            %swap3A_410 = tpu.vector_load %arg14[%swap3A_409] {strides = array<i32>} : memref<64xi32, #tpu.memory_space<vmem>>, vector<16xi32>,
            %swap3A_411 = vector.shape_cast %swap3A_410 : vector<16xi32> to vector<16xi32>
            %swap3A_412 = vector.shape_cast %select_n3A_408 : vector<16xi32> to vector<16xi32>
            tpu.vector_store %arg14[%swap3A_409], %swap3A_412 {strides = array<i32>} : memref<64xi32, #tpu.memory_space<vmem>>, vector<16xi32>,
            %mul3A_413 = arith.constant 64 : i32
            %mul3A_414 = arith.muli %add3A_353, %mul3A_413 : i32
            %add3A_415 = vector.broadcast %mul3A_414 : i32 to vector<16xi32>
            %add3A_416 = arith.addi %iota3A, %add3A_415 : vector<16xi32>
            %add3A_417 = arith.constant 32 : i32
            %add3A_418 = vector.broadcast %add3A_417 : i32 to vector<16xi32>
            %add3A_419 = arith.addi %add3A_416, %add3A_418 : vector<16xi32>
            %mul3A_420 = arith.constant 0 : i32
            %mul3A_421 = vector.broadcast %mul3A_420 : i32 to vector<16xi32>
            %mul3A_422 = arith.muli %iota3A, %mul3A_421 : vector<16xi32>
            %add3A_423 = vector.broadcast %scan3A_30 : i32 to vector<16xi32>
            %add3A_424 = arith.addi %mul3A_422, %add3A_423 : vector<16xi32>
            %lt3A_425 = arith.cmpi slt, %add3A_419, %add3A_424 : vector<16xi32>
            %mul3A_426 = arith.constant 64 : i32
            %mul3A_427 = arith.muli %add3A_353, %mul3A_426 : i32
            %add3A_428 = arith.constant 32 : i32
            %add3A_429 = arith.addi %mul3A_427, %add3A_428 : i32
            %get3A_430 = arith.index_cast %add3A_429 : i32 to index
            %get3A_431 = tpu.vector_load %arg9[%get3A_430] {strides = array<i32>} : memref<20480xi32, #tpu.memory_space<vmem>>, vector<16xi32>,
            %get3A_432 = vector.shape_cast %get3A_431 : vector<16xi32> to vector<16xi32>
            %and3A_433 = arith.constant 16383 : i32
            %and3A_434 = vector.broadcast %and3A_433 : i32 to vector<16xi32>
            %and3A_435 = arith.andi %get3A_432, %and3A_434 : vector<16xi32>
            %jit3A_436 = arith.constant 0 : i32
            %broadcast_in_dim3A_437 = vector.broadcast %jit3A_436 : i32 to vector<16xi32>
            %select_n3A_438 = arith.select %lt3A_425, %and3A_435, %broadcast_in_dim3A_437 : vector<16xi1>, vector<16xi32>
            %swap3A_439 = arith.constant 32 : index
            %swap3A_440 = tpu.vector_load %arg14[%swap3A_439] {strides = array<i32>} : memref<64xi32, #tpu.memory_space<vmem>>, vector<16xi32>,
            %swap3A_441 = vector.shape_cast %swap3A_440 : vector<16xi32> to vector<16xi32>
            %swap3A_442 = vector.shape_cast %select_n3A_438 : vector<16xi32> to vector<16xi32>
            tpu.vector_store %arg14[%swap3A_439], %swap3A_442 {strides = array<i32>} : memref<64xi32, #tpu.memory_space<vmem>>, vector<16xi32>,
            %mul3A_443 = arith.constant 64 : i32
            %mul3A_444 = arith.muli %add3A_353, %mul3A_443 : i32
            %add3A_445 = vector.broadcast %mul3A_444 : i32 to vector<16xi32>
            %add3A_446 = arith.addi %iota3A, %add3A_445 : vector<16xi32>
            %add3A_447 = arith.constant 48 : i32
            %add3A_448 = vector.broadcast %add3A_447 : i32 to vector<16xi32>
            %add3A_449 = arith.addi %add3A_446, %add3A_448 : vector<16xi32>
            %mul3A_450 = arith.constant 0 : i32
            %mul3A_451 = vector.broadcast %mul3A_450 : i32 to vector<16xi32>
            %mul3A_452 = arith.muli %iota3A, %mul3A_451 : vector<16xi32>
            %add3A_453 = vector.broadcast %scan3A_30 : i32 to vector<16xi32>
            %add3A_454 = arith.addi %mul3A_452, %add3A_453 : vector<16xi32>
            %lt3A_455 = arith.cmpi slt, %add3A_449, %add3A_454 : vector<16xi32>
            %mul3A_456 = arith.constant 64 : i32
            %mul3A_457 = arith.muli %add3A_353, %mul3A_456 : i32
            %add3A_458 = arith.constant 48 : i32
            %add3A_459 = arith.addi %mul3A_457, %add3A_458 : i32
            %get3A_460 = arith.index_cast %add3A_459 : i32 to index
            %get3A_461 = tpu.vector_load %arg9[%get3A_460] {strides = array<i32>} : memref<20480xi32, #tpu.memory_space<vmem>>, vector<16xi32>,
            %get3A_462 = vector.shape_cast %get3A_461 : vector<16xi32> to vector<16xi32>
            %and3A_463 = arith.constant 16383 : i32
            %and3A_464 = vector.broadcast %and3A_463 : i32 to vector<16xi32>
            %and3A_465 = arith.andi %get3A_462, %and3A_464 : vector<16xi32>
            %jit3A_466 = arith.constant 0 : i32
            %broadcast_in_dim3A_467 = vector.broadcast %jit3A_466 : i32 to vector<16xi32>
            %select_n3A_468 = arith.select %lt3A_455, %and3A_465, %broadcast_in_dim3A_467 : vector<16xi1>, vector<16xi32>
            %swap3A_469 = arith.constant 48 : index
            %swap3A_470 = tpu.vector_load %arg14[%swap3A_469] {strides = array<i32>} : memref<64xi32, #tpu.memory_space<vmem>>, vector<16xi32>,
            %swap3A_471 = vector.shape_cast %swap3A_470 : vector<16xi32> to vector<16xi32>
            %swap3A_472 = vector.shape_cast %select_n3A_468 : vector<16xi32> to vector<16xi32>
            tpu.vector_store %arg14[%swap3A_469], %swap3A_472 {strides = array<i32>} : memref<64xi32, #tpu.memory_space<vmem>>, vector<16xi32>,
            %dma_start3A = arith.constant 0 : i32
            %dma_start3A_473 = arith.constant 0 : i32
            %dma_start3A_474 = tpu.memref_slice %arg3[%dma_start3A, %dma_start3A_473] : memref<10000x128xf32, #tpu.memory_space<hbm>> -> memref<10000x128xf32, #tpu.memory_space<hbm>>
            tpu.enqueue_indirect_dma source(%dma_start3A_474 : memref<10000x128xf32, #tpu.memory_space<hbm>>) target(%arg10 : memref<64x128xf32, #tpu.memory_space<vmem>>) offsets(%arg14 : memref<64xi32, #tpu.memory_space<vmem>>) semaphore(%arg17 : memref<!tpu.dma_semaphore, #tpu.memory_space<semaphore_mem>>)
          } else {
          }
          %mul3A_226 = arith.constant 64 : i32
          %mul3A_227 = arith.muli %add3A_94, %mul3A_226 : i32
          %add3A_228 = vector.broadcast %mul3A_227 : i32 to vector<16xi32>
          %add3A_229 = arith.addi %iota3A, %add3A_228 : vector<16xi32>
          %add3A_230 = arith.constant 0 : i32
          %add3A_231 = vector.broadcast %add3A_230 : i32 to vector<16xi32>
          %add3A_232 = arith.addi %add3A_229, %add3A_231 : vector<16xi32>
          %mul3A_233 = arith.constant 0 : i32
          %mul3A_234 = vector.broadcast %mul3A_233 : i32 to vector<16xi32>
          %mul3A_235 = arith.muli %iota3A, %mul3A_234 : vector<16xi32>
          %add3A_236 = vector.broadcast %scan3A_30 : i32 to vector<16xi32>
          %add3A_237 = arith.addi %mul3A_235, %add3A_236 : vector<16xi32>
          %lt3A_238 = arith.cmpi slt, %add3A_232, %add3A_237 : vector<16xi32>
          %mul3A_239 = arith.constant 64 : i32
          %mul3A_240 = arith.muli %add3A_94, %mul3A_239 : i32
          %add3A_241 = arith.constant 0 : i32
          %add3A_242 = arith.addi %mul3A_240, %add3A_241 : i32
          %get3A_243 = arith.index_cast %add3A_242 : i32 to index
          %get3A_244 = tpu.vector_load %arg9[%get3A_243] {strides = array<i32>} : memref<20480xi32, #tpu.memory_space<vmem>>, vector<16xi32>,
          %get3A_245 = vector.shape_cast %get3A_244 : vector<16xi32> to vector<16xi32>
          %shift_right_arithmetic3A_246 = arith.constant 14 : i32
          %shift_right_arithmetic3A_247 = vector.broadcast %shift_right_arithmetic3A_246 : i32 to vector<16xi32>
          %shift_right_arithmetic3A_248 = arith.shrsi %get3A_245, %shift_right_arithmetic3A_247 : vector<16xi32>
          %jit3A_249 = arith.constant 5100 : i32
          %broadcast_in_dim3A_250 = vector.broadcast %jit3A_249 : i32 to vector<16xi32>
          %select_n3A_251 = arith.select %lt3A_238, %shift_right_arithmetic3A_248, %broadcast_in_dim3A_250 : vector<16xi1>, vector<16xi32>
          %swap3A_252 = arith.constant 0 : index
          %swap3A_253 = tpu.vector_load %arg13[%swap3A_252] {strides = array<i32>} : memref<64xi32, #tpu.memory_space<vmem>>, vector<16xi32>,
          %swap3A_254 = vector.shape_cast %swap3A_253 : vector<16xi32> to vector<16xi32>
          %swap3A_255 = vector.shape_cast %select_n3A_251 : vector<16xi32> to vector<16xi32>
          tpu.vector_store %arg13[%swap3A_252], %swap3A_255 {strides = array<i32>} : memref<64xi32, #tpu.memory_space<vmem>>, vector<16xi32>,
          %mul3A_256 = arith.constant 64 : i32
          %mul3A_257 = arith.muli %add3A_94, %mul3A_256 : i32
          %add3A_258 = vector.broadcast %mul3A_257 : i32 to vector<16xi32>
          %add3A_259 = arith.addi %iota3A, %add3A_258 : vector<16xi32>
          %add3A_260 = arith.constant 16 : i32
          %add3A_261 = vector.broadcast %add3A_260 : i32 to vector<16xi32>
          %add3A_262 = arith.addi %add3A_259, %add3A_261 : vector<16xi32>
          %mul3A_263 = arith.constant 0 : i32
          %mul3A_264 = vector.broadcast %mul3A_263 : i32 to vector<16xi32>
          %mul3A_265 = arith.muli %iota3A, %mul3A_264 : vector<16xi32>
          %add3A_266 = vector.broadcast %scan3A_30 : i32 to vector<16xi32>
          %add3A_267 = arith.addi %mul3A_265, %add3A_266 : vector<16xi32>
          %lt3A_268 = arith.cmpi slt, %add3A_262, %add3A_267 : vector<16xi32>
          %mul3A_269 = arith.constant 64 : i32
          %mul3A_270 = arith.muli %add3A_94, %mul3A_269 : i32
          %add3A_271 = arith.constant 16 : i32
          %add3A_272 = arith.addi %mul3A_270, %add3A_271 : i32
          %get3A_273 = arith.index_cast %add3A_272 : i32 to index
          %get3A_274 = tpu.vector_load %arg9[%get3A_273] {strides = array<i32>} : memref<20480xi32, #tpu.memory_space<vmem>>, vector<16xi32>,
          %get3A_275 = vector.shape_cast %get3A_274 : vector<16xi32> to vector<16xi32>
          %shift_right_arithmetic3A_276 = arith.constant 14 : i32
          %shift_right_arithmetic3A_277 = vector.broadcast %shift_right_arithmetic3A_276 : i32 to vector<16xi32>
          %shift_right_arithmetic3A_278 = arith.shrsi %get3A_275, %shift_right_arithmetic3A_277 : vector<16xi32>
          %jit3A_279 = arith.constant 5100 : i32
          %broadcast_in_dim3A_280 = vector.broadcast %jit3A_279 : i32 to vector<16xi32>
          %select_n3A_281 = arith.select %lt3A_268, %shift_right_arithmetic3A_278, %broadcast_in_dim3A_280 : vector<16xi1>, vector<16xi32>
          %swap3A_282 = arith.constant 16 : index
          %swap3A_283 = tpu.vector_load %arg13[%swap3A_282] {strides = array<i32>} : memref<64xi32, #tpu.memory_space<vmem>>, vector<16xi32>,
          %swap3A_284 = vector.shape_cast %swap3A_283 : vector<16xi32> to vector<16xi32>
          %swap3A_285 = vector.shape_cast %select_n3A_281 : vector<16xi32> to vector<16xi32>
          tpu.vector_store %arg13[%swap3A_282], %swap3A_285 {strides = array<i32>} : memref<64xi32, #tpu.memory_space<vmem>>, vector<16xi32>,
          %mul3A_286 = arith.constant 64 : i32
          %mul3A_287 = arith.muli %add3A_94, %mul3A_286 : i32
          %add3A_288 = vector.broadcast %mul3A_287 : i32 to vector<16xi32>
          %add3A_289 = arith.addi %iota3A, %add3A_288 : vector<16xi32>
          %add3A_290 = arith.constant 32 : i32
          %add3A_291 = vector.broadcast %add3A_290 : i32 to vector<16xi32>
          %add3A_292 = arith.addi %add3A_289, %add3A_291 : vector<16xi32>
          %mul3A_293 = arith.constant 0 : i32
          %mul3A_294 = vector.broadcast %mul3A_293 : i32 to vector<16xi32>
          %mul3A_295 = arith.muli %iota3A, %mul3A_294 : vector<16xi32>
          %add3A_296 = vector.broadcast %scan3A_30 : i32 to vector<16xi32>
          %add3A_297 = arith.addi %mul3A_295, %add3A_296 : vector<16xi32>
          %lt3A_298 = arith.cmpi slt, %add3A_292, %add3A_297 : vector<16xi32>
          %mul3A_299 = arith.constant 64 : i32
          %mul3A_300 = arith.muli %add3A_94, %mul3A_299 : i32
          %add3A_301 = arith.constant 32 : i32
          %add3A_302 = arith.addi %mul3A_300, %add3A_301 : i32
          %get3A_303 = arith.index_cast %add3A_302 : i32 to index
          %get3A_304 = tpu.vector_load %arg9[%get3A_303] {strides = array<i32>} : memref<20480xi32, #tpu.memory_space<vmem>>, vector<16xi32>,
          %get3A_305 = vector.shape_cast %get3A_304 : vector<16xi32> to vector<16xi32>
          %shift_right_arithmetic3A_306 = arith.constant 14 : i32
          %shift_right_arithmetic3A_307 = vector.broadcast %shift_right_arithmetic3A_306 : i32 to vector<16xi32>
          %shift_right_arithmetic3A_308 = arith.shrsi %get3A_305, %shift_right_arithmetic3A_307 : vector<16xi32>
          %jit3A_309 = arith.constant 5100 : i32
          %broadcast_in_dim3A_310 = vector.broadcast %jit3A_309 : i32 to vector<16xi32>
          %select_n3A_311 = arith.select %lt3A_298, %shift_right_arithmetic3A_308, %broadcast_in_dim3A_310 : vector<16xi1>, vector<16xi32>
          %swap3A_312 = arith.constant 32 : index
          %swap3A_313 = tpu.vector_load %arg13[%swap3A_312] {strides = array<i32>} : memref<64xi32, #tpu.memory_space<vmem>>, vector<16xi32>,
          %swap3A_314 = vector.shape_cast %swap3A_313 : vector<16xi32> to vector<16xi32>
          %swap3A_315 = vector.shape_cast %select_n3A_311 : vector<16xi32> to vector<16xi32>
          tpu.vector_store %arg13[%swap3A_312], %swap3A_315 {strides = array<i32>} : memref<64xi32, #tpu.memory_space<vmem>>, vector<16xi32>,
          %mul3A_316 = arith.constant 64 : i32
          %mul3A_317 = arith.muli %add3A_94, %mul3A_316 : i32
          %add3A_318 = vector.broadcast %mul3A_317 : i32 to vector<16xi32>
          %add3A_319 = arith.addi %iota3A, %add3A_318 : vector<16xi32>
          %add3A_320 = arith.constant 48 : i32
          %add3A_321 = vector.broadcast %add3A_320 : i32 to vector<16xi32>
          %add3A_322 = arith.addi %add3A_319, %add3A_321 : vector<16xi32>
          %mul3A_323 = arith.constant 0 : i32
          %mul3A_324 = vector.broadcast %mul3A_323 : i32 to vector<16xi32>
          %mul3A_325 = arith.muli %iota3A, %mul3A_324 : vector<16xi32>
          %add3A_326 = vector.broadcast %scan3A_30 : i32 to vector<16xi32>
          %add3A_327 = arith.addi %mul3A_325, %add3A_326 : vector<16xi32>
          %lt3A_328 = arith.cmpi slt, %add3A_322, %add3A_327 : vector<16xi32>
          %mul3A_329 = arith.constant 64 : i32
          %mul3A_330 = arith.muli %add3A_94, %mul3A_329 : i32
          %add3A_331 = arith.constant 48 : i32
          %add3A_332 = arith.addi %mul3A_330, %add3A_331 : i32
          %get3A_333 = arith.index_cast %add3A_332 : i32 to index
          %get3A_334 = tpu.vector_load %arg9[%get3A_333] {strides = array<i32>} : memref<20480xi32, #tpu.memory_space<vmem>>, vector<16xi32>,
          %get3A_335 = vector.shape_cast %get3A_334 : vector<16xi32> to vector<16xi32>
          %shift_right_arithmetic3A_336 = arith.constant 14 : i32
          %shift_right_arithmetic3A_337 = vector.broadcast %shift_right_arithmetic3A_336 : i32 to vector<16xi32>
          %shift_right_arithmetic3A_338 = arith.shrsi %get3A_335, %shift_right_arithmetic3A_337 : vector<16xi32>
          %jit3A_339 = arith.constant 5100 : i32
          %broadcast_in_dim3A_340 = vector.broadcast %jit3A_339 : i32 to vector<16xi32>
          %select_n3A_341 = arith.select %lt3A_328, %shift_right_arithmetic3A_338, %broadcast_in_dim3A_340 : vector<16xi1>, vector<16xi32>
          %swap3A_342 = arith.constant 48 : index
          %swap3A_343 = tpu.vector_load %arg13[%swap3A_342] {strides = array<i32>} : memref<64xi32, #tpu.memory_space<vmem>>, vector<16xi32>,
          %swap3A_344 = vector.shape_cast %swap3A_343 : vector<16xi32> to vector<16xi32>
          %swap3A_345 = vector.shape_cast %select_n3A_341 : vector<16xi32> to vector<16xi32>
          tpu.vector_store %arg13[%swap3A_342], %swap3A_345 {strides = array<i32>} : memref<64xi32, #tpu.memory_space<vmem>>, vector<16xi32>,
          "tpu.region"() ({
            %run_scoped3A = tpu.sem_alloc : memref<!tpu.dma_semaphore, #tpu.memory_space<semaphore_mem>>
            %dma_start3A = arith.constant 0 : i32
            %dma_start3A_352 = arith.constant 0 : i32
            %dma_start3A_353 = tpu.memref_slice %arg16[%dma_start3A, %dma_start3A_352] : memref<5120x128xf32, #tpu.memory_space<vmem_shared>> -> memref<5120x128xf32, #tpu.memory_space<vmem_shared>>
            tpu.enqueue_indirect_dma source(%arg11 : memref<64x128xf32, #tpu.memory_space<vmem>>) target(%dma_start3A_353 : memref<5120x128xf32, #tpu.memory_space<vmem_shared>>) offsets(%arg13 : memref<64xi32, #tpu.memory_space<vmem>>) semaphore(%run_scoped3A : memref<!tpu.dma_semaphore, #tpu.memory_space<semaphore_mem>>) {add = true}
            %dma_wait3A_354 = arith.constant 0 : i32
            %dma_wait3A_355 = arith.constant 0 : i32
            %dma_wait3A_356 = tpu.memref_slice %arg16[%dma_wait3A_354, %dma_wait3A_355] : memref<5120x128xf32, #tpu.memory_space<vmem_shared>> -> memref<5120x128xf32, #tpu.memory_space<vmem_shared>>
            tpu.wait_indirect_dma semaphore(%run_scoped3A : memref<!tpu.dma_semaphore, #tpu.memory_space<semaphore_mem>>) src(%arg11 : memref<64x128xf32, #tpu.memory_space<vmem>>) dst(%dma_wait3A_356 : memref<5120x128xf32, #tpu.memory_space<vmem_shared>>)
            tpu.yield
          }) : () -> ()
          %add3A_346 = arith.constant 1 : i32
          %add3A_347 = arith.addi %add3A_94, %add3A_346 : i32
          %lt3A_348 = arith.cmpi slt, %add3A_347, %shift_right_arithmetic3A_35 : i32
          %convert_element_type3A_349 = arith.extui %lt3A_348 : i1 to i32
          %cond3A_350 = arith.constant 0 : i32
          %cond3A_351 = arith.cmpi ne, %convert_element_type3A_349, %cond3A_350 : i32
          scf.if %cond3A_351 {
            %dma_wait3A_352 = arith.constant 0 : i32
            %dma_wait3A_353 = arith.constant 0 : i32
            %dma_wait3A_354 = tpu.memref_slice %arg3[%dma_wait3A_352, %dma_wait3A_353] : memref<10000x128xf32, #tpu.memory_space<hbm>> -> memref<10000x128xf32, #tpu.memory_space<hbm>>
            tpu.wait_indirect_dma semaphore(%arg17 : memref<!tpu.dma_semaphore, #tpu.memory_space<semaphore_mem>>) src(%dma_wait3A_354 : memref<10000x128xf32, #tpu.memory_space<hbm>>) dst(%arg10 : memref<64x128xf32, #tpu.memory_space<vmem>>)
          } else {
          }
        } else {
        }
        %while3A_217 = arith.constant 0 : i32
        scf.yield %while3A_217 : i32
      }
      %while3A_51 = arith.constant 1 : i32
      %while3A_52 = scf.for %while3A_89 = %while3A_48 to %while3A_44 step %while3A_51 iter_args(%while3A_90 = %while3A_50) -> (i32)  : i32 {
        %mul3A_91 = arith.constant 2 : i32
        %mul3A_92 = arith.muli %mul3A_91, %while3A_89 : i32
        %add3A_93 = arith.constant 1 : i32
        %add3A_94 = arith.addi %mul3A_92, %add3A_93 : i32
        %lt3A = arith.cmpi slt, %add3A_94, %shift_right_arithmetic3A_35 : i32
        %convert_element_type3A_95 = arith.extui %lt3A : i1 to i32
        %cond3A_96 = arith.constant 0 : i32
        %cond3A_97 = arith.cmpi ne, %convert_element_type3A_95, %cond3A_96 : i32
        scf.if %cond3A_97 {
          %mul3A_218 = arith.constant 64 : i32
          %mul3A_219 = arith.muli %add3A_94, %mul3A_218 : i32
          %add3A_220 = vector.broadcast %mul3A_219 : i32 to vector<16xi32>
          %add3A_221 = arith.addi %iota3A, %add3A_220 : vector<16xi32>
          %add3A_222 = arith.constant 0 : i32
          %add3A_223 = vector.broadcast %add3A_222 : i32 to vector<16xi32>
          %add3A_224 = arith.addi %add3A_221, %add3A_223 : vector<16xi32>
          %mul3A_225 = arith.constant 0 : i32
          %mul3A_226 = vector.broadcast %mul3A_225 : i32 to vector<16xi32>
          %mul3A_227 = arith.muli %iota3A, %mul3A_226 : vector<16xi32>
          %add3A_228 = vector.broadcast %scan3A_30 : i32 to vector<16xi32>
          %add3A_229 = arith.addi %mul3A_227, %add3A_228 : vector<16xi32>
          %lt3A_230 = arith.cmpi slt, %add3A_224, %add3A_229 : vector<16xi32>
          %mul3A_231 = arith.constant 64 : i32
          %mul3A_232 = arith.muli %add3A_94, %mul3A_231 : i32
          %add3A_233 = arith.constant 0 : i32
          %add3A_234 = arith.addi %mul3A_232, %add3A_233 : i32
          %get3A_235 = arith.index_cast %add3A_234 : i32 to index
          %get3A_236 = tpu.vector_load %arg9[%get3A_235] {strides = array<i32>} : memref<20480xi32, #tpu.memory_space<vmem>>, vector<16xi32>,
          %get3A_237 = vector.shape_cast %get3A_236 : vector<16xi32> to vector<16xi32>
          %and3A = arith.constant 16383 : i32
          %and3A_238 = vector.broadcast %and3A : i32 to vector<16xi32>
          %and3A_239 = arith.andi %get3A_237, %and3A_238 : vector<16xi32>
          %jit3A_240 = arith.constant 0 : i32
          %broadcast_in_dim3A_241 = vector.broadcast %jit3A_240 : i32 to vector<16xi32>
          %select_n3A_242 = arith.select %lt3A_230, %and3A_239, %broadcast_in_dim3A_241 : vector<16xi1>, vector<16xi32>
          %swap3A_243 = arith.constant 0 : index
          %swap3A_244 = tpu.vector_load %arg15[%swap3A_243] {strides = array<i32>} : memref<64xi32, #tpu.memory_space<vmem>>, vector<16xi32>,
          %swap3A_245 = vector.shape_cast %swap3A_244 : vector<16xi32> to vector<16xi32>
          %swap3A_246 = vector.shape_cast %select_n3A_242 : vector<16xi32> to vector<16xi32>
          tpu.vector_store %arg15[%swap3A_243], %swap3A_246 {strides = array<i32>} : memref<64xi32, #tpu.memory_space<vmem>>, vector<16xi32>,
          %mul3A_247 = arith.constant 64 : i32
          %mul3A_248 = arith.muli %add3A_94, %mul3A_247 : i32
          %add3A_249 = vector.broadcast %mul3A_248 : i32 to vector<16xi32>
          %add3A_250 = arith.addi %iota3A, %add3A_249 : vector<16xi32>
          %add3A_251 = arith.constant 16 : i32
          %add3A_252 = vector.broadcast %add3A_251 : i32 to vector<16xi32>
          %add3A_253 = arith.addi %add3A_250, %add3A_252 : vector<16xi32>
          %mul3A_254 = arith.constant 0 : i32
          %mul3A_255 = vector.broadcast %mul3A_254 : i32 to vector<16xi32>
          %mul3A_256 = arith.muli %iota3A, %mul3A_255 : vector<16xi32>
          %add3A_257 = vector.broadcast %scan3A_30 : i32 to vector<16xi32>
          %add3A_258 = arith.addi %mul3A_256, %add3A_257 : vector<16xi32>
          %lt3A_259 = arith.cmpi slt, %add3A_253, %add3A_258 : vector<16xi32>
          %mul3A_260 = arith.constant 64 : i32
          %mul3A_261 = arith.muli %add3A_94, %mul3A_260 : i32
          %add3A_262 = arith.constant 16 : i32
          %add3A_263 = arith.addi %mul3A_261, %add3A_262 : i32
          %get3A_264 = arith.index_cast %add3A_263 : i32 to index
          %get3A_265 = tpu.vector_load %arg9[%get3A_264] {strides = array<i32>} : memref<20480xi32, #tpu.memory_space<vmem>>, vector<16xi32>,
          %get3A_266 = vector.shape_cast %get3A_265 : vector<16xi32> to vector<16xi32>
          %and3A_267 = arith.constant 16383 : i32
          %and3A_268 = vector.broadcast %and3A_267 : i32 to vector<16xi32>
          %and3A_269 = arith.andi %get3A_266, %and3A_268 : vector<16xi32>
          %jit3A_270 = arith.constant 0 : i32
          %broadcast_in_dim3A_271 = vector.broadcast %jit3A_270 : i32 to vector<16xi32>
          %select_n3A_272 = arith.select %lt3A_259, %and3A_269, %broadcast_in_dim3A_271 : vector<16xi1>, vector<16xi32>
          %swap3A_273 = arith.constant 16 : index
          %swap3A_274 = tpu.vector_load %arg15[%swap3A_273] {strides = array<i32>} : memref<64xi32, #tpu.memory_space<vmem>>, vector<16xi32>,
          %swap3A_275 = vector.shape_cast %swap3A_274 : vector<16xi32> to vector<16xi32>
          %swap3A_276 = vector.shape_cast %select_n3A_272 : vector<16xi32> to vector<16xi32>
          tpu.vector_store %arg15[%swap3A_273], %swap3A_276 {strides = array<i32>} : memref<64xi32, #tpu.memory_space<vmem>>, vector<16xi32>,
          %mul3A_277 = arith.constant 64 : i32
          %mul3A_278 = arith.muli %add3A_94, %mul3A_277 : i32
          %add3A_279 = vector.broadcast %mul3A_278 : i32 to vector<16xi32>
          %add3A_280 = arith.addi %iota3A, %add3A_279 : vector<16xi32>
          %add3A_281 = arith.constant 32 : i32
          %add3A_282 = vector.broadcast %add3A_281 : i32 to vector<16xi32>
          %add3A_283 = arith.addi %add3A_280, %add3A_282 : vector<16xi32>
          %mul3A_284 = arith.constant 0 : i32
          %mul3A_285 = vector.broadcast %mul3A_284 : i32 to vector<16xi32>
          %mul3A_286 = arith.muli %iota3A, %mul3A_285 : vector<16xi32>
          %add3A_287 = vector.broadcast %scan3A_30 : i32 to vector<16xi32>
          %add3A_288 = arith.addi %mul3A_286, %add3A_287 : vector<16xi32>
          %lt3A_289 = arith.cmpi slt, %add3A_283, %add3A_288 : vector<16xi32>
          %mul3A_290 = arith.constant 64 : i32
          %mul3A_291 = arith.muli %add3A_94, %mul3A_290 : i32
          %add3A_292 = arith.constant 32 : i32
          %add3A_293 = arith.addi %mul3A_291, %add3A_292 : i32
          %get3A_294 = arith.index_cast %add3A_293 : i32 to index
          %get3A_295 = tpu.vector_load %arg9[%get3A_294] {strides = array<i32>} : memref<20480xi32, #tpu.memory_space<vmem>>, vector<16xi32>,
          %get3A_296 = vector.shape_cast %get3A_295 : vector<16xi32> to vector<16xi32>
          %and3A_297 = arith.constant 16383 : i32
          %and3A_298 = vector.broadcast %and3A_297 : i32 to vector<16xi32>
          %and3A_299 = arith.andi %get3A_296, %and3A_298 : vector<16xi32>
          %jit3A_300 = arith.constant 0 : i32
          %broadcast_in_dim3A_301 = vector.broadcast %jit3A_300 : i32 to vector<16xi32>
          %select_n3A_302 = arith.select %lt3A_289, %and3A_299, %broadcast_in_dim3A_301 : vector<16xi1>, vector<16xi32>
          %swap3A_303 = arith.constant 32 : index
          %swap3A_304 = tpu.vector_load %arg15[%swap3A_303] {strides = array<i32>} : memref<64xi32, #tpu.memory_space<vmem>>, vector<16xi32>,
          %swap3A_305 = vector.shape_cast %swap3A_304 : vector<16xi32> to vector<16xi32>
          %swap3A_306 = vector.shape_cast %select_n3A_302 : vector<16xi32> to vector<16xi32>
          tpu.vector_store %arg15[%swap3A_303], %swap3A_306 {strides = array<i32>} : memref<64xi32, #tpu.memory_space<vmem>>, vector<16xi32>,
          %mul3A_307 = arith.constant 64 : i32
          %mul3A_308 = arith.muli %add3A_94, %mul3A_307 : i32
          %add3A_309 = vector.broadcast %mul3A_308 : i32 to vector<16xi32>
          %add3A_310 = arith.addi %iota3A, %add3A_309 : vector<16xi32>
          %add3A_311 = arith.constant 48 : i32
          %add3A_312 = vector.broadcast %add3A_311 : i32 to vector<16xi32>
          %add3A_313 = arith.addi %add3A_310, %add3A_312 : vector<16xi32>
          %mul3A_314 = arith.constant 0 : i32
          %mul3A_315 = vector.broadcast %mul3A_314 : i32 to vector<16xi32>
          %mul3A_316 = arith.muli %iota3A, %mul3A_315 : vector<16xi32>
          %add3A_317 = vector.broadcast %scan3A_30 : i32 to vector<16xi32>
          %add3A_318 = arith.addi %mul3A_316, %add3A_317 : vector<16xi32>
          %lt3A_319 = arith.cmpi slt, %add3A_313, %add3A_318 : vector<16xi32>
          %mul3A_320 = arith.constant 64 : i32
          %mul3A_321 = arith.muli %add3A_94, %mul3A_320 : i32
          %add3A_322 = arith.constant 48 : i32
          %add3A_323 = arith.addi %mul3A_321, %add3A_322 : i32
          %get3A_324 = arith.index_cast %add3A_323 : i32 to index
          %get3A_325 = tpu.vector_load %arg9[%get3A_324] {strides = array<i32>} : memref<20480xi32, #tpu.memory_space<vmem>>, vector<16xi32>,
          %get3A_326 = vector.shape_cast %get3A_325 : vector<16xi32> to vector<16xi32>
          %and3A_327 = arith.constant 16383 : i32
          %and3A_328 = vector.broadcast %and3A_327 : i32 to vector<16xi32>
          %and3A_329 = arith.andi %get3A_326, %and3A_328 : vector<16xi32>
          %jit3A_330 = arith.constant 0 : i32
          %broadcast_in_dim3A_331 = vector.broadcast %jit3A_330 : i32 to vector<16xi32>
          %select_n3A_332 = arith.select %lt3A_319, %and3A_329, %broadcast_in_dim3A_331 : vector<16xi1>, vector<16xi32>
          %swap3A_333 = arith.constant 48 : index
          %swap3A_334 = tpu.vector_load %arg15[%swap3A_333] {strides = array<i32>} : memref<64xi32, #tpu.memory_space<vmem>>, vector<16xi32>,
          %swap3A_335 = vector.shape_cast %swap3A_334 : vector<16xi32> to vector<16xi32>
          %swap3A_336 = vector.shape_cast %select_n3A_332 : vector<16xi32> to vector<16xi32>
          tpu.vector_store %arg15[%swap3A_333], %swap3A_336 {strides = array<i32>} : memref<64xi32, #tpu.memory_space<vmem>>, vector<16xi32>,
          %dma_start3A = arith.constant 0 : i32
          %dma_start3A_337 = arith.constant 0 : i32
          %dma_start3A_338 = tpu.memref_slice %arg3[%dma_start3A, %dma_start3A_337] : memref<10000x128xf32, #tpu.memory_space<hbm>> -> memref<10000x128xf32, #tpu.memory_space<hbm>>
          tpu.enqueue_indirect_dma source(%dma_start3A_338 : memref<10000x128xf32, #tpu.memory_space<hbm>>) target(%arg11 : memref<64x128xf32, #tpu.memory_space<vmem>>) offsets(%arg15 : memref<64xi32, #tpu.memory_space<vmem>>) semaphore(%arg18 : memref<!tpu.dma_semaphore, #tpu.memory_space<semaphore_mem>>)
        } else {
        }
        %mul3A_98 = arith.constant 64 : i32
        %mul3A_99 = arith.muli %mul3A_92, %mul3A_98 : i32
        %add3A_100 = vector.broadcast %mul3A_99 : i32 to vector<16xi32>
        %add3A_101 = arith.addi %iota3A, %add3A_100 : vector<16xi32>
        %add3A_102 = arith.constant 0 : i32
        %add3A_103 = vector.broadcast %add3A_102 : i32 to vector<16xi32>
        %add3A_104 = arith.addi %add3A_101, %add3A_103 : vector<16xi32>
        %mul3A_105 = arith.constant 0 : i32
        %mul3A_106 = vector.broadcast %mul3A_105 : i32 to vector<16xi32>
        %mul3A_107 = arith.muli %iota3A, %mul3A_106 : vector<16xi32>
        %add3A_108 = vector.broadcast %scan3A_30 : i32 to vector<16xi32>
        %add3A_109 = arith.addi %mul3A_107, %add3A_108 : vector<16xi32>
        %lt3A_110 = arith.cmpi slt, %add3A_104, %add3A_109 : vector<16xi32>
        %mul3A_111 = arith.constant 64 : i32
        %mul3A_112 = arith.muli %mul3A_92, %mul3A_111 : i32
        %add3A_113 = arith.constant 0 : i32
        %add3A_114 = arith.addi %mul3A_112, %add3A_113 : i32
        %get3A = arith.index_cast %add3A_114 : i32 to index
        %get3A_115 = tpu.vector_load %arg9[%get3A] {strides = array<i32>} : memref<20480xi32, #tpu.memory_space<vmem>>, vector<16xi32>,
        %get3A_116 = vector.shape_cast %get3A_115 : vector<16xi32> to vector<16xi32>
        %shift_right_arithmetic3A_117 = arith.constant 14 : i32
        %shift_right_arithmetic3A_118 = vector.broadcast %shift_right_arithmetic3A_117 : i32 to vector<16xi32>
        %shift_right_arithmetic3A_119 = arith.shrsi %get3A_116, %shift_right_arithmetic3A_118 : vector<16xi32>
        %jit3A = arith.constant 5100 : i32
        %broadcast_in_dim3A = vector.broadcast %jit3A : i32 to vector<16xi32>
        %select_n3A = arith.select %lt3A_110, %shift_right_arithmetic3A_119, %broadcast_in_dim3A : vector<16xi1>, vector<16xi32>
        %swap3A = arith.constant 0 : index
        %swap3A_120 = tpu.vector_load %arg13[%swap3A] {strides = array<i32>} : memref<64xi32, #tpu.memory_space<vmem>>, vector<16xi32>,
        %swap3A_121 = vector.shape_cast %swap3A_120 : vector<16xi32> to vector<16xi32>
        %swap3A_122 = vector.shape_cast %select_n3A : vector<16xi32> to vector<16xi32>
        tpu.vector_store %arg13[%swap3A], %swap3A_122 {strides = array<i32>} : memref<64xi32, #tpu.memory_space<vmem>>, vector<16xi32>,
        %mul3A_123 = arith.constant 64 : i32
        %mul3A_124 = arith.muli %mul3A_92, %mul3A_123 : i32
        %add3A_125 = vector.broadcast %mul3A_124 : i32 to vector<16xi32>
        %add3A_126 = arith.addi %iota3A, %add3A_125 : vector<16xi32>
        %add3A_127 = arith.constant 16 : i32
        %add3A_128 = vector.broadcast %add3A_127 : i32 to vector<16xi32>
        %add3A_129 = arith.addi %add3A_126, %add3A_128 : vector<16xi32>
        %mul3A_130 = arith.constant 0 : i32
        %mul3A_131 = vector.broadcast %mul3A_130 : i32 to vector<16xi32>
        %mul3A_132 = arith.muli %iota3A, %mul3A_131 : vector<16xi32>
        %add3A_133 = vector.broadcast %scan3A_30 : i32 to vector<16xi32>
        %add3A_134 = arith.addi %mul3A_132, %add3A_133 : vector<16xi32>
        %lt3A_135 = arith.cmpi slt, %add3A_129, %add3A_134 : vector<16xi32>
        %mul3A_136 = arith.constant 64 : i32
        %mul3A_137 = arith.muli %mul3A_92, %mul3A_136 : i32
        %add3A_138 = arith.constant 16 : i32
        %add3A_139 = arith.addi %mul3A_137, %add3A_138 : i32
        %get3A_140 = arith.index_cast %add3A_139 : i32 to index
        %get3A_141 = tpu.vector_load %arg9[%get3A_140] {strides = array<i32>} : memref<20480xi32, #tpu.memory_space<vmem>>, vector<16xi32>,
        %get3A_142 = vector.shape_cast %get3A_141 : vector<16xi32> to vector<16xi32>
        %shift_right_arithmetic3A_143 = arith.constant 14 : i32
        %shift_right_arithmetic3A_144 = vector.broadcast %shift_right_arithmetic3A_143 : i32 to vector<16xi32>
        %shift_right_arithmetic3A_145 = arith.shrsi %get3A_142, %shift_right_arithmetic3A_144 : vector<16xi32>
        %jit3A_146 = arith.constant 5100 : i32
        %broadcast_in_dim3A_147 = vector.broadcast %jit3A_146 : i32 to vector<16xi32>
        %select_n3A_148 = arith.select %lt3A_135, %shift_right_arithmetic3A_145, %broadcast_in_dim3A_147 : vector<16xi1>, vector<16xi32>
        %swap3A_149 = arith.constant 16 : index
        %swap3A_150 = tpu.vector_load %arg13[%swap3A_149] {strides = array<i32>} : memref<64xi32, #tpu.memory_space<vmem>>, vector<16xi32>,
        %swap3A_151 = vector.shape_cast %swap3A_150 : vector<16xi32> to vector<16xi32>
        %swap3A_152 = vector.shape_cast %select_n3A_148 : vector<16xi32> to vector<16xi32>
        tpu.vector_store %arg13[%swap3A_149], %swap3A_152 {strides = array<i32>} : memref<64xi32, #tpu.memory_space<vmem>>, vector<16xi32>,
        %mul3A_153 = arith.constant 64 : i32
        %mul3A_154 = arith.muli %mul3A_92, %mul3A_153 : i32
        %add3A_155 = vector.broadcast %mul3A_154 : i32 to vector<16xi32>
        %add3A_156 = arith.addi %iota3A, %add3A_155 : vector<16xi32>
        %add3A_157 = arith.constant 32 : i32
        %add3A_158 = vector.broadcast %add3A_157 : i32 to vector<16xi32>
        %add3A_159 = arith.addi %add3A_156, %add3A_158 : vector<16xi32>
        %mul3A_160 = arith.constant 0 : i32
        %mul3A_161 = vector.broadcast %mul3A_160 : i32 to vector<16xi32>
        %mul3A_162 = arith.muli %iota3A, %mul3A_161 : vector<16xi32>
        %add3A_163 = vector.broadcast %scan3A_30 : i32 to vector<16xi32>
        %add3A_164 = arith.addi %mul3A_162, %add3A_163 : vector<16xi32>
        %lt3A_165 = arith.cmpi slt, %add3A_159, %add3A_164 : vector<16xi32>
        %mul3A_166 = arith.constant 64 : i32
        %mul3A_167 = arith.muli %mul3A_92, %mul3A_166 : i32
        %add3A_168 = arith.constant 32 : i32
        %add3A_169 = arith.addi %mul3A_167, %add3A_168 : i32
        %get3A_170 = arith.index_cast %add3A_169 : i32 to index
        %get3A_171 = tpu.vector_load %arg9[%get3A_170] {strides = array<i32>} : memref<20480xi32, #tpu.memory_space<vmem>>, vector<16xi32>,
        %get3A_172 = vector.shape_cast %get3A_171 : vector<16xi32> to vector<16xi32>
        %shift_right_arithmetic3A_173 = arith.constant 14 : i32
        %shift_right_arithmetic3A_174 = vector.broadcast %shift_right_arithmetic3A_173 : i32 to vector<16xi32>
        %shift_right_arithmetic3A_175 = arith.shrsi %get3A_172, %shift_right_arithmetic3A_174 : vector<16xi32>
        %jit3A_176 = arith.constant 5100 : i32
        %broadcast_in_dim3A_177 = vector.broadcast %jit3A_176 : i32 to vector<16xi32>
        %select_n3A_178 = arith.select %lt3A_165, %shift_right_arithmetic3A_175, %broadcast_in_dim3A_177 : vector<16xi1>, vector<16xi32>
        %swap3A_179 = arith.constant 32 : index
        %swap3A_180 = tpu.vector_load %arg13[%swap3A_179] {strides = array<i32>} : memref<64xi32, #tpu.memory_space<vmem>>, vector<16xi32>,
        %swap3A_181 = vector.shape_cast %swap3A_180 : vector<16xi32> to vector<16xi32>
        %swap3A_182 = vector.shape_cast %select_n3A_178 : vector<16xi32> to vector<16xi32>
        tpu.vector_store %arg13[%swap3A_179], %swap3A_182 {strides = array<i32>} : memref<64xi32, #tpu.memory_space<vmem>>, vector<16xi32>,
        %mul3A_183 = arith.constant 64 : i32
        %mul3A_184 = arith.muli %mul3A_92, %mul3A_183 : i32
        %add3A_185 = vector.broadcast %mul3A_184 : i32 to vector<16xi32>
        %add3A_186 = arith.addi %iota3A, %add3A_185 : vector<16xi32>
        %add3A_187 = arith.constant 48 : i32
        %add3A_188 = vector.broadcast %add3A_187 : i32 to vector<16xi32>
        %add3A_189 = arith.addi %add3A_186, %add3A_188 : vector<16xi32>
        %mul3A_190 = arith.constant 0 : i32
        %mul3A_191 = vector.broadcast %mul3A_190 : i32 to vector<16xi32>
        %mul3A_192 = arith.muli %iota3A, %mul3A_191 : vector<16xi32>
        %add3A_193 = vector.broadcast %scan3A_30 : i32 to vector<16xi32>
        %add3A_194 = arith.addi %mul3A_192, %add3A_193 : vector<16xi32>
        %lt3A_195 = arith.cmpi slt, %add3A_189, %add3A_194 : vector<16xi32>
        %mul3A_196 = arith.constant 64 : i32
        %mul3A_197 = arith.muli %mul3A_92, %mul3A_196 : i32
        %add3A_198 = arith.constant 48 : i32
        %add3A_199 = arith.addi %mul3A_197, %add3A_198 : i32
        %get3A_200 = arith.index_cast %add3A_199 : i32 to index
        %get3A_201 = tpu.vector_load %arg9[%get3A_200] {strides = array<i32>} : memref<20480xi32, #tpu.memory_space<vmem>>, vector<16xi32>,
        %get3A_202 = vector.shape_cast %get3A_201 : vector<16xi32> to vector<16xi32>
        %shift_right_arithmetic3A_203 = arith.constant 14 : i32
        %shift_right_arithmetic3A_204 = vector.broadcast %shift_right_arithmetic3A_203 : i32 to vector<16xi32>
        %shift_right_arithmetic3A_205 = arith.shrsi %get3A_202, %shift_right_arithmetic3A_204 : vector<16xi32>
        %jit3A_206 = arith.constant 5100 : i32
        %broadcast_in_dim3A_207 = vector.broadcast %jit3A_206 : i32 to vector<16xi32>
        %select_n3A_208 = arith.select %lt3A_195, %shift_right_arithmetic3A_205, %broadcast_in_dim3A_207 : vector<16xi1>, vector<16xi32>
        %swap3A_209 = arith.constant 48 : index
        %swap3A_210 = tpu.vector_load %arg13[%swap3A_209] {strides = array<i32>} : memref<64xi32, #tpu.memory_space<vmem>>, vector<16xi32>,
        %swap3A_211 = vector.shape_cast %swap3A_210 : vector<16xi32> to vector<16xi32>
        %swap3A_212 = vector.shape_cast %select_n3A_208 : vector<16xi32> to vector<16xi32>
        tpu.vector_store %arg13[%swap3A_209], %swap3A_212 {strides = array<i32>} : memref<64xi32, #tpu.memory_space<vmem>>, vector<16xi32>,
        "tpu.region"() ({
          %run_scoped3A = tpu.sem_alloc : memref<!tpu.dma_semaphore, #tpu.memory_space<semaphore_mem>>
          %dma_start3A = arith.constant 0 : i32
          %dma_start3A_218 = arith.constant 0 : i32
          %dma_start3A_219 = tpu.memref_slice %arg16[%dma_start3A, %dma_start3A_218] : memref<5120x128xf32, #tpu.memory_space<vmem_shared>> -> memref<5120x128xf32, #tpu.memory_space<vmem_shared>>
          tpu.enqueue_indirect_dma source(%arg10 : memref<64x128xf32, #tpu.memory_space<vmem>>) target(%dma_start3A_219 : memref<5120x128xf32, #tpu.memory_space<vmem_shared>>) offsets(%arg13 : memref<64xi32, #tpu.memory_space<vmem>>) semaphore(%run_scoped3A : memref<!tpu.dma_semaphore, #tpu.memory_space<semaphore_mem>>) {add = true}
          %dma_wait3A = arith.constant 0 : i32
          %dma_wait3A_220 = arith.constant 0 : i32
          %dma_wait3A_221 = tpu.memref_slice %arg16[%dma_wait3A, %dma_wait3A_220] : memref<5120x128xf32, #tpu.memory_space<vmem_shared>> -> memref<5120x128xf32, #tpu.memory_space<vmem_shared>>
          tpu.wait_indirect_dma semaphore(%run_scoped3A : memref<!tpu.dma_semaphore, #tpu.memory_space<semaphore_mem>>) src(%arg10 : memref<64x128xf32, #tpu.memory_space<vmem>>) dst(%dma_wait3A_221 : memref<5120x128xf32, #tpu.memory_space<vmem_shared>>)
          tpu.yield
        }) : () -> ()
        %lt3A_213 = arith.cmpi slt, %add3A_94, %shift_right_arithmetic3A_35 : i32
        %convert_element_type3A_214 = arith.extui %lt3A_213 : i1 to i32
        %cond3A_215 = arith.constant 0 : i32
        %cond3A_216 = arith.cmpi ne, %convert_element_type3A_214, %cond3A_215 : i32
        scf.if %cond3A_216 {
          %dma_wait3A = arith.constant 0 : i32
          %dma_wait3A_218 = arith.constant 0 : i32
          %dma_wait3A_219 = tpu.memref_slice %arg3[%dma_wait3A, %dma_wait3A_218] : memref<10000x128xf32, #tpu.memory_space<hbm>> -> memref<10000x128xf32, #tpu.memory_space<hbm>>
          tpu.wait_indirect_dma semaphore(%arg18 : memref<!tpu.dma_semaphore, #tpu.memory_space<semaphore_mem>>) src(%dma_wait3A_219 : memref<10000x128xf32, #tpu.memory_space<hbm>>) dst(%arg11 : memref<64x128xf32, #tpu.memory_space<vmem>>)
          %add3A_220 = arith.constant 1 : i32
          %add3A_221 = arith.addi %add3A_94, %add3A_220 : i32
          %lt3A_222 = arith.cmpi slt, %add3A_221, %shift_right_arithmetic3A_35 : i32
          %convert_element_type3A_223 = arith.extui %lt3A_222 : i1 to i32
          %cond3A_224 = arith.constant 0 : i32
          %cond3A_225 = arith.cmpi ne, %convert_element_type3A_223, %cond3A_224 : i32
          scf.if %cond3A_225 {
            %add3A_352 = arith.constant 1 : i32
            %add3A_353 = arith.addi %add3A_94, %add3A_352 : i32
            %mul3A_354 = arith.constant 64 : i32
            %mul3A_355 = arith.muli %add3A_353, %mul3A_354 : i32
            %add3A_356 = vector.broadcast %mul3A_355 : i32 to vector<16xi32>
            %add3A_357 = arith.addi %iota3A, %add3A_356 : vector<16xi32>
            %add3A_358 = arith.constant 0 : i32
            %add3A_359 = vector.broadcast %add3A_358 : i32 to vector<16xi32>
            %add3A_360 = arith.addi %add3A_357, %add3A_359 : vector<16xi32>
            %mul3A_361 = arith.constant 0 : i32
            %mul3A_362 = vector.broadcast %mul3A_361 : i32 to vector<16xi32>
            %mul3A_363 = arith.muli %iota3A, %mul3A_362 : vector<16xi32>
            %add3A_364 = vector.broadcast %scan3A_30 : i32 to vector<16xi32>
            %add3A_365 = arith.addi %mul3A_363, %add3A_364 : vector<16xi32>
            %lt3A_366 = arith.cmpi slt, %add3A_360, %add3A_365 : vector<16xi32>
            %mul3A_367 = arith.constant 64 : i32
            %mul3A_368 = arith.muli %add3A_353, %mul3A_367 : i32
            %add3A_369 = arith.constant 0 : i32
            %add3A_370 = arith.addi %mul3A_368, %add3A_369 : i32
            %get3A_371 = arith.index_cast %add3A_370 : i32 to index
            %get3A_372 = tpu.vector_load %arg9[%get3A_371] {strides = array<i32>} : memref<20480xi32, #tpu.memory_space<vmem>>, vector<16xi32>,
            %get3A_373 = vector.shape_cast %get3A_372 : vector<16xi32> to vector<16xi32>
            %and3A = arith.constant 16383 : i32
            %and3A_374 = vector.broadcast %and3A : i32 to vector<16xi32>
            %and3A_375 = arith.andi %get3A_373, %and3A_374 : vector<16xi32>
            %jit3A_376 = arith.constant 0 : i32
            %broadcast_in_dim3A_377 = vector.broadcast %jit3A_376 : i32 to vector<16xi32>
            %select_n3A_378 = arith.select %lt3A_366, %and3A_375, %broadcast_in_dim3A_377 : vector<16xi1>, vector<16xi32>
            %swap3A_379 = arith.constant 0 : index
            %swap3A_380 = tpu.vector_load %arg14[%swap3A_379] {strides = array<i32>} : memref<64xi32, #tpu.memory_space<vmem>>, vector<16xi32>,
            %swap3A_381 = vector.shape_cast %swap3A_380 : vector<16xi32> to vector<16xi32>
            %swap3A_382 = vector.shape_cast %select_n3A_378 : vector<16xi32> to vector<16xi32>
            tpu.vector_store %arg14[%swap3A_379], %swap3A_382 {strides = array<i32>} : memref<64xi32, #tpu.memory_space<vmem>>, vector<16xi32>,
            %mul3A_383 = arith.constant 64 : i32
            %mul3A_384 = arith.muli %add3A_353, %mul3A_383 : i32
            %add3A_385 = vector.broadcast %mul3A_384 : i32 to vector<16xi32>
            %add3A_386 = arith.addi %iota3A, %add3A_385 : vector<16xi32>
            %add3A_387 = arith.constant 16 : i32
            %add3A_388 = vector.broadcast %add3A_387 : i32 to vector<16xi32>
            %add3A_389 = arith.addi %add3A_386, %add3A_388 : vector<16xi32>
            %mul3A_390 = arith.constant 0 : i32
            %mul3A_391 = vector.broadcast %mul3A_390 : i32 to vector<16xi32>
            %mul3A_392 = arith.muli %iota3A, %mul3A_391 : vector<16xi32>
            %add3A_393 = vector.broadcast %scan3A_30 : i32 to vector<16xi32>
            %add3A_394 = arith.addi %mul3A_392, %add3A_393 : vector<16xi32>
            %lt3A_395 = arith.cmpi slt, %add3A_389, %add3A_394 : vector<16xi32>
            %mul3A_396 = arith.constant 64 : i32
            %mul3A_397 = arith.muli %add3A_353, %mul3A_396 : i32
            %add3A_398 = arith.constant 16 : i32
            %add3A_399 = arith.addi %mul3A_397, %add3A_398 : i32
            %get3A_400 = arith.index_cast %add3A_399 : i32 to index
            %get3A_401 = tpu.vector_load %arg9[%get3A_400] {strides = array<i32>} : memref<20480xi32, #tpu.memory_space<vmem>>, vector<16xi32>,
            %get3A_402 = vector.shape_cast %get3A_401 : vector<16xi32> to vector<16xi32>
            %and3A_403 = arith.constant 16383 : i32
            %and3A_404 = vector.broadcast %and3A_403 : i32 to vector<16xi32>
            %and3A_405 = arith.andi %get3A_402, %and3A_404 : vector<16xi32>
            %jit3A_406 = arith.constant 0 : i32
            %broadcast_in_dim3A_407 = vector.broadcast %jit3A_406 : i32 to vector<16xi32>
            %select_n3A_408 = arith.select %lt3A_395, %and3A_405, %broadcast_in_dim3A_407 : vector<16xi1>, vector<16xi32>
            %swap3A_409 = arith.constant 16 : index
            %swap3A_410 = tpu.vector_load %arg14[%swap3A_409] {strides = array<i32>} : memref<64xi32, #tpu.memory_space<vmem>>, vector<16xi32>,
            %swap3A_411 = vector.shape_cast %swap3A_410 : vector<16xi32> to vector<16xi32>
            %swap3A_412 = vector.shape_cast %select_n3A_408 : vector<16xi32> to vector<16xi32>
            tpu.vector_store %arg14[%swap3A_409], %swap3A_412 {strides = array<i32>} : memref<64xi32, #tpu.memory_space<vmem>>, vector<16xi32>,
            %mul3A_413 = arith.constant 64 : i32
            %mul3A_414 = arith.muli %add3A_353, %mul3A_413 : i32
            %add3A_415 = vector.broadcast %mul3A_414 : i32 to vector<16xi32>
            %add3A_416 = arith.addi %iota3A, %add3A_415 : vector<16xi32>
            %add3A_417 = arith.constant 32 : i32
            %add3A_418 = vector.broadcast %add3A_417 : i32 to vector<16xi32>
            %add3A_419 = arith.addi %add3A_416, %add3A_418 : vector<16xi32>
            %mul3A_420 = arith.constant 0 : i32
            %mul3A_421 = vector.broadcast %mul3A_420 : i32 to vector<16xi32>
            %mul3A_422 = arith.muli %iota3A, %mul3A_421 : vector<16xi32>
            %add3A_423 = vector.broadcast %scan3A_30 : i32 to vector<16xi32>
            %add3A_424 = arith.addi %mul3A_422, %add3A_423 : vector<16xi32>
            %lt3A_425 = arith.cmpi slt, %add3A_419, %add3A_424 : vector<16xi32>
            %mul3A_426 = arith.constant 64 : i32
            %mul3A_427 = arith.muli %add3A_353, %mul3A_426 : i32
            %add3A_428 = arith.constant 32 : i32
            %add3A_429 = arith.addi %mul3A_427, %add3A_428 : i32
            %get3A_430 = arith.index_cast %add3A_429 : i32 to index
            %get3A_431 = tpu.vector_load %arg9[%get3A_430] {strides = array<i32>} : memref<20480xi32, #tpu.memory_space<vmem>>, vector<16xi32>,
            %get3A_432 = vector.shape_cast %get3A_431 : vector<16xi32> to vector<16xi32>
            %and3A_433 = arith.constant 16383 : i32
            %and3A_434 = vector.broadcast %and3A_433 : i32 to vector<16xi32>
            %and3A_435 = arith.andi %get3A_432, %and3A_434 : vector<16xi32>
            %jit3A_436 = arith.constant 0 : i32
            %broadcast_in_dim3A_437 = vector.broadcast %jit3A_436 : i32 to vector<16xi32>
            %select_n3A_438 = arith.select %lt3A_425, %and3A_435, %broadcast_in_dim3A_437 : vector<16xi1>, vector<16xi32>
            %swap3A_439 = arith.constant 32 : index
            %swap3A_440 = tpu.vector_load %arg14[%swap3A_439] {strides = array<i32>} : memref<64xi32, #tpu.memory_space<vmem>>, vector<16xi32>,
            %swap3A_441 = vector.shape_cast %swap3A_440 : vector<16xi32> to vector<16xi32>
            %swap3A_442 = vector.shape_cast %select_n3A_438 : vector<16xi32> to vector<16xi32>
            tpu.vector_store %arg14[%swap3A_439], %swap3A_442 {strides = array<i32>} : memref<64xi32, #tpu.memory_space<vmem>>, vector<16xi32>,
            %mul3A_443 = arith.constant 64 : i32
            %mul3A_444 = arith.muli %add3A_353, %mul3A_443 : i32
            %add3A_445 = vector.broadcast %mul3A_444 : i32 to vector<16xi32>
            %add3A_446 = arith.addi %iota3A, %add3A_445 : vector<16xi32>
            %add3A_447 = arith.constant 48 : i32
            %add3A_448 = vector.broadcast %add3A_447 : i32 to vector<16xi32>
            %add3A_449 = arith.addi %add3A_446, %add3A_448 : vector<16xi32>
            %mul3A_450 = arith.constant 0 : i32
            %mul3A_451 = vector.broadcast %mul3A_450 : i32 to vector<16xi32>
            %mul3A_452 = arith.muli %iota3A, %mul3A_451 : vector<16xi32>
            %add3A_453 = vector.broadcast %scan3A_30 : i32 to vector<16xi32>
            %add3A_454 = arith.addi %mul3A_452, %add3A_453 : vector<16xi32>
            %lt3A_455 = arith.cmpi slt, %add3A_449, %add3A_454 : vector<16xi32>
            %mul3A_456 = arith.constant 64 : i32
            %mul3A_457 = arith.muli %add3A_353, %mul3A_456 : i32
            %add3A_458 = arith.constant 48 : i32
            %add3A_459 = arith.addi %mul3A_457, %add3A_458 : i32
            %get3A_460 = arith.index_cast %add3A_459 : i32 to index
            %get3A_461 = tpu.vector_load %arg9[%get3A_460] {strides = array<i32>} : memref<20480xi32, #tpu.memory_space<vmem>>, vector<16xi32>,
            %get3A_462 = vector.shape_cast %get3A_461 : vector<16xi32> to vector<16xi32>
            %and3A_463 = arith.constant 16383 : i32
            %and3A_464 = vector.broadcast %and3A_463 : i32 to vector<16xi32>
            %and3A_465 = arith.andi %get3A_462, %and3A_464 : vector<16xi32>
            %jit3A_466 = arith.constant 0 : i32
            %broadcast_in_dim3A_467 = vector.broadcast %jit3A_466 : i32 to vector<16xi32>
            %select_n3A_468 = arith.select %lt3A_455, %and3A_465, %broadcast_in_dim3A_467 : vector<16xi1>, vector<16xi32>
            %swap3A_469 = arith.constant 48 : index
            %swap3A_470 = tpu.vector_load %arg14[%swap3A_469] {strides = array<i32>} : memref<64xi32, #tpu.memory_space<vmem>>, vector<16xi32>,
            %swap3A_471 = vector.shape_cast %swap3A_470 : vector<16xi32> to vector<16xi32>
            %swap3A_472 = vector.shape_cast %select_n3A_468 : vector<16xi32> to vector<16xi32>
            tpu.vector_store %arg14[%swap3A_469], %swap3A_472 {strides = array<i32>} : memref<64xi32, #tpu.memory_space<vmem>>, vector<16xi32>,
            %dma_start3A = arith.constant 0 : i32
            %dma_start3A_473 = arith.constant 0 : i32
            %dma_start3A_474 = tpu.memref_slice %arg3[%dma_start3A, %dma_start3A_473] : memref<10000x128xf32, #tpu.memory_space<hbm>> -> memref<10000x128xf32, #tpu.memory_space<hbm>>
            tpu.enqueue_indirect_dma source(%dma_start3A_474 : memref<10000x128xf32, #tpu.memory_space<hbm>>) target(%arg10 : memref<64x128xf32, #tpu.memory_space<vmem>>) offsets(%arg14 : memref<64xi32, #tpu.memory_space<vmem>>) semaphore(%arg17 : memref<!tpu.dma_semaphore, #tpu.memory_space<semaphore_mem>>)
          } else {
          }
          %mul3A_226 = arith.constant 64 : i32
          %mul3A_227 = arith.muli %add3A_94, %mul3A_226 : i32
          %add3A_228 = vector.broadcast %mul3A_227 : i32 to vector<16xi32>
          %add3A_229 = arith.addi %iota3A, %add3A_228 : vector<16xi32>
          %add3A_230 = arith.constant 0 : i32
          %add3A_231 = vector.broadcast %add3A_230 : i32 to vector<16xi32>
          %add3A_232 = arith.addi %add3A_229, %add3A_231 : vector<16xi32>
          %mul3A_233 = arith.constant 0 : i32
          %mul3A_234 = vector.broadcast %mul3A_233 : i32 to vector<16xi32>
          %mul3A_235 = arith.muli %iota3A, %mul3A_234 : vector<16xi32>
          %add3A_236 = vector.broadcast %scan3A_30 : i32 to vector<16xi32>
          %add3A_237 = arith.addi %mul3A_235, %add3A_236 : vector<16xi32>
          %lt3A_238 = arith.cmpi slt, %add3A_232, %add3A_237 : vector<16xi32>
          %mul3A_239 = arith.constant 64 : i32
          %mul3A_240 = arith.muli %add3A_94, %mul3A_239 : i32
          %add3A_241 = arith.constant 0 : i32
          %add3A_242 = arith.addi %mul3A_240, %add3A_241 : i32
          %get3A_243 = arith.index_cast %add3A_242 : i32 to index
          %get3A_244 = tpu.vector_load %arg9[%get3A_243] {strides = array<i32>} : memref<20480xi32, #tpu.memory_space<vmem>>, vector<16xi32>,
          %get3A_245 = vector.shape_cast %get3A_244 : vector<16xi32> to vector<16xi32>
          %shift_right_arithmetic3A_246 = arith.constant 14 : i32
          %shift_right_arithmetic3A_247 = vector.broadcast %shift_right_arithmetic3A_246 : i32 to vector<16xi32>
          %shift_right_arithmetic3A_248 = arith.shrsi %get3A_245, %shift_right_arithmetic3A_247 : vector<16xi32>
          %jit3A_249 = arith.constant 5100 : i32
          %broadcast_in_dim3A_250 = vector.broadcast %jit3A_249 : i32 to vector<16xi32>
          %select_n3A_251 = arith.select %lt3A_238, %shift_right_arithmetic3A_248, %broadcast_in_dim3A_250 : vector<16xi1>, vector<16xi32>
          %swap3A_252 = arith.constant 0 : index
          %swap3A_253 = tpu.vector_load %arg13[%swap3A_252] {strides = array<i32>} : memref<64xi32, #tpu.memory_space<vmem>>, vector<16xi32>,
          %swap3A_254 = vector.shape_cast %swap3A_253 : vector<16xi32> to vector<16xi32>
          %swap3A_255 = vector.shape_cast %select_n3A_251 : vector<16xi32> to vector<16xi32>
          tpu.vector_store %arg13[%swap3A_252], %swap3A_255 {strides = array<i32>} : memref<64xi32, #tpu.memory_space<vmem>>, vector<16xi32>,
          %mul3A_256 = arith.constant 64 : i32
          %mul3A_257 = arith.muli %add3A_94, %mul3A_256 : i32
          %add3A_258 = vector.broadcast %mul3A_257 : i32 to vector<16xi32>
          %add3A_259 = arith.addi %iota3A, %add3A_258 : vector<16xi32>
          %add3A_260 = arith.constant 16 : i32
          %add3A_261 = vector.broadcast %add3A_260 : i32 to vector<16xi32>
          %add3A_262 = arith.addi %add3A_259, %add3A_261 : vector<16xi32>
          %mul3A_263 = arith.constant 0 : i32
          %mul3A_264 = vector.broadcast %mul3A_263 : i32 to vector<16xi32>
          %mul3A_265 = arith.muli %iota3A, %mul3A_264 : vector<16xi32>
          %add3A_266 = vector.broadcast %scan3A_30 : i32 to vector<16xi32>
          %add3A_267 = arith.addi %mul3A_265, %add3A_266 : vector<16xi32>
          %lt3A_268 = arith.cmpi slt, %add3A_262, %add3A_267 : vector<16xi32>
          %mul3A_269 = arith.constant 64 : i32
          %mul3A_270 = arith.muli %add3A_94, %mul3A_269 : i32
          %add3A_271 = arith.constant 16 : i32
          %add3A_272 = arith.addi %mul3A_270, %add3A_271 : i32
          %get3A_273 = arith.index_cast %add3A_272 : i32 to index
          %get3A_274 = tpu.vector_load %arg9[%get3A_273] {strides = array<i32>} : memref<20480xi32, #tpu.memory_space<vmem>>, vector<16xi32>,
          %get3A_275 = vector.shape_cast %get3A_274 : vector<16xi32> to vector<16xi32>
          %shift_right_arithmetic3A_276 = arith.constant 14 : i32
          %shift_right_arithmetic3A_277 = vector.broadcast %shift_right_arithmetic3A_276 : i32 to vector<16xi32>
          %shift_right_arithmetic3A_278 = arith.shrsi %get3A_275, %shift_right_arithmetic3A_277 : vector<16xi32>
          %jit3A_279 = arith.constant 5100 : i32
          %broadcast_in_dim3A_280 = vector.broadcast %jit3A_279 : i32 to vector<16xi32>
          %select_n3A_281 = arith.select %lt3A_268, %shift_right_arithmetic3A_278, %broadcast_in_dim3A_280 : vector<16xi1>, vector<16xi32>
          %swap3A_282 = arith.constant 16 : index
          %swap3A_283 = tpu.vector_load %arg13[%swap3A_282] {strides = array<i32>} : memref<64xi32, #tpu.memory_space<vmem>>, vector<16xi32>,
          %swap3A_284 = vector.shape_cast %swap3A_283 : vector<16xi32> to vector<16xi32>
          %swap3A_285 = vector.shape_cast %select_n3A_281 : vector<16xi32> to vector<16xi32>
          tpu.vector_store %arg13[%swap3A_282], %swap3A_285 {strides = array<i32>} : memref<64xi32, #tpu.memory_space<vmem>>, vector<16xi32>,
          %mul3A_286 = arith.constant 64 : i32
          %mul3A_287 = arith.muli %add3A_94, %mul3A_286 : i32
          %add3A_288 = vector.broadcast %mul3A_287 : i32 to vector<16xi32>
          %add3A_289 = arith.addi %iota3A, %add3A_288 : vector<16xi32>
          %add3A_290 = arith.constant 32 : i32
          %add3A_291 = vector.broadcast %add3A_290 : i32 to vector<16xi32>
          %add3A_292 = arith.addi %add3A_289, %add3A_291 : vector<16xi32>
          %mul3A_293 = arith.constant 0 : i32
          %mul3A_294 = vector.broadcast %mul3A_293 : i32 to vector<16xi32>
          %mul3A_295 = arith.muli %iota3A, %mul3A_294 : vector<16xi32>
          %add3A_296 = vector.broadcast %scan3A_30 : i32 to vector<16xi32>
          %add3A_297 = arith.addi %mul3A_295, %add3A_296 : vector<16xi32>
          %lt3A_298 = arith.cmpi slt, %add3A_292, %add3A_297 : vector<16xi32>
          %mul3A_299 = arith.constant 64 : i32
          %mul3A_300 = arith.muli %add3A_94, %mul3A_299 : i32
          %add3A_301 = arith.constant 32 : i32
          %add3A_302 = arith.addi %mul3A_300, %add3A_301 : i32
          %get3A_303 = arith.index_cast %add3A_302 : i32 to index
          %get3A_304 = tpu.vector_load %arg9[%get3A_303] {strides = array<i32>} : memref<20480xi32, #tpu.memory_space<vmem>>, vector<16xi32>,
          %get3A_305 = vector.shape_cast %get3A_304 : vector<16xi32> to vector<16xi32>
          %shift_right_arithmetic3A_306 = arith.constant 14 : i32
          %shift_right_arithmetic3A_307 = vector.broadcast %shift_right_arithmetic3A_306 : i32 to vector<16xi32>
          %shift_right_arithmetic3A_308 = arith.shrsi %get3A_305, %shift_right_arithmetic3A_307 : vector<16xi32>
          %jit3A_309 = arith.constant 5100 : i32
          %broadcast_in_dim3A_310 = vector.broadcast %jit3A_309 : i32 to vector<16xi32>
          %select_n3A_311 = arith.select %lt3A_298, %shift_right_arithmetic3A_308, %broadcast_in_dim3A_310 : vector<16xi1>, vector<16xi32>
          %swap3A_312 = arith.constant 32 : index
          %swap3A_313 = tpu.vector_load %arg13[%swap3A_312] {strides = array<i32>} : memref<64xi32, #tpu.memory_space<vmem>>, vector<16xi32>,
          %swap3A_314 = vector.shape_cast %swap3A_313 : vector<16xi32> to vector<16xi32>
          %swap3A_315 = vector.shape_cast %select_n3A_311 : vector<16xi32> to vector<16xi32>
          tpu.vector_store %arg13[%swap3A_312], %swap3A_315 {strides = array<i32>} : memref<64xi32, #tpu.memory_space<vmem>>, vector<16xi32>,
          %mul3A_316 = arith.constant 64 : i32
          %mul3A_317 = arith.muli %add3A_94, %mul3A_316 : i32
          %add3A_318 = vector.broadcast %mul3A_317 : i32 to vector<16xi32>
          %add3A_319 = arith.addi %iota3A, %add3A_318 : vector<16xi32>
          %add3A_320 = arith.constant 48 : i32
          %add3A_321 = vector.broadcast %add3A_320 : i32 to vector<16xi32>
          %add3A_322 = arith.addi %add3A_319, %add3A_321 : vector<16xi32>
          %mul3A_323 = arith.constant 0 : i32
          %mul3A_324 = vector.broadcast %mul3A_323 : i32 to vector<16xi32>
          %mul3A_325 = arith.muli %iota3A, %mul3A_324 : vector<16xi32>
          %add3A_326 = vector.broadcast %scan3A_30 : i32 to vector<16xi32>
          %add3A_327 = arith.addi %mul3A_325, %add3A_326 : vector<16xi32>
          %lt3A_328 = arith.cmpi slt, %add3A_322, %add3A_327 : vector<16xi32>
          %mul3A_329 = arith.constant 64 : i32
          %mul3A_330 = arith.muli %add3A_94, %mul3A_329 : i32
          %add3A_331 = arith.constant 48 : i32
          %add3A_332 = arith.addi %mul3A_330, %add3A_331 : i32
          %get3A_333 = arith.index_cast %add3A_332 : i32 to index
          %get3A_334 = tpu.vector_load %arg9[%get3A_333] {strides = array<i32>} : memref<20480xi32, #tpu.memory_space<vmem>>, vector<16xi32>,
          %get3A_335 = vector.shape_cast %get3A_334 : vector<16xi32> to vector<16xi32>
          %shift_right_arithmetic3A_336 = arith.constant 14 : i32
          %shift_right_arithmetic3A_337 = vector.broadcast %shift_right_arithmetic3A_336 : i32 to vector<16xi32>
          %shift_right_arithmetic3A_338 = arith.shrsi %get3A_335, %shift_right_arithmetic3A_337 : vector<16xi32>
          %jit3A_339 = arith.constant 5100 : i32
          %broadcast_in_dim3A_340 = vector.broadcast %jit3A_339 : i32 to vector<16xi32>
          %select_n3A_341 = arith.select %lt3A_328, %shift_right_arithmetic3A_338, %broadcast_in_dim3A_340 : vector<16xi1>, vector<16xi32>
          %swap3A_342 = arith.constant 48 : index
          %swap3A_343 = tpu.vector_load %arg13[%swap3A_342] {strides = array<i32>} : memref<64xi32, #tpu.memory_space<vmem>>, vector<16xi32>,
          %swap3A_344 = vector.shape_cast %swap3A_343 : vector<16xi32> to vector<16xi32>
          %swap3A_345 = vector.shape_cast %select_n3A_341 : vector<16xi32> to vector<16xi32>
          tpu.vector_store %arg13[%swap3A_342], %swap3A_345 {strides = array<i32>} : memref<64xi32, #tpu.memory_space<vmem>>, vector<16xi32>,
          "tpu.region"() ({
            %run_scoped3A = tpu.sem_alloc : memref<!tpu.dma_semaphore, #tpu.memory_space<semaphore_mem>>
            %dma_start3A = arith.constant 0 : i32
            %dma_start3A_352 = arith.constant 0 : i32
            %dma_start3A_353 = tpu.memref_slice %arg16[%dma_start3A, %dma_start3A_352] : memref<5120x128xf32, #tpu.memory_space<vmem_shared>> -> memref<5120x128xf32, #tpu.memory_space<vmem_shared>>
            tpu.enqueue_indirect_dma source(%arg11 : memref<64x128xf32, #tpu.memory_space<vmem>>) target(%dma_start3A_353 : memref<5120x128xf32, #tpu.memory_space<vmem_shared>>) offsets(%arg13 : memref<64xi32, #tpu.memory_space<vmem>>) semaphore(%run_scoped3A : memref<!tpu.dma_semaphore, #tpu.memory_space<semaphore_mem>>) {add = true}
            %dma_wait3A_354 = arith.constant 0 : i32
            %dma_wait3A_355 = arith.constant 0 : i32
            %dma_wait3A_356 = tpu.memref_slice %arg16[%dma_wait3A_354, %dma_wait3A_355] : memref<5120x128xf32, #tpu.memory_space<vmem_shared>> -> memref<5120x128xf32, #tpu.memory_space<vmem_shared>>
            tpu.wait_indirect_dma semaphore(%run_scoped3A : memref<!tpu.dma_semaphore, #tpu.memory_space<semaphore_mem>>) src(%arg11 : memref<64x128xf32, #tpu.memory_space<vmem>>) dst(%dma_wait3A_356 : memref<5120x128xf32, #tpu.memory_space<vmem_shared>>)
            tpu.yield
          }) : () -> ()
          %add3A_346 = arith.constant 1 : i32
          %add3A_347 = arith.addi %add3A_94, %add3A_346 : i32
          %lt3A_348 = arith.cmpi slt, %add3A_347, %shift_right_arithmetic3A_35 : i32
          %convert_element_type3A_349 = arith.extui %lt3A_348 : i1 to i32
          %cond3A_350 = arith.constant 0 : i32
          %cond3A_351 = arith.cmpi ne, %convert_element_type3A_349, %cond3A_350 : i32
          scf.if %cond3A_351 {
            %dma_wait3A_352 = arith.constant 0 : i32
            %dma_wait3A_353 = arith.constant 0 : i32
            %dma_wait3A_354 = tpu.memref_slice %arg3[%dma_wait3A_352, %dma_wait3A_353] : memref<10000x128xf32, #tpu.memory_space<hbm>> -> memref<10000x128xf32, #tpu.memory_space<hbm>>
            tpu.wait_indirect_dma semaphore(%arg17 : memref<!tpu.dma_semaphore, #tpu.memory_space<semaphore_mem>>) src(%dma_wait3A_354 : memref<10000x128xf32, #tpu.memory_space<hbm>>) dst(%arg10 : memref<64x128xf32, #tpu.memory_space<vmem>>)
          } else {
          }
        } else {
        }
        %while3A_217 = arith.constant 0 : i32
        scf.yield %while3A_217 : i32
      }
      %barrier3A_53 = arith.constant 0 : index
      tpu.barrier barrier_id(%barrier3A_53)
      %mul3A_54 = arith.constant 312 : i32
      %mul3A_55 = arith.muli %arg1, %mul3A_54 : i32
      %mul3A_56 = arith.constant 312 : i32
      %mul3A_57 = arith.muli %arg1, %mul3A_56 : i32
      %add3A_58 = arith.addi %mul3A_12, %mul3A_57 : i32
      "tpu.region"() ({
        %run_scoped3A = tpu.sem_alloc : memref<!tpu.dma_semaphore, #tpu.memory_space<semaphore_mem>>
        %dma_start3A = arith.constant 0 : i32
        %dma_start3A_89 = tpu.memref_slice %arg6[%add3A_58, %dma_start3A] : memref<100000x128xf32, #tpu.memory_space<hbm>> -> memref<312x128xf32, #tpu.memory_space<hbm>>
        %dma_start3A_90 = arith.constant 0 : i32
        %dma_start3A_91 = tpu.memref_slice %arg16[%mul3A_55, %dma_start3A_90] : memref<5120x128xf32, #tpu.memory_space<vmem_shared>> -> memref<312x128xf32, #tpu.memory_space<vmem_shared>>
        tpu.enqueue_dma source(%dma_start3A_91 : memref<312x128xf32, #tpu.memory_space<vmem_shared>>) target(%dma_start3A_89 : memref<312x128xf32, #tpu.memory_space<hbm>>) target_semaphore(%run_scoped3A : memref<!tpu.dma_semaphore, #tpu.memory_space<semaphore_mem>>)
        %dma_wait3A = arith.constant 0 : i32
        %dma_wait3A_92 = tpu.memref_slice %arg6[%add3A_58, %dma_wait3A] : memref<100000x128xf32, #tpu.memory_space<hbm>> -> memref<312x128xf32, #tpu.memory_space<hbm>>
        %dma_wait3A_93 = arith.constant 0 : i32
        %dma_wait3A_94 = tpu.memref_slice %arg16[%mul3A_55, %dma_wait3A_93] : memref<5120x128xf32, #tpu.memory_space<vmem_shared>> -> memref<312x128xf32, #tpu.memory_space<vmem_shared>>
        tpu.wait_dma2 semaphore(%run_scoped3A : memref<!tpu.dma_semaphore, #tpu.memory_space<semaphore_mem>>) src(%dma_wait3A_94 : memref<312x128xf32, #tpu.memory_space<vmem_shared>>) dst(%dma_wait3A_92 : memref<312x128xf32, #tpu.memory_space<hbm>>)
        tpu.yield
      }) : () -> ()
      %eq3A = arith.constant 0 : i32
      %eq3A_59 = arith.cmpi eq, %arg1, %eq3A : i32
      %convert_element_type3A_60 = arith.extui %eq3A_59 : i1 to i32
      %cond3A_61 = arith.constant 0 : i32
      %cond3A_62 = arith.cmpi ne, %convert_element_type3A_60, %cond3A_61 : i32
      scf.if %cond3A_62 {
        %add3A_89 = arith.constant 4992 : i32
        %add3A_90 = arith.addi %mul3A_12, %add3A_89 : i32
        "tpu.region"() ({
          %run_scoped3A = tpu.sem_alloc : memref<!tpu.dma_semaphore, #tpu.memory_space<semaphore_mem>>
          %dma_start3A = arith.constant 0 : i32
          %dma_start3A_91 = tpu.memref_slice %arg6[%add3A_90, %dma_start3A] : memref<100000x128xf32, #tpu.memory_space<hbm>> -> memref<8x128xf32, #tpu.memory_space<hbm>>
          %dma_start3A_92 = arith.constant 4992 : i32
          %dma_start3A_93 = arith.constant 0 : i32
          %dma_start3A_94 = tpu.memref_slice %arg16[%dma_start3A_92, %dma_start3A_93] : memref<5120x128xf32, #tpu.memory_space<vmem_shared>> -> memref<8x128xf32, #tpu.memory_space<vmem_shared>>
          tpu.enqueue_dma source(%dma_start3A_94 : memref<8x128xf32, #tpu.memory_space<vmem_shared>>) target(%dma_start3A_91 : memref<8x128xf32, #tpu.memory_space<hbm>>) target_semaphore(%run_scoped3A : memref<!tpu.dma_semaphore, #tpu.memory_space<semaphore_mem>>)
          %dma_wait3A = arith.constant 0 : i32
          %dma_wait3A_95 = tpu.memref_slice %arg6[%add3A_90, %dma_wait3A] : memref<100000x128xf32, #tpu.memory_space<hbm>> -> memref<8x128xf32, #tpu.memory_space<hbm>>
          %dma_wait3A_96 = arith.constant 4992 : i32
          %dma_wait3A_97 = arith.constant 0 : i32
          %dma_wait3A_98 = tpu.memref_slice %arg16[%dma_wait3A_96, %dma_wait3A_97] : memref<5120x128xf32, #tpu.memory_space<vmem_shared>> -> memref<8x128xf32, #tpu.memory_space<vmem_shared>>
          tpu.wait_dma2 semaphore(%run_scoped3A : memref<!tpu.dma_semaphore, #tpu.memory_space<semaphore_mem>>) src(%dma_wait3A_98 : memref<8x128xf32, #tpu.memory_space<vmem_shared>>) dst(%dma_wait3A_95 : memref<8x128xf32, #tpu.memory_space<hbm>>)
          tpu.yield
        }) : () -> ()
      } else {
      }
      %barrier3A_63 = arith.constant 0 : index
      tpu.barrier barrier_id(%barrier3A_63)
      %while3A_64 = arith.constant 0 : i32
      %while3A_65 = arith.constant 0 : i32
      %while3A_66 = arith.subi %shift_right_arithmetic3A_35, %while3A_64 : i32
      %while3A_67 = arith.addi %while3A_64, %while3A_66 : i32
      %while3A_68 = arith.constant 1 : i32
      %while3A_69 = arith.divsi %while3A_66, %while3A_68 : i32
      %while3A_70 = arith.muli %while3A_69, %while3A_68 : i32
      %while3A_71 = arith.addi %while3A_64, %while3A_70 : i32
      %while3A_72 = arith.constant 1 : i32
      %while3A_73 = scf.for %while3A_89 = %while3A_64 to %while3A_71 step %while3A_72 iter_args(%while3A_90 = %while3A_65) -> (i32)  : i32 {
        %mul3A_91 = arith.constant 64 : i32
        %mul3A_92 = arith.muli %while3A_89, %mul3A_91 : i32
        %add3A_93 = vector.broadcast %mul3A_92 : i32 to vector<16xi32>
        %add3A_94 = arith.addi %iota3A, %add3A_93 : vector<16xi32>
        %add3A_95 = arith.constant 0 : i32
        %add3A_96 = vector.broadcast %add3A_95 : i32 to vector<16xi32>
        %add3A_97 = arith.addi %add3A_94, %add3A_96 : vector<16xi32>
        %mul3A_98 = arith.constant 0 : i32
        %mul3A_99 = vector.broadcast %mul3A_98 : i32 to vector<16xi32>
        %mul3A_100 = arith.muli %iota3A, %mul3A_99 : vector<16xi32>
        %add3A_101 = vector.broadcast %scan3A_30 : i32 to vector<16xi32>
        %add3A_102 = arith.addi %mul3A_100, %add3A_101 : vector<16xi32>
        %lt3A = arith.cmpi slt, %add3A_97, %add3A_102 : vector<16xi32>
        %mul3A_103 = arith.constant 64 : i32
        %mul3A_104 = arith.muli %while3A_89, %mul3A_103 : i32
        %add3A_105 = arith.constant 0 : i32
        %add3A_106 = arith.addi %mul3A_104, %add3A_105 : i32
        %get3A = arith.index_cast %add3A_106 : i32 to index
        %get3A_107 = tpu.vector_load %arg9[%get3A] {strides = array<i32>} : memref<20480xi32, #tpu.memory_space<vmem>>, vector<16xi32>,
        %get3A_108 = vector.shape_cast %get3A_107 : vector<16xi32> to vector<16xi32>
        %shift_right_arithmetic3A_109 = arith.constant 14 : i32
        %shift_right_arithmetic3A_110 = vector.broadcast %shift_right_arithmetic3A_109 : i32 to vector<16xi32>
        %shift_right_arithmetic3A_111 = arith.shrsi %get3A_108, %shift_right_arithmetic3A_110 : vector<16xi32>
        %jit3A = arith.constant 5100 : i32
        %broadcast_in_dim3A = vector.broadcast %jit3A : i32 to vector<16xi32>
        %select_n3A = arith.select %lt3A, %shift_right_arithmetic3A_111, %broadcast_in_dim3A : vector<16xi1>, vector<16xi32>
        %swap3A = arith.constant 0 : index
        %swap3A_112 = tpu.vector_load %arg13[%swap3A] {strides = array<i32>} : memref<64xi32, #tpu.memory_space<vmem>>, vector<16xi32>,
        %swap3A_113 = vector.shape_cast %swap3A_112 : vector<16xi32> to vector<16xi32>
        %swap3A_114 = vector.shape_cast %select_n3A : vector<16xi32> to vector<16xi32>
        tpu.vector_store %arg13[%swap3A], %swap3A_114 {strides = array<i32>} : memref<64xi32, #tpu.memory_space<vmem>>, vector<16xi32>,
        %mul3A_115 = arith.constant 64 : i32
        %mul3A_116 = arith.muli %while3A_89, %mul3A_115 : i32
        %add3A_117 = vector.broadcast %mul3A_116 : i32 to vector<16xi32>
        %add3A_118 = arith.addi %iota3A, %add3A_117 : vector<16xi32>
        %add3A_119 = arith.constant 16 : i32
        %add3A_120 = vector.broadcast %add3A_119 : i32 to vector<16xi32>
        %add3A_121 = arith.addi %add3A_118, %add3A_120 : vector<16xi32>
        %mul3A_122 = arith.constant 0 : i32
        %mul3A_123 = vector.broadcast %mul3A_122 : i32 to vector<16xi32>
        %mul3A_124 = arith.muli %iota3A, %mul3A_123 : vector<16xi32>
        %add3A_125 = vector.broadcast %scan3A_30 : i32 to vector<16xi32>
        %add3A_126 = arith.addi %mul3A_124, %add3A_125 : vector<16xi32>
        %lt3A_127 = arith.cmpi slt, %add3A_121, %add3A_126 : vector<16xi32>
        %mul3A_128 = arith.constant 64 : i32
        %mul3A_129 = arith.muli %while3A_89, %mul3A_128 : i32
        %add3A_130 = arith.constant 16 : i32
        %add3A_131 = arith.addi %mul3A_129, %add3A_130 : i32
        %get3A_132 = arith.index_cast %add3A_131 : i32 to index
        %get3A_133 = tpu.vector_load %arg9[%get3A_132] {strides = array<i32>} : memref<20480xi32, #tpu.memory_space<vmem>>, vector<16xi32>,
        %get3A_134 = vector.shape_cast %get3A_133 : vector<16xi32> to vector<16xi32>
        %shift_right_arithmetic3A_135 = arith.constant 14 : i32
        %shift_right_arithmetic3A_136 = vector.broadcast %shift_right_arithmetic3A_135 : i32 to vector<16xi32>
        %shift_right_arithmetic3A_137 = arith.shrsi %get3A_134, %shift_right_arithmetic3A_136 : vector<16xi32>
        %jit3A_138 = arith.constant 5100 : i32
        %broadcast_in_dim3A_139 = vector.broadcast %jit3A_138 : i32 to vector<16xi32>
        %select_n3A_140 = arith.select %lt3A_127, %shift_right_arithmetic3A_137, %broadcast_in_dim3A_139 : vector<16xi1>, vector<16xi32>
        %swap3A_141 = arith.constant 16 : index
        %swap3A_142 = tpu.vector_load %arg13[%swap3A_141] {strides = array<i32>} : memref<64xi32, #tpu.memory_space<vmem>>, vector<16xi32>,
        %swap3A_143 = vector.shape_cast %swap3A_142 : vector<16xi32> to vector<16xi32>
        %swap3A_144 = vector.shape_cast %select_n3A_140 : vector<16xi32> to vector<16xi32>
        tpu.vector_store %arg13[%swap3A_141], %swap3A_144 {strides = array<i32>} : memref<64xi32, #tpu.memory_space<vmem>>, vector<16xi32>,
        %mul3A_145 = arith.constant 64 : i32
        %mul3A_146 = arith.muli %while3A_89, %mul3A_145 : i32
        %add3A_147 = vector.broadcast %mul3A_146 : i32 to vector<16xi32>
        %add3A_148 = arith.addi %iota3A, %add3A_147 : vector<16xi32>
        %add3A_149 = arith.constant 32 : i32
        %add3A_150 = vector.broadcast %add3A_149 : i32 to vector<16xi32>
        %add3A_151 = arith.addi %add3A_148, %add3A_150 : vector<16xi32>
        %mul3A_152 = arith.constant 0 : i32
        %mul3A_153 = vector.broadcast %mul3A_152 : i32 to vector<16xi32>
        %mul3A_154 = arith.muli %iota3A, %mul3A_153 : vector<16xi32>
        %add3A_155 = vector.broadcast %scan3A_30 : i32 to vector<16xi32>
        %add3A_156 = arith.addi %mul3A_154, %add3A_155 : vector<16xi32>
        %lt3A_157 = arith.cmpi slt, %add3A_151, %add3A_156 : vector<16xi32>
        %mul3A_158 = arith.constant 64 : i32
        %mul3A_159 = arith.muli %while3A_89, %mul3A_158 : i32
        %add3A_160 = arith.constant 32 : i32
        %add3A_161 = arith.addi %mul3A_159, %add3A_160 : i32
        %get3A_162 = arith.index_cast %add3A_161 : i32 to index
        %get3A_163 = tpu.vector_load %arg9[%get3A_162] {strides = array<i32>} : memref<20480xi32, #tpu.memory_space<vmem>>, vector<16xi32>,
        %get3A_164 = vector.shape_cast %get3A_163 : vector<16xi32> to vector<16xi32>
        %shift_right_arithmetic3A_165 = arith.constant 14 : i32
        %shift_right_arithmetic3A_166 = vector.broadcast %shift_right_arithmetic3A_165 : i32 to vector<16xi32>
        %shift_right_arithmetic3A_167 = arith.shrsi %get3A_164, %shift_right_arithmetic3A_166 : vector<16xi32>
        %jit3A_168 = arith.constant 5100 : i32
        %broadcast_in_dim3A_169 = vector.broadcast %jit3A_168 : i32 to vector<16xi32>
        %select_n3A_170 = arith.select %lt3A_157, %shift_right_arithmetic3A_167, %broadcast_in_dim3A_169 : vector<16xi1>, vector<16xi32>
        %swap3A_171 = arith.constant 32 : index
        %swap3A_172 = tpu.vector_load %arg13[%swap3A_171] {strides = array<i32>} : memref<64xi32, #tpu.memory_space<vmem>>, vector<16xi32>,
        %swap3A_173 = vector.shape_cast %swap3A_172 : vector<16xi32> to vector<16xi32>
        %swap3A_174 = vector.shape_cast %select_n3A_170 : vector<16xi32> to vector<16xi32>
        tpu.vector_store %arg13[%swap3A_171], %swap3A_174 {strides = array<i32>} : memref<64xi32, #tpu.memory_space<vmem>>, vector<16xi32>,
        %mul3A_175 = arith.constant 64 : i32
        %mul3A_176 = arith.muli %while3A_89, %mul3A_175 : i32
        %add3A_177 = vector.broadcast %mul3A_176 : i32 to vector<16xi32>
        %add3A_178 = arith.addi %iota3A, %add3A_177 : vector<16xi32>
        %add3A_179 = arith.constant 48 : i32
        %add3A_180 = vector.broadcast %add3A_179 : i32 to vector<16xi32>
        %add3A_181 = arith.addi %add3A_178, %add3A_180 : vector<16xi32>
        %mul3A_182 = arith.constant 0 : i32
        %mul3A_183 = vector.broadcast %mul3A_182 : i32 to vector<16xi32>
        %mul3A_184 = arith.muli %iota3A, %mul3A_183 : vector<16xi32>
        %add3A_185 = vector.broadcast %scan3A_30 : i32 to vector<16xi32>
        %add3A_186 = arith.addi %mul3A_184, %add3A_185 : vector<16xi32>
        %lt3A_187 = arith.cmpi slt, %add3A_181, %add3A_186 : vector<16xi32>
        %mul3A_188 = arith.constant 64 : i32
        %mul3A_189 = arith.muli %while3A_89, %mul3A_188 : i32
        %add3A_190 = arith.constant 48 : i32
        %add3A_191 = arith.addi %mul3A_189, %add3A_190 : i32
        %get3A_192 = arith.index_cast %add3A_191 : i32 to index
        %get3A_193 = tpu.vector_load %arg9[%get3A_192] {strides = array<i32>} : memref<20480xi32, #tpu.memory_space<vmem>>, vector<16xi32>,
        %get3A_194 = vector.shape_cast %get3A_193 : vector<16xi32> to vector<16xi32>
        %shift_right_arithmetic3A_195 = arith.constant 14 : i32
        %shift_right_arithmetic3A_196 = vector.broadcast %shift_right_arithmetic3A_195 : i32 to vector<16xi32>
        %shift_right_arithmetic3A_197 = arith.shrsi %get3A_194, %shift_right_arithmetic3A_196 : vector<16xi32>
        %jit3A_198 = arith.constant 5100 : i32
        %broadcast_in_dim3A_199 = vector.broadcast %jit3A_198 : i32 to vector<16xi32>
        %select_n3A_200 = arith.select %lt3A_187, %shift_right_arithmetic3A_197, %broadcast_in_dim3A_199 : vector<16xi1>, vector<16xi32>
        %swap3A_201 = arith.constant 48 : index
        %swap3A_202 = tpu.vector_load %arg13[%swap3A_201] {strides = array<i32>} : memref<64xi32, #tpu.memory_space<vmem>>, vector<16xi32>,
        %swap3A_203 = vector.shape_cast %swap3A_202 : vector<16xi32> to vector<16xi32>
        %swap3A_204 = vector.shape_cast %select_n3A_200 : vector<16xi32> to vector<16xi32>
        tpu.vector_store %arg13[%swap3A_201], %swap3A_204 {strides = array<i32>} : memref<64xi32, #tpu.memory_space<vmem>>, vector<16xi32>,
        "tpu.region"() ({
          %run_scoped3A = tpu.sem_alloc : memref<!tpu.dma_semaphore, #tpu.memory_space<semaphore_mem>>
          %dma_start3A = arith.constant 0 : i32
          %dma_start3A_206 = arith.constant 0 : i32
          %dma_start3A_207 = tpu.memref_slice %arg16[%dma_start3A, %dma_start3A_206] : memref<5120x128xf32, #tpu.memory_space<vmem_shared>> -> memref<5120x128xf32, #tpu.memory_space<vmem_shared>>
          tpu.enqueue_indirect_dma source(%arg12 : memref<64x128xf32, #tpu.memory_space<vmem>>) target(%dma_start3A_207 : memref<5120x128xf32, #tpu.memory_space<vmem_shared>>) offsets(%arg13 : memref<64xi32, #tpu.memory_space<vmem>>) semaphore(%run_scoped3A : memref<!tpu.dma_semaphore, #tpu.memory_space<semaphore_mem>>) {add = true}
          %dma_wait3A = arith.constant 0 : i32
          %dma_wait3A_208 = arith.constant 0 : i32
          %dma_wait3A_209 = tpu.memref_slice %arg16[%dma_wait3A, %dma_wait3A_208] : memref<5120x128xf32, #tpu.memory_space<vmem_shared>> -> memref<5120x128xf32, #tpu.memory_space<vmem_shared>>
          tpu.wait_indirect_dma semaphore(%run_scoped3A : memref<!tpu.dma_semaphore, #tpu.memory_space<semaphore_mem>>) src(%arg12 : memref<64x128xf32, #tpu.memory_space<vmem>>) dst(%dma_wait3A_209 : memref<5120x128xf32, #tpu.memory_space<vmem_shared>>)
          tpu.yield
        }) : () -> ()
        %while3A_205 = arith.constant 0 : i32
        scf.yield %while3A_205 : i32
      }
      %while3A_74 = arith.constant 1 : i32
      %while3A_75 = scf.for %while3A_89 = %while3A_71 to %while3A_67 step %while3A_74 iter_args(%while3A_90 = %while3A_73) -> (i32)  : i32 {
        %mul3A_91 = arith.constant 64 : i32
        %mul3A_92 = arith.muli %while3A_89, %mul3A_91 : i32
        %add3A_93 = vector.broadcast %mul3A_92 : i32 to vector<16xi32>
        %add3A_94 = arith.addi %iota3A, %add3A_93 : vector<16xi32>
        %add3A_95 = arith.constant 0 : i32
        %add3A_96 = vector.broadcast %add3A_95 : i32 to vector<16xi32>
        %add3A_97 = arith.addi %add3A_94, %add3A_96 : vector<16xi32>
        %mul3A_98 = arith.constant 0 : i32
        %mul3A_99 = vector.broadcast %mul3A_98 : i32 to vector<16xi32>
        %mul3A_100 = arith.muli %iota3A, %mul3A_99 : vector<16xi32>
        %add3A_101 = vector.broadcast %scan3A_30 : i32 to vector<16xi32>
        %add3A_102 = arith.addi %mul3A_100, %add3A_101 : vector<16xi32>
        %lt3A = arith.cmpi slt, %add3A_97, %add3A_102 : vector<16xi32>
        %mul3A_103 = arith.constant 64 : i32
        %mul3A_104 = arith.muli %while3A_89, %mul3A_103 : i32
        %add3A_105 = arith.constant 0 : i32
        %add3A_106 = arith.addi %mul3A_104, %add3A_105 : i32
        %get3A = arith.index_cast %add3A_106 : i32 to index
        %get3A_107 = tpu.vector_load %arg9[%get3A] {strides = array<i32>} : memref<20480xi32, #tpu.memory_space<vmem>>, vector<16xi32>,
        %get3A_108 = vector.shape_cast %get3A_107 : vector<16xi32> to vector<16xi32>
        %shift_right_arithmetic3A_109 = arith.constant 14 : i32
        %shift_right_arithmetic3A_110 = vector.broadcast %shift_right_arithmetic3A_109 : i32 to vector<16xi32>
        %shift_right_arithmetic3A_111 = arith.shrsi %get3A_108, %shift_right_arithmetic3A_110 : vector<16xi32>
        %jit3A = arith.constant 5100 : i32
        %broadcast_in_dim3A = vector.broadcast %jit3A : i32 to vector<16xi32>
        %select_n3A = arith.select %lt3A, %shift_right_arithmetic3A_111, %broadcast_in_dim3A : vector<16xi1>, vector<16xi32>
        %swap3A = arith.constant 0 : index
        %swap3A_112 = tpu.vector_load %arg13[%swap3A] {strides = array<i32>} : memref<64xi32, #tpu.memory_space<vmem>>, vector<16xi32>,
        %swap3A_113 = vector.shape_cast %swap3A_112 : vector<16xi32> to vector<16xi32>
        %swap3A_114 = vector.shape_cast %select_n3A : vector<16xi32> to vector<16xi32>
        tpu.vector_store %arg13[%swap3A], %swap3A_114 {strides = array<i32>} : memref<64xi32, #tpu.memory_space<vmem>>, vector<16xi32>,
        %mul3A_115 = arith.constant 64 : i32
        %mul3A_116 = arith.muli %while3A_89, %mul3A_115 : i32
        %add3A_117 = vector.broadcast %mul3A_116 : i32 to vector<16xi32>
        %add3A_118 = arith.addi %iota3A, %add3A_117 : vector<16xi32>
        %add3A_119 = arith.constant 16 : i32
        %add3A_120 = vector.broadcast %add3A_119 : i32 to vector<16xi32>
        %add3A_121 = arith.addi %add3A_118, %add3A_120 : vector<16xi32>
        %mul3A_122 = arith.constant 0 : i32
        %mul3A_123 = vector.broadcast %mul3A_122 : i32 to vector<16xi32>
        %mul3A_124 = arith.muli %iota3A, %mul3A_123 : vector<16xi32>
        %add3A_125 = vector.broadcast %scan3A_30 : i32 to vector<16xi32>
        %add3A_126 = arith.addi %mul3A_124, %add3A_125 : vector<16xi32>
        %lt3A_127 = arith.cmpi slt, %add3A_121, %add3A_126 : vector<16xi32>
        %mul3A_128 = arith.constant 64 : i32
        %mul3A_129 = arith.muli %while3A_89, %mul3A_128 : i32
        %add3A_130 = arith.constant 16 : i32
        %add3A_131 = arith.addi %mul3A_129, %add3A_130 : i32
        %get3A_132 = arith.index_cast %add3A_131 : i32 to index
        %get3A_133 = tpu.vector_load %arg9[%get3A_132] {strides = array<i32>} : memref<20480xi32, #tpu.memory_space<vmem>>, vector<16xi32>,
        %get3A_134 = vector.shape_cast %get3A_133 : vector<16xi32> to vector<16xi32>
        %shift_right_arithmetic3A_135 = arith.constant 14 : i32
        %shift_right_arithmetic3A_136 = vector.broadcast %shift_right_arithmetic3A_135 : i32 to vector<16xi32>
        %shift_right_arithmetic3A_137 = arith.shrsi %get3A_134, %shift_right_arithmetic3A_136 : vector<16xi32>
        %jit3A_138 = arith.constant 5100 : i32
        %broadcast_in_dim3A_139 = vector.broadcast %jit3A_138 : i32 to vector<16xi32>
        %select_n3A_140 = arith.select %lt3A_127, %shift_right_arithmetic3A_137, %broadcast_in_dim3A_139 : vector<16xi1>, vector<16xi32>
        %swap3A_141 = arith.constant 16 : index
        %swap3A_142 = tpu.vector_load %arg13[%swap3A_141] {strides = array<i32>} : memref<64xi32, #tpu.memory_space<vmem>>, vector<16xi32>,
        %swap3A_143 = vector.shape_cast %swap3A_142 : vector<16xi32> to vector<16xi32>
        %swap3A_144 = vector.shape_cast %select_n3A_140 : vector<16xi32> to vector<16xi32>
        tpu.vector_store %arg13[%swap3A_141], %swap3A_144 {strides = array<i32>} : memref<64xi32, #tpu.memory_space<vmem>>, vector<16xi32>,
        %mul3A_145 = arith.constant 64 : i32
        %mul3A_146 = arith.muli %while3A_89, %mul3A_145 : i32
        %add3A_147 = vector.broadcast %mul3A_146 : i32 to vector<16xi32>
        %add3A_148 = arith.addi %iota3A, %add3A_147 : vector<16xi32>
        %add3A_149 = arith.constant 32 : i32
        %add3A_150 = vector.broadcast %add3A_149 : i32 to vector<16xi32>
        %add3A_151 = arith.addi %add3A_148, %add3A_150 : vector<16xi32>
        %mul3A_152 = arith.constant 0 : i32
        %mul3A_153 = vector.broadcast %mul3A_152 : i32 to vector<16xi32>
        %mul3A_154 = arith.muli %iota3A, %mul3A_153 : vector<16xi32>
        %add3A_155 = vector.broadcast %scan3A_30 : i32 to vector<16xi32>
        %add3A_156 = arith.addi %mul3A_154, %add3A_155 : vector<16xi32>
        %lt3A_157 = arith.cmpi slt, %add3A_151, %add3A_156 : vector<16xi32>
        %mul3A_158 = arith.constant 64 : i32
        %mul3A_159 = arith.muli %while3A_89, %mul3A_158 : i32
        %add3A_160 = arith.constant 32 : i32
        %add3A_161 = arith.addi %mul3A_159, %add3A_160 : i32
        %get3A_162 = arith.index_cast %add3A_161 : i32 to index
        %get3A_163 = tpu.vector_load %arg9[%get3A_162] {strides = array<i32>} : memref<20480xi32, #tpu.memory_space<vmem>>, vector<16xi32>,
        %get3A_164 = vector.shape_cast %get3A_163 : vector<16xi32> to vector<16xi32>
        %shift_right_arithmetic3A_165 = arith.constant 14 : i32
        %shift_right_arithmetic3A_166 = vector.broadcast %shift_right_arithmetic3A_165 : i32 to vector<16xi32>
        %shift_right_arithmetic3A_167 = arith.shrsi %get3A_164, %shift_right_arithmetic3A_166 : vector<16xi32>
        %jit3A_168 = arith.constant 5100 : i32
        %broadcast_in_dim3A_169 = vector.broadcast %jit3A_168 : i32 to vector<16xi32>
        %select_n3A_170 = arith.select %lt3A_157, %shift_right_arithmetic3A_167, %broadcast_in_dim3A_169 : vector<16xi1>, vector<16xi32>
        %swap3A_171 = arith.constant 32 : index
        %swap3A_172 = tpu.vector_load %arg13[%swap3A_171] {strides = array<i32>} : memref<64xi32, #tpu.memory_space<vmem>>, vector<16xi32>,
        %swap3A_173 = vector.shape_cast %swap3A_172 : vector<16xi32> to vector<16xi32>
        %swap3A_174 = vector.shape_cast %select_n3A_170 : vector<16xi32> to vector<16xi32>
        tpu.vector_store %arg13[%swap3A_171], %swap3A_174 {strides = array<i32>} : memref<64xi32, #tpu.memory_space<vmem>>, vector<16xi32>,
        %mul3A_175 = arith.constant 64 : i32
        %mul3A_176 = arith.muli %while3A_89, %mul3A_175 : i32
        %add3A_177 = vector.broadcast %mul3A_176 : i32 to vector<16xi32>
        %add3A_178 = arith.addi %iota3A, %add3A_177 : vector<16xi32>
        %add3A_179 = arith.constant 48 : i32
        %add3A_180 = vector.broadcast %add3A_179 : i32 to vector<16xi32>
        %add3A_181 = arith.addi %add3A_178, %add3A_180 : vector<16xi32>
        %mul3A_182 = arith.constant 0 : i32
        %mul3A_183 = vector.broadcast %mul3A_182 : i32 to vector<16xi32>
        %mul3A_184 = arith.muli %iota3A, %mul3A_183 : vector<16xi32>
        %add3A_185 = vector.broadcast %scan3A_30 : i32 to vector<16xi32>
        %add3A_186 = arith.addi %mul3A_184, %add3A_185 : vector<16xi32>
        %lt3A_187 = arith.cmpi slt, %add3A_181, %add3A_186 : vector<16xi32>
        %mul3A_188 = arith.constant 64 : i32
        %mul3A_189 = arith.muli %while3A_89, %mul3A_188 : i32
        %add3A_190 = arith.constant 48 : i32
        %add3A_191 = arith.addi %mul3A_189, %add3A_190 : i32
        %get3A_192 = arith.index_cast %add3A_191 : i32 to index
        %get3A_193 = tpu.vector_load %arg9[%get3A_192] {strides = array<i32>} : memref<20480xi32, #tpu.memory_space<vmem>>, vector<16xi32>,
        %get3A_194 = vector.shape_cast %get3A_193 : vector<16xi32> to vector<16xi32>
        %shift_right_arithmetic3A_195 = arith.constant 14 : i32
        %shift_right_arithmetic3A_196 = vector.broadcast %shift_right_arithmetic3A_195 : i32 to vector<16xi32>
        %shift_right_arithmetic3A_197 = arith.shrsi %get3A_194, %shift_right_arithmetic3A_196 : vector<16xi32>
        %jit3A_198 = arith.constant 5100 : i32
        %broadcast_in_dim3A_199 = vector.broadcast %jit3A_198 : i32 to vector<16xi32>
        %select_n3A_200 = arith.select %lt3A_187, %shift_right_arithmetic3A_197, %broadcast_in_dim3A_199 : vector<16xi1>, vector<16xi32>
        %swap3A_201 = arith.constant 48 : index
        %swap3A_202 = tpu.vector_load %arg13[%swap3A_201] {strides = array<i32>} : memref<64xi32, #tpu.memory_space<vmem>>, vector<16xi32>,
        %swap3A_203 = vector.shape_cast %swap3A_202 : vector<16xi32> to vector<16xi32>
        %swap3A_204 = vector.shape_cast %select_n3A_200 : vector<16xi32> to vector<16xi32>
        tpu.vector_store %arg13[%swap3A_201], %swap3A_204 {strides = array<i32>} : memref<64xi32, #tpu.memory_space<vmem>>, vector<16xi32>,
        "tpu.region"() ({
          %run_scoped3A = tpu.sem_alloc : memref<!tpu.dma_semaphore, #tpu.memory_space<semaphore_mem>>
          %dma_start3A = arith.constant 0 : i32
          %dma_start3A_206 = arith.constant 0 : i32
          %dma_start3A_207 = tpu.memref_slice %arg16[%dma_start3A, %dma_start3A_206] : memref<5120x128xf32, #tpu.memory_space<vmem_shared>> -> memref<5120x128xf32, #tpu.memory_space<vmem_shared>>
          tpu.enqueue_indirect_dma source(%arg12 : memref<64x128xf32, #tpu.memory_space<vmem>>) target(%dma_start3A_207 : memref<5120x128xf32, #tpu.memory_space<vmem_shared>>) offsets(%arg13 : memref<64xi32, #tpu.memory_space<vmem>>) semaphore(%run_scoped3A : memref<!tpu.dma_semaphore, #tpu.memory_space<semaphore_mem>>) {add = true}
          %dma_wait3A = arith.constant 0 : i32
          %dma_wait3A_208 = arith.constant 0 : i32
          %dma_wait3A_209 = tpu.memref_slice %arg16[%dma_wait3A, %dma_wait3A_208] : memref<5120x128xf32, #tpu.memory_space<vmem_shared>> -> memref<5120x128xf32, #tpu.memory_space<vmem_shared>>
          tpu.wait_indirect_dma semaphore(%run_scoped3A : memref<!tpu.dma_semaphore, #tpu.memory_space<semaphore_mem>>) src(%arg12 : memref<64x128xf32, #tpu.memory_space<vmem>>) dst(%dma_wait3A_209 : memref<5120x128xf32, #tpu.memory_space<vmem_shared>>)
          tpu.yield
        }) : () -> ()
        %while3A_205 = arith.constant 0 : i32
        scf.yield %while3A_205 : i32
      }
      %barrier3A_76 = arith.constant 0 : index
      tpu.barrier barrier_id(%barrier3A_76)
      %mul3A_77 = arith.constant 312 : i32
      %mul3A_78 = arith.muli %arg1, %mul3A_77 : i32
      %mul3A_79 = arith.constant 312 : i32
      %mul3A_80 = arith.muli %arg1, %mul3A_79 : i32
      %add3A_81 = arith.addi %mul3A_12, %mul3A_80 : i32
      "tpu.region"() ({
        %run_scoped3A = tpu.sem_alloc : memref<!tpu.dma_semaphore, #tpu.memory_space<semaphore_mem>>
        %dma_start3A = arith.constant 0 : i32
        %dma_start3A_89 = tpu.memref_slice %arg7[%add3A_81, %dma_start3A] : memref<100000x128xf32, #tpu.memory_space<hbm>> -> memref<312x128xf32, #tpu.memory_space<hbm>>
        %dma_start3A_90 = arith.constant 0 : i32
        %dma_start3A_91 = tpu.memref_slice %arg16[%mul3A_78, %dma_start3A_90] : memref<5120x128xf32, #tpu.memory_space<vmem_shared>> -> memref<312x128xf32, #tpu.memory_space<vmem_shared>>
        tpu.enqueue_dma source(%dma_start3A_91 : memref<312x128xf32, #tpu.memory_space<vmem_shared>>) target(%dma_start3A_89 : memref<312x128xf32, #tpu.memory_space<hbm>>) target_semaphore(%run_scoped3A : memref<!tpu.dma_semaphore, #tpu.memory_space<semaphore_mem>>)
        %dma_wait3A = arith.constant 0 : i32
        %dma_wait3A_92 = tpu.memref_slice %arg7[%add3A_81, %dma_wait3A] : memref<100000x128xf32, #tpu.memory_space<hbm>> -> memref<312x128xf32, #tpu.memory_space<hbm>>
        %dma_wait3A_93 = arith.constant 0 : i32
        %dma_wait3A_94 = tpu.memref_slice %arg16[%mul3A_78, %dma_wait3A_93] : memref<5120x128xf32, #tpu.memory_space<vmem_shared>> -> memref<312x128xf32, #tpu.memory_space<vmem_shared>>
        tpu.wait_dma2 semaphore(%run_scoped3A : memref<!tpu.dma_semaphore, #tpu.memory_space<semaphore_mem>>) src(%dma_wait3A_94 : memref<312x128xf32, #tpu.memory_space<vmem_shared>>) dst(%dma_wait3A_92 : memref<312x128xf32, #tpu.memory_space<hbm>>)
        tpu.yield
      }) : () -> ()
      %eq3A_82 = arith.constant 0 : i32
      %eq3A_83 = arith.cmpi eq, %arg1, %eq3A_82 : i32
      %convert_element_type3A_84 = arith.extui %eq3A_83 : i1 to i32
      %cond3A_85 = arith.constant 0 : i32
      %cond3A_86 = arith.cmpi ne, %convert_element_type3A_84, %cond3A_85 : i32
      scf.if %cond3A_86 {
        %add3A_89 = arith.constant 4992 : i32
        %add3A_90 = arith.addi %mul3A_12, %add3A_89 : i32
        "tpu.region"() ({
          %run_scoped3A = tpu.sem_alloc : memref<!tpu.dma_semaphore, #tpu.memory_space<semaphore_mem>>
          %dma_start3A = arith.constant 0 : i32
          %dma_start3A_91 = tpu.memref_slice %arg7[%add3A_90, %dma_start3A] : memref<100000x128xf32, #tpu.memory_space<hbm>> -> memref<8x128xf32, #tpu.memory_space<hbm>>
          %dma_start3A_92 = arith.constant 4992 : i32
          %dma_start3A_93 = arith.constant 0 : i32
          %dma_start3A_94 = tpu.memref_slice %arg16[%dma_start3A_92, %dma_start3A_93] : memref<5120x128xf32, #tpu.memory_space<vmem_shared>> -> memref<8x128xf32, #tpu.memory_space<vmem_shared>>
          tpu.enqueue_dma source(%dma_start3A_94 : memref<8x128xf32, #tpu.memory_space<vmem_shared>>) target(%dma_start3A_91 : memref<8x128xf32, #tpu.memory_space<hbm>>) target_semaphore(%run_scoped3A : memref<!tpu.dma_semaphore, #tpu.memory_space<semaphore_mem>>)
          %dma_wait3A = arith.constant 0 : i32
          %dma_wait3A_95 = tpu.memref_slice %arg7[%add3A_90, %dma_wait3A] : memref<100000x128xf32, #tpu.memory_space<hbm>> -> memref<8x128xf32, #tpu.memory_space<hbm>>
          %dma_wait3A_96 = arith.constant 4992 : i32
          %dma_wait3A_97 = arith.constant 0 : i32
          %dma_wait3A_98 = tpu.memref_slice %arg16[%dma_wait3A_96, %dma_wait3A_97] : memref<5120x128xf32, #tpu.memory_space<vmem_shared>> -> memref<8x128xf32, #tpu.memory_space<vmem_shared>>
          tpu.wait_dma2 semaphore(%run_scoped3A : memref<!tpu.dma_semaphore, #tpu.memory_space<semaphore_mem>>) src(%dma_wait3A_98 : memref<8x128xf32, #tpu.memory_space<vmem_shared>>) dst(%dma_wait3A_95 : memref<8x128xf32, #tpu.memory_space<hbm>>)
          tpu.yield
        }) : () -> ()
      } else {
      }
      %barrier3A_87 = arith.constant 0 : index
      tpu.barrier barrier_id(%barrier3A_87)
      %scan3A_88 = arith.constant 0 : i32
      scf.yield %scan3A_88 : i32
    }
    %scan3A_6 = arith.constant 10 : i32
    return
  }
}

#map = affine_map<(d0, d1) -> (0)>
#map1 = affine_map<(d0, d1) -> (0, 0)>
#map2 = affine_map<(d0, d1) -> (0, 0, 0)>
module attributes {stable_mosaic.version = 14 : i64} {
  func.func @_sc_stage1(%arg0: i32, %arg1: i32, %arg2: memref<327680xi32, #tpu.memory_space<hbm>>, %arg3: memref<100000x128xf32, #tpu.memory_space<hbm>>, %arg4: memref<128x128xf32, #tpu.memory_space<hbm>>, %arg5: memref<128x128xf32, #tpu.memory_space<hbm>>, %arg6: memref<2x10000x128xf32, #tpu.memory_space<hbm>>, %arg7: memref<2x10000x128xf32, #tpu.memory_space<hbm>>, %arg8: memref<2048xi32, #tpu.memory_space<vmem>>, %arg9: memref<64xi32, #tpu.memory_space<vmem>>, %arg10: memref<64xi32, #tpu.memory_space<vmem>>, %arg11: memref<64x128xf32, #tpu.memory_space<vmem>>, %arg12: memref<64x128xf32, #tpu.memory_space<vmem>>, %arg13: memref<10240x128xf32, #tpu.memory_space<vmem_shared>>) attributes {dimension_semantics = [#tpu.dimension_semantics<core_parallel>, #tpu.dimension_semantics<subcore_parallel>], iteration_bounds = array<i64: 2, 16>, scalar_prefetch = 0 : i64, scratch_operands = 6 : i64, tpu.core_type = #tpu.core_type<sc_vector_subcore>, window_params = [{transform_indices = #map}, {transform_indices = #map1}, {transform_indices = #map1}, {transform_indices = #map1}, {transform_indices = #map2}, {transform_indices = #map2}]} {
    %mul3A = arith.constant 16 : i32
    %mul3A_0 = arith.muli %arg0, %mul3A : i32
    %add3A = arith.addi %mul3A_0, %arg1 : i32
    "tpu.region"() ({
      %run_scoped3A = tpu.sem_alloc : memref<!tpu.dma_semaphore, #tpu.memory_space<semaphore_mem>>
      %dma_start3A = arith.constant 0 : i32
      %dma_start3A_53 = arith.constant 0 : i32
      %dma_start3A_54 = tpu.memref_slice %arg5[%dma_start3A, %dma_start3A_53] : memref<128x128xf32, #tpu.memory_space<hbm>> -> memref<64x128xf32, #tpu.memory_space<hbm>>
      %dma_start3A_55 = arith.constant 0 : i32
      %dma_start3A_56 = arith.constant 0 : i32
      %dma_start3A_57 = tpu.memref_slice %arg5[%dma_start3A_55, %dma_start3A_56] : memref<128x128xf32, #tpu.memory_space<hbm>> -> memref<64x128xf32, #tpu.memory_space<hbm>>
      tpu.enqueue_dma source(%dma_start3A_57 : memref<64x128xf32, #tpu.memory_space<hbm>>) target(%arg12 : memref<64x128xf32, #tpu.memory_space<vmem>>) target_semaphore(%run_scoped3A : memref<!tpu.dma_semaphore, #tpu.memory_space<semaphore_mem>>)
      %dma_wait3A = arith.constant 0 : i32
      %dma_wait3A_58 = arith.constant 0 : i32
      %dma_wait3A_59 = tpu.memref_slice %arg5[%dma_wait3A, %dma_wait3A_58] : memref<128x128xf32, #tpu.memory_space<hbm>> -> memref<64x128xf32, #tpu.memory_space<hbm>>
      %dma_wait3A_60 = arith.constant 0 : i32
      %dma_wait3A_61 = arith.constant 0 : i32
      %dma_wait3A_62 = tpu.memref_slice %arg5[%dma_wait3A_60, %dma_wait3A_61] : memref<128x128xf32, #tpu.memory_space<hbm>> -> memref<64x128xf32, #tpu.memory_space<hbm>>
      tpu.wait_dma2 semaphore(%run_scoped3A : memref<!tpu.dma_semaphore, #tpu.memory_space<semaphore_mem>>) src(%dma_wait3A_62 : memref<64x128xf32, #tpu.memory_space<hbm>>) dst(%arg12 : memref<64x128xf32, #tpu.memory_space<vmem>>)
      tpu.yield
    }) : () -> ()
    %mul3A_1 = arith.constant 640 : i32
    %mul3A_2 = arith.muli %arg1, %mul3A_1 : i32
    %add3A_3 = arith.constant 0 : i32
    %add3A_4 = arith.addi %mul3A_2, %add3A_3 : i32
    "tpu.region"() ({
      %run_scoped3A = tpu.sem_alloc : memref<!tpu.dma_semaphore, #tpu.memory_space<semaphore_mem>>
      %dma_start3A = arith.constant 0 : i32
      %dma_start3A_53 = tpu.memref_slice %arg13[%add3A_4, %dma_start3A] : memref<10240x128xf32, #tpu.memory_space<vmem_shared>> -> memref<128x128xf32, #tpu.memory_space<vmem_shared>>
      tpu.enqueue_dma source(%arg4 : memref<128x128xf32, #tpu.memory_space<hbm>>) target(%dma_start3A_53 : memref<128x128xf32, #tpu.memory_space<vmem_shared>>) target_semaphore(%run_scoped3A : memref<!tpu.dma_semaphore, #tpu.memory_space<semaphore_mem>>)
      %dma_wait3A = arith.constant 0 : i32
      %dma_wait3A_54 = tpu.memref_slice %arg13[%add3A_4, %dma_wait3A] : memref<10240x128xf32, #tpu.memory_space<vmem_shared>> -> memref<128x128xf32, #tpu.memory_space<vmem_shared>>
      tpu.wait_dma2 semaphore(%run_scoped3A : memref<!tpu.dma_semaphore, #tpu.memory_space<semaphore_mem>>) src(%arg4 : memref<128x128xf32, #tpu.memory_space<hbm>>) dst(%dma_wait3A_54 : memref<128x128xf32, #tpu.memory_space<vmem_shared>>)
      tpu.yield
    }) : () -> ()
    %mul3A_5 = arith.constant 640 : i32
    %mul3A_6 = arith.muli %arg1, %mul3A_5 : i32
    %add3A_7 = arith.constant 128 : i32
    %add3A_8 = arith.addi %mul3A_6, %add3A_7 : i32
    "tpu.region"() ({
      %run_scoped3A = tpu.sem_alloc : memref<!tpu.dma_semaphore, #tpu.memory_space<semaphore_mem>>
      %dma_start3A = arith.constant 0 : i32
      %dma_start3A_53 = tpu.memref_slice %arg13[%add3A_8, %dma_start3A] : memref<10240x128xf32, #tpu.memory_space<vmem_shared>> -> memref<128x128xf32, #tpu.memory_space<vmem_shared>>
      tpu.enqueue_dma source(%arg4 : memref<128x128xf32, #tpu.memory_space<hbm>>) target(%dma_start3A_53 : memref<128x128xf32, #tpu.memory_space<vmem_shared>>) target_semaphore(%run_scoped3A : memref<!tpu.dma_semaphore, #tpu.memory_space<semaphore_mem>>)
      %dma_wait3A = arith.constant 0 : i32
      %dma_wait3A_54 = tpu.memref_slice %arg13[%add3A_8, %dma_wait3A] : memref<10240x128xf32, #tpu.memory_space<vmem_shared>> -> memref<128x128xf32, #tpu.memory_space<vmem_shared>>
      tpu.wait_dma2 semaphore(%run_scoped3A : memref<!tpu.dma_semaphore, #tpu.memory_space<semaphore_mem>>) src(%arg4 : memref<128x128xf32, #tpu.memory_space<hbm>>) dst(%dma_wait3A_54 : memref<128x128xf32, #tpu.memory_space<vmem_shared>>)
      tpu.yield
    }) : () -> ()
    %mul3A_9 = arith.constant 640 : i32
    %mul3A_10 = arith.muli %arg1, %mul3A_9 : i32
    %add3A_11 = arith.constant 256 : i32
    %add3A_12 = arith.addi %mul3A_10, %add3A_11 : i32
    "tpu.region"() ({
      %run_scoped3A = tpu.sem_alloc : memref<!tpu.dma_semaphore, #tpu.memory_space<semaphore_mem>>
      %dma_start3A = arith.constant 0 : i32
      %dma_start3A_53 = tpu.memref_slice %arg13[%add3A_12, %dma_start3A] : memref<10240x128xf32, #tpu.memory_space<vmem_shared>> -> memref<128x128xf32, #tpu.memory_space<vmem_shared>>
      tpu.enqueue_dma source(%arg4 : memref<128x128xf32, #tpu.memory_space<hbm>>) target(%dma_start3A_53 : memref<128x128xf32, #tpu.memory_space<vmem_shared>>) target_semaphore(%run_scoped3A : memref<!tpu.dma_semaphore, #tpu.memory_space<semaphore_mem>>)
      %dma_wait3A = arith.constant 0 : i32
      %dma_wait3A_54 = tpu.memref_slice %arg13[%add3A_12, %dma_wait3A] : memref<10240x128xf32, #tpu.memory_space<vmem_shared>> -> memref<128x128xf32, #tpu.memory_space<vmem_shared>>
      tpu.wait_dma2 semaphore(%run_scoped3A : memref<!tpu.dma_semaphore, #tpu.memory_space<semaphore_mem>>) src(%arg4 : memref<128x128xf32, #tpu.memory_space<hbm>>) dst(%dma_wait3A_54 : memref<128x128xf32, #tpu.memory_space<vmem_shared>>)
      tpu.yield
    }) : () -> ()
    %mul3A_13 = arith.constant 640 : i32
    %mul3A_14 = arith.muli %arg1, %mul3A_13 : i32
    %add3A_15 = arith.constant 384 : i32
    %add3A_16 = arith.addi %mul3A_14, %add3A_15 : i32
    "tpu.region"() ({
      %run_scoped3A = tpu.sem_alloc : memref<!tpu.dma_semaphore, #tpu.memory_space<semaphore_mem>>
      %dma_start3A = arith.constant 0 : i32
      %dma_start3A_53 = tpu.memref_slice %arg13[%add3A_16, %dma_start3A] : memref<10240x128xf32, #tpu.memory_space<vmem_shared>> -> memref<128x128xf32, #tpu.memory_space<vmem_shared>>
      tpu.enqueue_dma source(%arg4 : memref<128x128xf32, #tpu.memory_space<hbm>>) target(%dma_start3A_53 : memref<128x128xf32, #tpu.memory_space<vmem_shared>>) target_semaphore(%run_scoped3A : memref<!tpu.dma_semaphore, #tpu.memory_space<semaphore_mem>>)
      %dma_wait3A = arith.constant 0 : i32
      %dma_wait3A_54 = tpu.memref_slice %arg13[%add3A_16, %dma_wait3A] : memref<10240x128xf32, #tpu.memory_space<vmem_shared>> -> memref<128x128xf32, #tpu.memory_space<vmem_shared>>
      tpu.wait_dma2 semaphore(%run_scoped3A : memref<!tpu.dma_semaphore, #tpu.memory_space<semaphore_mem>>) src(%arg4 : memref<128x128xf32, #tpu.memory_space<hbm>>) dst(%dma_wait3A_54 : memref<128x128xf32, #tpu.memory_space<vmem_shared>>)
      tpu.yield
    }) : () -> ()
    %mul3A_17 = arith.constant 640 : i32
    %mul3A_18 = arith.muli %arg1, %mul3A_17 : i32
    %add3A_19 = arith.constant 512 : i32
    %add3A_20 = arith.addi %mul3A_18, %add3A_19 : i32
    "tpu.region"() ({
      %run_scoped3A = tpu.sem_alloc : memref<!tpu.dma_semaphore, #tpu.memory_space<semaphore_mem>>
      %dma_start3A = arith.constant 0 : i32
      %dma_start3A_53 = tpu.memref_slice %arg13[%add3A_20, %dma_start3A] : memref<10240x128xf32, #tpu.memory_space<vmem_shared>> -> memref<128x128xf32, #tpu.memory_space<vmem_shared>>
      tpu.enqueue_dma source(%arg4 : memref<128x128xf32, #tpu.memory_space<hbm>>) target(%dma_start3A_53 : memref<128x128xf32, #tpu.memory_space<vmem_shared>>) target_semaphore(%run_scoped3A : memref<!tpu.dma_semaphore, #tpu.memory_space<semaphore_mem>>)
      %dma_wait3A = arith.constant 0 : i32
      %dma_wait3A_54 = tpu.memref_slice %arg13[%add3A_20, %dma_wait3A] : memref<10240x128xf32, #tpu.memory_space<vmem_shared>> -> memref<128x128xf32, #tpu.memory_space<vmem_shared>>
      tpu.wait_dma2 semaphore(%run_scoped3A : memref<!tpu.dma_semaphore, #tpu.memory_space<semaphore_mem>>) src(%arg4 : memref<128x128xf32, #tpu.memory_space<hbm>>) dst(%dma_wait3A_54 : memref<128x128xf32, #tpu.memory_space<vmem_shared>>)
      tpu.yield
    }) : () -> ()
    %barrier3A = arith.constant 0 : index
    tpu.barrier barrier_id(%barrier3A)
    %scan3A = arith.constant 0 : i32
    %scan3A_21 = arith.constant 0 : i32
    %scan3A_22 = arith.constant 5 : i32
    %scan3A_23 = arith.addi %scan3A_21, %scan3A_22 : i32
    %scan3A_24 = arith.constant 1 : i32
    %scan3A_25 = scf.for %scan3A_53 = %scan3A_21 to %scan3A_23 step %scan3A_24 iter_args(%scan3A_54 = %scan3A) -> (i32)  : i32 {
      %mul3A_55 = arith.constant 10240 : i32
      %mul3A_56 = arith.muli %add3A, %mul3A_55 : i32
      %mul3A_57 = arith.constant 2048 : i32
      %mul3A_58 = arith.muli %scan3A_53, %mul3A_57 : i32
      %add3A_59 = arith.addi %mul3A_56, %mul3A_58 : i32
      "tpu.region"() ({
        %run_scoped3A = tpu.sem_alloc : memref<!tpu.dma_semaphore, #tpu.memory_space<semaphore_mem>>
        %dma_start3A = tpu.memref_slice %arg2[%add3A_59] : memref<327680xi32, #tpu.memory_space<hbm>> -> memref<2048xi32, #tpu.memory_space<hbm>>
        %dma_start3A_68 = tpu.memref_slice %arg2[%add3A_59] : memref<327680xi32, #tpu.memory_space<hbm>> -> memref<2048xi32, #tpu.memory_space<hbm>>
        tpu.enqueue_dma source(%dma_start3A_68 : memref<2048xi32, #tpu.memory_space<hbm>>) target(%arg8 : memref<2048xi32, #tpu.memory_space<vmem>>) target_semaphore(%run_scoped3A : memref<!tpu.dma_semaphore, #tpu.memory_space<semaphore_mem>>)
        %dma_wait3A = tpu.memref_slice %arg2[%add3A_59] : memref<327680xi32, #tpu.memory_space<hbm>> -> memref<2048xi32, #tpu.memory_space<hbm>>
        %dma_wait3A_69 = tpu.memref_slice %arg2[%add3A_59] : memref<327680xi32, #tpu.memory_space<hbm>> -> memref<2048xi32, #tpu.memory_space<hbm>>
        tpu.wait_dma2 semaphore(%run_scoped3A : memref<!tpu.dma_semaphore, #tpu.memory_space<semaphore_mem>>) src(%dma_wait3A_69 : memref<2048xi32, #tpu.memory_space<hbm>>) dst(%arg8 : memref<2048xi32, #tpu.memory_space<vmem>>)
        tpu.yield
      }) : () -> ()
      %scan3A_60 = arith.constant 0 : i32
      %scan3A_61 = arith.constant 0 : i32
      %scan3A_62 = arith.constant 32 : i32
      %scan3A_63 = arith.addi %scan3A_61, %scan3A_62 : i32
      %scan3A_64 = arith.constant 1 : i32
      %scan3A_65 = scf.for %scan3A_68 = %scan3A_61 to %scan3A_63 step %scan3A_64 iter_args(%scan3A_69 = %scan3A_60) -> (i32)  : i32 {
        %mul3A_70 = arith.constant 64 : i32
        %mul3A_71 = arith.muli %scan3A_68, %mul3A_70 : i32
        %add3A_72 = arith.constant 0 : i32
        %add3A_73 = arith.addi %mul3A_71, %add3A_72 : i32
        %get3A = arith.index_cast %add3A_73 : i32 to index
        %get3A_74 = tpu.vector_load %arg8[%get3A] {strides = array<i32>} : memref<2048xi32, #tpu.memory_space<vmem>>, vector<16xi32>,
        %get3A_75 = vector.shape_cast %get3A_74 : vector<16xi32> to vector<16xi32>
        %shift_right_arithmetic3A = arith.constant 14 : i32
        %shift_right_arithmetic3A_76 = vector.broadcast %shift_right_arithmetic3A : i32 to vector<16xi32>
        %shift_right_arithmetic3A_77 = arith.shrsi %get3A_75, %shift_right_arithmetic3A_76 : vector<16xi32>
        %min3A = arith.constant 99999 : i32
        %min3A_78 = vector.broadcast %min3A : i32 to vector<16xi32>
        %min3A_79 = arith.minsi %shift_right_arithmetic3A_77, %min3A_78 : vector<16xi32>
        %swap3A = arith.constant 0 : index
        %swap3A_80 = tpu.vector_load %arg9[%swap3A] {strides = array<i32>} : memref<64xi32, #tpu.memory_space<vmem>>, vector<16xi32>,
        %swap3A_81 = vector.shape_cast %swap3A_80 : vector<16xi32> to vector<16xi32>
        %swap3A_82 = vector.shape_cast %min3A_79 : vector<16xi32> to vector<16xi32>
        tpu.vector_store %arg9[%swap3A], %swap3A_82 {strides = array<i32>} : memref<64xi32, #tpu.memory_space<vmem>>, vector<16xi32>,
        %and3A = arith.constant 16383 : i32
        %and3A_83 = vector.broadcast %and3A : i32 to vector<16xi32>
        %and3A_84 = arith.andi %get3A_75, %and3A_83 : vector<16xi32>
        %swap3A_85 = arith.constant 0 : index
        %swap3A_86 = tpu.vector_load %arg10[%swap3A_85] {strides = array<i32>} : memref<64xi32, #tpu.memory_space<vmem>>, vector<16xi32>,
        %swap3A_87 = vector.shape_cast %swap3A_86 : vector<16xi32> to vector<16xi32>
        %swap3A_88 = vector.shape_cast %and3A_84 : vector<16xi32> to vector<16xi32>
        tpu.vector_store %arg10[%swap3A_85], %swap3A_88 {strides = array<i32>} : memref<64xi32, #tpu.memory_space<vmem>>, vector<16xi32>,
        %mul3A_89 = arith.constant 64 : i32
        %mul3A_90 = arith.muli %scan3A_68, %mul3A_89 : i32
        %add3A_91 = arith.constant 16 : i32
        %add3A_92 = arith.addi %mul3A_90, %add3A_91 : i32
        %get3A_93 = arith.index_cast %add3A_92 : i32 to index
        %get3A_94 = tpu.vector_load %arg8[%get3A_93] {strides = array<i32>} : memref<2048xi32, #tpu.memory_space<vmem>>, vector<16xi32>,
        %get3A_95 = vector.shape_cast %get3A_94 : vector<16xi32> to vector<16xi32>
        %shift_right_arithmetic3A_96 = arith.constant 14 : i32
        %shift_right_arithmetic3A_97 = vector.broadcast %shift_right_arithmetic3A_96 : i32 to vector<16xi32>
        %shift_right_arithmetic3A_98 = arith.shrsi %get3A_95, %shift_right_arithmetic3A_97 : vector<16xi32>
        %min3A_99 = arith.constant 99999 : i32
        %min3A_100 = vector.broadcast %min3A_99 : i32 to vector<16xi32>
        %min3A_101 = arith.minsi %shift_right_arithmetic3A_98, %min3A_100 : vector<16xi32>
        %swap3A_102 = arith.constant 16 : index
        %swap3A_103 = tpu.vector_load %arg9[%swap3A_102] {strides = array<i32>} : memref<64xi32, #tpu.memory_space<vmem>>, vector<16xi32>,
        %swap3A_104 = vector.shape_cast %swap3A_103 : vector<16xi32> to vector<16xi32>
        %swap3A_105 = vector.shape_cast %min3A_101 : vector<16xi32> to vector<16xi32>
        tpu.vector_store %arg9[%swap3A_102], %swap3A_105 {strides = array<i32>} : memref<64xi32, #tpu.memory_space<vmem>>, vector<16xi32>,
        %and3A_106 = arith.constant 16383 : i32
        %and3A_107 = vector.broadcast %and3A_106 : i32 to vector<16xi32>
        %and3A_108 = arith.andi %get3A_95, %and3A_107 : vector<16xi32>
        %swap3A_109 = arith.constant 16 : index
        %swap3A_110 = tpu.vector_load %arg10[%swap3A_109] {strides = array<i32>} : memref<64xi32, #tpu.memory_space<vmem>>, vector<16xi32>,
        %swap3A_111 = vector.shape_cast %swap3A_110 : vector<16xi32> to vector<16xi32>
        %swap3A_112 = vector.shape_cast %and3A_108 : vector<16xi32> to vector<16xi32>
        tpu.vector_store %arg10[%swap3A_109], %swap3A_112 {strides = array<i32>} : memref<64xi32, #tpu.memory_space<vmem>>, vector<16xi32>,
        %mul3A_113 = arith.constant 64 : i32
        %mul3A_114 = arith.muli %scan3A_68, %mul3A_113 : i32
        %add3A_115 = arith.constant 32 : i32
        %add3A_116 = arith.addi %mul3A_114, %add3A_115 : i32
        %get3A_117 = arith.index_cast %add3A_116 : i32 to index
        %get3A_118 = tpu.vector_load %arg8[%get3A_117] {strides = array<i32>} : memref<2048xi32, #tpu.memory_space<vmem>>, vector<16xi32>,
        %get3A_119 = vector.shape_cast %get3A_118 : vector<16xi32> to vector<16xi32>
        %shift_right_arithmetic3A_120 = arith.constant 14 : i32
        %shift_right_arithmetic3A_121 = vector.broadcast %shift_right_arithmetic3A_120 : i32 to vector<16xi32>
        %shift_right_arithmetic3A_122 = arith.shrsi %get3A_119, %shift_right_arithmetic3A_121 : vector<16xi32>
        %min3A_123 = arith.constant 99999 : i32
        %min3A_124 = vector.broadcast %min3A_123 : i32 to vector<16xi32>
        %min3A_125 = arith.minsi %shift_right_arithmetic3A_122, %min3A_124 : vector<16xi32>
        %swap3A_126 = arith.constant 32 : index
        %swap3A_127 = tpu.vector_load %arg9[%swap3A_126] {strides = array<i32>} : memref<64xi32, #tpu.memory_space<vmem>>, vector<16xi32>,
        %swap3A_128 = vector.shape_cast %swap3A_127 : vector<16xi32> to vector<16xi32>
        %swap3A_129 = vector.shape_cast %min3A_125 : vector<16xi32> to vector<16xi32>
        tpu.vector_store %arg9[%swap3A_126], %swap3A_129 {strides = array<i32>} : memref<64xi32, #tpu.memory_space<vmem>>, vector<16xi32>,
        %and3A_130 = arith.constant 16383 : i32
        %and3A_131 = vector.broadcast %and3A_130 : i32 to vector<16xi32>
        %and3A_132 = arith.andi %get3A_119, %and3A_131 : vector<16xi32>
        %swap3A_133 = arith.constant 32 : index
        %swap3A_134 = tpu.vector_load %arg10[%swap3A_133] {strides = array<i32>} : memref<64xi32, #tpu.memory_space<vmem>>, vector<16xi32>,
        %swap3A_135 = vector.shape_cast %swap3A_134 : vector<16xi32> to vector<16xi32>
        %swap3A_136 = vector.shape_cast %and3A_132 : vector<16xi32> to vector<16xi32>
        tpu.vector_store %arg10[%swap3A_133], %swap3A_136 {strides = array<i32>} : memref<64xi32, #tpu.memory_space<vmem>>, vector<16xi32>,
        %mul3A_137 = arith.constant 64 : i32
        %mul3A_138 = arith.muli %scan3A_68, %mul3A_137 : i32
        %add3A_139 = arith.constant 48 : i32
        %add3A_140 = arith.addi %mul3A_138, %add3A_139 : i32
        %get3A_141 = arith.index_cast %add3A_140 : i32 to index
        %get3A_142 = tpu.vector_load %arg8[%get3A_141] {strides = array<i32>} : memref<2048xi32, #tpu.memory_space<vmem>>, vector<16xi32>,
        %get3A_143 = vector.shape_cast %get3A_142 : vector<16xi32> to vector<16xi32>
        %shift_right_arithmetic3A_144 = arith.constant 14 : i32
        %shift_right_arithmetic3A_145 = vector.broadcast %shift_right_arithmetic3A_144 : i32 to vector<16xi32>
        %shift_right_arithmetic3A_146 = arith.shrsi %get3A_143, %shift_right_arithmetic3A_145 : vector<16xi32>
        %min3A_147 = arith.constant 99999 : i32
        %min3A_148 = vector.broadcast %min3A_147 : i32 to vector<16xi32>
        %min3A_149 = arith.minsi %shift_right_arithmetic3A_146, %min3A_148 : vector<16xi32>
        %swap3A_150 = arith.constant 48 : index
        %swap3A_151 = tpu.vector_load %arg9[%swap3A_150] {strides = array<i32>} : memref<64xi32, #tpu.memory_space<vmem>>, vector<16xi32>,
        %swap3A_152 = vector.shape_cast %swap3A_151 : vector<16xi32> to vector<16xi32>
        %swap3A_153 = vector.shape_cast %min3A_149 : vector<16xi32> to vector<16xi32>
        tpu.vector_store %arg9[%swap3A_150], %swap3A_153 {strides = array<i32>} : memref<64xi32, #tpu.memory_space<vmem>>, vector<16xi32>,
        %and3A_154 = arith.constant 16383 : i32
        %and3A_155 = vector.broadcast %and3A_154 : i32 to vector<16xi32>
        %and3A_156 = arith.andi %get3A_143, %and3A_155 : vector<16xi32>
        %swap3A_157 = arith.constant 48 : index
        %swap3A_158 = tpu.vector_load %arg10[%swap3A_157] {strides = array<i32>} : memref<64xi32, #tpu.memory_space<vmem>>, vector<16xi32>,
        %swap3A_159 = vector.shape_cast %swap3A_158 : vector<16xi32> to vector<16xi32>
        %swap3A_160 = vector.shape_cast %and3A_156 : vector<16xi32> to vector<16xi32>
        tpu.vector_store %arg10[%swap3A_157], %swap3A_160 {strides = array<i32>} : memref<64xi32, #tpu.memory_space<vmem>>, vector<16xi32>,
        "tpu.region"() ({
          %run_scoped3A = tpu.sem_alloc : memref<!tpu.dma_semaphore, #tpu.memory_space<semaphore_mem>>
          %dma_start3A = arith.constant 0 : i32
          %dma_start3A_162 = arith.constant 0 : i32
          %dma_start3A_163 = tpu.memref_slice %arg3[%dma_start3A, %dma_start3A_162] : memref<100000x128xf32, #tpu.memory_space<hbm>> -> memref<100000x128xf32, #tpu.memory_space<hbm>>
          tpu.enqueue_indirect_dma source(%dma_start3A_163 : memref<100000x128xf32, #tpu.memory_space<hbm>>) target(%arg11 : memref<64x128xf32, #tpu.memory_space<vmem>>) offsets(%arg9 : memref<64xi32, #tpu.memory_space<vmem>>) semaphore(%run_scoped3A : memref<!tpu.dma_semaphore, #tpu.memory_space<semaphore_mem>>)
          %dma_wait3A = arith.constant 0 : i32
          %dma_wait3A_164 = arith.constant 0 : i32
          %dma_wait3A_165 = tpu.memref_slice %arg3[%dma_wait3A, %dma_wait3A_164] : memref<100000x128xf32, #tpu.memory_space<hbm>> -> memref<100000x128xf32, #tpu.memory_space<hbm>>
          tpu.wait_indirect_dma semaphore(%run_scoped3A : memref<!tpu.dma_semaphore, #tpu.memory_space<semaphore_mem>>) src(%dma_wait3A_165 : memref<100000x128xf32, #tpu.memory_space<hbm>>) dst(%arg11 : memref<64x128xf32, #tpu.memory_space<vmem>>)
          tpu.yield
        }) : () -> ()
        "tpu.region"() ({
          %run_scoped3A = tpu.sem_alloc : memref<!tpu.dma_semaphore, #tpu.memory_space<semaphore_mem>>
          %dma_start3A = arith.constant 0 : i32
          %dma_start3A_162 = arith.constant 0 : i32
          %dma_start3A_163 = tpu.memref_slice %arg13[%dma_start3A, %dma_start3A_162] : memref<10240x128xf32, #tpu.memory_space<vmem_shared>> -> memref<10240x128xf32, #tpu.memory_space<vmem_shared>>
          tpu.enqueue_indirect_dma source(%arg11 : memref<64x128xf32, #tpu.memory_space<vmem>>) target(%dma_start3A_163 : memref<10240x128xf32, #tpu.memory_space<vmem_shared>>) offsets(%arg10 : memref<64xi32, #tpu.memory_space<vmem>>) semaphore(%run_scoped3A : memref<!tpu.dma_semaphore, #tpu.memory_space<semaphore_mem>>) {add = true}
          %dma_wait3A = arith.constant 0 : i32
          %dma_wait3A_164 = arith.constant 0 : i32
          %dma_wait3A_165 = tpu.memref_slice %arg13[%dma_wait3A, %dma_wait3A_164] : memref<10240x128xf32, #tpu.memory_space<vmem_shared>> -> memref<10240x128xf32, #tpu.memory_space<vmem_shared>>
          tpu.wait_indirect_dma semaphore(%run_scoped3A : memref<!tpu.dma_semaphore, #tpu.memory_space<semaphore_mem>>) src(%arg11 : memref<64x128xf32, #tpu.memory_space<vmem>>) dst(%dma_wait3A_165 : memref<10240x128xf32, #tpu.memory_space<vmem_shared>>)
          tpu.yield
        }) : () -> ()
        %scan3A_161 = arith.constant 0 : i32
        scf.yield %scan3A_161 : i32
      }
      %scan3A_66 = arith.constant 32 : i32
      %scan3A_67 = arith.constant 0 : i32
      scf.yield %scan3A_67 : i32
    }
    %scan3A_26 = arith.constant 5 : i32
    %barrier3A_27 = arith.constant 0 : index
    tpu.barrier barrier_id(%barrier3A_27)
    %mul3A_28 = arith.constant 624 : i32
    %mul3A_29 = arith.muli %arg1, %mul3A_28 : i32
    %mul3A_30 = arith.constant 624 : i32
    %mul3A_31 = arith.muli %arg1, %mul3A_30 : i32
    "tpu.region"() ({
      %run_scoped3A = tpu.sem_alloc : memref<!tpu.dma_semaphore, #tpu.memory_space<semaphore_mem>>
      %dma_start3A = arith.constant 0 : i32
      %dma_start3A_53 = tpu.memref_slice %arg6[%arg0, %mul3A_31, %dma_start3A] : memref<2x10000x128xf32, #tpu.memory_space<hbm>> -> memref<1x624x128xf32, #tpu.memory_space<hbm>>
      %dma_start3A_54 = tpu.memref_squeeze %dma_start3A_53 : memref<1x624x128xf32, #tpu.memory_space<hbm>> -> memref<624x128xf32, #tpu.memory_space<hbm>>
      %dma_start3A_55 = arith.constant 0 : i32
      %dma_start3A_56 = tpu.memref_slice %arg13[%mul3A_29, %dma_start3A_55] : memref<10240x128xf32, #tpu.memory_space<vmem_shared>> -> memref<624x128xf32, #tpu.memory_space<vmem_shared>>
      tpu.enqueue_dma source(%dma_start3A_56 : memref<624x128xf32, #tpu.memory_space<vmem_shared>>) target(%dma_start3A_54 : memref<624x128xf32, #tpu.memory_space<hbm>>) target_semaphore(%run_scoped3A : memref<!tpu.dma_semaphore, #tpu.memory_space<semaphore_mem>>)
      %dma_wait3A = arith.constant 0 : i32
      %dma_wait3A_57 = tpu.memref_slice %arg6[%arg0, %mul3A_31, %dma_wait3A] : memref<2x10000x128xf32, #tpu.memory_space<hbm>> -> memref<1x624x128xf32, #tpu.memory_space<hbm>>
      %dma_wait3A_58 = tpu.memref_squeeze %dma_wait3A_57 : memref<1x624x128xf32, #tpu.memory_space<hbm>> -> memref<624x128xf32, #tpu.memory_space<hbm>>
      %dma_wait3A_59 = arith.constant 0 : i32
      %dma_wait3A_60 = tpu.memref_slice %arg13[%mul3A_29, %dma_wait3A_59] : memref<10240x128xf32, #tpu.memory_space<vmem_shared>> -> memref<624x128xf32, #tpu.memory_space<vmem_shared>>
      tpu.wait_dma2 semaphore(%run_scoped3A : memref<!tpu.dma_semaphore, #tpu.memory_space<semaphore_mem>>) src(%dma_wait3A_60 : memref<624x128xf32, #tpu.memory_space<vmem_shared>>) dst(%dma_wait3A_58 : memref<624x128xf32, #tpu.memory_space<hbm>>)
      tpu.yield
    }) : () -> ()
    %eq3A = arith.constant 0 : i32
    %eq3A_32 = arith.cmpi eq, %arg1, %eq3A : i32
    %convert_element_type3A = arith.extui %eq3A_32 : i1 to i32
    %cond3A = arith.constant 0 : i32
    %cond3A_33 = arith.cmpi ne, %convert_element_type3A, %cond3A : i32
    scf.if %cond3A_33 {
      "tpu.region"() ({
        %run_scoped3A = tpu.sem_alloc : memref<!tpu.dma_semaphore, #tpu.memory_space<semaphore_mem>>
        %dma_start3A = arith.constant 9984 : i32
        %dma_start3A_53 = arith.constant 0 : i32
        %dma_start3A_54 = tpu.memref_slice %arg6[%arg0, %dma_start3A, %dma_start3A_53] : memref<2x10000x128xf32, #tpu.memory_space<hbm>> -> memref<1x16x128xf32, #tpu.memory_space<hbm>>
        %dma_start3A_55 = tpu.memref_squeeze %dma_start3A_54 : memref<1x16x128xf32, #tpu.memory_space<hbm>> -> memref<16x128xf32, #tpu.memory_space<hbm>>
        %dma_start3A_56 = arith.constant 9984 : i32
        %dma_start3A_57 = arith.constant 0 : i32
        %dma_start3A_58 = tpu.memref_slice %arg13[%dma_start3A_56, %dma_start3A_57] : memref<10240x128xf32, #tpu.memory_space<vmem_shared>> -> memref<16x128xf32, #tpu.memory_space<vmem_shared>>
        tpu.enqueue_dma source(%dma_start3A_58 : memref<16x128xf32, #tpu.memory_space<vmem_shared>>) target(%dma_start3A_55 : memref<16x128xf32, #tpu.memory_space<hbm>>) target_semaphore(%run_scoped3A : memref<!tpu.dma_semaphore, #tpu.memory_space<semaphore_mem>>)
        %dma_wait3A = arith.constant 9984 : i32
        %dma_wait3A_59 = arith.constant 0 : i32
        %dma_wait3A_60 = tpu.memref_slice %arg6[%arg0, %dma_wait3A, %dma_wait3A_59] : memref<2x10000x128xf32, #tpu.memory_space<hbm>> -> memref<1x16x128xf32, #tpu.memory_space<hbm>>
        %dma_wait3A_61 = tpu.memref_squeeze %dma_wait3A_60 : memref<1x16x128xf32, #tpu.memory_space<hbm>> -> memref<16x128xf32, #tpu.memory_space<hbm>>
        %dma_wait3A_62 = arith.constant 9984 : i32
        %dma_wait3A_63 = arith.constant 0 : i32
        %dma_wait3A_64 = tpu.memref_slice %arg13[%dma_wait3A_62, %dma_wait3A_63] : memref<10240x128xf32, #tpu.memory_space<vmem_shared>> -> memref<16x128xf32, #tpu.memory_space<vmem_shared>>
        tpu.wait_dma2 semaphore(%run_scoped3A : memref<!tpu.dma_semaphore, #tpu.memory_space<semaphore_mem>>) src(%dma_wait3A_64 : memref<16x128xf32, #tpu.memory_space<vmem_shared>>) dst(%dma_wait3A_61 : memref<16x128xf32, #tpu.memory_space<hbm>>)
        tpu.yield
      }) : () -> ()
    } else {
    }
    %barrier3A_34 = arith.constant 0 : index
    tpu.barrier barrier_id(%barrier3A_34)
    %scan3A_35 = arith.constant 0 : i32
    %scan3A_36 = arith.constant 0 : i32
    %scan3A_37 = arith.constant 5 : i32
    %scan3A_38 = arith.addi %scan3A_36, %scan3A_37 : i32
    %scan3A_39 = arith.constant 1 : i32
    %scan3A_40 = scf.for %scan3A_53 = %scan3A_36 to %scan3A_38 step %scan3A_39 iter_args(%scan3A_54 = %scan3A_35) -> (i32)  : i32 {
      %mul3A_55 = arith.constant 10240 : i32
      %mul3A_56 = arith.muli %add3A, %mul3A_55 : i32
      %mul3A_57 = arith.constant 2048 : i32
      %mul3A_58 = arith.muli %scan3A_53, %mul3A_57 : i32
      %add3A_59 = arith.addi %mul3A_56, %mul3A_58 : i32
      "tpu.region"() ({
        %run_scoped3A = tpu.sem_alloc : memref<!tpu.dma_semaphore, #tpu.memory_space<semaphore_mem>>
        %dma_start3A = tpu.memref_slice %arg2[%add3A_59] : memref<327680xi32, #tpu.memory_space<hbm>> -> memref<2048xi32, #tpu.memory_space<hbm>>
        %dma_start3A_68 = tpu.memref_slice %arg2[%add3A_59] : memref<327680xi32, #tpu.memory_space<hbm>> -> memref<2048xi32, #tpu.memory_space<hbm>>
        tpu.enqueue_dma source(%dma_start3A_68 : memref<2048xi32, #tpu.memory_space<hbm>>) target(%arg8 : memref<2048xi32, #tpu.memory_space<vmem>>) target_semaphore(%run_scoped3A : memref<!tpu.dma_semaphore, #tpu.memory_space<semaphore_mem>>)
        %dma_wait3A = tpu.memref_slice %arg2[%add3A_59] : memref<327680xi32, #tpu.memory_space<hbm>> -> memref<2048xi32, #tpu.memory_space<hbm>>
        %dma_wait3A_69 = tpu.memref_slice %arg2[%add3A_59] : memref<327680xi32, #tpu.memory_space<hbm>> -> memref<2048xi32, #tpu.memory_space<hbm>>
        tpu.wait_dma2 semaphore(%run_scoped3A : memref<!tpu.dma_semaphore, #tpu.memory_space<semaphore_mem>>) src(%dma_wait3A_69 : memref<2048xi32, #tpu.memory_space<hbm>>) dst(%arg8 : memref<2048xi32, #tpu.memory_space<vmem>>)
        tpu.yield
      }) : () -> ()
      %scan3A_60 = arith.constant 0 : i32
      %scan3A_61 = arith.constant 0 : i32
      %scan3A_62 = arith.constant 32 : i32
      %scan3A_63 = arith.addi %scan3A_61, %scan3A_62 : i32
      %scan3A_64 = arith.constant 1 : i32
      %scan3A_65 = scf.for %scan3A_68 = %scan3A_61 to %scan3A_63 step %scan3A_64 iter_args(%scan3A_69 = %scan3A_60) -> (i32)  : i32 {
        %mul3A_70 = arith.constant 64 : i32
        %mul3A_71 = arith.muli %scan3A_68, %mul3A_70 : i32
        %add3A_72 = arith.constant 0 : i32
        %add3A_73 = arith.addi %mul3A_71, %add3A_72 : i32
        %get3A = arith.index_cast %add3A_73 : i32 to index
        %get3A_74 = tpu.vector_load %arg8[%get3A] {strides = array<i32>} : memref<2048xi32, #tpu.memory_space<vmem>>, vector<16xi32>,
        %get3A_75 = vector.shape_cast %get3A_74 : vector<16xi32> to vector<16xi32>
        %and3A = arith.constant 16383 : i32
        %and3A_76 = vector.broadcast %and3A : i32 to vector<16xi32>
        %and3A_77 = arith.andi %get3A_75, %and3A_76 : vector<16xi32>
        %swap3A = arith.constant 0 : index
        %swap3A_78 = tpu.vector_load %arg10[%swap3A] {strides = array<i32>} : memref<64xi32, #tpu.memory_space<vmem>>, vector<16xi32>,
        %swap3A_79 = vector.shape_cast %swap3A_78 : vector<16xi32> to vector<16xi32>
        %swap3A_80 = vector.shape_cast %and3A_77 : vector<16xi32> to vector<16xi32>
        tpu.vector_store %arg10[%swap3A], %swap3A_80 {strides = array<i32>} : memref<64xi32, #tpu.memory_space<vmem>>, vector<16xi32>,
        %mul3A_81 = arith.constant 64 : i32
        %mul3A_82 = arith.muli %scan3A_68, %mul3A_81 : i32
        %add3A_83 = arith.constant 16 : i32
        %add3A_84 = arith.addi %mul3A_82, %add3A_83 : i32
        %get3A_85 = arith.index_cast %add3A_84 : i32 to index
        %get3A_86 = tpu.vector_load %arg8[%get3A_85] {strides = array<i32>} : memref<2048xi32, #tpu.memory_space<vmem>>, vector<16xi32>,
        %get3A_87 = vector.shape_cast %get3A_86 : vector<16xi32> to vector<16xi32>
        %and3A_88 = arith.constant 16383 : i32
        %and3A_89 = vector.broadcast %and3A_88 : i32 to vector<16xi32>
        %and3A_90 = arith.andi %get3A_87, %and3A_89 : vector<16xi32>
        %swap3A_91 = arith.constant 16 : index
        %swap3A_92 = tpu.vector_load %arg10[%swap3A_91] {strides = array<i32>} : memref<64xi32, #tpu.memory_space<vmem>>, vector<16xi32>,
        %swap3A_93 = vector.shape_cast %swap3A_92 : vector<16xi32> to vector<16xi32>
        %swap3A_94 = vector.shape_cast %and3A_90 : vector<16xi32> to vector<16xi32>
        tpu.vector_store %arg10[%swap3A_91], %swap3A_94 {strides = array<i32>} : memref<64xi32, #tpu.memory_space<vmem>>, vector<16xi32>,
        %mul3A_95 = arith.constant 64 : i32
        %mul3A_96 = arith.muli %scan3A_68, %mul3A_95 : i32
        %add3A_97 = arith.constant 32 : i32
        %add3A_98 = arith.addi %mul3A_96, %add3A_97 : i32
        %get3A_99 = arith.index_cast %add3A_98 : i32 to index
        %get3A_100 = tpu.vector_load %arg8[%get3A_99] {strides = array<i32>} : memref<2048xi32, #tpu.memory_space<vmem>>, vector<16xi32>,
        %get3A_101 = vector.shape_cast %get3A_100 : vector<16xi32> to vector<16xi32>
        %and3A_102 = arith.constant 16383 : i32
        %and3A_103 = vector.broadcast %and3A_102 : i32 to vector<16xi32>
        %and3A_104 = arith.andi %get3A_101, %and3A_103 : vector<16xi32>
        %swap3A_105 = arith.constant 32 : index
        %swap3A_106 = tpu.vector_load %arg10[%swap3A_105] {strides = array<i32>} : memref<64xi32, #tpu.memory_space<vmem>>, vector<16xi32>,
        %swap3A_107 = vector.shape_cast %swap3A_106 : vector<16xi32> to vector<16xi32>
        %swap3A_108 = vector.shape_cast %and3A_104 : vector<16xi32> to vector<16xi32>
        tpu.vector_store %arg10[%swap3A_105], %swap3A_108 {strides = array<i32>} : memref<64xi32, #tpu.memory_space<vmem>>, vector<16xi32>,
        %mul3A_109 = arith.constant 64 : i32
        %mul3A_110 = arith.muli %scan3A_68, %mul3A_109 : i32
        %add3A_111 = arith.constant 48 : i32
        %add3A_112 = arith.addi %mul3A_110, %add3A_111 : i32
        %get3A_113 = arith.index_cast %add3A_112 : i32 to index
        %get3A_114 = tpu.vector_load %arg8[%get3A_113] {strides = array<i32>} : memref<2048xi32, #tpu.memory_space<vmem>>, vector<16xi32>,
        %get3A_115 = vector.shape_cast %get3A_114 : vector<16xi32> to vector<16xi32>
        %and3A_116 = arith.constant 16383 : i32
        %and3A_117 = vector.broadcast %and3A_116 : i32 to vector<16xi32>
        %and3A_118 = arith.andi %get3A_115, %and3A_117 : vector<16xi32>
        %swap3A_119 = arith.constant 48 : index
        %swap3A_120 = tpu.vector_load %arg10[%swap3A_119] {strides = array<i32>} : memref<64xi32, #tpu.memory_space<vmem>>, vector<16xi32>,
        %swap3A_121 = vector.shape_cast %swap3A_120 : vector<16xi32> to vector<16xi32>
        %swap3A_122 = vector.shape_cast %and3A_118 : vector<16xi32> to vector<16xi32>
        tpu.vector_store %arg10[%swap3A_119], %swap3A_122 {strides = array<i32>} : memref<64xi32, #tpu.memory_space<vmem>>, vector<16xi32>,
        "tpu.region"() ({
          %run_scoped3A = tpu.sem_alloc : memref<!tpu.dma_semaphore, #tpu.memory_space<semaphore_mem>>
          %dma_start3A = arith.constant 0 : i32
          %dma_start3A_124 = arith.constant 0 : i32
          %dma_start3A_125 = tpu.memref_slice %arg13[%dma_start3A, %dma_start3A_124] : memref<10240x128xf32, #tpu.memory_space<vmem_shared>> -> memref<10240x128xf32, #tpu.memory_space<vmem_shared>>
          tpu.enqueue_indirect_dma source(%arg12 : memref<64x128xf32, #tpu.memory_space<vmem>>) target(%dma_start3A_125 : memref<10240x128xf32, #tpu.memory_space<vmem_shared>>) offsets(%arg10 : memref<64xi32, #tpu.memory_space<vmem>>) semaphore(%run_scoped3A : memref<!tpu.dma_semaphore, #tpu.memory_space<semaphore_mem>>) {add = true}
          %dma_wait3A = arith.constant 0 : i32
          %dma_wait3A_126 = arith.constant 0 : i32
          %dma_wait3A_127 = tpu.memref_slice %arg13[%dma_wait3A, %dma_wait3A_126] : memref<10240x128xf32, #tpu.memory_space<vmem_shared>> -> memref<10240x128xf32, #tpu.memory_space<vmem_shared>>
          tpu.wait_indirect_dma semaphore(%run_scoped3A : memref<!tpu.dma_semaphore, #tpu.memory_space<semaphore_mem>>) src(%arg12 : memref<64x128xf32, #tpu.memory_space<vmem>>) dst(%dma_wait3A_127 : memref<10240x128xf32, #tpu.memory_space<vmem_shared>>)
          tpu.yield
        }) : () -> ()
        %scan3A_123 = arith.constant 0 : i32
        scf.yield %scan3A_123 : i32
      }
      %scan3A_66 = arith.constant 32 : i32
      %scan3A_67 = arith.constant 0 : i32
      scf.yield %scan3A_67 : i32
    }
    %scan3A_41 = arith.constant 5 : i32
    %barrier3A_42 = arith.constant 0 : index
    tpu.barrier barrier_id(%barrier3A_42)
    %mul3A_43 = arith.constant 624 : i32
    %mul3A_44 = arith.muli %arg1, %mul3A_43 : i32
    %mul3A_45 = arith.constant 624 : i32
    %mul3A_46 = arith.muli %arg1, %mul3A_45 : i32
    "tpu.region"() ({
      %run_scoped3A = tpu.sem_alloc : memref<!tpu.dma_semaphore, #tpu.memory_space<semaphore_mem>>
      %dma_start3A = arith.constant 0 : i32
      %dma_start3A_53 = tpu.memref_slice %arg7[%arg0, %mul3A_46, %dma_start3A] : memref<2x10000x128xf32, #tpu.memory_space<hbm>> -> memref<1x624x128xf32, #tpu.memory_space<hbm>>
      %dma_start3A_54 = tpu.memref_squeeze %dma_start3A_53 : memref<1x624x128xf32, #tpu.memory_space<hbm>> -> memref<624x128xf32, #tpu.memory_space<hbm>>
      %dma_start3A_55 = arith.constant 0 : i32
      %dma_start3A_56 = tpu.memref_slice %arg13[%mul3A_44, %dma_start3A_55] : memref<10240x128xf32, #tpu.memory_space<vmem_shared>> -> memref<624x128xf32, #tpu.memory_space<vmem_shared>>
      tpu.enqueue_dma source(%dma_start3A_56 : memref<624x128xf32, #tpu.memory_space<vmem_shared>>) target(%dma_start3A_54 : memref<624x128xf32, #tpu.memory_space<hbm>>) target_semaphore(%run_scoped3A : memref<!tpu.dma_semaphore, #tpu.memory_space<semaphore_mem>>)
      %dma_wait3A = arith.constant 0 : i32
      %dma_wait3A_57 = tpu.memref_slice %arg7[%arg0, %mul3A_46, %dma_wait3A] : memref<2x10000x128xf32, #tpu.memory_space<hbm>> -> memref<1x624x128xf32, #tpu.memory_space<hbm>>
      %dma_wait3A_58 = tpu.memref_squeeze %dma_wait3A_57 : memref<1x624x128xf32, #tpu.memory_space<hbm>> -> memref<624x128xf32, #tpu.memory_space<hbm>>
      %dma_wait3A_59 = arith.constant 0 : i32
      %dma_wait3A_60 = tpu.memref_slice %arg13[%mul3A_44, %dma_wait3A_59] : memref<10240x128xf32, #tpu.memory_space<vmem_shared>> -> memref<624x128xf32, #tpu.memory_space<vmem_shared>>
      tpu.wait_dma2 semaphore(%run_scoped3A : memref<!tpu.dma_semaphore, #tpu.memory_space<semaphore_mem>>) src(%dma_wait3A_60 : memref<624x128xf32, #tpu.memory_space<vmem_shared>>) dst(%dma_wait3A_58 : memref<624x128xf32, #tpu.memory_space<hbm>>)
      tpu.yield
    }) : () -> ()
    %eq3A_47 = arith.constant 0 : i32
    %eq3A_48 = arith.cmpi eq, %arg1, %eq3A_47 : i32
    %convert_element_type3A_49 = arith.extui %eq3A_48 : i1 to i32
    %cond3A_50 = arith.constant 0 : i32
    %cond3A_51 = arith.cmpi ne, %convert_element_type3A_49, %cond3A_50 : i32
    scf.if %cond3A_51 {
      "tpu.region"() ({
        %run_scoped3A = tpu.sem_alloc : memref<!tpu.dma_semaphore, #tpu.memory_space<semaphore_mem>>
        %dma_start3A = arith.constant 9984 : i32
        %dma_start3A_53 = arith.constant 0 : i32
        %dma_start3A_54 = tpu.memref_slice %arg7[%arg0, %dma_start3A, %dma_start3A_53] : memref<2x10000x128xf32, #tpu.memory_space<hbm>> -> memref<1x16x128xf32, #tpu.memory_space<hbm>>
        %dma_start3A_55 = tpu.memref_squeeze %dma_start3A_54 : memref<1x16x128xf32, #tpu.memory_space<hbm>> -> memref<16x128xf32, #tpu.memory_space<hbm>>
        %dma_start3A_56 = arith.constant 9984 : i32
        %dma_start3A_57 = arith.constant 0 : i32
        %dma_start3A_58 = tpu.memref_slice %arg13[%dma_start3A_56, %dma_start3A_57] : memref<10240x128xf32, #tpu.memory_space<vmem_shared>> -> memref<16x128xf32, #tpu.memory_space<vmem_shared>>
        tpu.enqueue_dma source(%dma_start3A_58 : memref<16x128xf32, #tpu.memory_space<vmem_shared>>) target(%dma_start3A_55 : memref<16x128xf32, #tpu.memory_space<hbm>>) target_semaphore(%run_scoped3A : memref<!tpu.dma_semaphore, #tpu.memory_space<semaphore_mem>>)
        %dma_wait3A = arith.constant 9984 : i32
        %dma_wait3A_59 = arith.constant 0 : i32
        %dma_wait3A_60 = tpu.memref_slice %arg7[%arg0, %dma_wait3A, %dma_wait3A_59] : memref<2x10000x128xf32, #tpu.memory_space<hbm>> -> memref<1x16x128xf32, #tpu.memory_space<hbm>>
        %dma_wait3A_61 = tpu.memref_squeeze %dma_wait3A_60 : memref<1x16x128xf32, #tpu.memory_space<hbm>> -> memref<16x128xf32, #tpu.memory_space<hbm>>
        %dma_wait3A_62 = arith.constant 9984 : i32
        %dma_wait3A_63 = arith.constant 0 : i32
        %dma_wait3A_64 = tpu.memref_slice %arg13[%dma_wait3A_62, %dma_wait3A_63] : memref<10240x128xf32, #tpu.memory_space<vmem_shared>> -> memref<16x128xf32, #tpu.memory_space<vmem_shared>>
        tpu.wait_dma2 semaphore(%run_scoped3A : memref<!tpu.dma_semaphore, #tpu.memory_space<semaphore_mem>>) src(%dma_wait3A_64 : memref<16x128xf32, #tpu.memory_space<vmem_shared>>) dst(%dma_wait3A_61 : memref<16x128xf32, #tpu.memory_space<hbm>>)
        tpu.yield
      }) : () -> ()
    } else {
    }
    %barrier3A_52 = arith.constant 0 : index
    tpu.barrier barrier_id(%barrier3A_52)
    return
  }
}

module attributes {stable_mosaic.version = 14 : i64} {
  func.func @_tc_edge(%arg0: i32, %arg1: memref<2x1000x128xf32, #tpu.memory_space<vmem>>, %arg2: memref<2x1000x128xf32, #tpu.memory_space<vmem>>, %arg3: memref<1000x128xf32, #tpu.memory_space<vmem>>, %arg4: memref<128x128xf32, #tpu.memory_space<vmem>>, %arg5: memref<1x128xf32, #tpu.memory_space<vmem>>, %arg6: memref<1000x128xf32, #tpu.memory_space<vmem>>, %arg7: memref<1000x128xf32, #tpu.memory_space<vmem>>) attributes {dimension_semantics = [#tpu.dimension_semantics<arbitrary>], iteration_bounds = array<i64: 10>, scalar_prefetch = 0 : i64, scratch_operands = 0 : i64, tpu.core_type = #tpu.core_type<tc>, window_params = [{transform_indices = @transform_0, window_bounds = array<i64: 2, 1000, 128>}, {transform_indices = @transform_1, window_bounds = array<i64: 2, 1000, 128>}, {transform_indices = @transform_2, window_bounds = array<i64: 1000, 128>}, {pipeline_mode = #tpu.pipeline_mode<synchronous>, transform_indices = @transform_3, window_bounds = array<i64: 128, 128>}, {pipeline_mode = #tpu.pipeline_mode<synchronous>, transform_indices = @transform_4, window_bounds = array<i64: 1, 128>}, {transform_indices = @transform_5, window_bounds = array<i64: 1000, 128>}, {transform_indices = @transform_6, window_bounds = array<i64: 1000, 128>}]} {
    %get3A = arith.constant 0 : index
    %get3A_0 = arith.constant 0 : index
    %get3A_1 = arith.constant 0 : index
    %get3A_2 = vector.load %arg1[%get3A, %get3A_0, %get3A_1] : memref<2x1000x128xf32, #tpu.memory_space<vmem>>, vector<1x1000x128xf32>
    %get3A_3 = vector.shape_cast %get3A_2 : vector<1x1000x128xf32> to vector<1000x128xf32>
    %get3A_4 = arith.constant 1 : index
    %get3A_5 = arith.constant 0 : index
    %get3A_6 = arith.constant 0 : index
    %get3A_7 = vector.load %arg1[%get3A_4, %get3A_5, %get3A_6] : memref<2x1000x128xf32, #tpu.memory_space<vmem>>, vector<1x1000x128xf32>
    %get3A_8 = vector.shape_cast %get3A_7 : vector<1x1000x128xf32> to vector<1000x128xf32>
    %add3A = arith.addf %get3A_3, %get3A_8 : vector<1000x128xf32>
    %get3A_9 = arith.constant 0 : index
    %get3A_10 = arith.constant 0 : index
    %get3A_11 = arith.constant 0 : index
    %get3A_12 = vector.load %arg2[%get3A_9, %get3A_10, %get3A_11] : memref<2x1000x128xf32, #tpu.memory_space<vmem>>, vector<1x1000x128xf32>
    %get3A_13 = vector.shape_cast %get3A_12 : vector<1x1000x128xf32> to vector<1000x128xf32>
    %slice3A = vector.extract_strided_slice %get3A_13 {offsets = [0, 0], sizes = [1000, 1], strides = [1, 1]} : vector<1000x128xf32> to vector<1000x1xf32>
    %get3A_14 = arith.constant 0 : index
    %get3A_15 = arith.constant 0 : index
    %get3A_16 = arith.constant 0 : index
    %get3A_17 = vector.load %arg1[%get3A_14, %get3A_15, %get3A_16] : memref<2x1000x128xf32, #tpu.memory_space<vmem>>, vector<1x1000x128xf32>
    %get3A_18 = vector.shape_cast %get3A_17 : vector<1x1000x128xf32> to vector<1000x128xf32>
    %slice3A_19 = vector.extract_strided_slice %get3A_18 {offsets = [0, 0], sizes = [1000, 1], strides = [1, 1]} : vector<1000x128xf32> to vector<1000x1xf32>
    %sub3A = arith.subf %slice3A, %slice3A_19 : vector<1000x1xf32>
    %get3A_20 = arith.constant 1 : index
    %get3A_21 = arith.constant 0 : index
    %get3A_22 = arith.constant 0 : index
    %get3A_23 = vector.load %arg2[%get3A_20, %get3A_21, %get3A_22] : memref<2x1000x128xf32, #tpu.memory_space<vmem>>, vector<1x1000x128xf32>
    %get3A_24 = vector.shape_cast %get3A_23 : vector<1x1000x128xf32> to vector<1000x128xf32>
    %slice3A_25 = vector.extract_strided_slice %get3A_24 {offsets = [0, 0], sizes = [1000, 1], strides = [1, 1]} : vector<1000x128xf32> to vector<1000x1xf32>
    %get3A_26 = arith.constant 1 : index
    %get3A_27 = arith.constant 0 : index
    %get3A_28 = arith.constant 0 : index
    %get3A_29 = vector.load %arg1[%get3A_26, %get3A_27, %get3A_28] : memref<2x1000x128xf32, #tpu.memory_space<vmem>>, vector<1x1000x128xf32>
    %get3A_30 = vector.shape_cast %get3A_29 : vector<1x1000x128xf32> to vector<1000x128xf32>
    %slice3A_31 = vector.extract_strided_slice %get3A_30 {offsets = [0, 0], sizes = [1000, 1], strides = [1, 1]} : vector<1000x128xf32> to vector<1000x1xf32>
    %sub3A_32 = arith.subf %slice3A_25, %slice3A_31 : vector<1000x1xf32>
    %add3A_33 = arith.addf %sub3A, %sub3A_32 : vector<1000x1xf32>
    %max3A = arith.constant 1.000000e+00 : f32
    %max3A_34 = vector.broadcast %max3A : f32 to vector<1000x1xf32>
    %max3A_35 = arith.maximumf %add3A_33, %max3A_34 : vector<1000x1xf32>
    %div3A = vector.broadcast %max3A_35 : vector<1000x1xf32> to vector<1000x128xf32>
    %div3A_36 = arith.divf %add3A, %div3A : vector<1000x128xf32>
    %gt3A = arith.constant 5.000000e-01 : f32
    %gt3A_37 = vector.broadcast %gt3A : f32 to vector<1000x1xf32>
    %gt3A_38 = arith.cmpf ogt, %add3A_33, %gt3A_37 : vector<1000x1xf32>
    %get3A_39 = arith.constant 0 : index
    %get3A_40 = arith.constant 0 : index
    %get3A_41 = vector.load %arg3[%get3A_39, %get3A_40] : memref<1000x128xf32, #tpu.memory_space<vmem>>, vector<1000x128xf32>
    %broadcast_in_dim3A = vector.shape_cast %gt3A_38 : vector<1000x1xi1> to vector<1000x1xi1>
    %broadcast_in_dim3A_42 = vector.broadcast %broadcast_in_dim3A : vector<1000x1xi1> to vector<1000x128xi1>
    %select_n3A = arith.select %broadcast_in_dim3A_42, %div3A_36, %get3A_41 : vector<1000x128xi1>, vector<1000x128xf32>
    %get3A_43 = arith.constant 0 : index
    %get3A_44 = arith.constant 0 : index
    %get3A_45 = vector.load %arg4[%get3A_43, %get3A_44] : memref<128x128xf32, #tpu.memory_space<vmem>>, vector<128x128xf32>
    %dot_general3A = arith.constant dense<0.000000e+00> : vector<1000x128xf32>
    %dot_general3A_46 = tpu.matmul %select_n3A, %get3A_45, %dot_general3A {dimension_numbers = #tpu.dot_dimension_numbers<[1], [1], [0], [0], [0, 0, 1, 0], [], []>, transpose_lhs_hint = false} : vector<1000x128xf32>, vector<128x128xf32>, vector<1000x128xf32> -> vector<1000x128xf32>
    %get3A_47 = arith.constant 0 : index
    %get3A_48 = arith.constant 0 : index
    %get3A_49 = vector.load %arg5[%get3A_47, %get3A_48] : memref<1x128xf32, #tpu.memory_space<vmem>>, vector<1x128xf32>
    %add3A_50 = vector.broadcast %get3A_49 : vector<1x128xf32> to vector<1000x128xf32>
    %add3A_51 = arith.addf %dot_general3A_46, %add3A_50 : vector<1000x128xf32>
    %swap3A = arith.constant 0 : index
    %swap3A_52 = arith.constant 0 : index
    %swap3A_53 = vector.load %arg6[%swap3A, %swap3A_52] : memref<1000x128xf32, #tpu.memory_space<vmem>>, vector<1000x128xf32>
    tpu.vector_store %arg6[%swap3A, %swap3A_52], %add3A_51 {strides = array<i32>} : memref<1000x128xf32, #tpu.memory_space<vmem>>, vector<1000x128xf32>,
    %get3A_54 = arith.constant 0 : index
    %get3A_55 = arith.constant 0 : index
    %get3A_56 = vector.load %arg3[%get3A_54, %get3A_55] : memref<1000x128xf32, #tpu.memory_space<vmem>>, vector<1000x128xf32>
    %add3A_57 = arith.addf %get3A_56, %add3A_51 : vector<1000x128xf32>
    %swap3A_58 = arith.constant 0 : index
    %swap3A_59 = arith.constant 0 : index
    %swap3A_60 = vector.load %arg7[%swap3A_58, %swap3A_59] : memref<1000x128xf32, #tpu.memory_space<vmem>>, vector<1000x128xf32>
    tpu.vector_store %arg7[%swap3A_58, %swap3A_59], %add3A_57 {strides = array<i32>} : memref<1000x128xf32, #tpu.memory_space<vmem>>, vector<1000x128xf32>,
    return
  }
  func.func @transform_0(%arg0: i32) -> (i32, i32, i32) {
    %c0_i32 = arith.constant 0 : i32
    %c0_i32_0 = arith.constant 0 : i32
    %c0_i32_1 = arith.constant 0 : i32
    return %c0_i32, %arg0, %c0_i32_0 : i32, i32, i32
  }
  func.func @transform_1(%arg0: i32) -> (i32, i32, i32) {
    %c0_i32 = arith.constant 0 : i32
    %c0_i32_0 = arith.constant 0 : i32
    %c0_i32_1 = arith.constant 0 : i32
    return %c0_i32, %arg0, %c0_i32_0 : i32, i32, i32
  }
  func.func @transform_2(%arg0: i32) -> (i32, i32) {
    %c0_i32 = arith.constant 0 : i32
    %c0_i32_0 = arith.constant 0 : i32
    return %arg0, %c0_i32 : i32, i32
  }
  func.func @transform_3(%arg0: i32) -> (i32, i32) {
    %c0_i32 = arith.constant 0 : i32
    %c0_i32_0 = arith.constant 0 : i32
    %c0_i32_1 = arith.constant 0 : i32
    return %c0_i32, %c0_i32_0 : i32, i32
  }
  func.func @transform_4(%arg0: i32) -> (i32, i32) {
    %c0_i32 = arith.constant 0 : i32
    %c0_i32_0 = arith.constant 0 : i32
    %c0_i32_1 = arith.constant 0 : i32
    return %c0_i32, %c0_i32_0 : i32, i32
  }
  func.func @transform_5(%arg0: i32) -> (i32, i32) {
    %c0_i32 = arith.constant 0 : i32
    %c0_i32_0 = arith.constant 0 : i32
    return %arg0, %c0_i32 : i32, i32
  }
  func.func @transform_6(%arg0: i32) -> (i32, i32) {
    %c0_i32 = arith.constant 0 : i32
    %c0_i32_0 = arith.constant 0 : i32
    return %arg0, %c0_i32 : i32, i32
  }
}

module attributes {stable_mosaic.version = 14 : i64} {
  func.func @_tc_node(%arg0: i32, %arg1: memref<2000x128xf32, #tpu.memory_space<vmem>>, %arg2: memref<2000x128xf32, #tpu.memory_space<vmem>>, %arg3: memref<2000x128xf32, #tpu.memory_space<vmem>>, %arg4: memref<128x128xf32, #tpu.memory_space<vmem>>, %arg5: memref<1x128xf32, #tpu.memory_space<vmem>>, %arg6: memref<2000x128xf32, #tpu.memory_space<vmem>>) attributes {dimension_semantics = [#tpu.dimension_semantics<arbitrary>], iteration_bounds = array<i64: 50>, scalar_prefetch = 0 : i64, scratch_operands = 0 : i64, tpu.core_type = #tpu.core_type<tc>, window_params = [{transform_indices = @transform_0, window_bounds = array<i64: 2000, 128>}, {transform_indices = @transform_1, window_bounds = array<i64: 2000, 128>}, {transform_indices = @transform_2, window_bounds = array<i64: 2000, 128>}, {pipeline_mode = #tpu.pipeline_mode<synchronous>, transform_indices = @transform_3, window_bounds = array<i64: 128, 128>}, {pipeline_mode = #tpu.pipeline_mode<synchronous>, transform_indices = @transform_4, window_bounds = array<i64: 1, 128>}, {transform_indices = @transform_5, window_bounds = array<i64: 2000, 128>}]} {
    %get3A = arith.constant 0 : index
    %get3A_0 = arith.constant 0 : index
    %get3A_1 = vector.load %arg2[%get3A, %get3A_0] : memref<2000x128xf32, #tpu.memory_space<vmem>>, vector<2000x1xf32>
    %get3A_2 = arith.constant 0 : index
    %get3A_3 = arith.constant 0 : index
    %get3A_4 = vector.load %arg1[%get3A_2, %get3A_3] : memref<2000x128xf32, #tpu.memory_space<vmem>>, vector<2000x1xf32>
    %sub3A = arith.subf %get3A_1, %get3A_4 : vector<2000x1xf32>
    %add3A = arith.constant 1.000000e+00 : f32
    %add3A_5 = vector.broadcast %add3A : f32 to vector<2000x1xf32>
    %add3A_6 = arith.addf %sub3A, %add3A_5 : vector<2000x1xf32>
    %get3A_7 = arith.constant 0 : index
    %get3A_8 = arith.constant 0 : index
    %get3A_9 = vector.load %arg1[%get3A_7, %get3A_8] : memref<2000x128xf32, #tpu.memory_space<vmem>>, vector<2000x128xf32>
    %div3A = vector.broadcast %add3A_6 : vector<2000x1xf32> to vector<2000x128xf32>
    %div3A_10 = arith.divf %get3A_9, %div3A : vector<2000x128xf32>
    %get3A_11 = arith.constant 0 : index
    %get3A_12 = arith.constant 0 : index
    %get3A_13 = vector.load %arg4[%get3A_11, %get3A_12] : memref<128x128xf32, #tpu.memory_space<vmem>>, vector<128x128xf32>
    %dot_general3A = arith.constant dense<0.000000e+00> : vector<2000x128xf32>
    %dot_general3A_14 = tpu.matmul %div3A_10, %get3A_13, %dot_general3A {dimension_numbers = #tpu.dot_dimension_numbers<[1], [1], [0], [0], [0, 0, 1, 0], [], []>, transpose_lhs_hint = false} : vector<2000x128xf32>, vector<128x128xf32>, vector<2000x128xf32> -> vector<2000x128xf32>
    %get3A_15 = arith.constant 0 : index
    %get3A_16 = arith.constant 0 : index
    %get3A_17 = vector.load %arg5[%get3A_15, %get3A_16] : memref<1x128xf32, #tpu.memory_space<vmem>>, vector<1x128xf32>
    %add3A_18 = vector.broadcast %get3A_17 : vector<1x128xf32> to vector<2000x128xf32>
    %add3A_19 = arith.addf %dot_general3A_14, %add3A_18 : vector<2000x128xf32>
    %get3A_20 = arith.constant 0 : index
    %get3A_21 = arith.constant 0 : index
    %get3A_22 = vector.load %arg3[%get3A_20, %get3A_21] : memref<2000x128xf32, #tpu.memory_space<vmem>>, vector<2000x128xf32>
    %add3A_23 = arith.addf %get3A_22, %add3A_19 : vector<2000x128xf32>
    %swap3A = arith.constant 0 : index
    %swap3A_24 = arith.constant 0 : index
    %swap3A_25 = vector.load %arg6[%swap3A, %swap3A_24] : memref<2000x128xf32, #tpu.memory_space<vmem>>, vector<2000x128xf32>
    tpu.vector_store %arg6[%swap3A, %swap3A_24], %add3A_23 {strides = array<i32>} : memref<2000x128xf32, #tpu.memory_space<vmem>>, vector<2000x128xf32>,
    return
  }
  func.func @transform_0(%arg0: i32) -> (i32, i32) {
    %c0_i32 = arith.constant 0 : i32
    %c0_i32_0 = arith.constant 0 : i32
    return %arg0, %c0_i32 : i32, i32
  }
  func.func @transform_1(%arg0: i32) -> (i32, i32) {
    %c0_i32 = arith.constant 0 : i32
    %c0_i32_0 = arith.constant 0 : i32
    return %arg0, %c0_i32 : i32, i32
  }
  func.func @transform_2(%arg0: i32) -> (i32, i32) {
    %c0_i32 = arith.constant 0 : i32
    %c0_i32_0 = arith.constant 0 : i32
    return %arg0, %c0_i32 : i32, i32
  }
  func.func @transform_3(%arg0: i32) -> (i32, i32) {
    %c0_i32 = arith.constant 0 : i32
    %c0_i32_0 = arith.constant 0 : i32
    %c0_i32_1 = arith.constant 0 : i32
    return %c0_i32, %c0_i32_0 : i32, i32
  }
  func.func @transform_4(%arg0: i32) -> (i32, i32) {
    %c0_i32 = arith.constant 0 : i32
    %c0_i32_0 = arith.constant 0 : i32
    %c0_i32_1 = arith.constant 0 : i32
    return %c0_i32, %c0_i32_0 : i32, i32
  }
  func.func @transform_5(%arg0: i32) -> (i32, i32) {
    %c0_i32 = arith.constant 0 : i32
    %c0_i32_0 = arith.constant 0 : i32
    return %arg0, %c0_i32 : i32, i32
  }
}

</mosaic_0001>

<sc_bundles>
// kernel: kernel.6.cloned.1.call-start
scs
__scs_entry_jumppad:
0x0: {  	(pc) =	sbr.rel $0x88, $3  }
0x1: {  	(tag) =	ssettag $0x0;
	lr =	simm.s32 $0x1  }
0x2: {  	[smem:$0x3F99] =	sst lr;
	_ =	strace $0xD0000000  }
0x3: {  	_ = 	snop  }
0x4: {  	_ = 	snop  }
0x5: {  	_ = 	snop  }
0x6: {  	_ = 	snop  }
0x7: {  	_ = 	snop  }
__scs_overlays_trampoline_lowered:
0x8: {  	[smem:$0x3FA8] =	sst s0  }
0x9: {  	[smem:$0x3FA9] =	sst s1  }
0xa: {  	[smem:$0x3FAA] =	sst s2  }
0xb: {  	[smem:$0x3FAB] =	sst s3  }
0xc: {  	[smem:$0x3FAC] =	sst s4  }
0xd: {  	[smem:$0x3FAD] =	sst s5  }
0xe: {  	[smem:$0x3FAE] =	sst s6  }
0xf: {  	[smem:$0x3FAF] =	sst s7  }
0x10: {  	[smem:$0x3FB0] =	sst s8  }
0x11: {  	[smem:$0x3FB1] =	sst s9;
	s0 =	simm.s32 @!p0 $0x0  }
0x12: {  	s1 =	sld [smem:$0x3F97];
	s0 =	simm.s32 @p0 $0x1  }
0x13: {  	[smem:$0x3FB2] =	sst s0;
	s0 =	simm.s32 @!p1 $0x0  }
0x14: {  	s2 =	sld [smem:$0x3F96];
	s0 =	simm.s32 @p1 $0x1  }
0x15: {  	[smem:$0x3FB3] =	sst s0;
	s0 =	simm.s32 @!p2 $0x0  }
0x16: {  	s3 =	sld [smem:$0x3FDB];
	s0 =	simm.s32 @p2 $0x1  }
0x17: {  	s4 =	simm.s32 $0x1BF5;
	[smem:$0x3FB5] =	sst s0  }
0x18: {  	s0 =	sld [smem:$0x3F98];
	_ =	swait.ge [sflag:s4], $0x0  }
0x19: {  	s7 =	sld [smem:$0x3F99]  }
0x1a: {  	s8 =	sadd.s32 $0xFFFFE003, lr  }
0x1b: {  	s9 =	sadd.s32 $0xFFFFFEF7, lr;
	s5 =	simm.s32 $0xFFFFFFFF;
	p2 =	slt.u32 s8, $0xFFFFF086  }
0x1c: {  	p1 =	slt.u32 s9, $0xF7A;
	s5 =	simm.s32 @!p2 $0x0  }
0x1d: {  	s5 =	simm.s32 @p1 $0x1;
	p0 =	seq.s32 s7, s2  }
0x1e: {  	s7 =	smul.u32 @!p0 $0xF7A, s2;
	p2 =	seq.s32 @!p0 s5, $0x0  }
0x1f: {  	s9 =	smul.u32 $0xF7A, s1;
	s8 =	simm.s32 @!p0 $0x1BF5;
	p2 =	por !p2, p0  }
0x20: {  	[sflag:s8] =	ssyncset.s32 @!p0 $0xFFFFF086;
	s6 =	sadd.s32 @!p0 s3, s7;
	s7 =	simm.s32 @!p0 $0x108  }
0x21: {  	s3 =	sadd.s32 s3, s9;
	s6 =	sadd.s32 @!p0 $0x88, s6;
	s7 =	simm.s32 @p2 $0x1082  }
0x22: {  	[simem:s7], [sflag:s8] =	dma.local @!p0 [hbm:s6], $0xF7A  }
0x23: {  	s9 =	sor.u32 $0xD0000000, s2;
	s6 =	simm.s32 $0x108;
	_ =	swait.ge @!p0 [sflag:s8], $0x0  }
0x24: {  	s3 =	sadd.s32 $0x88, s3;
	s6 =	simm.s32 @!p1 $0x1082;
	[sflag:s4] =	ssyncset.s32 $0xFFFFF086  }
0x25: {  	[simem:s6], [sflag:s4] =	dma.local [hbm:s3], $0xF7A  }
0x26: {  	[smem:$0x3F99] =	sst s1;
	(tag) =	ssettag s2;
	_ =	strace s9  }
0x27: {  	s1 =	sld [smem:$0x3FA9]  }
0x28: {  	s2 =	sld [smem:$0x3FAA]  }
0x29: {  	s4 =	sld [smem:$0x3FAC]  }
0x2a: {  	p0 =	seq.s32 s5, $0x0;
	s5 =	sld [smem:$0x3FAD]  }
0x2b: {  	s6 =	sld [smem:$0x3FAE]  }
0x2c: {  	s7 =	sld [smem:$0x3FAF]  }
0x2d: {  	s3 =	simm.s32 $0x108;
	s8 =	sld [smem:$0x3FB0]  }
0x2e: {  	s3 =	simm.s32 @!p0 $0x1082;
	s9 =	sld [smem:$0x3FB1]  }
0x2f: {  	lr =	sadd.s32 s0, s3;
	s0 =	sld [smem:$0x3FA8]  }
0x30: {  	s3 =	sld [smem:$0x3FAB]  }
0x31: {  	[smem:$0x3FB4] =	sst s10  }
0x32: {  	s10 =	sld [smem:$0x3FB2];
	_ =	sdelay $0x3  }
0x33: {  	p0 =	seq.s32 s10, $0x1;
	s10 =	sld [smem:$0x3FB4];
	_ =	sdelay $0x3  }
0x34: {  	[smem:$0x3FB4] =	sst s10  }
0x35: {  	s10 =	sld [smem:$0x3FB3];
	_ =	sdelay $0x3  }
0x36: {  	p1 =	seq.s32 s10, $0x1;
	s10 =	sld [smem:$0x3FB4];
	_ =	sdelay $0x3  }
0x37: {  	[smem:$0x3FB4] =	sst s10  }
0x38: {  	s10 =	sld [smem:$0x3FB5]  }
0x39: {  	_ = 	snop;
	(pc) =	sbr.ind lr, $3  }
0x3a: {  	_ = 	snop  }
0x3b: {  	_ = 	snop  }
0x3c: {  	p2 =	seq.s32 s10, $0x1;
	s10 =	sld [smem:$0x3FB4]  }
0x3d: {  	_ =	shalt  }
0x3e: {  	_ =	shalt  }
0x3f: {  	_ =	shalt  }
0x40: {  	_ =	shalt  }
0x41: {  	_ =	shalt  }
0x42: {  	_ =	shalt  }
0x43: {  	_ =	shalt  }
0x44: {  	_ =	shalt  }
0x45: {  	_ =	shalt  }
0x46: {  	_ =	shalt  }
0x47: {  	_ =	shalt  }
0x48: {  	_ =	shalt  }
0x49: {  	_ =	shalt  }
0x4a: {  	_ =	shalt  }
0x4b: {  	_ =	shalt  }
0x4c: {  	_ =	shalt  }
0x4d: {  	_ =	shalt  }
0x4e: {  	_ =	shalt  }
0x4f: {  	_ =	shalt  }
0x50: {  	_ =	shalt  }
0x51: {  	_ =	shalt  }
0x52: {  	_ =	shalt  }
0x53: {  	_ =	shalt  }
0x54: {  	_ =	shalt  }
0x55: {  	_ =	shalt  }
0x56: {  	_ =	shalt  }
0x57: {  	_ =	shalt  }
0x58: {  	_ =	shalt  }
0x59: {  	_ =	shalt  }
0x5a: {  	_ =	shalt  }
0x5b: {  	_ =	shalt  }
0x5c: {  	_ =	shalt  }
0x5d: {  	_ =	shalt  }
0x5e: {  	_ =	shalt  }
0x5f: {  	_ =	shalt  }
0x60: {  	_ =	shalt  }
0x61: {  	_ =	shalt  }
0x62: {  	_ =	shalt  }
0x63: {  	_ =	shalt  }
0x64: {  	_ =	shalt  }
0x65: {  	_ =	shalt  }
0x66: {  	_ =	shalt  }
0x67: {  	_ =	shalt  }
0x68: {  	_ =	shalt  }
0x69: {  	_ =	shalt  }
0x6a: {  	_ =	shalt  }
0x6b: {  	_ =	shalt  }
0x6c: {  	_ =	shalt  }
0x6d: {  	_ =	shalt  }
0x6e: {  	_ =	shalt  }
0x6f: {  	_ =	shalt  }
0x70: {  	_ =	shalt  }
0x71: {  	_ =	shalt  }
0x72: {  	_ =	shalt  }
0x73: {  	_ =	shalt  }
0x74: {  	_ =	shalt  }
0x75: {  	_ =	shalt  }
0x76: {  	_ =	shalt  }
0x77: {  	_ =	shalt  }
0x78: {  	_ =	shalt  }
0x79: {  	_ =	shalt  }
0x7a: {  	_ =	shalt  }
0x7b: {  	_ =	shalt  }
0x7c: {  	_ =	shalt  }
0x7d: {  	_ =	shalt  }
0x7e: {  	_ =	shalt  }
0x7f: {  	_ =	shalt  }
0x80: {  	_ =	shalt  }
0x81: {  	_ =	shalt  }
0x82: {  	_ =	shalt  }
0x83: {  	_ =	shalt  }
0x84: {  	_ =	shalt  }
0x85: {  	_ =	shalt  }
0x86: {  	_ =	shalt  }
0x87: {  	_ =	shalt  }
.Lfunc_end0:
.L_simem_size_0:
called_computation_lowered:
.L_overlay_start_0:
0x88: {  	s2 =	sld [smem:$0x3FD9]  }
0x89: {  	s3 =	sld [smem:$0x3FFE];
	_ =	sdelay $0x1  }
0x8a: {  	s1 =	srdreg.scid  }
0x8b: {  	s0 =	sand.u32 $0x1, s1  }
0x8c: {  	s14 =	sshll.u32 s0, $0xA;
	s2 =	sadd.s32 s3, s2  }
0x8d: {  	s2 =	sadd.s32 s2, s14  }
0x8e: {  	[smem:$0x3FC0] =	sst s2  }
0x8f: {  	_ = 	snop  }
0x90: {  	s2 =	sld [smem:$0x3FD0];
	_ =	sdelay $0x2  }
0x91: {  	s4 =	simm.s32 $0xA;
	s5 =	simm.s32 $0x10;
	s15 =	sld [smem:$0x3FC7]  }
0x92: {  	[smem:s5], [sflag:s4] =	dma.local [hbm:s2], $0x1  }
0x93: {  	_ =	swait.eq [sflag:s4], $0x1  }
0x94: {  	[sflag:s4] =	ssyncset.done $0x0  }
0x95: {  	[sflag:s4] =	ssyncadd.s32 $0xFFFFFFFF  }
0x96: {  	s16 =	sld [smem:$0x10];
	(tm) =	ssettm $0x1  }
0x97: {  	s17 =	sld [smem:$0x3FFB];
	_ =	sdelay $0x3  }
0x98: {  	_ =	strace s17  }
0x99: {  	s4 =	sld [smem:$0x3FFC];
	_ =	sdelay $0x3  }
0x9a: {  	_ =	strace s4  }
0x9b: {  	s4 =	sld [smem:$0x3FFD];
	_ =	sdelay $0x3  }
0x9c: {  	_ =	strace s4  }
0x9d: {  	_ =	strace $0x8FFFFFFF  }
0x9e: {  	s18 =	sld [smem:$0x3FDB];
	_ =	sdelay $0x1  }
0x9f: {  	s19 =	simm.s32 $_scs_section_size  }
0xa0: {  	s6 =	simm.s32 $_size__tile_overlayer_lowered;
	s7 =	simm.s32 $_tile_overlayer_lowered  }
0xa1: {  	s22 =	simm.s32 $0x1BFF;
	s21 =	sshll.u32 s7, $0x1;
	s4 =	sadd.s32 s19, s18  }
0xa2: {  	s8 =	simm.s32 $0x0;
	s20 =	sshll.u32 s6, $0x1;
	s6 =	sadd.s32 s21, s4  }
0xa3: {  	[timem:s8], [sflag:s22] =	dma.local [hbm:s6], s20  }
0xa4: {  	_ =	swait.ge [sflag:s22], s20  }
0xa5: {  	s5 =	ssub.s32 $0x0, s20;
	[sflag:s22] =	ssyncset.done $0x0  }
0xa6: {  	[sflag:s22] =	ssyncadd.s32 s5;
	_ =	sdelay $0x1  }
0xa7: {  	s23 =	simm.s32 $0x1B8B  }
0xa8: {  	_ =	swait.ge [sflag:s23], $0x1  }
0xa9: {  	[sflag:s23] =	ssyncset.done $0x0  }
0xaa: {  	s25 =	simm.s32 $0x1B8E;
	s24 =	sld [smem:$0x3FFE];
	[sflag:s23] =	ssyncadd.s32 $0xFFFFFFFF  }
0xab: {  	s26 =	simm.s32 $execute0_lowered;
	[smem:$0x3FD2] =	sst s25  }
0xac: {  	s6 =	sshll.u32 s26, $0x1;
	_ =	strace $0x80000046;
	[dreg:$0x1] =	wrdreg $0xFFFFFFFF  }
0xad: {  	s28 =	simm.s32 $_size_execute0_lowered;
	s4 =	sadd.s32 s4, s6;
	[dreg:$0x0] =	wrdreg $0x0  }
0xae: {  	s6 =	sshll.u32 s28, $0x1;
	[dreg:$0x2] =	wrdreg s4  }
0xaf: {  	[dreg:$0x3] =	wrdreg s6  }
0xb0: {  	[dreg:$0x4] =	wrdreg $0xC0  }
0xb1: {  	_ =	task [dreg:s8], $0x5FFFF  }
0xb2: {  	[dreg:$0x1] =	wrdreg $0xFFFFFFFF  }
0xb3: {  	[dreg:$0x0] =	wrdreg $0x60  }
0xb4: {  	[dreg:$0x2] =	wrdreg s24  }
0xb5: {  	[dreg:$0x3] =	wrdreg s15  }
0xb6: {  	[dreg:$0x4] =	wrdreg s16  }
0xb7: {  	[dreg:$0x5] =	wrdreg $0x49000  }
0xb8: {  	[dreg:$0x6] =	wrdreg $0x9  }
0xb9: {  	_ =	task.clear_ibuf [dreg:s8], $0x7FFFF;
	_ =	strace $0x90000046  }
0xba: {  	s29 =	simm.s32 $0x9;
	_ =	strace $0x80000048  }
0xbb: {  	_ =	swait.ge [sflag:s29], $0x1  }
0xbc: {  	[sflag:s29] =	ssyncadd.s32 $0xFFFFFFFF  }
0xbd: {  	_ =	strace $0x90000048  }
0xbe: {  	_ =	sfence  }
0xbf: {  	s30 =	sld [smem:$0x0];
	_ =	sdelay $0x2  }
0xc0: {  	s31 =	sshll.u32 s1, $0xD;
	s1 =	sshrl.u32 s1, $0x2  }
0xc1: {  	s3 =	sand.u32 $0x4000, s31;
	s1 =	sadd.s32 s1, s30  }
0xc2: {  	s0 =	sor.u32 s3, s0;
	s1 =	sshll.u32 s1, $0x11  }
0xc3: {  	s0 =	sor.u32 s1, s0  }
0xc4: {  	s0 =	sadd.s32 $0x8F2B, s0  }
0xc5: {  	[sflag:s0] =	ssyncadd.remote.s32 $0x1  }
0xc6: {  	_ =	sfence.sel $0xFFFF  }
0xc7: {  	[dreg:$0x0] =	wrdreg $0xFFFFFFFF;
	(pc) =	sbr.abs _section_cstart, $3  }
0xc8: {  	[dreg:$0x1] =	wrdreg $0xFFFFFFFF  }
0xc9: {  	_ =	task.clear_ibuf [dreg:s8], $0x2FFFF;
	_ =	strace $0x9FFFFFFF  }
0xca: {  	(tm) =	ssettm $0x7FFFFFFF  }
0xcb: {  	_ =	shalt  }
tec
execute0_lowered:
.L_overlay_start_1:
0x0: {  	(tag) =	ssettag $0x1  }
0x1: {  	s0 =	rddreg [dreg:$0x0]  }
0x2: {  	s1 =	rddreg [dreg:$0x1]  }
0x3: {  	s3 =	rddreg [dreg:$0x2]  }
0x4: {  	s2 =	rddreg [dreg:$0x3];
	s4 =	simm.s32 $0x0;
	s22 =	srdreg.scid  }
0x5: {  	s26 =	stileid.u32;
	s17 =	simm.s32 $0x2900;
	s18 =	simm.s32 $0x1  }
0x6: {  	s28 =	simm.s32 $0x0;
	[smem:$0x7FF] =	sst s4;
	s5 =	sand.u32 $0x1, s22  }
0x7: {  	s4 =	sadd.s32 $0x2600, s0;
	s6 =	sadd.s32 $0xCE00, s0;
	s9 =	smul.u32 $0x50000, s26  }
0x8: {  	s10 =	sadd.s32 $0xC600, s0;
	s0 =	sadd.s32 $0xD600, s0;
	s25 =	smul.u32 $0x13800, s26  }
0x9: {  	s12 =	smul.u32 $0x4E000, s26;
	s13 =	sadd.s32 $0x138000, s2;
	p0 =	sne.s32 s26, $0x0  }
0xa: {  	_ =	strace $0x80000047;
	s7 =	ssub.s32 $0x2, s5;
	[dreg:$0x5] =	wrdreg s10  }
0xb: {  	s23 =	sshll.u32 s5, $0x4;
	s5 =	smul.u32 $0x138800, s5;
	s8 =	sshrl.u32 s7, $0x1  }
0xc: {  	s9 =	sshrl.u32 s9, $0x2;
	s24 =	sor.u32 s26, s23;
	s30 =	sshrl.u32 s12, $0x2  }
0xd: {  	s23 =	simm.s32 $0x40;
	s26 =	simm.s32 $0x880;
	s7 =	ssub.s32 s7, s8  }
0xe: {  	s8 =	sadd.s32 s9, s2;
	s11 =	sadd.s32 s25, s5;
	s9 =	smul.u32 $0x2800, s24  }
0xf: {  	s5 =	sshrl.u32 s5, $0x3;
	s31 =	sadd.s32 s30, s2;
	s24 =	simm.s32 $0x800  }
0x10: {  	s25 =	simm.s32 $0x900;
	s19 =	sadd.s32 $0x4000, s8;
	s20 =	sadd.s32 $0x8000, s8  }
0x11: {  	s21 =	sadd.s32 $0xC000, s8;
	s22 =	sadd.s32 $0x10000, s8;
	s14 =	sshrl.u32 s11, $0x3  }
0x12: {  	s5 =	sadd.s32 $0x27000, s5;
	[dreg:$0x7] =	wrdreg s31;
	s16 =	smax.u32 s7, $0x1  }
0x13: {  	s29 =	sadd.s32 s3, s14;
	s12 =	sadd.s32 s3, s5;
	s14 =	sadd.s32 s0, s14  }
0x14: {  	s15 =	sadd.s32 s0, s5;
	s19 =	sshrl.u32 s19, $0x3;
	s20 =	sshrl.u32 s20, $0x3  }
0x15: {  	s21 =	sshrl.u32 s21, $0x3;
	s22 =	sshrl.u32 s22, $0x3;
	[dreg:$0x6] =	wrdreg s29  }
.LBB2_1:
0x16: {  	s0 =	simm.s32 $0x0;
	s3 =	rddreg [dreg:$0x5]  }
0x17: {  	[tilespmem:s17], [sflag:$0x1] =	stream.linear.gather [hbm4b:s3+s0], $0x2000, $0x38;
	[tilespmem:$0x18900] =	vst v63  }
0x18: {  	s11 =	stileid.u32;
	_ =	swait.ge [sflag:s18], $0x2000  }
0x19: {  	s0 =	sshll.u32 s11, $0x6;
	[sflag:s18] =	ssyncset.done $0x0  }
0x1a: {  	s31 =	sshrl.u32 s8, $0x3;
	s29 =	sor.u32 $0x1C01, s0;
	[sflag:s18] =	ssyncadd.s32 $0xFFFFE000  }
0x1b: {  	[spmem:s31], [sflag:s29] =	dma.local [hbm:s6], $0x800  }
0x1c: {  	_ =	swait.ge [sflag:s18], $0x800  }
0x1d: {  	[sflag:s18] =	ssyncset.done $0x0  }
0x1e: {  	[sflag:s18] =	ssyncadd.s32 $0xFFFFF800  }
0x1f: {  	[spmem:s19], [sflag:s29] =	dma.local [hbm:s6], $0x800  }
0x20: {  	_ =	swait.ge [sflag:s18], $0x800  }
0x21: {  	[sflag:s18] =	ssyncset.done $0x0  }
0x22: {  	[sflag:s18] =	ssyncadd.s32 $0xFFFFF800  }
0x23: {  	[spmem:s20], [sflag:s29] =	dma.local [hbm:s6], $0x800  }
0x24: {  	_ =	swait.ge [sflag:s18], $0x800  }
0x25: {  	[sflag:s18] =	ssyncset.done $0x0  }
0x26: {  	[sflag:s18] =	ssyncadd.s32 $0xFFFFF800  }
0x27: {  	[spmem:s21], [sflag:s29] =	dma.local [hbm:s6], $0x800  }
0x28: {  	_ =	swait.ge [sflag:s18], $0x800  }
0x29: {  	[sflag:s18] =	ssyncset.done $0x0  }
0x2a: {  	[sflag:s18] =	ssyncadd.s32 $0xFFFFF800  }
0x2b: {  	[spmem:s22], [sflag:s29] =	dma.local [hbm:s6], $0x800  }
0x2c: {  	_ =	swait.ge [sflag:s18], $0x800  }
0x2d: {  	[sflag:s18] =	ssyncset.done $0x0  }
0x2e: {  	[sflag:s18] =	ssyncadd.s32 $0xFFFFF800  }
0x2f: {  	s30 =	simm.s32 $0x0;
	[bflag:$0x0] =	sbarrier.arrive $0xFFFF  }
.LBB2_2:
0x30: {  	s0 =	sshll.u32 s30, $0xB  }
0x31: {  	s0 =	sadd.s32 s9, s0  }
0x32: {  	s0 =	sshrl.u32 s0, $0x3  }
0x33: {  	s3 =	simm.s32 $0x0;
	s0 =	sadd.s32 s4, s0  }
0x34: {  	[tilespmem:s3], [sflag:$0x1] =	stream.linear.gather [hbm4b:s0+s3], $0x800, $0x38;
	[tilespmem:$0x18900] =	vst v63  }
0x35: {  	_ =	swait.ge [sflag:s18], $0x800  }
0x36: {  	[sflag:s18] =	ssyncset.done $0x0  }
0x37: {  	s31 =	simm.s32 $0x0;
	[sflag:s18] =	ssyncadd.s32 $0xFFFFF800  }
0x38: {  	v0 =	vld [tilespmem:s31+$0x0];
	_ =	sdelay $0x4  }
0x39: {  	v1 =	vshra.s32 v0, $0xE  }
0x3a: {  	v0 =	vand.u32 $0x3FFF, v0;
	vm0 =	vlt.s32 v1, $0x1869F  }
0x3b: {  	[tilespmem:$0x880] =	vst v0;
	v1 =	vnsel vm0, $0x1869F, v1  }
0x3c: {  	[tilespmem:$0x800] =	vst v1  }
0x3d: {  	v0 =	vld [tilespmem:s31+$0x10];
	_ =	sdelay $0x4  }
0x3e: {  	v59 =	vshra.s32 v0, $0xE  }
0x3f: {  	v0 =	vand.u32 $0x3FFF, v0;
	vm13 =	vlt.s32 v59, $0x1869F  }
0x40: {  	[tilespmem:$0x890] =	vst v0;
	v1 =	vnsel vm13, $0x1869F, v59  }
0x41: {  	[tilespmem:$0x810] =	vst v1  }
0x42: {  	v0 =	vld [tilespmem:s31+$0x20];
	_ =	sdelay $0x4  }
0x43: {  	v60 =	vshra.s32 v0, $0xE  }
0x44: {  	v0 =	vand.u32 $0x3FFF, v0;
	vm14 =	vlt.s32 v60, $0x1869F  }
0x45: {  	[tilespmem:$0x8A0] =	vst v0;
	v61 =	vnsel vm14, $0x1869F, v60  }
0x46: {  	[tilespmem:$0x820] =	vst v61  }
0x47: {  	v0 =	vld [tilespmem:s31+$0x30];
	_ =	sdelay $0x4  }
0x48: {  	v62 =	vshra.s32 v0, $0xE  }
0x49: {  	v0 =	vand.u32 $0x3FFF, v0;
	vm15 =	vlt.s32 v62, $0x1869F  }
0x4a: {  	[tilespmem:$0x8B0] =	vst v0;
	v63 =	vnsel vm15, $0x1869F, v62  }
0x4b: {  	[tilespmem:$0x830] =	vst v63  }
0x4c: {  	[tilespmem:s25], [sflag:$0x1] =	stream.indirect.gather [hbm4b:s1+s23], $0x80, s24, s23, $0xb8;
	[tilespmem:$0x18900] =	vst v63  }
0x4d: {  	_ =	swait.ge [sflag:s18], $0x2000  }
0x4e: {  	[sflag:s18] =	ssyncset.done $0x0  }
0x4f: {  	[sflag:s18] =	ssyncadd.s32 $0xFFFFE000  }
0x50: {  	[spmem:s2] =	stream.indirect.scatter.add.f32 [tilespmem:s25], [sflag:$0x1], $0x80, s26, s23, $0xb8;
	[tilespmem:$0x18900] =	vst v63  }
0x51: {  	_ =	swait.ge [sflag:s18], $0x2000  }
0x52: {  	s5 =	simm.s32 $0x200;
	s0 =	simm.s32 $0x100;
	[sflag:s18] =	ssyncset.done $0x0  }
.LBB2_3:
0x53: {  	s7 =	sshra.s32 s0, $0x2  }
0x54: {  	[sflag:s18] =	ssyncadd.s32 $0xFFFFE000;
	s0 =	smov.u32 s5;
	s3 =	sadd.s32 $0x100, s5  }
0x55: {  	p1 =	sne.s32 s5, $0x1F00;
	v0 =	vld [tilespmem:s7+$0x0];
	_ =	sdelay $0x4  }
0x56: {  	v1 =	vshra.s32 v0, $0xE;
	v0 =	vand.u32 $0x3FFF, v0  }
0x57: {  	vm0 =	vlt.s32 v1, $0x1869F  }
0x58: {  	v1 =	vnsel vm0, $0x1869F, v1;
	[tilespmem:$0x880] =	vst v0  }
0x59: {  	[tilespmem:$0x800] =	vst v1  }
0x5a: {  	v0 =	vld [tilespmem:s7+$0x10];
	_ =	sdelay $0x4  }
0x5b: {  	v1 =	vshra.s32 v0, $0xE;
	v0 =	vand.u32 $0x3FFF, v0  }
0x5c: {  	vm0 =	vlt.s32 v1, $0x1869F  }
0x5d: {  	v1 =	vnsel vm0, $0x1869F, v1;
	[tilespmem:$0x890] =	vst v0  }
0x5e: {  	[tilespmem:$0x810] =	vst v1  }
0x5f: {  	v0 =	vld [tilespmem:s7+$0x20];
	_ =	sdelay $0x4  }
0x60: {  	v1 =	vshra.s32 v0, $0xE;
	v0 =	vand.u32 $0x3FFF, v0  }
0x61: {  	vm0 =	vlt.s32 v1, $0x1869F;
	[tilespmem:$0x8A0] =	vst v0  }
0x62: {  	v0 =	vnsel vm0, $0x1869F, v1  }
0x63: {  	[tilespmem:$0x820] =	vst v0  }
0x64: {  	v0 =	vld [tilespmem:s7+$0x30];
	_ =	sdelay $0x4  }
0x65: {  	v1 =	vshra.s32 v0, $0xE;
	v0 =	vand.u32 $0x3FFF, v0  }
0x66: {  	vm0 =	vlt.s32 v1, $0x1869F;
	[tilespmem:$0x8B0] =	vst v0  }
0x67: {  	v0 =	vnsel vm0, $0x1869F, v1  }
0x68: {  	[tilespmem:$0x830] =	vst v0  }
0x69: {  	[tilespmem:s25], [sflag:$0x1] =	stream.indirect.gather [hbm4b:s1+s23], $0x80, s24, s23, $0xb8;
	[tilespmem:$0x18900] =	vst v63  }
0x6a: {  	_ =	swait.ge [sflag:s18], $0x2000  }
.Ltmp0:
0x6b: {  	[sflag:s18] =	ssyncset.done $0x0;
	(pc) =	sbr.rel @p1 .LBB2_3-.Ltmp0, $4  }
0x6c: {  	[sflag:s18] =	ssyncadd.s32 $0xFFFFE000  }
0x6d: {  	[spmem:s2] =	stream.indirect.scatter.add.f32 [tilespmem:s25], [sflag:$0x1], $0x80, s26, s23, $0xb8;
	[tilespmem:$0x18900] =	vst v63  }
0x6e: {  	_ =	swait.ge [sflag:s18], $0x2000  }
0x6f: {  	s5 =	smov.u32 s3;
	[sflag:s18] =	ssyncset.done $0x0  }
0x70: {  	s0 =	sshra.s32 s0, $0x2;
	[sflag:s18] =	ssyncadd.s32 $0xFFFFE000  }
0x71: {  	v0 =	vld [tilespmem:s0+$0x0];
	_ =	sdelay $0x4  }
0x72: {  	v1 =	vshra.s32 v0, $0xE  }
0x73: {  	v0 =	vand.u32 $0x3FFF, v0;
	vm0 =	vlt.s32 v1, $0x1869F  }
0x74: {  	[tilespmem:$0x880] =	vst v0;
	v1 =	vnsel vm0, $0x1869F, v1  }
0x75: {  	[tilespmem:$0x800] =	vst v1  }
0x76: {  	v0 =	vld [tilespmem:s0+$0x10];
	_ =	sdelay $0x4  }
0x77: {  	v59 =	vshra.s32 v0, $0xE  }
0x78: {  	v0 =	vand.u32 $0x3FFF, v0;
	vm13 =	vlt.s32 v59, $0x1869F  }
0x79: {  	[tilespmem:$0x890] =	vst v0;
	v1 =	vnsel vm13, $0x1869F, v59  }
0x7a: {  	[tilespmem:$0x810] =	vst v1  }
0x7b: {  	v0 =	vld [tilespmem:s0+$0x20];
	_ =	sdelay $0x4  }
0x7c: {  	v60 =	vshra.s32 v0, $0xE  }
0x7d: {  	v0 =	vand.u32 $0x3FFF, v0;
	vm14 =	vlt.s32 v60, $0x1869F  }
0x7e: {  	[tilespmem:$0x8A0] =	vst v0;
	v61 =	vnsel vm14, $0x1869F, v60  }
0x7f: {  	[tilespmem:$0x820] =	vst v61  }
0x80: {  	v0 =	vld [tilespmem:s0+$0x30];
	_ =	sdelay $0x4  }
0x81: {  	v62 =	vshra.s32 v0, $0xE  }
0x82: {  	v0 =	vand.u32 $0x3FFF, v0;
	vm15 =	vlt.s32 v62, $0x1869F  }
0x83: {  	[tilespmem:$0x8B0] =	vst v0;
	v63 =	vnsel vm15, $0x1869F, v62  }
0x84: {  	[tilespmem:$0x830] =	vst v63  }
0x85: {  	[tilespmem:s25], [sflag:$0x1] =	stream.indirect.gather [hbm4b:s1+s23], $0x80, s24, s23, $0xb8;
	[tilespmem:$0x18900] =	vst v63  }
0x86: {  	s30 =	sadd.s32 $0x1, s30;
	_ =	swait.ge [sflag:s18], $0x2000  }
0x87: {  	p1 =	sne.s32 s30, $0x5;
	[sflag:s18] =	ssyncset.done $0x0  }
.Ltmp1:
0x88: {  	[sflag:s18] =	ssyncadd.s32 $0xFFFFE000;
	(pc) =	sbr.rel @p1 .LBB2_2-.Ltmp1, $4  }
0x89: {  	[spmem:s2] =	stream.indirect.scatter.add.f32 [tilespmem:s25], [sflag:$0x1], $0x80, s26, s23, $0xb8;
	[tilespmem:$0x18900] =	vst v63  }
0x8a: {  	_ =	swait.ge [sflag:s18], $0x2000  }
0x8b: {  	[sflag:s18] =	ssyncset.done $0x0  }
0x8c: {  	[sflag:s18] =	ssyncadd.s32 $0xFFFFE000  }
0x8d: {  	[bflag:$0x0] =	sbarrier.arrive $0xFFFF  }
0x8e: {  	s0 =	rddreg [dreg:$0x7]  }
0x8f: {  	s11 =	rddreg [dreg:$0x6];
	s30 =	sshrl.u32 s0, $0x3  }
0x90: {  	[hbm:s11], [sflag:s29] =	dma.local [spmem:s30], $0x2700  }
0x91: {  	_ =	swait.ge [sflag:s18], $0x2700  }
0x92: {  	[sflag:s18] =	ssyncset.done $0x0  }
0x93: {  	s31 =	sshrl.u32 @!p0 s13, $0x3;
	s0 =	simm.s32 @!p0 $0x1;
	[sflag:s18] =	ssyncadd.s32 $0xFFFFD900  }
0x94: {  	[hbm:s12], [sflag:s29] =	dma.local @!p0 [spmem:s31], $0x100  }
0x95: {  	_ =	swait.ge @!p0 [sflag:s0], $0x100  }
0x96: {  	[sflag:s0] =	ssyncset.done @!p0 $0x0  }
0x97: {  	[sflag:s0] =	ssyncadd.s32 @!p0 $0xFFFFFF00  }
0x98: {  	s3 =	simm.s32 $0x0;
	s0 =	simm.s32 $0x0;
	[bflag:$0x0] =	sbarrier.arrive $0xFFFF  }
.LBB2_6:
0x99: {  	s5 =	sshll.u32 s3, $0xB  }
0x9a: {  	s5 =	sadd.s32 s9, s5  }
0x9b: {  	s5 =	sshrl.u32 s5, $0x3  }
0x9c: {  	s5 =	sadd.s32 s4, s5  }
0x9d: {  	[tilespmem:s0], [sflag:$0x1] =	stream.linear.gather [hbm4b:s5+s0], $0x800, $0x38;
	[tilespmem:$0x18900] =	vst v63  }
0x9e: {  	_ =	swait.ge [sflag:s18], $0x800  }
0x9f: {  	[sflag:s18] =	ssyncset.done $0x0  }
0xa0: {  	s11 =	simm.s32 $0x0;
	[sflag:s18] =	ssyncadd.s32 $0xFFFFF800  }
0xa1: {  	v0 =	vld [tilespmem:s11+$0x0];
	_ =	sdelay $0x4  }
0xa2: {  	v0 =	vand.u32 $0x3FFF, v0  }
0xa3: {  	[tilespmem:$0x880] =	vst v0  }
0xa4: {  	v0 =	vld [tilespmem:s11+$0x10];
	_ =	sdelay $0x4  }
0xa5: {  	v0 =	vand.u32 $0x3FFF, v0  }
0xa6: {  	[tilespmem:$0x890] =	vst v0  }
0xa7: {  	v0 =	vld [tilespmem:s11+$0x20];
	_ =	sdelay $0x4  }
0xa8: {  	v0 =	vand.u32 $0x3FFF, v0  }
0xa9: {  	[tilespmem:$0x8A0] =	vst v0  }
0xaa: {  	v0 =	vld [tilespmem:s11+$0x30];
	_ =	sdelay $0x4  }
0xab: {  	v0 =	vand.u32 $0x3FFF, v0  }
0xac: {  	[tilespmem:$0x8B0] =	vst v0  }
0xad: {  	[spmem:s2] =	stream.indirect.scatter.add.f32 [tilespmem:s17], [sflag:$0x1], $0x80, s26, s23, $0xb8;
	[tilespmem:$0x18900] =	vst v63  }
0xae: {  	_ =	swait.ge [sflag:s18], $0x2000  }
0xaf: {  	s7 =	simm.s32 $0x200;
	s5 =	simm.s32 $0x100;
	[sflag:s18] =	ssyncset.done $0x0  }
.LBB2_7:
0xb0: {  	s10 =	sshra.s32 s5, $0x2  }
0xb1: {  	[sflag:s18] =	ssyncadd.s32 $0xFFFFE000;
	s5 =	smov.u32 s7;
	s11 =	sadd.s32 $0x100, s7  }
0xb2: {  	p1 =	sne.s32 s7, $0x1F00;
	v0 =	vld [tilespmem:s10+$0x0];
	_ =	sdelay $0x4  }
0xb3: {  	v0 =	vand.u32 $0x3FFF, v0  }
0xb4: {  	[tilespmem:$0x880] =	vst v0  }
0xb5: {  	v0 =	vld [tilespmem:s10+$0x10];
	_ =	sdelay $0x4  }
0xb6: {  	v0 =	vand.u32 $0x3FFF, v0  }
0xb7: {  	[tilespmem:$0x890] =	vst v0  }
0xb8: {  	v0 =	vld [tilespmem:s10+$0x20];
	_ =	sdelay $0x4  }
0xb9: {  	v0 =	vand.u32 $0x3FFF, v0  }
0xba: {  	[tilespmem:$0x8A0] =	vst v0  }
0xbb: {  	v0 =	vld [tilespmem:s10+$0x30];
	_ =	sdelay $0x4  }
.Ltmp2:
0xbc: {  	v0 =	vand.u32 $0x3FFF, v0;
	(pc) =	sbr.rel @p1 .LBB2_7-.Ltmp2, $4  }
0xbd: {  	[tilespmem:$0x8B0] =	vst v0  }
0xbe: {  	[spmem:s2] =	stream.indirect.scatter.add.f32 [tilespmem:s17], [sflag:$0x1], $0x80, s26, s23, $0xb8;
	[tilespmem:$0x18900] =	vst v63  }
0xbf: {  	_ =	swait.ge [sflag:s18], $0x2000  }
0xc0: {  	s7 =	smov.u32 s11;
	[sflag:s18] =	ssyncset.done $0x0  }
0xc1: {  	s5 =	sshra.s32 s5, $0x2;
	[sflag:s18] =	ssyncadd.s32 $0xFFFFE000  }
0xc2: {  	v0 =	vld [tilespmem:s5+$0x0];
	_ =	sdelay $0x4  }
0xc3: {  	v0 =	vand.u32 $0x3FFF, v0  }
0xc4: {  	[tilespmem:$0x880] =	vst v0  }
0xc5: {  	v0 =	vld [tilespmem:s5+$0x10];
	_ =	sdelay $0x4  }
0xc6: {  	v0 =	vand.u32 $0x3FFF, v0  }
0xc7: {  	[tilespmem:$0x890] =	vst v0  }
0xc8: {  	v0 =	vld [tilespmem:s5+$0x20];
	_ =	sdelay $0x4  }
0xc9: {  	v0 =	vand.u32 $0x3FFF, v0  }
0xca: {  	[tilespmem:$0x8A0] =	vst v0  }
0xcb: {  	v0 =	vld [tilespmem:s5+$0x30];
	_ =	sdelay $0x3  }
0xcc: {  	s3 =	sadd.s32 $0x1, s3  }
0xcd: {  	p1 =	sne.s32 s3, $0x5;
	v0 =	vand.u32 $0x3FFF, v0  }
.Ltmp3:
0xce: {  	[tilespmem:$0x8B0] =	vst v0;
	(pc) =	sbr.rel @p1 .LBB2_6-.Ltmp3, $4  }
0xcf: {  	[spmem:s2] =	stream.indirect.scatter.add.f32 [tilespmem:s17], [sflag:$0x1], $0x80, s26, s23, $0xb8;
	[tilespmem:$0x18900] =	vst v63  }
0xd0: {  	_ =	swait.ge [sflag:s18], $0x2000  }
0xd1: {  	[sflag:s18] =	ssyncset.done $0x0  }
0xd2: {  	[sflag:s18] =	ssyncadd.s32 $0xFFFFE000  }
0xd3: {  	[bflag:$0x0] =	sbarrier.arrive $0xFFFF  }
0xd4: {  	[hbm:s14], [sflag:s29] =	dma.local [spmem:s30], $0x2700  }
0xd5: {  	_ =	swait.ge [sflag:s18], $0x2700  }
0xd6: {  	s28 =	sadd.s32 $0x1, s28;
	[sflag:s18] =	ssyncset.done $0x0  }
0xd7: {  	s0 =	simm.s32 @!p0 $0x1;
	p1 =	sne.s32 s28, s16;
	[sflag:s18] =	ssyncadd.s32 $0xFFFFD900  }
0xd8: {  	[hbm:s15], [sflag:s29] =	dma.local @!p0 [spmem:s31], $0x100  }
.Ltmp4:
0xd9: {  	_ =	swait.ge @!p0 [sflag:s0], $0x100;
	(pc) =	sbr.rel @p1 .LBB2_1-.Ltmp4, $3  }
0xda: {  	[sflag:s0] =	ssyncset.done @!p0 $0x0  }
0xdb: {  	[sflag:s0] =	ssyncadd.s32 @!p0 $0xFFFFFF00  }
0xdc: {  	[bflag:$0x0] =	sbarrier.arrive $0xFFFF;
	_ =	sdelay $0x1  }
0xdd: {  	_ =	sfence.sel $0x180000  }
0xde: {  	[bflag:$0x0] =	sbarrier.arrive $0xFFFF  }
0xdf: {  	_ =	strace $0x90000047  }
0xe0: {  	[bflag:$0x2] =	sbarrier.arrive $0xFFFF  }
0xe1: {  	s0 =	rddreg [dreg:$0x4]  }
0xe2: {  	s0 =	sadd.s32 @!p0 $0x100000, s0  }
0xe3: {  	[sflag:s0] =	ssyncadd.tile.s32 @!p0 $0x1;
	_ =	shalt  }
.Lfunc_end2:
_tile_overlayer_lowered:
.L_overlay_start_2:
0xe4: {  	(tag) =	ssettag $0x2  }
0xe5: {  	s0 =	rddreg [dreg:$0x0];
	s2 =	stileid.u32  }
0xe6: {  	s1 =	rddreg [dreg:$0x1];
	p0 =	sne.s32 s2, $0x0  }
0xe7: {  	s3 =	rddreg [dreg:$0x2];
	[bflag:$0x3] =	sbarrier.arrive $0xFFFF;
	s2 =	simm.s32 @!p0 $0x1C01  }
0xe8: {  	[timem:s3], [sflag:s2] =	dma.local @!p0 [hbm:s0], s1  }
0xe9: {  	s0 =	simm.s32 @!p0 $0x1  }
0xea: {  	_ =	swait.ge @!p0 [sflag:s0], s1  }
0xeb: {  	s1 =	ssub.s32 @!p0 $0x0, s1;
	[sflag:s0] =	ssyncset.done @!p0 $0x0  }
0xec: {  	[sflag:s0] =	ssyncadd.s32 @!p0 s1  }
0xed: {  	[bflag:$0x3] =	sbarrier.arrive $0xFFFF  }
0xee: {  	_ =	shalt  }

// kernel: kernel.9.cloned.1.call-start
scs
__scs_entry_jumppad:
0x0: {  	(pc) =	sbr.rel $0x88, $3  }
0x1: {  	(tag) =	ssettag $0x0;
	lr =	simm.s32 $0x1  }
0x2: {  	[smem:$0x3F99] =	sst lr;
	_ =	strace $0xD0000000  }
0x3: {  	_ = 	snop  }
0x4: {  	_ = 	snop  }
0x5: {  	_ = 	snop  }
0x6: {  	_ = 	snop  }
0x7: {  	_ = 	snop  }
__scs_overlays_trampoline_lowered:
0x8: {  	[smem:$0x3FA8] =	sst s0  }
0x9: {  	[smem:$0x3FA9] =	sst s1  }
0xa: {  	[smem:$0x3FAA] =	sst s2  }
0xb: {  	[smem:$0x3FAB] =	sst s3  }
0xc: {  	[smem:$0x3FAC] =	sst s4  }
0xd: {  	[smem:$0x3FAD] =	sst s5  }
0xe: {  	[smem:$0x3FAE] =	sst s6  }
0xf: {  	[smem:$0x3FAF] =	sst s7  }
0x10: {  	[smem:$0x3FB0] =	sst s8  }
0x11: {  	[smem:$0x3FB1] =	sst s9;
	s0 =	simm.s32 @!p0 $0x0  }
0x12: {  	s1 =	sld [smem:$0x3F97];
	s0 =	simm.s32 @p0 $0x1  }
0x13: {  	[smem:$0x3FB2] =	sst s0;
	s0 =	simm.s32 @!p1 $0x0  }
0x14: {  	s2 =	sld [smem:$0x3F96];
	s0 =	simm.s32 @p1 $0x1  }
0x15: {  	[smem:$0x3FB3] =	sst s0;
	s0 =	simm.s32 @!p2 $0x0  }
0x16: {  	s3 =	sld [smem:$0x3FDB];
	s0 =	simm.s32 @p2 $0x1  }
0x17: {  	s4 =	simm.s32 $0x1BF5;
	[smem:$0x3FB5] =	sst s0  }
0x18: {  	s0 =	sld [smem:$0x3F98];
	_ =	swait.ge [sflag:s4], $0x0  }
0x19: {  	s7 =	sld [smem:$0x3F99]  }
0x1a: {  	s8 =	sadd.s32 $0xFFFFE003, lr  }
0x1b: {  	s9 =	sadd.s32 $0xFFFFFEF7, lr;
	s5 =	simm.s32 $0xFFFFFFFF;
	p2 =	slt.u32 s8, $0xFFFFF086  }
0x1c: {  	p1 =	slt.u32 s9, $0xF7A;
	s5 =	simm.s32 @!p2 $0x0  }
0x1d: {  	s5 =	simm.s32 @p1 $0x1;
	p0 =	seq.s32 s7, s2  }
0x1e: {  	s7 =	smul.u32 @!p0 $0xF7A, s2;
	p2 =	seq.s32 @!p0 s5, $0x0  }
0x1f: {  	s9 =	smul.u32 $0xF7A, s1;
	s8 =	simm.s32 @!p0 $0x1BF5;
	p2 =	por !p2, p0  }
0x20: {  	[sflag:s8] =	ssyncset.s32 @!p0 $0xFFFFF086;
	s6 =	sadd.s32 @!p0 s3, s7;
	s7 =	simm.s32 @!p0 $0x108  }
0x21: {  	s3 =	sadd.s32 s3, s9;
	s6 =	sadd.s32 @!p0 $0x88, s6;
	s7 =	simm.s32 @p2 $0x1082  }
0x22: {  	[simem:s7], [sflag:s8] =	dma.local @!p0 [hbm:s6], $0xF7A  }
0x23: {  	s9 =	sor.u32 $0xD0000000, s2;
	s6 =	simm.s32 $0x108;
	_ =	swait.ge @!p0 [sflag:s8], $0x0  }
0x24: {  	s3 =	sadd.s32 $0x88, s3;
	s6 =	simm.s32 @!p1 $0x1082;
	[sflag:s4] =	ssyncset.s32 $0xFFFFF086  }
0x25: {  	[simem:s6], [sflag:s4] =	dma.local [hbm:s3], $0xF7A  }
0x26: {  	[smem:$0x3F99] =	sst s1;
	(tag) =	ssettag s2;
	_ =	strace s9  }
0x27: {  	s1 =	sld [smem:$0x3FA9]  }
0x28: {  	s2 =	sld [smem:$0x3FAA]  }
0x29: {  	s4 =	sld [smem:$0x3FAC]  }
0x2a: {  	p0 =	seq.s32 s5, $0x0;
	s5 =	sld [smem:$0x3FAD]  }
0x2b: {  	s6 =	sld [smem:$0x3FAE]  }
0x2c: {  	s7 =	sld [smem:$0x3FAF]  }
0x2d: {  	s3 =	simm.s32 $0x108;
	s8 =	sld [smem:$0x3FB0]  }
0x2e: {  	s3 =	simm.s32 @!p0 $0x1082;
	s9 =	sld [smem:$0x3FB1]  }
0x2f: {  	lr =	sadd.s32 s0, s3;
	s0 =	sld [smem:$0x3FA8]  }
0x30: {  	s3 =	sld [smem:$0x3FAB]  }
0x31: {  	[smem:$0x3FB4] =	sst s10  }
0x32: {  	s10 =	sld [smem:$0x3FB2];
	_ =	sdelay $0x3  }
0x33: {  	p0 =	seq.s32 s10, $0x1;
	s10 =	sld [smem:$0x3FB4];
	_ =	sdelay $0x3  }
0x34: {  	[smem:$0x3FB4] =	sst s10  }
0x35: {  	s10 =	sld [smem:$0x3FB3];
	_ =	sdelay $0x3  }
0x36: {  	p1 =	seq.s32 s10, $0x1;
	s10 =	sld [smem:$0x3FB4];
	_ =	sdelay $0x3  }
0x37: {  	[smem:$0x3FB4] =	sst s10  }
0x38: {  	s10 =	sld [smem:$0x3FB5]  }
0x39: {  	_ = 	snop;
	(pc) =	sbr.ind lr, $3  }
0x3a: {  	_ = 	snop  }
0x3b: {  	_ = 	snop  }
0x3c: {  	p2 =	seq.s32 s10, $0x1;
	s10 =	sld [smem:$0x3FB4]  }
0x3d: {  	_ =	shalt  }
0x3e: {  	_ =	shalt  }
0x3f: {  	_ =	shalt  }
0x40: {  	_ =	shalt  }
0x41: {  	_ =	shalt  }
0x42: {  	_ =	shalt  }
0x43: {  	_ =	shalt  }
0x44: {  	_ =	shalt  }
0x45: {  	_ =	shalt  }
0x46: {  	_ =	shalt  }
0x47: {  	_ =	shalt  }
0x48: {  	_ =	shalt  }
0x49: {  	_ =	shalt  }
0x4a: {  	_ =	shalt  }
0x4b: {  	_ =	shalt  }
0x4c: {  	_ =	shalt  }
0x4d: {  	_ =	shalt  }
0x4e: {  	_ =	shalt  }
0x4f: {  	_ =	shalt  }
0x50: {  	_ =	shalt  }
0x51: {  	_ =	shalt  }
0x52: {  	_ =	shalt  }
0x53: {  	_ =	shalt  }
0x54: {  	_ =	shalt  }
0x55: {  	_ =	shalt  }
0x56: {  	_ =	shalt  }
0x57: {  	_ =	shalt  }
0x58: {  	_ =	shalt  }
0x59: {  	_ =	shalt  }
0x5a: {  	_ =	shalt  }
0x5b: {  	_ =	shalt  }
0x5c: {  	_ =	shalt  }
0x5d: {  	_ =	shalt  }
0x5e: {  	_ =	shalt  }
0x5f: {  	_ =	shalt  }
0x60: {  	_ =	shalt  }
0x61: {  	_ =	shalt  }
0x62: {  	_ =	shalt  }
0x63: {  	_ =	shalt  }
0x64: {  	_ =	shalt  }
0x65: {  	_ =	shalt  }
0x66: {  	_ =	shalt  }
0x67: {  	_ =	shalt  }
0x68: {  	_ =	shalt  }
0x69: {  	_ =	shalt  }
0x6a: {  	_ =	shalt  }
0x6b: {  	_ =	shalt  }
0x6c: {  	_ =	shalt  }
0x6d: {  	_ =	shalt  }
0x6e: {  	_ =	shalt  }
0x6f: {  	_ =	shalt  }
0x70: {  	_ =	shalt  }
0x71: {  	_ =	shalt  }
0x72: {  	_ =	shalt  }
0x73: {  	_ =	shalt  }
0x74: {  	_ =	shalt  }
0x75: {  	_ =	shalt  }
0x76: {  	_ =	shalt  }
0x77: {  	_ =	shalt  }
0x78: {  	_ =	shalt  }
0x79: {  	_ =	shalt  }
0x7a: {  	_ =	shalt  }
0x7b: {  	_ =	shalt  }
0x7c: {  	_ =	shalt  }
0x7d: {  	_ =	shalt  }
0x7e: {  	_ =	shalt  }
0x7f: {  	_ =	shalt  }
0x80: {  	_ =	shalt  }
0x81: {  	_ =	shalt  }
0x82: {  	_ =	shalt  }
0x83: {  	_ =	shalt  }
0x84: {  	_ =	shalt  }
0x85: {  	_ =	shalt  }
0x86: {  	_ =	shalt  }
0x87: {  	_ =	shalt  }
.Lfunc_end0:
.L_simem_size_0:
called_computation.1_lowered:
.L_overlay_start_0:
0x88: {  	s2 =	sld [smem:$0x3FD9]  }
0x89: {  	s3 =	sld [smem:$0x3FFE];
	_ =	sdelay $0x1  }
0x8a: {  	s1 =	srdreg.scid  }
0x8b: {  	s0 =	sand.u32 $0x1, s1  }
0x8c: {  	s14 =	sshll.u32 s0, $0xA;
	s2 =	sadd.s32 s3, s2  }
0x8d: {  	s2 =	sadd.s32 s2, s14  }
0x8e: {  	[smem:$0x3FC0] =	sst s2  }
0x8f: {  	_ = 	snop  }
0x90: {  	s2 =	sld [smem:$0x3FD0];
	_ =	sdelay $0x2  }
0x91: {  	s15 =	simm.s32 $0xA;
	s4 =	simm.s32 $0x10  }
0x92: {  	[smem:s4], [sflag:s15] =	dma.local [hbm:s2], $0x1  }
0x93: {  	_ =	swait.eq [sflag:s15], $0x1  }
0x94: {  	[sflag:s15] =	ssyncset.done $0x0  }
0x95: {  	[sflag:s15] =	ssyncadd.s32 $0xFFFFFFFF  }
0x96: {  	s16 =	sld [smem:$0x10];
	(tm) =	ssettm $0x1  }
0x97: {  	s17 =	sld [smem:$0x3FFB];
	_ =	sdelay $0x3  }
0x98: {  	_ =	strace s17  }
0x99: {  	s3 =	sld [smem:$0x3FFC];
	_ =	sdelay $0x3  }
0x9a: {  	_ =	strace s3  }
0x9b: {  	s3 =	sld [smem:$0x3FFD];
	_ =	sdelay $0x3  }
0x9c: {  	_ =	strace s3  }
0x9d: {  	_ =	strace $0x8FFFFFFF  }
0x9e: {  	s18 =	sld [smem:$0x3FDB];
	_ =	sdelay $0x1  }
0x9f: {  	s19 =	simm.s32 $_scs_section_size  }
0xa0: {  	s5 =	simm.s32 $_size__tile_overlayer_lowered;
	s6 =	simm.s32 $_tile_overlayer_lowered  }
0xa1: {  	s22 =	simm.s32 $0x1BFF;
	s21 =	sshll.u32 s6, $0x1;
	s3 =	sadd.s32 s19, s18  }
0xa2: {  	s7 =	simm.s32 $0x0;
	s20 =	sshll.u32 s5, $0x1;
	s5 =	sadd.s32 s21, s3  }
0xa3: {  	[timem:s7], [sflag:s22] =	dma.local [hbm:s5], s20  }
0xa4: {  	_ =	swait.ge [sflag:s22], s20  }
0xa5: {  	s4 =	ssub.s32 $0x0, s20;
	[sflag:s22] =	ssyncset.done $0x0  }
0xa6: {  	[sflag:s22] =	ssyncadd.s32 s4;
	_ =	sdelay $0x1  }
0xa7: {  	s23 =	simm.s32 $0x1B8B  }
0xa8: {  	_ =	swait.ge [sflag:s23], $0x1  }
0xa9: {  	[sflag:s23] =	ssyncset.done $0x0  }
0xaa: {  	s25 =	simm.s32 $0x1B8E;
	s24 =	sld [smem:$0x3FFE];
	[sflag:s23] =	ssyncadd.s32 $0xFFFFFFFF  }
0xab: {  	s26 =	simm.s32 $execute0_lowered;
	[smem:$0x3FD2] =	sst s25  }
0xac: {  	s5 =	sshll.u32 s26, $0x1;
	_ =	strace $0x80000049;
	[dreg:$0x1] =	wrdreg $0xFFFFFFFF  }
0xad: {  	s28 =	simm.s32 $_size_execute0_lowered;
	s3 =	sadd.s32 s3, s5;
	[dreg:$0x0] =	wrdreg $0x0  }
0xae: {  	s5 =	sshll.u32 s28, $0x1;
	[dreg:$0x2] =	wrdreg s3  }
0xaf: {  	[dreg:$0x3] =	wrdreg s5  }
0xb0: {  	[dreg:$0x4] =	wrdreg $0xC0  }
0xb1: {  	_ =	task [dreg:s7], $0x5FFFF  }
0xb2: {  	[dreg:$0x1] =	wrdreg $0xFFFFFFFF  }
0xb3: {  	[dreg:$0x0] =	wrdreg $0x60  }
0xb4: {  	[dreg:$0x2] =	wrdreg s24  }
0xb5: {  	[dreg:$0x3] =	wrdreg s16  }
0xb6: {  	[dreg:$0x4] =	wrdreg $0x101800  }
0xb7: {  	[dreg:$0x5] =	wrdreg $0x9  }
0xb8: {  	_ =	task.clear_ibuf [dreg:s7], $0x6FFFF;
	_ =	strace $0x90000049  }
0xb9: {  	s29 =	simm.s32 $0x9;
	_ =	strace $0x8000004B  }
0xba: {  	_ =	swait.ge [sflag:s29], $0x1  }
0xbb: {  	[sflag:s29] =	ssyncadd.s32 $0xFFFFFFFF  }
0xbc: {  	_ =	strace $0x9000004B  }
0xbd: {  	_ =	sfence  }
0xbe: {  	s30 =	sld [smem:$0x0];
	_ =	sdelay $0x2  }
0xbf: {  	s31 =	sshll.u32 s1, $0xD;
	s1 =	sshrl.u32 s1, $0x2  }
0xc0: {  	s3 =	sand.u32 $0x4000, s31;
	s1 =	sadd.s32 s1, s30  }
0xc1: {  	s0 =	sor.u32 s3, s0;
	s1 =	sshll.u32 s1, $0x11  }
0xc2: {  	s0 =	sor.u32 s1, s0  }
0xc3: {  	s0 =	sadd.s32 $0x8F2B, s0  }
0xc4: {  	[sflag:s0] =	ssyncadd.remote.s32 $0x1  }
0xc5: {  	_ =	sfence.sel $0xFFFF  }
0xc6: {  	[dreg:$0x0] =	wrdreg $0xFFFFFFFF;
	(pc) =	sbr.abs _section_cstart, $3  }
0xc7: {  	[dreg:$0x1] =	wrdreg $0xFFFFFFFF  }
0xc8: {  	_ =	task.clear_ibuf [dreg:s7], $0x2FFFF;
	_ =	strace $0x9FFFFFFF  }
0xc9: {  	(tm) =	ssettm $0x7FFFFFFF  }
tec
execute0_lowered:
.L_overlay_start_1:
0x0: {  	(tag) =	ssettag $0x1  }
0x1: {  	s3 =	rddreg [dreg:$0x0]  }
0x2: {  	s1 =	rddreg [dreg:$0x1]  }
0x3: {  	s2 =	rddreg [dreg:$0x2]  }
0x4: {  	s4 =	simm.s32 $0x0;
	s0 =	stileid.u32;
	v0 =	vimm.s32 $0x65432100;
	s6 =	srdreg.scid  }
0x5: {  	v1 =	vimm.s32 $0xEDCBA987;
	v3 =	vimm.s32 $0xDCBA9876;
	s14 =	simm.s32 $0xE000;
	s15 =	simm.s32 $0x3;
	s20 =	simm.s32 $0x40  }
0x6: {  	v4 =	vimm.s32 $0x54321000;
	v5 =	vimm.s32 $0xBA987654;
	s21 =	simm.s32 $0x10000;
	s22 =	simm.s32 $0xA000;
	s23 =	simm.s32 $0x2  }
0x7: {  	v6 =	vimm.s32 $0xE40000;
	v7 =	vimm.s32 $0x32100000;
	vm2 =	vcmask $0x3F30;
	s24 =	simm.s32 $0xC000;
	[smem:$0x7FF] =	sst s4;
	s26 =	smul.u32 $0xA00, s0  }
0x8: {  	v2 =	vunpack.c.l.s4.s8 v0;
	v1 =	vunpack.c.l.s4.s8 v1;
	s4 =	sadd.s32 $0xCE00, s3;
	v3 =	vunpack.c.l.s4.s8 v3;
	s7 =	sadd.s32 $0xC600, s3;
	s9 =	smul.u32 $0x28000, s0  }
0x9: {  	s6 =	sand.u32 $0x1, s6;
	v4 =	vunpack.c.l.s4.s8 v4;
	s8 =	sadd.s32 $0x194000, s3;
	s11 =	smul.u32 $0x27000, s0;
	v5 =	vunpack.c.l.s4.s8 v5;
	v6 =	vunpack.c.l.s2.s4 v6  }
0xa: {  	v7 =	vunpack.c.l.s4.s8 v7;
	s12 =	sadd.s32 $0x9C000, s2;
	s31 =	sshll.u32 s0, $0x6;
	p0 =	sne.s32 s0, $0x0;
	v1 =	vunpack.c.0.s8.s32 v1;
	v3 =	vunpack.c.0.s8.s32 v3  }
0xb: {  	_ =	strace $0x8000004A;
	[dreg:$0x4] =	wrdreg s7;
	s7 =	sadd.s32 $0xD600, s3;
	v2 =	vunpack.c.0.s8.s32 v2;
	v4 =	vunpack.c.0.s8.s32 v4;
	v5 =	vunpack.c.0.s8.s32 v5  }
0xc: {  	s28 =	ssub.s32 $0x2, s6;
	s16 =	sor.u32 $0x1C03, s31;
	s5 =	sadd.s32 s26, s3;
	v6 =	vunpack.c.l.s4.s8 v6;
	v1 =	vand.u32 $0xF, v1;
	v3 =	vand.u32 $0xF, v3  }
0xd: {  	s10 =	sshrl.u32 s28, $0x1;
	s30 =	sshrl.u32 s11, $0x2;
	s11 =	smul.u32 $0x138, s0;
	v1 =	vcombine.low v2, v1;
	v2 =	vcombine.low v4, v3;
	v4 =	vunpack.c.0.s8.s32 v7  }
.Ltmp0:
0xe: {  	s9 =	sshrl.u32 s9, $0x2;
	s3 =	ssub.s32 s28, s10;
	v5 =	vand.u32 $0xF, v5;
	v6 =	vunpack.c.0.s8.s32 v6;
	v7 =	vimm.s32 $0x7060504;
	(pc) =	sbr.rel .LBB2_1-.Ltmp0, $4  }
0xf: {  	s5 =	sadd.s32 $0x2600, s5;
	s29 =	sadd.s32 s9, s2;
	s10 =	sadd.s32 s30, s2;
	v3 =	vlaneseq.u32;
	v4 =	vcombine.low v4, v5;
	v5 =	vunpack.c.0.s8.s32 v7  }
0x10: {  	vm0 =	vmmov $0x3;
	[dreg:$0x5] =	wrdreg s5;
	s9 =	sadd.s32 $0x4000, s29;
	s3 =	smax.u32 s3, $0x1;
	v6 =	vand.u32 $0x3, v6;
	v7 =	vmul.u32 $0xFFFFFFFF, v3  }
0x11: {  	vm1 =	vmmov $0xf;
	v0 =	vimm.s32 $0x0;
	s19 =	sadd.s32 $0x8000, s29;
	s17 =	sshrl.u32 s29, $0x3;
	[dreg:$0x6] =	wrdreg s3;
	v5 =	vsel vm2, v5, v6  }
0x12: {  	s18 =	sshrl.u32 s9, $0x3;
	s19 =	sshrl.u32 s19, $0x3;
	s3 =	simm.s32 $0x0;
	vm2 =	vmmov $0xff;
	v6 =	vimm.s32 $0x7;
	v7 =	vadd.s32 $0xFFFFFFFF, v7  }
.LBB2_14:
0x13: {  	s3 =	rddreg [dreg:$0x7]  }
0x14: {  	s0 =	rddreg [dreg:$0x6];
	s3 =	sadd.s32 $0x1, s3  }
0x15: {  	p1 =	sne.s32 s3, s0  }
.Ltmp1:
0x16: {  	_ = 	snop;
	(pc) =	sbr.rel @!p1 .LBB2_15-.Ltmp1, $1  }
0x17: {  	_ =	sdelay $0x3  }
.LBB2_1:
0x18: {  	[dreg:$0x7] =	wrdreg s3  }
0x19: {  	s0 =	simm.s32 $0x0;
	s30 =	rddreg [dreg:$0x4]  }
0x1a: {  	[tilespmem:s14], [sflag:$0x3] =	stream.linear.gather [hbm4b:s30+s0], $0x2000, $0x38;
	[tilespmem:$0x1A180] =	vst v63  }
0x1b: {  	_ =	swait.ge [sflag:s15], $0x2000  }
0x1c: {  	[sflag:s15] =	ssyncset.done $0x0  }
.Ltmp2:
0x1d: {  	s31 =	rddreg [dreg:$0x5];
	[sflag:s15] =	ssyncadd.s32 $0xFFFFE000;
	(pc) =	sbr.rel .LBB2_2-.Ltmp2, $4  }
0x1e: {  	[tilespmem:s0], [sflag:$0x3] =	stream.linear.gather [hbm4b:s31+s0], $0x5000, $0x38;
	[tilespmem:$0x1A180] =	vst v63  }
0x1f: {  	_ =	swait.ge [sflag:s15], $0x5000  }
0x20: {  	[sflag:s15] =	ssyncset.done $0x0  }
0x21: {  	s26 =	simm.s32 $0x0;
	[sflag:s15] =	ssyncadd.s32 $0xFFFFB000  }
.LBB2_12:
0x22: {  	[sflag:s15] =	ssyncadd.s32 $0xFFFFE000  }
.LBB2_13:
0x23: {  	[bflag:$0x0] =	sbarrier.arrive $0xFFFF;
	s0 =	sadd.s32 s8, s0  }
0x24: {  	[hbm:s0], [sflag:s16] =	dma.local [spmem:s3], $0x1380  }
0x25: {  	_ =	swait.ge [sflag:s15], $0x1380  }
0x26: {  	s26 =	sadd.s32 $0x1, s26;
	s0 =	sadd.s32 @!p0 s8, s5;
	[sflag:s15] =	ssyncset.done $0x0  }
0x27: {  	p1 =	sne.s32 s26, $0xA;
	s0 =	sadd.s32 @!p0 $0x13800, s0;
	[sflag:s15] =	ssyncadd.s32 $0xFFFFEC80  }
0x28: {  	[hbm:s0], [sflag:s16] =	dma.local @!p0 [spmem:s29], $0x80  }
.Ltmp3:
0x29: {  	_ =	swait.ge @!p0 [sflag:s28], $0x80;
	(pc) =	sbr.rel @!p1 .LBB2_14-.Ltmp3, $3  }
0x2a: {  	[sflag:s28] =	ssyncset.done @!p0 $0x0  }
0x2b: {  	[sflag:s28] =	ssyncadd.s32 @!p0 $0xFFFFFF80  }
0x2c: {  	[bflag:$0x0] =	sbarrier.arrive $0xFFFF;
	_ =	sdelay $0x1  }
.LBB2_2:
0x2d: {  	[spmem:s17], [sflag:s16] =	dma.local [hbm:s4], $0x800  }
0x2e: {  	_ =	swait.ge [sflag:s15], $0x800  }
0x2f: {  	[sflag:s15] =	ssyncset.done $0x0  }
0x30: {  	[sflag:s15] =	ssyncadd.s32 $0xFFFFF800  }
0x31: {  	[spmem:s18], [sflag:s16] =	dma.local [hbm:s4], $0x800  }
0x32: {  	_ =	swait.ge [sflag:s15], $0x800  }
0x33: {  	s0 =	sshll.u32 s26, $0x1;
	[sflag:s15] =	ssyncset.done $0x0  }
0x34: {  	s28 =	sor.u32 s6, s0;
	[sflag:s15] =	ssyncadd.s32 $0xFFFFF800  }
0x35: {  	[spmem:s19], [sflag:s16] =	dma.local [hbm:s4], $0x400  }
0x36: {  	s29 =	smul.u32 $0x1388, s28;
	_ =	swait.ge [sflag:s15], $0x400  }
0x37: {  	[sflag:s15] =	ssyncset.done $0x0  }
0x38: {  	v8 =	vmov s29;
	[sflag:s15] =	ssyncadd.s32 $0xFFFFFC00  }
0x39: {  	s30 =	simm.s32 $0x0;
	s0 =	simm.s32 $0x0;
	v9 =	vshll.u32 v8, $0xE;
	[bflag:$0x0] =	sbarrier.arrive $0xFFFF  }
.LBB2_3:
0x3a: {  	s31 =	sshra.s32 s30, $0x2  }
0x3b: {  	v10 =	vld [tilespmem:s31+$0x0];
	_ =	sdelay $0x4  }
0x3c: {  	v11 =	vshra.s32 v10, $0xE  }
0x3d: {  	v11 =	vsub.s32 v11, v8  }
0x3e: {  	v12 =	vsub.s32 $0x1387, v11  }
0x3f: {  	v11 =	vor.u32 v11, v12  }
0x40: {  	vm3 =	vgt.s32 v11, $0xFFFFFFFF  }
0x41: {  	v11 =	vsel vm3, $0x1, v0  }
0x42: {  	v36 =	vperm.xlane v11, v1  }
0x43: {  	vm3 =	veq.s32 v3, $0x0  }
0x44: {  	v12 =	vsel vm3, $0x0, v36  }
0x45: {  	v11 =	vadd.s32 v11, v12  }
0x46: {  	v12 =	vperm.xlane v11, v2;
	_ =	sdelay $0x1  }
0x47: {  	v12 =	vsel vm0, $0x0, v12  }
0x48: {  	v11 =	vadd.s32 v12, v11  }
0x49: {  	v12 =	vperm.xlane v11, v4;
	_ =	sdelay $0x1  }
0x4a: {  	v12 =	vsel vm1, $0x0, v12  }
0x4b: {  	v11 =	vadd.s32 v12, v11  }
0x4c: {  	v12 =	vperm.xlane v11, v5;
	_ =	sdelay $0x1  }
0x4d: {  	v12 =	vsel vm2, $0x0, v12  }
0x4e: {  	v11 =	vadd.s32 v12, v11  }
0x4f: {  	v12 =	vperm.xlane v11, v6;
	_ =	sdelay $0x1  }
0x50: {  	v12 =	vadd.s32 v7, v12  }
0x51: {  	v12 =	vshrl.u32 v12, $0x1C  }
0x52: {  	v12 =	vand.u32 $0x8, v12  }
0x53: {  	v13 =	vor.u32 $0x3, v12  }
0x54: {  	v13 =	vperm.xlane v11, v13;
	_ =	sdelay $0x1  }
0x55: {  	v13 =	vadd.s32 v7, v13  }
0x56: {  	v13 =	vshrl.u32 v13, $0x1D  }
0x57: {  	v13 =	vand.u32 $0x4, v13  }
0x58: {  	v12 =	vor.u32 v12, v13  }
0x59: {  	v13 =	vor.u32 $0x1, v12  }
0x5a: {  	v13 =	vperm.xlane v11, v13;
	_ =	sdelay $0x1  }
0x5b: {  	v13 =	vadd.s32 v7, v13  }
0x5c: {  	v13 =	vshrl.u32 v13, $0x1E  }
0x5d: {  	v13 =	vand.u32 $0x2, v13  }
0x5e: {  	v12 =	vor.u32 v13, v12  }
0x5f: {  	v13 =	vperm.xlane v11, v12;
	_ =	sdelay $0x1  }
0x60: {  	v13 =	vadd.s32 v7, v13  }
0x61: {  	v13 =	vshrl.u32 v13, $0x1F  }
0x62: {  	v10 =	vsub.s32 v10, v9;
	v12 =	vor.u32 v13, v12  }
0x63: {  	v10 =	vperm.xlane v10, v12;
	_ =	sdelay $0x1  }
0x64: {  	[tilespmem:s0+$0x5000] =	vst v10  }
0x65: {  	v10 =	vld [tilespmem:s31+$0x10];
	_ =	sdelay $0x4  }
0x66: {  	v37 =	vshra.s32 v10, $0xE  }
0x67: {  	v12 =	vsub.s32 v37, v8  }
0x68: {  	v38 =	vsub.s32 $0x1387, v12  }
0x69: {  	v12 =	vor.u32 v12, v38  }
0x6a: {  	vm4 =	vgt.s32 v12, $0xFFFFFFFF  }
0x6b: {  	v12 =	vsel vm4, $0x1, v0  }
0x6c: {  	v39 =	vperm.xlane v12, v1;
	_ =	sdelay $0x1  }
0x6d: {  	v13 =	vsel vm3, $0x0, v39  }
0x6e: {  	v12 =	vadd.s32 v12, v13  }
0x6f: {  	v13 =	vperm.xlane v12, v2;
	_ =	sdelay $0x1  }
0x70: {  	v13 =	vsel vm0, $0x0, v13  }
0x71: {  	v12 =	vadd.s32 v13, v12  }
0x72: {  	v13 =	vperm.xlane v12, v4;
	_ =	sdelay $0x1  }
0x73: {  	v13 =	vsel vm1, $0x0, v13  }
0x74: {  	v12 =	vadd.s32 v13, v12  }
0x75: {  	v13 =	vperm.xlane v12, v5;
	_ =	sdelay $0x1  }
0x76: {  	v13 =	vsel vm2, $0x0, v13  }
0x77: {  	v12 =	vadd.s32 v13, v12  }
0x78: {  	v13 =	vperm.xlane v12, v6;
	_ =	sdelay $0x1  }
0x79: {  	v13 =	vadd.s32 v7, v13  }
0x7a: {  	v13 =	vshrl.u32 v13, $0x1C  }
0x7b: {  	v13 =	vand.u32 $0x8, v13  }
0x7c: {  	v14 =	vor.u32 $0x3, v13  }
0x7d: {  	v14 =	vperm.xlane v12, v14;
	_ =	sdelay $0x1  }
0x7e: {  	v14 =	vadd.s32 v7, v14  }
0x7f: {  	(v2sf) =	vpush v11, $0xF;
	v11 =	vshrl.u32 v14, $0x1D  }
0x80: {  	v11 =	vand.u32 $0x4, v11  }
0x81: {  	v11 =	vor.u32 v13, v11  }
0x82: {  	v13 =	vor.u32 $0x1, v11  }
0x83: {  	v13 =	vperm.xlane v12, v13;
	_ =	sdelay $0x1  }
0x84: {  	v13 =	vadd.s32 v7, v13  }
0x85: {  	v13 =	vshrl.u32 v13, $0x1E  }
0x86: {  	v13 =	vand.u32 $0x2, v13  }
0x87: {  	v11 =	vor.u32 v13, v11  }
0x88: {  	v13 =	vperm.xlane v12, v11;
	_ =	sdelay $0x1  }
0x89: {  	v13 =	vadd.s32 v7, v13  }
0x8a: {  	v13 =	vshrl.u32 v13, $0x1F  }
0x8b: {  	v10 =	vsub.s32 v10, v9;
	v11 =	vor.u32 v13, v11  }
0x8c: {  	s3 =	spop (v2sf);
	v10 =	vperm.xlane v10, v11  }
0x8d: {  	s9 =	sadd.s32 s0, s3  }
0x8e: {  	[tilespmem:s9+$0x5000] =	vst v10  }
0x8f: {  	v10 =	vld [tilespmem:s31+$0x20];
	_ =	sdelay $0x4  }
0x90: {  	v11 =	vshra.s32 v10, $0xE  }
0x91: {  	v11 =	vsub.s32 v11, v8  }
0x92: {  	v40 =	vsub.s32 $0x1387, v11  }
0x93: {  	v11 =	vor.u32 v11, v40  }
0x94: {  	vm10 =	vgt.s32 v11, $0xFFFFFFFF  }
0x95: {  	v11 =	vsel vm10, $0x1, v0  }
0x96: {  	v41 =	vperm.xlane v11, v1;
	_ =	sdelay $0x1  }
0x97: {  	v13 =	vsel vm3, $0x0, v41  }
0x98: {  	v11 =	vadd.s32 v11, v13  }
0x99: {  	v13 =	vperm.xlane v11, v2;
	_ =	sdelay $0x1  }
0x9a: {  	v13 =	vsel vm0, $0x0, v13  }
0x9b: {  	v11 =	vadd.s32 v13, v11  }
0x9c: {  	v13 =	vperm.xlane v11, v4;
	_ =	sdelay $0x1  }
0x9d: {  	v13 =	vsel vm1, $0x0, v13  }
0x9e: {  	v11 =	vadd.s32 v13, v11  }
0x9f: {  	v13 =	vperm.xlane v11, v5;
	_ =	sdelay $0x1  }
0xa0: {  	v13 =	vsel vm2, $0x0, v13  }
0xa1: {  	v11 =	vadd.s32 v13, v11  }
0xa2: {  	v13 =	vperm.xlane v11, v6;
	_ =	sdelay $0x1  }
0xa3: {  	v13 =	vadd.s32 v7, v13  }
0xa4: {  	v13 =	vshrl.u32 v13, $0x1C  }
0xa5: {  	v13 =	vand.u32 $0x8, v13  }
0xa6: {  	v42 =	vor.u32 $0x3, v13  }
0xa7: {  	v14 =	vperm.xlane v11, v42;
	_ =	sdelay $0x1  }
0xa8: {  	v14 =	vadd.s32 v7, v14  }
0xa9: {  	(v2sf) =	vpush v12, $0xF;
	v43 =	vshrl.u32 v14, $0x1D  }
0xaa: {  	v12 =	vand.u32 $0x4, v43  }
0xab: {  	v12 =	vor.u32 v13, v12  }
0xac: {  	v13 =	vor.u32 $0x1, v12  }
0xad: {  	v13 =	vperm.xlane v11, v13;
	_ =	sdelay $0x1  }
0xae: {  	v13 =	vadd.s32 v7, v13  }
0xaf: {  	v13 =	vshrl.u32 v13, $0x1E  }
0xb0: {  	v13 =	vand.u32 $0x2, v13  }
0xb1: {  	v12 =	vor.u32 v13, v12  }
0xb2: {  	v13 =	vperm.xlane v11, v12;
	_ =	sdelay $0x1  }
0xb3: {  	v13 =	vadd.s32 v7, v13  }
0xb4: {  	v13 =	vshrl.u32 v13, $0x1F  }
0xb5: {  	v10 =	vsub.s32 v10, v9;
	v12 =	vor.u32 v13, v12  }
0xb6: {  	s13 =	spop (v2sf);
	v10 =	vperm.xlane v10, v12  }
0xb7: {  	s0 =	sadd.s32 s9, s13  }
0xb8: {  	[tilespmem:s0+$0x5000] =	vst v10  }
0xb9: {  	v10 =	vld [tilespmem:s31+$0x30];
	_ =	sdelay $0x4  }
0xba: {  	v44 =	vshra.s32 v10, $0xE  }
0xbb: {  	v12 =	vsub.s32 v44, v8  }
0xbc: {  	v45 =	vsub.s32 $0x1387, v12  }
0xbd: {  	v12 =	vor.u32 v12, v45  }
0xbe: {  	vm11 =	vgt.s32 v12, $0xFFFFFFFF  }
0xbf: {  	v12 =	vsel vm11, $0x1, v0  }
0xc0: {  	v46 =	vperm.xlane v12, v1;
	_ =	sdelay $0x1  }
0xc1: {  	v13 =	vsel vm3, $0x0, v46  }
0xc2: {  	v12 =	vadd.s32 v12, v13  }
0xc3: {  	v13 =	vperm.xlane v12, v2;
	_ =	sdelay $0x1  }
0xc4: {  	v13 =	vsel vm0, $0x0, v13  }
0xc5: {  	v12 =	vadd.s32 v13, v12  }
0xc6: {  	v13 =	vperm.xlane v12, v4;
	_ =	sdelay $0x1  }
0xc7: {  	v13 =	vsel vm1, $0x0, v13  }
0xc8: {  	v12 =	vadd.s32 v13, v12  }
0xc9: {  	v13 =	vperm.xlane v12, v5;
	_ =	sdelay $0x1  }
0xca: {  	v13 =	vsel vm2, $0x0, v13  }
0xcb: {  	v12 =	vadd.s32 v13, v12  }
0xcc: {  	v13 =	vperm.xlane v12, v6;
	_ =	sdelay $0x1  }
0xcd: {  	v13 =	vadd.s32 v7, v13  }
0xce: {  	v13 =	vshrl.u32 v13, $0x1C  }
0xcf: {  	v13 =	vand.u32 $0x8, v13  }
0xd0: {  	v47 =	vor.u32 $0x3, v13  }
0xd1: {  	v14 =	vperm.xlane v12, v47;
	_ =	sdelay $0x1  }
0xd2: {  	v14 =	vadd.s32 v7, v14  }
0xd3: {  	(v2sf) =	vpush v11, $0xF;
	v11 =	vshrl.u32 v14, $0x1D  }
0xd4: {  	v11 =	vand.u32 $0x4, v11  }
0xd5: {  	v11 =	vor.u32 v13, v11  }
0xd6: {  	v13 =	vor.u32 $0x1, v11  }
0xd7: {  	v13 =	vperm.xlane v12, v13;
	_ =	sdelay $0x1  }
0xd8: {  	v13 =	vadd.s32 v7, v13  }
0xd9: {  	v13 =	vshrl.u32 v13, $0x1E  }
0xda: {  	v13 =	vand.u32 $0x2, v13  }
0xdb: {  	v11 =	vor.u32 v13, v11  }
0xdc: {  	v13 =	vperm.xlane v12, v11;
	_ =	sdelay $0x1  }
0xdd: {  	v13 =	vadd.s32 v7, v13  }
0xde: {  	v13 =	vshrl.u32 v13, $0x1F  }
0xdf: {  	v10 =	vsub.s32 v10, v9;
	v11 =	vor.u32 v13, v11  }
0xe0: {  	s25 =	spop (v2sf);
	v10 =	vperm.xlane v10, v11  }
0xe1: {  	s0 =	sadd.s32 s0, s25  }
0xe2: {  	[tilespmem:s0+$0x5000] =	vst v10  }
0xe3: {  	v10 =	vld [tilespmem:s31+$0x40];
	_ =	sdelay $0x4  }
0xe4: {  	v11 =	vshra.s32 v10, $0xE  }
0xe5: {  	v11 =	vsub.s32 v11, v8  }
0xe6: {  	v48 =	vsub.s32 $0x1387, v11  }
0xe7: {  	v11 =	vor.u32 v11, v48  }
0xe8: {  	vm12 =	vgt.s32 v11, $0xFFFFFFFF  }
0xe9: {  	v11 =	vsel vm12, $0x1, v0  }
0xea: {  	v49 =	vperm.xlane v11, v1;
	_ =	sdelay $0x1  }
0xeb: {  	v13 =	vsel vm3, $0x0, v49  }
0xec: {  	v11 =	vadd.s32 v11, v13  }
0xed: {  	v13 =	vperm.xlane v11, v2;
	_ =	sdelay $0x1  }
0xee: {  	v13 =	vsel vm0, $0x0, v13  }
0xef: {  	v11 =	vadd.s32 v13, v11  }
0xf0: {  	v13 =	vperm.xlane v11, v4;
	_ =	sdelay $0x1  }
0xf1: {  	v13 =	vsel vm1, $0x0, v13  }
0xf2: {  	v11 =	vadd.s32 v13, v11  }
0xf3: {  	v13 =	vperm.xlane v11, v5;
	_ =	sdelay $0x1  }
0xf4: {  	v13 =	vsel vm2, $0x0, v13  }
0xf5: {  	v11 =	vadd.s32 v13, v11  }
0xf6: {  	v13 =	vperm.xlane v11, v6;
	_ =	sdelay $0x1  }
0xf7: {  	v13 =	vadd.s32 v7, v13  }
0xf8: {  	v13 =	vshrl.u32 v13, $0x1C  }
0xf9: {  	v13 =	vand.u32 $0x8, v13  }
0xfa: {  	v50 =	vor.u32 $0x3, v13  }
0xfb: {  	v14 =	vperm.xlane v11, v50;
	_ =	sdelay $0x1  }
0xfc: {  	v14 =	vadd.s32 v7, v14  }
0xfd: {  	(v2sf) =	vpush v12, $0xF;
	v51 =	vshrl.u32 v14, $0x1D  }
0xfe: {  	v12 =	vand.u32 $0x4, v51  }
0xff: {  	v12 =	vor.u32 v13, v12  }
0x100: {  	v13 =	vor.u32 $0x1, v12  }
0x101: {  	v13 =	vperm.xlane v11, v13;
	_ =	sdelay $0x1  }
0x102: {  	v13 =	vadd.s32 v7, v13  }
0x103: {  	v13 =	vshrl.u32 v13, $0x1E  }
0x104: {  	v13 =	vand.u32 $0x2, v13  }
0x105: {  	v12 =	vor.u32 v13, v12  }
0x106: {  	v13 =	vperm.xlane v11, v12;
	_ =	sdelay $0x1  }
0x107: {  	v13 =	vadd.s32 v7, v13  }
0x108: {  	v13 =	vshrl.u32 v13, $0x1F  }
0x109: {  	v10 =	vsub.s32 v10, v9;
	v12 =	vor.u32 v13, v12  }
0x10a: {  	s5 =	spop (v2sf);
	v10 =	vperm.xlane v10, v12  }
0x10b: {  	s0 =	sadd.s32 s0, s5  }
0x10c: {  	[tilespmem:s0+$0x5000] =	vst v10  }
0x10d: {  	v10 =	vld [tilespmem:s31+$0x50];
	_ =	sdelay $0x4  }
0x10e: {  	v52 =	vshra.s32 v10, $0xE  }
0x10f: {  	v12 =	vsub.s32 v52, v8  }
0x110: {  	v53 =	vsub.s32 $0x1387, v12  }
0x111: {  	v12 =	vor.u32 v12, v53  }
0x112: {  	vm13 =	vgt.s32 v12, $0xFFFFFFFF  }
0x113: {  	v12 =	vsel vm13, $0x1, v0  }
0x114: {  	v54 =	vperm.xlane v12, v1;
	_ =	sdelay $0x1  }
0x115: {  	v13 =	vsel vm3, $0x0, v54  }
0x116: {  	v12 =	vadd.s32 v12, v13  }
0x117: {  	v13 =	vperm.xlane v12, v2;
	_ =	sdelay $0x1  }
0x118: {  	v13 =	vsel vm0, $0x0, v13  }
0x119: {  	v12 =	vadd.s32 v13, v12  }
0x11a: {  	v13 =	vperm.xlane v12, v4;
	_ =	sdelay $0x1  }
0x11b: {  	v13 =	vsel vm1, $0x0, v13  }
0x11c: {  	v12 =	vadd.s32 v13, v12  }
0x11d: {  	v13 =	vperm.xlane v12, v5;
	_ =	sdelay $0x1  }
0x11e: {  	v13 =	vsel vm2, $0x0, v13  }
0x11f: {  	v12 =	vadd.s32 v13, v12  }
0x120: {  	v13 =	vperm.xlane v12, v6;
	_ =	sdelay $0x1  }
0x121: {  	v13 =	vadd.s32 v7, v13  }
0x122: {  	v13 =	vshrl.u32 v13, $0x1C  }
0x123: {  	v13 =	vand.u32 $0x8, v13  }
0x124: {  	v55 =	vor.u32 $0x3, v13  }
0x125: {  	v14 =	vperm.xlane v12, v55;
	_ =	sdelay $0x1  }
0x126: {  	v14 =	vadd.s32 v7, v14  }
0x127: {  	(v2sf) =	vpush v11, $0xF;
	v11 =	vshrl.u32 v14, $0x1D  }
0x128: {  	v11 =	vand.u32 $0x4, v11  }
0x129: {  	v11 =	vor.u32 v13, v11  }
0x12a: {  	v13 =	vor.u32 $0x1, v11  }
0x12b: {  	v13 =	vperm.xlane v12, v13;
	_ =	sdelay $0x1  }
0x12c: {  	v13 =	vadd.s32 v7, v13  }
0x12d: {  	v13 =	vshrl.u32 v13, $0x1E  }
0x12e: {  	v13 =	vand.u32 $0x2, v13  }
0x12f: {  	v11 =	vor.u32 v13, v11  }
0x130: {  	v13 =	vperm.xlane v12, v11;
	_ =	sdelay $0x1  }
0x131: {  	v13 =	vadd.s32 v7, v13  }
0x132: {  	v13 =	vshrl.u32 v13, $0x1F  }
0x133: {  	v10 =	vsub.s32 v10, v9;
	v11 =	vor.u32 v13, v11  }
0x134: {  	s9 =	spop (v2sf);
	v10 =	vperm.xlane v10, v11  }
0x135: {  	s0 =	sadd.s32 s0, s9  }
0x136: {  	[tilespmem:s0+$0x5000] =	vst v10  }
0x137: {  	v10 =	vld [tilespmem:s31+$0x60];
	_ =	sdelay $0x4  }
0x138: {  	v11 =	vshra.s32 v10, $0xE  }
0x139: {  	v11 =	vsub.s32 v11, v8  }
0x13a: {  	v56 =	vsub.s32 $0x1387, v11  }
0x13b: {  	v11 =	vor.u32 v11, v56  }
0x13c: {  	vm14 =	vgt.s32 v11, $0xFFFFFFFF  }
0x13d: {  	v11 =	vsel vm14, $0x1, v0  }
0x13e: {  	v57 =	vperm.xlane v11, v1;
	_ =	sdelay $0x1  }
0x13f: {  	v13 =	vsel vm3, $0x0, v57  }
0x140: {  	v11 =	vadd.s32 v11, v13  }
0x141: {  	v13 =	vperm.xlane v11, v2;
	_ =	sdelay $0x1  }
0x142: {  	v13 =	vsel vm0, $0x0, v13  }
0x143: {  	v11 =	vadd.s32 v13, v11  }
0x144: {  	v13 =	vperm.xlane v11, v4;
	_ =	sdelay $0x1  }
0x145: {  	v13 =	vsel vm1, $0x0, v13  }
0x146: {  	v11 =	vadd.s32 v13, v11  }
0x147: {  	v13 =	vperm.xlane v11, v5;
	_ =	sdelay $0x1  }
0x148: {  	v13 =	vsel vm2, $0x0, v13  }
0x149: {  	v11 =	vadd.s32 v13, v11  }
0x14a: {  	v13 =	vperm.xlane v11, v6;
	_ =	sdelay $0x1  }
0x14b: {  	v13 =	vadd.s32 v7, v13  }
0x14c: {  	v13 =	vshrl.u32 v13, $0x1C  }
0x14d: {  	v13 =	vand.u32 $0x8, v13  }
0x14e: {  	v58 =	vor.u32 $0x3, v13  }
0x14f: {  	v14 =	vperm.xlane v11, v58;
	_ =	sdelay $0x1  }
0x150: {  	v14 =	vadd.s32 v7, v14  }
0x151: {  	(v2sf) =	vpush v12, $0xF;
	v59 =	vshrl.u32 v14, $0x1D  }
0x152: {  	v12 =	vand.u32 $0x4, v59  }
0x153: {  	v12 =	vor.u32 v13, v12  }
0x154: {  	v13 =	vor.u32 $0x1, v12  }
0x155: {  	v13 =	vperm.xlane v11, v13;
	_ =	sdelay $0x1  }
0x156: {  	v13 =	vadd.s32 v7, v13  }
0x157: {  	v13 =	vshrl.u32 v13, $0x1E  }
0x158: {  	v13 =	vand.u32 $0x2, v13  }
0x159: {  	v12 =	vor.u32 v13, v12  }
0x15a: {  	v13 =	vperm.xlane v11, v12;
	_ =	sdelay $0x1  }
0x15b: {  	v13 =	vadd.s32 v7, v13  }
0x15c: {  	v13 =	vshrl.u32 v13, $0x1F  }
0x15d: {  	v10 =	vsub.s32 v10, v9;
	v12 =	vor.u32 v13, v12  }
0x15e: {  	s13 =	spop (v2sf);
	v10 =	vperm.xlane v10, v12  }
0x15f: {  	s0 =	sadd.s32 s0, s13  }
0x160: {  	[tilespmem:s0+$0x5000] =	vst v10  }
0x161: {  	v10 =	vld [tilespmem:s31+$0x70];
	_ =	sdelay $0x4  }
0x162: {  	v60 =	vshra.s32 v10, $0xE  }
0x163: {  	v12 =	vsub.s32 v60, v8  }
0x164: {  	v61 =	vsub.s32 $0x1387, v12  }
0x165: {  	v12 =	vor.u32 v12, v61  }
0x166: {  	vm15 =	vgt.s32 v12, $0xFFFFFFFF  }
0x167: {  	v12 =	vsel vm15, $0x1, v0  }
0x168: {  	v62 =	vperm.xlane v12, v1;
	_ =	sdelay $0x1  }
0x169: {  	v13 =	vsel vm3, $0x0, v62  }
0x16a: {  	v12 =	vadd.s32 v12, v13  }
0x16b: {  	v13 =	vperm.xlane v12, v2;
	_ =	sdelay $0x1  }
0x16c: {  	v13 =	vsel vm0, $0x0, v13  }
0x16d: {  	v12 =	vadd.s32 v13, v12  }
0x16e: {  	v13 =	vperm.xlane v12, v4;
	_ =	sdelay $0x1  }
0x16f: {  	v13 =	vsel vm1, $0x0, v13  }
0x170: {  	v12 =	vadd.s32 v13, v12  }
0x171: {  	v13 =	vperm.xlane v12, v5;
	_ =	sdelay $0x1  }
0x172: {  	v13 =	vsel vm2, $0x0, v13  }
0x173: {  	v12 =	vadd.s32 v13, v12  }
0x174: {  	v13 =	vperm.xlane v12, v6;
	_ =	sdelay $0x1  }
0x175: {  	v13 =	vadd.s32 v7, v13  }
0x176: {  	v13 =	vshrl.u32 v13, $0x1C  }
0x177: {  	v13 =	vand.u32 $0x8, v13  }
0x178: {  	v63 =	vor.u32 $0x3, v13  }
0x179: {  	v14 =	vperm.xlane v12, v63;
	_ =	sdelay $0x1  }
0x17a: {  	v14 =	vadd.s32 v7, v14  }
0x17b: {  	(v2sf) =	vpush v11, $0xF;
	v11 =	vshrl.u32 v14, $0x1D  }
0x17c: {  	(v2sf) =	vpush v12, $0xF;
	v11 =	vand.u32 $0x4, v11  }
0x17d: {  	v11 =	vor.u32 v13, v11  }
0x17e: {  	v13 =	vor.u32 $0x1, v11  }
0x17f: {  	v13 =	vperm.xlane v12, v13;
	_ =	sdelay $0x1  }
0x180: {  	v13 =	vadd.s32 v7, v13  }
0x181: {  	v13 =	vshrl.u32 v13, $0x1E  }
0x182: {  	v13 =	vand.u32 $0x2, v13  }
0x183: {  	v11 =	vor.u32 v13, v11  }
0x184: {  	v12 =	vperm.xlane v12, v11;
	_ =	sdelay $0x1  }
0x185: {  	p1 =	sne.s32 s30, $0x13E00;
	v12 =	vadd.s32 v7, v12  }
.Ltmp4:
0x186: {  	v12 =	vshrl.u32 v12, $0x1F;
	(pc) =	sbr.rel @p1 .LBB2_3-.Ltmp4, $4  }
0x187: {  	v10 =	vsub.s32 v10, v9;
	v11 =	vor.u32 v12, v11  }
0x188: {  	s25 =	spop (v2sf);
	v10 =	vperm.xlane v10, v11  }
0x189: {  	s0 =	sadd.s32 s0, s25;
	s31 =	spop (v2sf)  }
0x18a: {  	s30 =	sadd.s32 $0x200, s30;
	[tilespmem:s0+$0x5000] =	vst v10;
	s0 =	sadd.s32 s0, s31  }
0x18b: {  	s3 =	sadd.s32 $0x3F, s0  }
0x18c: {  	s30 =	sshra.s32 s3, $0x6  }
0x18d: {  	p1 =	slt.s32 s30, $0x1  }
0x18e: {  	v8 =	vld @!p1 [tilespmem:$0x5000]  }
0x18f: {  	v9 =	vld @!p1 [tilespmem:$0x5010];
	_ =	sdelay $0x1  }
0x190: {  	v10 =	vld @!p1 [tilespmem:$0x5020]  }
0x191: {  	v11 =	vmov @!p1 s0;
	v12 =	vlaneseq.u32 @!p1;
	v13 =	vld @!p1 [tilespmem:$0x5030]  }
0x192: {  	vm3 =	vgt.s32 @!p1 v11, v12;
	v14 =	vor.u32 @!p1 $0x10, v12  }
0x193: {  	vm4 =	vgt.s32 @!p1 v11, v14;
	v8 =	vand.u32 @!p1 $0x3FFF, v8;
	v9 =	vand.u32 @!p1 $0x3FFF, v9  }
0x194: {  	v14 =	vor.u32 @!p1 $0x20, v12;
	v8 =	vnsel @!p1 vm3, $0x0, v8;
	v9 =	vnsel @!p1 vm4, $0x0, v9  }
0x195: {  	vm3 =	vgt.s32 @!p1 v11, v14;
	[tilespmem:$0x10080] =	vst @!p1 v8;
	v8 =	vand.u32 @!p1 $0x3FFF, v10;
	v10 =	vor.u32 @!p1 $0x30, v12  }
0x196: {  	s25 =	sadd.s32 $0x1, s30;
	[tilespmem:$0x10090] =	vst @!p1 v9;
	v9 =	vand.u32 @!p1 $0x3FFF, v13;
	v8 =	vnsel @!p1 vm3, $0x0, v8;
	vm3 =	vgt.s32 @!p1 v11, v10  }
0x197: {  	s3 =	simm.s32 @!p1 $0x40;
	s31 =	sshra.s32 s25, $0x1;
	[tilespmem:$0x100A0] =	vst @!p1 v8;
	v8 =	vnsel @!p1 vm3, $0x0, v9  }
0x198: {  	s5 =	simm.s32 @!p1 $0x10080;
	s9 =	simm.s32 @!p1 $0xA000;
	p2 =	slt.s32 s31, $0x1;
	[tilespmem:$0x100B0] =	vst @!p1 v8  }
0x199: {  	[tilespmem:s9], [sflag:$0x1] =	stream.indirect.gather @!p1 [hbm4b:s1+s3], $0x80, s5, s3, $0xb8;
	[tilespmem:$0x1A180] =	vst v63  }
.Ltmp5:
0x19a: {  	_ = 	snop;
	(pc) =	sbr.rel @p2 .LBB2_9-.Ltmp5, $4  }
0x19b: {  	s3 =	simm.s32 @!p1 $0x1  }
0x19c: {  	_ =	swait.ge @!p1 [sflag:s3], $0x2000  }
0x19d: {  	[sflag:s3] =	ssyncset.done @!p1 $0x0  }
0x19e: {  	v8 =	vmov s0;
	[sflag:s3] =	ssyncadd.s32 @!p1 $0xFFFFE000  }
.Ltmp6:
0x19f: {  	(pc) =	sbr.rel .LBB2_6-.Ltmp6, $2  }
0x1a0: {  	_ =	sdelay $0x2  }
0x1a1: {  	s0 =	simm.s32 $0x2;
	s3 =	simm.s32 $0x80;
	s5 =	simm.s32 $0x5080  }
.LBB2_8:
0x1a2: {  	s31 =	sadd.s32 $0xFFFFFFFF, s31  }
0x1a3: {  	p2 =	sne.s32 s31, $0x0  }
.Ltmp7:
0x1a4: {  	_ = 	snop;
	(pc) =	sbr.rel @!p2 .LBB2_9-.Ltmp7, $2  }
0x1a5: {  	_ =	sdelay $0x2  }
0x1a6: {  	s0 =	sadd.s32 $0x2, s0;
	s3 =	sadd.s32 $0x80, s3;
	s5 =	sadd.s32 $0x80, s5  }
.LBB2_6:
0x1a7: {  	s9 =	sadd.s32 $0xFFFFFFFF, s0  }
0x1a8: {  	p2 =	sge.s32 s9, s30  }
0x1a9: {  	v9 =	vld @!p2 [tilespmem:s5+$0xFFFFFFC0];
	_ =	sdelay $0x2  }
0x1aa: {  	s9 =	sadd.s32 @!p2 $0xFFFFFFC0, s3;
	v10 =	vlaneseq.u32 @!p2  }
0x1ab: {  	v11 =	vor.u32 @!p2 s9, v10  }
0x1ac: {  	vm3 =	vlt.s32 @!p2 v11, v8;
	v9 =	vand.u32 @!p2 $0x3FFF, v9  }
0x1ad: {  	v9 =	vnsel @!p2 vm3, $0x0, v9  }
0x1ae: {  	s13 =	sor.u32 @!p2 $0x50, s9;
	[tilespmem:$0x10100] =	vst @!p2 v9  }
0x1af: {  	v9 =	vld @!p2 [tilespmem:s13+$0x5000];
	_ =	sdelay $0x2  }
0x1b0: {  	v11 =	vor.u32 @!p2 $0x10, v10  }
0x1b1: {  	v11 =	vor.u32 @!p2 s9, v11  }
0x1b2: {  	vm3 =	vlt.s32 @!p2 v11, v8;
	v9 =	vand.u32 @!p2 $0x3FFF, v9  }
0x1b3: {  	v9 =	vnsel @!p2 vm3, $0x0, v9  }
0x1b4: {  	s13 =	sor.u32 @!p2 $0x60, s9;
	[tilespmem:$0x10110] =	vst @!p2 v9  }
0x1b5: {  	v9 =	vld @!p2 [tilespmem:s13+$0x5000];
	_ =	sdelay $0x2  }
0x1b6: {  	v11 =	vor.u32 @!p2 $0x20, v10  }
0x1b7: {  	v11 =	vor.u32 @!p2 s9, v11  }
0x1b8: {  	vm3 =	vlt.s32 @!p2 v11, v8;
	v9 =	vand.u32 @!p2 $0x3FFF, v9  }
0x1b9: {  	v9 =	vnsel @!p2 vm3, $0x0, v9  }
0x1ba: {  	s13 =	sor.u32 @!p2 $0x70, s9;
	[tilespmem:$0x10120] =	vst @!p2 v9  }
0x1bb: {  	v9 =	vld @!p2 [tilespmem:s13+$0x5000];
	_ =	sdelay $0x2  }
0x1bc: {  	v10 =	vor.u32 @!p2 $0x30, v10  }
0x1bd: {  	v10 =	vor.u32 @!p2 s9, v10  }
0x1be: {  	vm3 =	vlt.s32 @!p2 v10, v8;
	v9 =	vand.u32 @!p2 $0x3FFF, v9  }
0x1bf: {  	v9 =	vnsel @!p2 vm3, $0x0, v9  }
0x1c0: {  	s25 =	simm.s32 @!p2 $0xC000;
	s9 =	simm.s32 @!p2 $0x40;
	s13 =	simm.s32 @!p2 $0x10100;
	[tilespmem:$0x10130] =	vst @!p2 v9  }
0x1c1: {  	[tilespmem:s25], [sflag:$0x2] =	stream.indirect.gather @!p2 [hbm4b:s1+s9], $0x80, s13, s9, $0xb8;
	[tilespmem:$0x1A180] =	vst v63  }
0x1c2: {  	v9 =	vld [tilespmem:s5+$0xFFFFFF80];
	_ =	sdelay $0x2  }
0x1c3: {  	s25 =	sadd.s32 $0xFFFFFF80, s3  }
0x1c4: {  	v10 =	vor.u32 s25, v3  }
0x1c5: {  	vm3 =	vlt.s32 v10, v8;
	v9 =	vshra.s32 v9, $0xE  }
0x1c6: {  	v9 =	vnsel vm3, $0x13EC, v9  }
0x1c7: {  	[tilespmem:$0x10000] =	vst v9  }
0x1c8: {  	v10 =	vld [tilespmem:s5+$0xFFFFFF90];
	_ =	sdelay $0x2  }
0x1c9: {  	v9 =	vor.u32 $0x10, v3  }
0x1ca: {  	v11 =	vor.u32 s25, v9  }
0x1cb: {  	vm3 =	vlt.s32 v11, v8;
	v10 =	vshra.s32 v10, $0xE  }
0x1cc: {  	v10 =	vnsel vm3, $0x13EC, v10  }
0x1cd: {  	[tilespmem:$0x10010] =	vst v10  }
0x1ce: {  	v11 =	vld [tilespmem:s5+$0xFFFFFFA0];
	_ =	sdelay $0x2  }
0x1cf: {  	v10 =	vor.u32 $0x20, v3  }
0x1d0: {  	v12 =	vor.u32 s25, v10  }
0x1d1: {  	vm3 =	vlt.s32 v12, v8;
	v11 =	vshra.s32 v11, $0xE  }
0x1d2: {  	v11 =	vnsel vm3, $0x13EC, v11  }
0x1d3: {  	[tilespmem:$0x10020] =	vst v11  }
0x1d4: {  	v63 =	vld [tilespmem:s5+$0xFFFFFFB0];
	_ =	sdelay $0x2  }
0x1d5: {  	v11 =	vor.u32 $0x30, v3  }
0x1d6: {  	v13 =	vor.u32 s25, v11  }
0x1d7: {  	vm3 =	vlt.s32 v13, v8;
	v12 =	vshra.s32 v63, $0xE  }
0x1d8: {  	v12 =	vnsel vm3, $0x13EC, v12  }
.Ltmp8:
0x1d9: {  	[tilespmem:$0x10030] =	vst v12;
	(pc) =	sbr.rel @p2 .LBB2_8-.Ltmp8, $4  }
0x1da: {  	[spmem:s2] =	stream.indirect.scatter.add.f32 [tilespmem:s22], [sflag:$0x3], $0x80, s21, s20, $0xb8;
	[tilespmem:$0x1A180] =	vst v63  }
0x1db: {  	_ =	swait.ge [sflag:s15], $0x2000  }
0x1dc: {  	[sflag:s15] =	ssyncset.done $0x0  }
0x1dd: {  	[sflag:s15] =	ssyncadd.s32 $0xFFFFE000  }
0x1de: {  	_ =	swait.ge [sflag:s23], $0x2000  }
0x1df: {  	[sflag:s23] =	ssyncset.done $0x0  }
0x1e0: {  	p2 =	sge.s32 s0, s30;
	[sflag:s23] =	ssyncadd.s32 $0xFFFFE000  }
0x1e1: {  	v12 =	vld @!p2 [tilespmem:s5+$0x0];
	_ =	sdelay $0x2  }
0x1e2: {  	v13 =	vlaneseq.u32 @!p2  }
0x1e3: {  	v14 =	vor.u32 @!p2 s3, v13  }
0x1e4: {  	vm3 =	vlt.s32 @!p2 v14, v8;
	v12 =	vand.u32 @!p2 $0x3FFF, v12  }
0x1e5: {  	v12 =	vnsel @!p2 vm3, $0x0, v12  }
0x1e6: {  	[tilespmem:$0x10080] =	vst @!p2 v12  }
0x1e7: {  	v12 =	vld @!p2 [tilespmem:s5+$0x10];
	_ =	sdelay $0x2  }
0x1e8: {  	v14 =	vor.u32 @!p2 $0x10, v13  }
0x1e9: {  	v14 =	vor.u32 @!p2 s3, v14  }
0x1ea: {  	vm3 =	vlt.s32 @!p2 v14, v8;
	v12 =	vand.u32 @!p2 $0x3FFF, v12  }
0x1eb: {  	v12 =	vnsel @!p2 vm3, $0x0, v12  }
0x1ec: {  	[tilespmem:$0x10090] =	vst @!p2 v12  }
0x1ed: {  	v12 =	vld @!p2 [tilespmem:s5+$0x20];
	_ =	sdelay $0x2  }
0x1ee: {  	v14 =	vor.u32 @!p2 $0x20, v13  }
0x1ef: {  	v14 =	vor.u32 @!p2 s3, v14  }
0x1f0: {  	vm3 =	vlt.s32 @!p2 v14, v8;
	v12 =	vand.u32 @!p2 $0x3FFF, v12  }
0x1f1: {  	v12 =	vnsel @!p2 vm3, $0x0, v12  }
0x1f2: {  	[tilespmem:$0x100A0] =	vst @!p2 v12  }
0x1f3: {  	v12 =	vld @!p2 [tilespmem:s5+$0x30];
	_ =	sdelay $0x2  }
0x1f4: {  	v13 =	vor.u32 @!p2 $0x30, v13  }
0x1f5: {  	v13 =	vor.u32 @!p2 s3, v13  }
0x1f6: {  	vm3 =	vlt.s32 @!p2 v13, v8;
	v12 =	vand.u32 @!p2 $0x3FFF, v12  }
0x1f7: {  	v12 =	vnsel @!p2 vm3, $0x0, v12  }
0x1f8: {  	s9 =	simm.s32 @!p2 $0x40;
	s13 =	simm.s32 @!p2 $0x10080;
	s25 =	simm.s32 @!p2 $0xA000;
	[tilespmem:$0x100B0] =	vst @!p2 v12  }
0x1f9: {  	[tilespmem:s25], [sflag:$0x1] =	stream.indirect.gather @!p2 [hbm4b:s1+s9], $0x80, s13, s9, $0xb8;
	[tilespmem:$0x1A180] =	vst v63  }
0x1fa: {  	v12 =	vld [tilespmem:s5+$0xFFFFFFC0];
	_ =	sdelay $0x2  }
0x1fb: {  	s9 =	sadd.s32 $0xFFFFFFC0, s3  }
0x1fc: {  	v63 =	vor.u32 s9, v3  }
0x1fd: {  	vm3 =	vlt.s32 v63, v8;
	v12 =	vshra.s32 v12, $0xE  }
0x1fe: {  	v12 =	vnsel vm3, $0x13EC, v12  }
0x1ff: {  	s25 =	sor.u32 $0x50, s9;
	[tilespmem:$0x10000] =	vst v12  }
0x200: {  	v12 =	vld [tilespmem:s25+$0x5000];
	_ =	sdelay $0x3  }
0x201: {  	v9 =	vor.u32 s9, v9  }
0x202: {  	vm3 =	vlt.s32 v9, v8;
	v9 =	vshra.s32 v12, $0xE  }
0x203: {  	v9 =	vnsel vm3, $0x13EC, v9  }
0x204: {  	s25 =	sor.u32 $0x60, s9;
	[tilespmem:$0x10010] =	vst v9  }
0x205: {  	v9 =	vld [tilespmem:s25+$0x5000];
	_ =	sdelay $0x3  }
0x206: {  	v10 =	vor.u32 s9, v10  }
0x207: {  	vm3 =	vlt.s32 v10, v8;
	v9 =	vshra.s32 v9, $0xE  }
0x208: {  	v9 =	vnsel vm3, $0x13EC, v9  }
0x209: {  	s25 =	sor.u32 $0x70, s9;
	[tilespmem:$0x10020] =	vst v9  }
0x20a: {  	v9 =	vld [tilespmem:s25+$0x5000];
	_ =	sdelay $0x3  }
0x20b: {  	v10 =	vor.u32 s9, v11  }
0x20c: {  	vm3 =	vlt.s32 v10, v8;
	v9 =	vshra.s32 v9, $0xE  }
0x20d: {  	v9 =	vnsel vm3, $0x13EC, v9  }
0x20e: {  	[tilespmem:$0x10030] =	vst v9  }
0x20f: {  	[spmem:s2] =	stream.indirect.scatter.add.f32 [tilespmem:s24], [sflag:$0x3], $0x80, s21, s20, $0xb8;
	[tilespmem:$0x1A180] =	vst v63  }
0x210: {  	_ =	swait.ge [sflag:s15], $0x2000  }
.Ltmp9:
0x211: {  	[sflag:s15] =	ssyncset.done $0x0;
	(pc) =	sbr.rel .LBB2_8-.Ltmp9, $4  }
0x212: {  	s9 =	simm.s32 @!p2 $0x1;
	[sflag:s15] =	ssyncadd.s32 $0xFFFFE000  }
0x213: {  	_ =	swait.ge @!p2 [sflag:s9], $0x2000  }
0x214: {  	[sflag:s9] =	ssyncset.done @!p2 $0x0  }
0x215: {  	[sflag:s9] =	ssyncadd.s32 @!p2 $0xFFFFE000  }
.LBB2_9:
0x216: {  	s0 =	sadd.s32 s11, s29  }
0x217: {  	[bflag:$0x0] =	sbarrier.arrive $0xFFFF;
	s0 =	sshll.u32 s0, $0x4  }
0x218: {  	s3 =	sshrl.u32 s10, $0x3;
	s9 =	smul.u32 @!p0 $0x9C400, s28;
	s5 =	sadd.s32 s7, s0  }
0x219: {  	[hbm:s5], [sflag:s16] =	dma.local [spmem:s3], $0x1380  }
0x21a: {  	s5 =	sshrl.u32 @!p0 s9, $0x3;
	_ =	swait.ge [sflag:s15], $0x1380  }
0x21b: {  	s29 =	sshrl.u32 @!p0 s12, $0x3;
	s9 =	sadd.s32 @!p0 s7, s5;
	[sflag:s15] =	ssyncset.done $0x0  }
0x21c: {  	s28 =	simm.s32 @!p0 $0x3;
	s9 =	sadd.s32 @!p0 $0x13800, s9;
	[sflag:s15] =	ssyncadd.s32 $0xFFFFEC80  }
0x21d: {  	[hbm:s9], [sflag:s16] =	dma.local @!p0 [spmem:s29], $0x80  }
.Ltmp10:
0x21e: {  	_ =	swait.ge @!p0 [sflag:s28], $0x80;
	(pc) =	sbr.rel @p1 .LBB2_13-.Ltmp10, $3  }
0x21f: {  	[sflag:s28] =	ssyncset.done @!p0 $0x0  }
0x220: {  	[sflag:s28] =	ssyncadd.s32 @!p0 $0xFFFFFF80  }
0x221: {  	[bflag:$0x0] =	sbarrier.arrive $0xFFFF;
	_ =	sdelay $0x1  }
0x222: {  	s31 =	simm.s32 $0x5020  }
0x223: {  	v9 =	vld [tilespmem:s31+$0xFFFFFFE0];
	_ =	sdelay $0x2  }
0x224: {  	s9 =	simm.s32 $0x0  }
0x225: {  	v10 =	vor.u32 s9, v3  }
0x226: {  	vm3 =	vlt.s32 v10, v8;
	v9 =	vshra.s32 v9, $0xE  }
0x227: {  	v9 =	vnsel vm3, $0x13EC, v9  }
0x228: {  	[tilespmem:$0x10000] =	vst v9  }
0x229: {  	v10 =	vld [tilespmem:s31+$0xFFFFFFF0];
	_ =	sdelay $0x2  }
0x22a: {  	v9 =	vor.u32 $0x10, v3  }
0x22b: {  	v11 =	vor.u32 s9, v9  }
0x22c: {  	vm3 =	vlt.s32 v11, v8;
	v10 =	vshra.s32 v10, $0xE  }
0x22d: {  	v10 =	vnsel vm3, $0x13EC, v10  }
0x22e: {  	[tilespmem:$0x10010] =	vst v10  }
0x22f: {  	v11 =	vld [tilespmem:s31+$0x0];
	_ =	sdelay $0x2  }
0x230: {  	v10 =	vor.u32 $0x20, v3  }
0x231: {  	v12 =	vor.u32 s9, v10  }
0x232: {  	vm3 =	vlt.s32 v12, v8;
	v11 =	vshra.s32 v11, $0xE  }
0x233: {  	v11 =	vnsel vm3, $0x13EC, v11  }
0x234: {  	[tilespmem:$0x10020] =	vst v11  }
0x235: {  	v63 =	vld [tilespmem:s31+$0x10];
	_ =	sdelay $0x2  }
0x236: {  	v11 =	vor.u32 $0x30, v3  }
0x237: {  	v13 =	vor.u32 s9, v11  }
0x238: {  	p1 =	sne.s32 s30, $0x1;
	vm3 =	vlt.s32 v13, v8;
	v12 =	vshra.s32 v63, $0xE  }
.Ltmp11:
0x239: {  	v12 =	vnsel vm3, $0x13EC, v12;
	(pc) =	sbr.rel @!p1 .LBB2_12-.Ltmp11, $4  }
0x23a: {  	[tilespmem:$0x10030] =	vst v12  }
0x23b: {  	[spmem:s2] =	stream.indirect.scatter.add.f32 [tilespmem:s14], [sflag:$0x3], $0x80, s21, s20, $0xb8;
	[tilespmem:$0x1A180] =	vst v63  }
0x23c: {  	_ =	swait.ge [sflag:s15], $0x2000  }
0x23d: {  	s30 =	sadd.s32 $0xFFFFFFFF, s30;
	[sflag:s15] =	ssyncset.done $0x0  }
.LBB2_11:
0x23e: {  	[sflag:s15] =	ssyncadd.s32 $0xFFFFE000;
	s31 =	sadd.s32 $0x40, s31;
	s9 =	sadd.s32 $0x40, s9  }
0x23f: {  	p1 =	sne.s32 s30, $0x1;
	s30 =	sadd.s32 $0xFFFFFFFF, s30;
	v12 =	vld [tilespmem:s31+$0xFFFFFFE0];
	_ =	sdelay $0x3  }
0x240: {  	v13 =	vor.u32 s9, v3  }
0x241: {  	vm3 =	vlt.s32 v13, v8;
	v12 =	vshra.s32 v12, $0xE  }
0x242: {  	v12 =	vnsel vm3, $0x13EC, v12  }
0x243: {  	[tilespmem:$0x10000] =	vst v12  }
0x244: {  	v12 =	vld [tilespmem:s31+$0xFFFFFFF0];
	_ =	sdelay $0x3  }
0x245: {  	v13 =	vor.u32 s9, v9  }
0x246: {  	vm3 =	vlt.s32 v13, v8;
	v12 =	vshra.s32 v12, $0xE  }
0x247: {  	v12 =	vnsel vm3, $0x13EC, v12  }
0x248: {  	[tilespmem:$0x10010] =	vst v12  }
0x249: {  	v12 =	vld [tilespmem:s31+$0x0];
	_ =	sdelay $0x3  }
0x24a: {  	v13 =	vor.u32 s9, v10  }
0x24b: {  	vm3 =	vlt.s32 v13, v8;
	v12 =	vshra.s32 v12, $0xE  }
0x24c: {  	v12 =	vnsel vm3, $0x13EC, v12  }
0x24d: {  	[tilespmem:$0x10020] =	vst v12  }
0x24e: {  	v12 =	vld [tilespmem:s31+$0x10];
	_ =	sdelay $0x3  }
0x24f: {  	v13 =	vor.u32 s9, v11  }
0x250: {  	vm3 =	vlt.s32 v13, v8;
	v12 =	vshra.s32 v12, $0xE  }
.Ltmp12:
0x251: {  	v12 =	vnsel vm3, $0x13EC, v12;
	(pc) =	sbr.rel @p1 .LBB2_11-.Ltmp12, $4  }
0x252: {  	[tilespmem:$0x10030] =	vst v12  }
0x253: {  	[spmem:s2] =	stream.indirect.scatter.add.f32 [tilespmem:s14], [sflag:$0x3], $0x80, s21, s20, $0xb8;
	[tilespmem:$0x1A180] =	vst v63  }
0x254: {  	_ =	swait.ge [sflag:s15], $0x2000  }
0x255: {  	[sflag:s15] =	ssyncset.done $0x0  }
.Ltmp13:
0x256: {  	_ = 	snop;
	(pc) =	sbr.rel .LBB2_12-.Ltmp13, $1  }
0x257: {  	_ =	sdelay $0x3  }
.LBB2_15:
0x258: {  	_ =	sfence.sel $0x180000  }
0x259: {  	[bflag:$0x0] =	sbarrier.arrive $0xFFFF  }
0x25a: {  	_ =	strace $0x9000004A  }
0x25b: {  	[bflag:$0x2] =	sbarrier.arrive $0xFFFF  }
0x25c: {  	s0 =	rddreg [dreg:$0x3]  }
0x25d: {  	s0 =	sadd.s32 @!p0 $0x100000, s0  }
0x25e: {  	[sflag:s0] =	ssyncadd.tile.s32 @!p0 $0x1;
	_ =	shalt  }
.Lfunc_end2:
_tile_overlayer_lowered:
.L_overlay_start_2:
0x25f: {  	(tag) =	ssettag $0x2  }
0x260: {  	s0 =	rddreg [dreg:$0x0];
	s2 =	stileid.u32  }
0x261: {  	s1 =	rddreg [dreg:$0x1];
	p0 =	sne.s32 s2, $0x0  }
0x262: {  	s3 =	rddreg [dreg:$0x2];
	[bflag:$0x3] =	sbarrier.arrive $0xFFFF;
	s2 =	simm.s32 @!p0 $0x1C03  }
0x263: {  	[timem:s3], [sflag:s2] =	dma.local @!p0 [hbm:s0], s1  }
0x264: {  	s0 =	simm.s32 @!p0 $0x3  }
0x265: {  	_ =	swait.ge @!p0 [sflag:s0], s1  }
0x266: {  	s1 =	ssub.s32 @!p0 $0x0, s1;
	[sflag:s0] =	ssyncset.done @!p0 $0x0  }
0x267: {  	[sflag:s0] =	ssyncadd.s32 @!p0 s1  }
0x268: {  	[bflag:$0x3] =	sbarrier.arrive $0xFFFF  }
0x269: {  	_ =	shalt  }

</sc_bundles>
